<compile_context>
chip_gen: v7x
topology: tpu7x:2x2x1
jax: 0.10.2.dev20260603
libtpu: 0.0.44.dev20260713+nightly
codegen_flags: <defaults>
</compile_context>

<pallas_src>
import functools

import jax
import jax.numpy as jnp
from jax import lax
from jax.experimental import pallas as pl
from jax.experimental.pallas import tpu as pltpu
from jax.experimental.pallas import tpu_sc as plsc

L = 16
B, C, H, W = 32, 768, 32, 32
ROWS = B * C
HW = H * W
VPR = HW // L
NW = 32
RPW = ROWS // NW
CH = 8
NCHUNK = RPW // CH
K = 4

NEG = float("-inf")
POS = float("inf")


def _sortd(v):
    return plsc.sort_key_val(v, v, descending=True)[0]


def _sorta(v):
    return plsc.sort_key_val(v, v, descending=False)[0]


def _ins4(c, v1, v2, v3, v4):
    t1, t2, t3, t4, b1, b2, b3, b4 = c
    mx, mn = jnp.maximum, jnp.minimum
    a1 = mx(v1, v2); a2 = mn(v1, v2)
    a3 = mx(v3, v4); a4 = mn(v3, v4)
    e1 = mx(a1, a3); e3 = mn(a1, a3)
    e2 = mx(a2, a4); e4 = mn(a2, a4)
    s1 = e1; s2 = mx(e2, e3); s3 = mn(e2, e3); s4 = e4
    m1 = mx(t1, s4); m2 = mx(t2, s3); m3 = mx(t3, s2); m4 = mx(t4, s1)
    c1 = mx(m1, m3); c3 = mn(m1, m3)
    c2 = mx(m2, m4); c4 = mn(m2, m4)
    t1 = mx(c1, c2); t2 = mn(c1, c2)
    t3 = mx(c3, c4); t4 = mn(c3, c4)
    n1 = mn(b1, s1); n2 = mn(b2, s2); n3 = mn(b3, s3); n4 = mn(b4, s4)
    d1 = mn(n1, n3); d3 = mx(n1, n3)
    d2 = mn(n2, n4); d4 = mx(n2, n4)
    b1 = mn(d1, d2); b2 = mx(d1, d2)
    b3 = mn(d3, d4); b4 = mx(d3, d4)
    return (t1, t2, t3, t4, b1, b2, b3, b4)


def _final(c, lanes):
    t1, t2, t3, t4, b1, b2, b3, b4 = c
    u = jnp.maximum(_sortd(t1), _sorta(t2))
    w = jnp.maximum(_sortd(t3), _sorta(t4))
    top = _sortd(jnp.maximum(_sortd(u), _sorta(w)))
    topsum = jnp.sum(jnp.where(lanes < K, top, 0.0))
    u2 = jnp.minimum(_sorta(b1), _sortd(b2))
    w2 = jnp.minimum(_sorta(b3), _sortd(b4))
    bot = _sorta(jnp.minimum(_sorta(u2), _sortd(w2)))
    botsum = jnp.sum(jnp.where(lanes < K, bot, 0.0))
    return (topsum + botsum) * (1.0 / K)


def _pair_result(buf, base_a, base_b, lanes):
    neg = jnp.full((L,), NEG, jnp.float32)
    pos = jnp.full((L,), POS, jnp.float32)
    c0 = (neg, neg, neg, neg, pos, pos, pos, pos) * 2

    def jbody(jj, c):
        s = jj * 2
        ca = _ins4(c[:8], buf[base_a, s, pl.ds(0, L)], buf[base_a, s, pl.ds(L, L)],
                   buf[base_a, s + 1, pl.ds(0, L)], buf[base_a, s + 1, pl.ds(L, L)])
        cb = _ins4(c[8:], buf[base_b, s, pl.ds(0, L)], buf[base_b, s, pl.ds(L, L)],
                   buf[base_b, s + 1, pl.ds(0, L)], buf[base_b, s + 1, pl.ds(L, L)])
        return ca + cb

    c = lax.fori_loop(0, VPR // 4, jbody, c0)
    return _final(c[:8], lanes), _final(c[8:], lanes)


def _make_kernel():
    mesh = plsc.VectorSubcoreMesh(core_axis_name="c", subcore_axis_name="s")

    @functools.partial(
        pl.kernel,
        mesh=mesh,
        compiler_params=pltpu.CompilerParams(
            needs_layout_passes=False, use_tc_tiling_on_sc=True
        ),
        out_type=jax.ShapeDtypeStruct((ROWS,), jnp.float32),
        scratch_types=[
            pltpu.VMEM((CH, H, W), jnp.float32),
            pltpu.VMEM((CH, H, W), jnp.float32),
            pltpu.VMEM((RPW,), jnp.float32),
            pltpu.SemaphoreType.DMA,
            pltpu.SemaphoreType.DMA,
        ],
    )
    def weldon(x_hbm, out_hbm, buf0, buf1, outv, sem0, sem1):
        wid = lax.axis_index("s") * 2 + lax.axis_index("c")
        row0 = wid * RPW
        lanes = lax.iota(jnp.int32, L)

        def chunk_slice(g):
            return x_hbm.at[wid, pl.ds(g * CH, CH)]

        def process(buf, g, acc):
            off = lax.rem(g, 2) * CH
            for r in range(0, CH, 2):
                ra, rb = _pair_result(buf, r, r + 1, lanes)
                acc = jnp.where(lanes == off + r, ra, acc)
                acc = jnp.where(lanes == off + r + 1, rb, acc)
            return acc

        pltpu.async_copy(chunk_slice(0), buf0, sem0)

        def gbody(i, acc):
            g0 = i * 2
            pltpu.async_copy(chunk_slice(g0 + 1), buf1, sem1)
            pltpu.make_async_copy(chunk_slice(g0), buf0, sem0).wait()
            acc = process(buf0, g0, acc)

            @pl.when(i + 1 < NCHUNK // 2)
            def _():
                pltpu.async_copy(chunk_slice(g0 + 2), buf0, sem0)

            pltpu.make_async_copy(chunk_slice(g0 + 1), buf1, sem1).wait()
            acc = process(buf1, g0 + 1, acc)
            outv[pl.ds(pl.multiple_of(i * L, 8), L)] = acc
            return acc

        lax.fori_loop(0, NCHUNK // 2, gbody, jnp.zeros((L,), jnp.float32))
        pltpu.sync_copy(outv, out_hbm.at[pl.ds(row0, RPW)])

    return weldon


_weldon = _make_kernel()


@jax.jit
def kernel(input):
    out = _weldon(input)
    return out.reshape(B, C, 1, 1)

# --- scband reference (transcript-rebuilt; emitter-appended) ---
"""Pipeline reference for scband-weldon-pooling-1580547966701 (READ-ONLY COPY).

The authoritative reference and input builder live on the scoring server;
editing this copy changes nothing except your own understanding.
"""

import jax, jax.numpy as jnp
import numpy as np

N_MAX = 4
N_MIN = 4

def setup_inputs(seed: int = 0) -> dict:
    key = jax.random.key(seed)
    x = jax.random.normal(key, (32, 768, 32, 32), dtype=jnp.float32)
    return {"input": x}

def reference(input):
    B, C, H, W = input.shape
    hw = H * W
    x = input.reshape(B, C, hw)
    # descending sort along last dim
    score_sorted = jnp.sort(x, axis=-1)[:, :, ::-1]
    out = jnp.sum(score_sorted[:, :, :N_MAX], axis=2, keepdims=True) / N_MAX
    y_min = jnp.sum(score_sorted[:, :, hw - N_MIN:hw], axis=2, keepdims=True) / N_MIN
    out = out + y_min
    return out.reshape(B, C, 1, 1)

if __name__ == "__main__":
    import jax
    _d = setup_inputs()
    print(jax.jit(kernel)(*tuple(_d.values())))

</pallas_src>

<mosaic_0001>
#map = affine_map<(d0, d1) -> (0, 0, 0, 0)>
#map1 = affine_map<(d0, d1) -> (0)>
module attributes {stable_mosaic.version = 14 : i64} {
  func.func @weldon(%arg0: i32, %arg1: i32, %arg2: memref<32x768x32x32xf32, #tpu.memory_space<hbm>>, %arg3: memref<24576xf32, #tpu.memory_space<hbm>>, %arg4: memref<8x32x32xf32, #tpu.memory_space<vmem>>, %arg5: memref<8x32x32xf32, #tpu.memory_space<vmem>>, %arg6: memref<768xf32, #tpu.memory_space<vmem>>, %arg7: memref<!tpu.dma_semaphore, #tpu.memory_space<semaphore_mem>>, %arg8: memref<!tpu.dma_semaphore, #tpu.memory_space<semaphore_mem>>) attributes {dimension_semantics = [#tpu.dimension_semantics<core_parallel>, #tpu.dimension_semantics<subcore_parallel>], iteration_bounds = array<i64: 2, 16>, scalar_prefetch = 0 : i64, scratch_operands = 5 : i64, tpu.core_type = #tpu.core_type<sc_vector_subcore>, window_params = [{transform_indices = #map}, {transform_indices = #map1}]} {
    %mul3A = arith.constant 2 : i32
    %mul3A_0 = arith.muli %arg1, %mul3A : i32
    %add3A = arith.addi %mul3A_0, %arg0 : i32
    %mul3A_1 = arith.constant 768 : i32
    %mul3A_2 = arith.muli %add3A, %mul3A_1 : i32
    %iota3A = tpu.iota {dimensions = array<i32: 0>} : vector<16xi32>
    %dma_start3A = arith.constant 0 : i32
    %dma_start3A_3 = arith.constant 0 : i32
    %dma_start3A_4 = arith.constant 0 : i32
    %dma_start3A_5 = tpu.memref_slice %arg2[%add3A, %dma_start3A, %dma_start3A_3, %dma_start3A_4] : memref<32x768x32x32xf32, #tpu.memory_space<hbm>> -> memref<1x8x32x32xf32, #tpu.memory_space<hbm>>
    %dma_start3A_6 = tpu.memref_squeeze %dma_start3A_5 : memref<1x8x32x32xf32, #tpu.memory_space<hbm>> -> memref<8x32x32xf32, #tpu.memory_space<hbm>>
    %dma_start3A_7 = arith.constant 0 : i32
    %dma_start3A_8 = arith.constant 0 : i32
    %dma_start3A_9 = arith.constant 0 : i32
    %dma_start3A_10 = tpu.memref_slice %arg2[%add3A, %dma_start3A_7, %dma_start3A_8, %dma_start3A_9] : memref<32x768x32x32xf32, #tpu.memory_space<hbm>> -> memref<1x8x32x32xf32, #tpu.memory_space<hbm>>
    %dma_start3A_11 = tpu.memref_squeeze %dma_start3A_10 : memref<1x8x32x32xf32, #tpu.memory_space<hbm>> -> memref<8x32x32xf32, #tpu.memory_space<hbm>>
    tpu.enqueue_dma source(%dma_start3A_11 : memref<8x32x32xf32, #tpu.memory_space<hbm>>) target(%arg4 : memref<8x32x32xf32, #tpu.memory_space<vmem>>) target_semaphore(%arg7 : memref<!tpu.dma_semaphore, #tpu.memory_space<semaphore_mem>>)
    %broadcast_in_dim3A = arith.constant 0.000000e+00 : f32
    %broadcast_in_dim3A_12 = vector.broadcast %broadcast_in_dim3A : f32 to vector<16xf32>
    %scan3A = arith.constant 0 : i32
    %scan3A_13 = arith.constant 48 : i32
    %scan3A_14 = arith.addi %scan3A, %scan3A_13 : i32
    %scan3A_15 = arith.constant 1 : i32
    %scan3A_16 = scf.for %scan3A_18 = %scan3A to %scan3A_14 step %scan3A_15 iter_args(%scan3A_19 = %broadcast_in_dim3A_12) -> (vector<16xf32>)  : i32 {
      %mul3A_20 = arith.constant 2 : i32
      %mul3A_21 = arith.muli %scan3A_18, %mul3A_20 : i32
      %add3A_22 = arith.constant 1 : i32
      %add3A_23 = arith.addi %mul3A_21, %add3A_22 : i32
      %mul3A_24 = arith.constant 8 : i32
      %mul3A_25 = arith.muli %add3A_23, %mul3A_24 : i32
      %dma_start3A_26 = arith.constant 0 : i32
      %dma_start3A_27 = arith.constant 0 : i32
      %dma_start3A_28 = tpu.memref_slice %arg2[%add3A, %mul3A_25, %dma_start3A_26, %dma_start3A_27] : memref<32x768x32x32xf32, #tpu.memory_space<hbm>> -> memref<1x8x32x32xf32, #tpu.memory_space<hbm>>
      %dma_start3A_29 = tpu.memref_squeeze %dma_start3A_28 : memref<1x8x32x32xf32, #tpu.memory_space<hbm>> -> memref<8x32x32xf32, #tpu.memory_space<hbm>>
      %dma_start3A_30 = arith.constant 0 : i32
      %dma_start3A_31 = arith.constant 0 : i32
      %dma_start3A_32 = tpu.memref_slice %arg2[%add3A, %mul3A_25, %dma_start3A_30, %dma_start3A_31] : memref<32x768x32x32xf32, #tpu.memory_space<hbm>> -> memref<1x8x32x32xf32, #tpu.memory_space<hbm>>
      %dma_start3A_33 = tpu.memref_squeeze %dma_start3A_32 : memref<1x8x32x32xf32, #tpu.memory_space<hbm>> -> memref<8x32x32xf32, #tpu.memory_space<hbm>>
      tpu.enqueue_dma source(%dma_start3A_33 : memref<8x32x32xf32, #tpu.memory_space<hbm>>) target(%arg5 : memref<8x32x32xf32, #tpu.memory_space<vmem>>) target_semaphore(%arg8 : memref<!tpu.dma_semaphore, #tpu.memory_space<semaphore_mem>>)
      %mul3A_34 = arith.constant 8 : i32
      %mul3A_35 = arith.muli %mul3A_21, %mul3A_34 : i32
      %dma_wait3A = arith.constant 0 : i32
      %dma_wait3A_36 = arith.constant 0 : i32
      %dma_wait3A_37 = tpu.memref_slice %arg2[%add3A, %mul3A_35, %dma_wait3A, %dma_wait3A_36] : memref<32x768x32x32xf32, #tpu.memory_space<hbm>> -> memref<1x8x32x32xf32, #tpu.memory_space<hbm>>
      %dma_wait3A_38 = tpu.memref_squeeze %dma_wait3A_37 : memref<1x8x32x32xf32, #tpu.memory_space<hbm>> -> memref<8x32x32xf32, #tpu.memory_space<hbm>>
      %dma_wait3A_39 = arith.constant 0 : i32
      %dma_wait3A_40 = arith.constant 0 : i32
      %dma_wait3A_41 = tpu.memref_slice %arg2[%add3A, %mul3A_35, %dma_wait3A_39, %dma_wait3A_40] : memref<32x768x32x32xf32, #tpu.memory_space<hbm>> -> memref<1x8x32x32xf32, #tpu.memory_space<hbm>>
      %dma_wait3A_42 = tpu.memref_squeeze %dma_wait3A_41 : memref<1x8x32x32xf32, #tpu.memory_space<hbm>> -> memref<8x32x32xf32, #tpu.memory_space<hbm>>
      tpu.wait_dma2 semaphore(%arg7 : memref<!tpu.dma_semaphore, #tpu.memory_space<semaphore_mem>>) src(%dma_wait3A_42 : memref<8x32x32xf32, #tpu.memory_space<hbm>>) dst(%arg4 : memref<8x32x32xf32, #tpu.memory_space<vmem>>)
      %rem3A = arith.constant 2 : i32
      %rem3A_43 = arith.remsi %mul3A_21, %rem3A : i32
      %mul3A_44 = arith.constant 8 : i32
      %mul3A_45 = arith.muli %rem3A_43, %mul3A_44 : i32
      %broadcast_in_dim3A_46 = arith.constant 0xFF800000 : f32
      %broadcast_in_dim3A_47 = vector.broadcast %broadcast_in_dim3A_46 : f32 to vector<16xf32>
      %broadcast_in_dim3A_48 = arith.constant 0x7F800000 : f32
      %broadcast_in_dim3A_49 = vector.broadcast %broadcast_in_dim3A_48 : f32 to vector<16xf32>
      %scan3A_50 = arith.constant 0 : i32
      %scan3A_51 = arith.constant 16 : i32
      %scan3A_52 = arith.addi %scan3A_50, %scan3A_51 : i32
      %scan3A_53 = arith.constant 1 : i32
      %scan3A_54:16 = scf.for %scan3A_1616 = %scan3A_50 to %scan3A_52 step %scan3A_53 iter_args(%scan3A_1617 = %broadcast_in_dim3A_47, %scan3A_1618 = %broadcast_in_dim3A_47, %scan3A_1619 = %broadcast_in_dim3A_47, %scan3A_1620 = %broadcast_in_dim3A_47, %scan3A_1621 = %broadcast_in_dim3A_49, %scan3A_1622 = %broadcast_in_dim3A_49, %scan3A_1623 = %broadcast_in_dim3A_49, %scan3A_1624 = %broadcast_in_dim3A_49, %scan3A_1625 = %broadcast_in_dim3A_47, %scan3A_1626 = %broadcast_in_dim3A_47, %scan3A_1627 = %broadcast_in_dim3A_47, %scan3A_1628 = %broadcast_in_dim3A_47, %scan3A_1629 = %broadcast_in_dim3A_49, %scan3A_1630 = %broadcast_in_dim3A_49, %scan3A_1631 = %broadcast_in_dim3A_49, %scan3A_1632 = %broadcast_in_dim3A_49) -> (vector<16xf32>, vector<16xf32>, vector<16xf32>, vector<16xf32>, vector<16xf32>, vector<16xf32>, vector<16xf32>, vector<16xf32>, vector<16xf32>, vector<16xf32>, vector<16xf32>, vector<16xf32>, vector<16xf32>, vector<16xf32>, vector<16xf32>, vector<16xf32>)  : i32 {
        %mul3A_1633 = arith.constant 2 : i32
        %mul3A_1634 = arith.muli %scan3A_1616, %mul3A_1633 : i32
        %get3A = arith.constant 0 : i32
        %get3A_1635 = arith.index_cast %get3A : i32 to index
        %get3A_1636 = arith.index_cast %mul3A_1634 : i32 to index
        %get3A_1637 = arith.constant 0 : index
        %get3A_1638 = tpu.vector_load %arg4[%get3A_1635, %get3A_1636, %get3A_1637] {strides = array<i32>} : memref<8x32x32xf32, #tpu.memory_space<vmem>>, vector<16xf32>,
        %get3A_1639 = arith.constant 0 : i32
        %get3A_1640 = arith.index_cast %get3A_1639 : i32 to index
        %get3A_1641 = arith.index_cast %mul3A_1634 : i32 to index
        %get3A_1642 = arith.constant 16 : index
        %get3A_1643 = tpu.vector_load %arg4[%get3A_1640, %get3A_1641, %get3A_1642] {strides = array<i32>} : memref<8x32x32xf32, #tpu.memory_space<vmem>>, vector<16xf32>,
        %add3A_1644 = arith.constant 1 : i32
        %add3A_1645 = arith.addi %mul3A_1634, %add3A_1644 : i32
        %get3A_1646 = arith.constant 0 : i32
        %get3A_1647 = arith.index_cast %get3A_1646 : i32 to index
        %get3A_1648 = arith.index_cast %add3A_1645 : i32 to index
        %get3A_1649 = arith.constant 0 : index
        %get3A_1650 = tpu.vector_load %arg4[%get3A_1647, %get3A_1648, %get3A_1649] {strides = array<i32>} : memref<8x32x32xf32, #tpu.memory_space<vmem>>, vector<16xf32>,
        %add3A_1651 = arith.constant 1 : i32
        %add3A_1652 = arith.addi %mul3A_1634, %add3A_1651 : i32
        %get3A_1653 = arith.constant 0 : i32
        %get3A_1654 = arith.index_cast %get3A_1653 : i32 to index
        %get3A_1655 = arith.index_cast %add3A_1652 : i32 to index
        %get3A_1656 = arith.constant 16 : index
        %get3A_1657 = tpu.vector_load %arg4[%get3A_1654, %get3A_1655, %get3A_1656] {strides = array<i32>} : memref<8x32x32xf32, #tpu.memory_space<vmem>>, vector<16xf32>,
        %max3A_1658 = arith.maximumf %get3A_1638, %get3A_1643 : vector<16xf32>
        %min3A_1659 = arith.minimumf %get3A_1638, %get3A_1643 : vector<16xf32>
        %max3A_1660 = arith.maximumf %get3A_1650, %get3A_1657 : vector<16xf32>
        %min3A_1661 = arith.minimumf %get3A_1650, %get3A_1657 : vector<16xf32>
        %max3A_1662 = arith.maximumf %max3A_1658, %max3A_1660 : vector<16xf32>
        %min3A_1663 = arith.minimumf %max3A_1658, %max3A_1660 : vector<16xf32>
        %max3A_1664 = arith.maximumf %min3A_1659, %min3A_1661 : vector<16xf32>
        %min3A_1665 = arith.minimumf %min3A_1659, %min3A_1661 : vector<16xf32>
        %max3A_1666 = arith.maximumf %max3A_1664, %min3A_1663 : vector<16xf32>
        %min3A_1667 = arith.minimumf %max3A_1664, %min3A_1663 : vector<16xf32>
        %max3A_1668 = arith.maximumf %scan3A_1617, %min3A_1665 : vector<16xf32>
        %max3A_1669 = arith.maximumf %scan3A_1618, %min3A_1667 : vector<16xf32>
        %max3A_1670 = arith.maximumf %scan3A_1619, %max3A_1666 : vector<16xf32>
        %max3A_1671 = arith.maximumf %scan3A_1620, %max3A_1662 : vector<16xf32>
        %max3A_1672 = arith.maximumf %max3A_1668, %max3A_1670 : vector<16xf32>
        %min3A_1673 = arith.minimumf %max3A_1668, %max3A_1670 : vector<16xf32>
        %max3A_1674 = arith.maximumf %max3A_1669, %max3A_1671 : vector<16xf32>
        %min3A_1675 = arith.minimumf %max3A_1669, %max3A_1671 : vector<16xf32>
        %max3A_1676 = arith.maximumf %max3A_1672, %max3A_1674 : vector<16xf32>
        %min3A_1677 = arith.minimumf %max3A_1672, %max3A_1674 : vector<16xf32>
        %max3A_1678 = arith.maximumf %min3A_1673, %min3A_1675 : vector<16xf32>
        %min3A_1679 = arith.minimumf %min3A_1673, %min3A_1675 : vector<16xf32>
        %min3A_1680 = arith.minimumf %scan3A_1621, %max3A_1662 : vector<16xf32>
        %min3A_1681 = arith.minimumf %scan3A_1622, %max3A_1666 : vector<16xf32>
        %min3A_1682 = arith.minimumf %scan3A_1623, %min3A_1667 : vector<16xf32>
        %min3A_1683 = arith.minimumf %scan3A_1624, %min3A_1665 : vector<16xf32>
        %min3A_1684 = arith.minimumf %min3A_1680, %min3A_1682 : vector<16xf32>
        %max3A_1685 = arith.maximumf %min3A_1680, %min3A_1682 : vector<16xf32>
        %min3A_1686 = arith.minimumf %min3A_1681, %min3A_1683 : vector<16xf32>
        %max3A_1687 = arith.maximumf %min3A_1681, %min3A_1683 : vector<16xf32>
        %min3A_1688 = arith.minimumf %min3A_1684, %min3A_1686 : vector<16xf32>
        %max3A_1689 = arith.maximumf %min3A_1684, %min3A_1686 : vector<16xf32>
        %min3A_1690 = arith.minimumf %max3A_1685, %max3A_1687 : vector<16xf32>
        %max3A_1691 = arith.maximumf %max3A_1685, %max3A_1687 : vector<16xf32>
        %get3A_1692 = arith.constant 1 : i32
        %get3A_1693 = arith.index_cast %get3A_1692 : i32 to index
        %get3A_1694 = arith.index_cast %mul3A_1634 : i32 to index
        %get3A_1695 = arith.constant 0 : index
        %get3A_1696 = tpu.vector_load %arg4[%get3A_1693, %get3A_1694, %get3A_1695] {strides = array<i32>} : memref<8x32x32xf32, #tpu.memory_space<vmem>>, vector<16xf32>,
        %get3A_1697 = arith.constant 1 : i32
        %get3A_1698 = arith.index_cast %get3A_1697 : i32 to index
        %get3A_1699 = arith.index_cast %mul3A_1634 : i32 to index
        %get3A_1700 = arith.constant 16 : index
        %get3A_1701 = tpu.vector_load %arg4[%get3A_1698, %get3A_1699, %get3A_1700] {strides = array<i32>} : memref<8x32x32xf32, #tpu.memory_space<vmem>>, vector<16xf32>,
        %add3A_1702 = arith.constant 1 : i32
        %add3A_1703 = arith.addi %mul3A_1634, %add3A_1702 : i32
        %get3A_1704 = arith.constant 1 : i32
        %get3A_1705 = arith.index_cast %get3A_1704 : i32 to index
        %get3A_1706 = arith.index_cast %add3A_1703 : i32 to index
        %get3A_1707 = arith.constant 0 : index
        %get3A_1708 = tpu.vector_load %arg4[%get3A_1705, %get3A_1706, %get3A_1707] {strides = array<i32>} : memref<8x32x32xf32, #tpu.memory_space<vmem>>, vector<16xf32>,
        %add3A_1709 = arith.constant 1 : i32
        %add3A_1710 = arith.addi %mul3A_1634, %add3A_1709 : i32
        %get3A_1711 = arith.constant 1 : i32
        %get3A_1712 = arith.index_cast %get3A_1711 : i32 to index
        %get3A_1713 = arith.index_cast %add3A_1710 : i32 to index
        %get3A_1714 = arith.constant 16 : index
        %get3A_1715 = tpu.vector_load %arg4[%get3A_1712, %get3A_1713, %get3A_1714] {strides = array<i32>} : memref<8x32x32xf32, #tpu.memory_space<vmem>>, vector<16xf32>,
        %max3A_1716 = arith.maximumf %get3A_1696, %get3A_1701 : vector<16xf32>
        %min3A_1717 = arith.minimumf %get3A_1696, %get3A_1701 : vector<16xf32>
        %max3A_1718 = arith.maximumf %get3A_1708, %get3A_1715 : vector<16xf32>
        %min3A_1719 = arith.minimumf %get3A_1708, %get3A_1715 : vector<16xf32>
        %max3A_1720 = arith.maximumf %max3A_1716, %max3A_1718 : vector<16xf32>
        %min3A_1721 = arith.minimumf %max3A_1716, %max3A_1718 : vector<16xf32>
        %max3A_1722 = arith.maximumf %min3A_1717, %min3A_1719 : vector<16xf32>
        %min3A_1723 = arith.minimumf %min3A_1717, %min3A_1719 : vector<16xf32>
        %max3A_1724 = arith.maximumf %max3A_1722, %min3A_1721 : vector<16xf32>
        %min3A_1725 = arith.minimumf %max3A_1722, %min3A_1721 : vector<16xf32>
        %max3A_1726 = arith.maximumf %scan3A_1625, %min3A_1723 : vector<16xf32>
        %max3A_1727 = arith.maximumf %scan3A_1626, %min3A_1725 : vector<16xf32>
        %max3A_1728 = arith.maximumf %scan3A_1627, %max3A_1724 : vector<16xf32>
        %max3A_1729 = arith.maximumf %scan3A_1628, %max3A_1720 : vector<16xf32>
        %max3A_1730 = arith.maximumf %max3A_1726, %max3A_1728 : vector<16xf32>
        %min3A_1731 = arith.minimumf %max3A_1726, %max3A_1728 : vector<16xf32>
        %max3A_1732 = arith.maximumf %max3A_1727, %max3A_1729 : vector<16xf32>
        %min3A_1733 = arith.minimumf %max3A_1727, %max3A_1729 : vector<16xf32>
        %max3A_1734 = arith.maximumf %max3A_1730, %max3A_1732 : vector<16xf32>
        %min3A_1735 = arith.minimumf %max3A_1730, %max3A_1732 : vector<16xf32>
        %max3A_1736 = arith.maximumf %min3A_1731, %min3A_1733 : vector<16xf32>
        %min3A_1737 = arith.minimumf %min3A_1731, %min3A_1733 : vector<16xf32>
        %min3A_1738 = arith.minimumf %scan3A_1629, %max3A_1720 : vector<16xf32>
        %min3A_1739 = arith.minimumf %scan3A_1630, %max3A_1724 : vector<16xf32>
        %min3A_1740 = arith.minimumf %scan3A_1631, %min3A_1725 : vector<16xf32>
        %min3A_1741 = arith.minimumf %scan3A_1632, %min3A_1723 : vector<16xf32>
        %min3A_1742 = arith.minimumf %min3A_1738, %min3A_1740 : vector<16xf32>
        %max3A_1743 = arith.maximumf %min3A_1738, %min3A_1740 : vector<16xf32>
        %min3A_1744 = arith.minimumf %min3A_1739, %min3A_1741 : vector<16xf32>
        %max3A_1745 = arith.maximumf %min3A_1739, %min3A_1741 : vector<16xf32>
        %min3A_1746 = arith.minimumf %min3A_1742, %min3A_1744 : vector<16xf32>
        %max3A_1747 = arith.maximumf %min3A_1742, %min3A_1744 : vector<16xf32>
        %min3A_1748 = arith.minimumf %max3A_1743, %max3A_1745 : vector<16xf32>
        %max3A_1749 = arith.maximumf %max3A_1743, %max3A_1745 : vector<16xf32>
        scf.yield %max3A_1676, %min3A_1677, %max3A_1678, %min3A_1679, %min3A_1688, %max3A_1689, %min3A_1690, %max3A_1691, %max3A_1734, %min3A_1735, %max3A_1736, %min3A_1737, %min3A_1746, %max3A_1747, %min3A_1748, %max3A_1749 : vector<16xf32>, vector<16xf32>, vector<16xf32>, vector<16xf32>, vector<16xf32>, vector<16xf32>, vector<16xf32>, vector<16xf32>, vector<16xf32>, vector<16xf32>, vector<16xf32>, vector<16xf32>, vector<16xf32>, vector<16xf32>, vector<16xf32>, vector<16xf32>
      }
      %scan3A_55 = arith.constant 16 : i32
      %masked_sort3A = arith.constant dense<true> : vector<16xi1>
      %masked_sort3A_56, %masked_sort3A_57, %masked_sort3A_58 = tpu.sort %scan3A_54#0, %scan3A_54#0 masked %masked_sort3A {descending = true} : (vector<16xf32>, vector<16xf32>, vector<16xi1>) -> (vector<16xi1>, vector<16xf32>, vector<16xf32>)
      %masked_sort3A_59 = arith.constant dense<true> : vector<16xi1>
      %masked_sort3A_60, %masked_sort3A_61, %masked_sort3A_62 = tpu.sort %scan3A_54#1, %scan3A_54#1 masked %masked_sort3A_59 : (vector<16xf32>, vector<16xf32>, vector<16xi1>) -> (vector<16xi1>, vector<16xf32>, vector<16xf32>)
      %max3A = arith.maximumf %masked_sort3A_57, %masked_sort3A_61 : vector<16xf32>
      %masked_sort3A_63 = arith.constant dense<true> : vector<16xi1>
      %masked_sort3A_64, %masked_sort3A_65, %masked_sort3A_66 = tpu.sort %scan3A_54#2, %scan3A_54#2 masked %masked_sort3A_63 {descending = true} : (vector<16xf32>, vector<16xf32>, vector<16xi1>) -> (vector<16xi1>, vector<16xf32>, vector<16xf32>)
      %masked_sort3A_67 = arith.constant dense<true> : vector<16xi1>
      %masked_sort3A_68, %masked_sort3A_69, %masked_sort3A_70 = tpu.sort %scan3A_54#3, %scan3A_54#3 masked %masked_sort3A_67 : (vector<16xf32>, vector<16xf32>, vector<16xi1>) -> (vector<16xi1>, vector<16xf32>, vector<16xf32>)
      %max3A_71 = arith.maximumf %masked_sort3A_65, %masked_sort3A_69 : vector<16xf32>
      %masked_sort3A_72 = arith.constant dense<true> : vector<16xi1>
      %masked_sort3A_73, %masked_sort3A_74, %masked_sort3A_75 = tpu.sort %max3A, %max3A masked %masked_sort3A_72 {descending = true} : (vector<16xf32>, vector<16xf32>, vector<16xi1>) -> (vector<16xi1>, vector<16xf32>, vector<16xf32>)
      %masked_sort3A_76 = arith.constant dense<true> : vector<16xi1>
      %masked_sort3A_77, %masked_sort3A_78, %masked_sort3A_79 = tpu.sort %max3A_71, %max3A_71 masked %masked_sort3A_76 : (vector<16xf32>, vector<16xf32>, vector<16xi1>) -> (vector<16xi1>, vector<16xf32>, vector<16xf32>)
      %max3A_80 = arith.maximumf %masked_sort3A_74, %masked_sort3A_78 : vector<16xf32>
      %masked_sort3A_81 = arith.constant dense<true> : vector<16xi1>
      %masked_sort3A_82, %masked_sort3A_83, %masked_sort3A_84 = tpu.sort %max3A_80, %max3A_80 masked %masked_sort3A_81 {descending = true} : (vector<16xf32>, vector<16xf32>, vector<16xi1>) -> (vector<16xi1>, vector<16xf32>, vector<16xf32>)
      %lt3A = arith.constant 4 : i32
      %lt3A_85 = vector.broadcast %lt3A : i32 to vector<16xi32>
      %lt3A_86 = arith.cmpi slt, %iota3A, %lt3A_85 : vector<16xi32>
      %jit3A = arith.constant 0.000000e+00 : f32
      %broadcast_in_dim3A_87 = vector.broadcast %jit3A : f32 to vector<16xf32>
      %select_n3A = arith.select %lt3A_86, %masked_sort3A_83, %broadcast_in_dim3A_87 : vector<16xi1>, vector<16xf32>
      %reduce_sum3A = arith.constant true
      %reduce_sum3A_88 = vector.broadcast %reduce_sum3A : i1 to vector<16xi1>
      %reduce_sum3A_89 = tpu.scan <sum>, %select_n3A masked %reduce_sum3A_88 : vector<16xf32>, vector<16xi1> -> vector<16xf32>
      %reduce_sum3A_90 = vector.extract %reduce_sum3A_89[15] : f32 from vector<16xf32>
      %masked_sort3A_91 = arith.constant dense<true> : vector<16xi1>
      %masked_sort3A_92, %masked_sort3A_93, %masked_sort3A_94 = tpu.sort %scan3A_54#4, %scan3A_54#4 masked %masked_sort3A_91 : (vector<16xf32>, vector<16xf32>, vector<16xi1>) -> (vector<16xi1>, vector<16xf32>, vector<16xf32>)
      %masked_sort3A_95 = arith.constant dense<true> : vector<16xi1>
      %masked_sort3A_96, %masked_sort3A_97, %masked_sort3A_98 = tpu.sort %scan3A_54#5, %scan3A_54#5 masked %masked_sort3A_95 {descending = true} : (vector<16xf32>, vector<16xf32>, vector<16xi1>) -> (vector<16xi1>, vector<16xf32>, vector<16xf32>)
      %min3A = arith.minimumf %masked_sort3A_93, %masked_sort3A_97 : vector<16xf32>
      %masked_sort3A_99 = arith.constant dense<true> : vector<16xi1>
      %masked_sort3A_100, %masked_sort3A_101, %masked_sort3A_102 = tpu.sort %scan3A_54#6, %scan3A_54#6 masked %masked_sort3A_99 : (vector<16xf32>, vector<16xf32>, vector<16xi1>) -> (vector<16xi1>, vector<16xf32>, vector<16xf32>)
      %masked_sort3A_103 = arith.constant dense<true> : vector<16xi1>
      %masked_sort3A_104, %masked_sort3A_105, %masked_sort3A_106 = tpu.sort %scan3A_54#7, %scan3A_54#7 masked %masked_sort3A_103 {descending = true} : (vector<16xf32>, vector<16xf32>, vector<16xi1>) -> (vector<16xi1>, vector<16xf32>, vector<16xf32>)
      %min3A_107 = arith.minimumf %masked_sort3A_101, %masked_sort3A_105 : vector<16xf32>
      %masked_sort3A_108 = arith.constant dense<true> : vector<16xi1>
      %masked_sort3A_109, %masked_sort3A_110, %masked_sort3A_111 = tpu.sort %min3A, %min3A masked %masked_sort3A_108 : (vector<16xf32>, vector<16xf32>, vector<16xi1>) -> (vector<16xi1>, vector<16xf32>, vector<16xf32>)
      %masked_sort3A_112 = arith.constant dense<true> : vector<16xi1>
      %masked_sort3A_113, %masked_sort3A_114, %masked_sort3A_115 = tpu.sort %min3A_107, %min3A_107 masked %masked_sort3A_112 {descending = true} : (vector<16xf32>, vector<16xf32>, vector<16xi1>) -> (vector<16xi1>, vector<16xf32>, vector<16xf32>)
      %min3A_116 = arith.minimumf %masked_sort3A_110, %masked_sort3A_114 : vector<16xf32>
      %masked_sort3A_117 = arith.constant dense<true> : vector<16xi1>
      %masked_sort3A_118, %masked_sort3A_119, %masked_sort3A_120 = tpu.sort %min3A_116, %min3A_116 masked %masked_sort3A_117 : (vector<16xf32>, vector<16xf32>, vector<16xi1>) -> (vector<16xi1>, vector<16xf32>, vector<16xf32>)
      %lt3A_121 = arith.constant 4 : i32
      %lt3A_122 = vector.broadcast %lt3A_121 : i32 to vector<16xi32>
      %lt3A_123 = arith.cmpi slt, %iota3A, %lt3A_122 : vector<16xi32>
      %jit3A_124 = arith.constant 0.000000e+00 : f32
      %broadcast_in_dim3A_125 = vector.broadcast %jit3A_124 : f32 to vector<16xf32>
      %select_n3A_126 = arith.select %lt3A_123, %masked_sort3A_119, %broadcast_in_dim3A_125 : vector<16xi1>, vector<16xf32>
      %reduce_sum3A_127 = arith.constant true
      %reduce_sum3A_128 = vector.broadcast %reduce_sum3A_127 : i1 to vector<16xi1>
      %reduce_sum3A_129 = tpu.scan <sum>, %select_n3A_126 masked %reduce_sum3A_128 : vector<16xf32>, vector<16xi1> -> vector<16xf32>
      %reduce_sum3A_130 = vector.extract %reduce_sum3A_129[15] : f32 from vector<16xf32>
      %add3A_131 = arith.addf %reduce_sum3A_90, %reduce_sum3A_130 : f32
      %mul3A_132 = arith.constant 2.500000e-01 : f32
      %mul3A_133 = arith.mulf %add3A_131, %mul3A_132 : f32
      %masked_sort3A_134 = arith.constant dense<true> : vector<16xi1>
      %masked_sort3A_135, %masked_sort3A_136, %masked_sort3A_137 = tpu.sort %scan3A_54#8, %scan3A_54#8 masked %masked_sort3A_134 {descending = true} : (vector<16xf32>, vector<16xf32>, vector<16xi1>) -> (vector<16xi1>, vector<16xf32>, vector<16xf32>)
      %masked_sort3A_138 = arith.constant dense<true> : vector<16xi1>
      %masked_sort3A_139, %masked_sort3A_140, %masked_sort3A_141 = tpu.sort %scan3A_54#9, %scan3A_54#9 masked %masked_sort3A_138 : (vector<16xf32>, vector<16xf32>, vector<16xi1>) -> (vector<16xi1>, vector<16xf32>, vector<16xf32>)
      %max3A_142 = arith.maximumf %masked_sort3A_136, %masked_sort3A_140 : vector<16xf32>
      %masked_sort3A_143 = arith.constant dense<true> : vector<16xi1>
      %masked_sort3A_144, %masked_sort3A_145, %masked_sort3A_146 = tpu.sort %scan3A_54#10, %scan3A_54#10 masked %masked_sort3A_143 {descending = true} : (vector<16xf32>, vector<16xf32>, vector<16xi1>) -> (vector<16xi1>, vector<16xf32>, vector<16xf32>)
      %masked_sort3A_147 = arith.constant dense<true> : vector<16xi1>
      %masked_sort3A_148, %masked_sort3A_149, %masked_sort3A_150 = tpu.sort %scan3A_54#11, %scan3A_54#11 masked %masked_sort3A_147 : (vector<16xf32>, vector<16xf32>, vector<16xi1>) -> (vector<16xi1>, vector<16xf32>, vector<16xf32>)
      %max3A_151 = arith.maximumf %masked_sort3A_145, %masked_sort3A_149 : vector<16xf32>
      %masked_sort3A_152 = arith.constant dense<true> : vector<16xi1>
      %masked_sort3A_153, %masked_sort3A_154, %masked_sort3A_155 = tpu.sort %max3A_142, %max3A_142 masked %masked_sort3A_152 {descending = true} : (vector<16xf32>, vector<16xf32>, vector<16xi1>) -> (vector<16xi1>, vector<16xf32>, vector<16xf32>)
      %masked_sort3A_156 = arith.constant dense<true> : vector<16xi1>
      %masked_sort3A_157, %masked_sort3A_158, %masked_sort3A_159 = tpu.sort %max3A_151, %max3A_151 masked %masked_sort3A_156 : (vector<16xf32>, vector<16xf32>, vector<16xi1>) -> (vector<16xi1>, vector<16xf32>, vector<16xf32>)
      %max3A_160 = arith.maximumf %masked_sort3A_154, %masked_sort3A_158 : vector<16xf32>
      %masked_sort3A_161 = arith.constant dense<true> : vector<16xi1>
      %masked_sort3A_162, %masked_sort3A_163, %masked_sort3A_164 = tpu.sort %max3A_160, %max3A_160 masked %masked_sort3A_161 {descending = true} : (vector<16xf32>, vector<16xf32>, vector<16xi1>) -> (vector<16xi1>, vector<16xf32>, vector<16xf32>)
      %lt3A_165 = arith.constant 4 : i32
      %lt3A_166 = vector.broadcast %lt3A_165 : i32 to vector<16xi32>
      %lt3A_167 = arith.cmpi slt, %iota3A, %lt3A_166 : vector<16xi32>
      %jit3A_168 = arith.constant 0.000000e+00 : f32
      %broadcast_in_dim3A_169 = vector.broadcast %jit3A_168 : f32 to vector<16xf32>
      %select_n3A_170 = arith.select %lt3A_167, %masked_sort3A_163, %broadcast_in_dim3A_169 : vector<16xi1>, vector<16xf32>
      %reduce_sum3A_171 = arith.constant true
      %reduce_sum3A_172 = vector.broadcast %reduce_sum3A_171 : i1 to vector<16xi1>
      %reduce_sum3A_173 = tpu.scan <sum>, %select_n3A_170 masked %reduce_sum3A_172 : vector<16xf32>, vector<16xi1> -> vector<16xf32>
      %reduce_sum3A_174 = vector.extract %reduce_sum3A_173[15] : f32 from vector<16xf32>
      %masked_sort3A_175 = arith.constant dense<true> : vector<16xi1>
      %masked_sort3A_176, %masked_sort3A_177, %masked_sort3A_178 = tpu.sort %scan3A_54#12, %scan3A_54#12 masked %masked_sort3A_175 : (vector<16xf32>, vector<16xf32>, vector<16xi1>) -> (vector<16xi1>, vector<16xf32>, vector<16xf32>)
      %masked_sort3A_179 = arith.constant dense<true> : vector<16xi1>
      %masked_sort3A_180, %masked_sort3A_181, %masked_sort3A_182 = tpu.sort %scan3A_54#13, %scan3A_54#13 masked %masked_sort3A_179 {descending = true} : (vector<16xf32>, vector<16xf32>, vector<16xi1>) -> (vector<16xi1>, vector<16xf32>, vector<16xf32>)
      %min3A_183 = arith.minimumf %masked_sort3A_177, %masked_sort3A_181 : vector<16xf32>
      %masked_sort3A_184 = arith.constant dense<true> : vector<16xi1>
      %masked_sort3A_185, %masked_sort3A_186, %masked_sort3A_187 = tpu.sort %scan3A_54#14, %scan3A_54#14 masked %masked_sort3A_184 : (vector<16xf32>, vector<16xf32>, vector<16xi1>) -> (vector<16xi1>, vector<16xf32>, vector<16xf32>)
      %masked_sort3A_188 = arith.constant dense<true> : vector<16xi1>
      %masked_sort3A_189, %masked_sort3A_190, %masked_sort3A_191 = tpu.sort %scan3A_54#15, %scan3A_54#15 masked %masked_sort3A_188 {descending = true} : (vector<16xf32>, vector<16xf32>, vector<16xi1>) -> (vector<16xi1>, vector<16xf32>, vector<16xf32>)
      %min3A_192 = arith.minimumf %masked_sort3A_186, %masked_sort3A_190 : vector<16xf32>
      %masked_sort3A_193 = arith.constant dense<true> : vector<16xi1>
      %masked_sort3A_194, %masked_sort3A_195, %masked_sort3A_196 = tpu.sort %min3A_183, %min3A_183 masked %masked_sort3A_193 : (vector<16xf32>, vector<16xf32>, vector<16xi1>) -> (vector<16xi1>, vector<16xf32>, vector<16xf32>)
      %masked_sort3A_197 = arith.constant dense<true> : vector<16xi1>
      %masked_sort3A_198, %masked_sort3A_199, %masked_sort3A_200 = tpu.sort %min3A_192, %min3A_192 masked %masked_sort3A_197 {descending = true} : (vector<16xf32>, vector<16xf32>, vector<16xi1>) -> (vector<16xi1>, vector<16xf32>, vector<16xf32>)
      %min3A_201 = arith.minimumf %masked_sort3A_195, %masked_sort3A_199 : vector<16xf32>
      %masked_sort3A_202 = arith.constant dense<true> : vector<16xi1>
      %masked_sort3A_203, %masked_sort3A_204, %masked_sort3A_205 = tpu.sort %min3A_201, %min3A_201 masked %masked_sort3A_202 : (vector<16xf32>, vector<16xf32>, vector<16xi1>) -> (vector<16xi1>, vector<16xf32>, vector<16xf32>)
      %lt3A_206 = arith.constant 4 : i32
      %lt3A_207 = vector.broadcast %lt3A_206 : i32 to vector<16xi32>
      %lt3A_208 = arith.cmpi slt, %iota3A, %lt3A_207 : vector<16xi32>
      %jit3A_209 = arith.constant 0.000000e+00 : f32
      %broadcast_in_dim3A_210 = vector.broadcast %jit3A_209 : f32 to vector<16xf32>
      %select_n3A_211 = arith.select %lt3A_208, %masked_sort3A_204, %broadcast_in_dim3A_210 : vector<16xi1>, vector<16xf32>
      %reduce_sum3A_212 = arith.constant true
      %reduce_sum3A_213 = vector.broadcast %reduce_sum3A_212 : i1 to vector<16xi1>
      %reduce_sum3A_214 = tpu.scan <sum>, %select_n3A_211 masked %reduce_sum3A_213 : vector<16xf32>, vector<16xi1> -> vector<16xf32>
      %reduce_sum3A_215 = vector.extract %reduce_sum3A_214[15] : f32 from vector<16xf32>
      %add3A_216 = arith.addf %reduce_sum3A_174, %reduce_sum3A_215 : f32
      %mul3A_217 = arith.constant 2.500000e-01 : f32
      %mul3A_218 = arith.mulf %add3A_216, %mul3A_217 : f32
      %add3A_219 = arith.constant 0 : i32
      %add3A_220 = arith.addi %mul3A_45, %add3A_219 : i32
      %eq3A = vector.broadcast %add3A_220 : i32 to vector<16xi32>
      %eq3A_221 = arith.cmpi eq, %iota3A, %eq3A : vector<16xi32>
      %broadcast_in_dim3A_222 = vector.broadcast %mul3A_133 : f32 to vector<16xf32>
      %select_n3A_223 = arith.select %eq3A_221, %broadcast_in_dim3A_222, %scan3A_19 : vector<16xi1>, vector<16xf32>
      %add3A_224 = arith.constant 0 : i32
      %add3A_225 = arith.addi %mul3A_45, %add3A_224 : i32
      %add3A_226 = arith.constant 1 : i32
      %add3A_227 = arith.addi %add3A_225, %add3A_226 : i32
      %eq3A_228 = vector.broadcast %add3A_227 : i32 to vector<16xi32>
      %eq3A_229 = arith.cmpi eq, %iota3A, %eq3A_228 : vector<16xi32>
      %broadcast_in_dim3A_230 = vector.broadcast %mul3A_218 : f32 to vector<16xf32>
      %select_n3A_231 = arith.select %eq3A_229, %broadcast_in_dim3A_230, %select_n3A_223 : vector<16xi1>, vector<16xf32>
      %broadcast_in_dim3A_232 = arith.constant 0xFF800000 : f32
      %broadcast_in_dim3A_233 = vector.broadcast %broadcast_in_dim3A_232 : f32 to vector<16xf32>
      %broadcast_in_dim3A_234 = arith.constant 0x7F800000 : f32
      %broadcast_in_dim3A_235 = vector.broadcast %broadcast_in_dim3A_234 : f32 to vector<16xf32>
      %scan3A_236 = arith.constant 0 : i32
      %scan3A_237 = arith.constant 16 : i32
      %scan3A_238 = arith.addi %scan3A_236, %scan3A_237 : i32
      %scan3A_239 = arith.constant 1 : i32
      %scan3A_240:16 = scf.for %scan3A_1616 = %scan3A_236 to %scan3A_238 step %scan3A_239 iter_args(%scan3A_1617 = %broadcast_in_dim3A_233, %scan3A_1618 = %broadcast_in_dim3A_233, %scan3A_1619 = %broadcast_in_dim3A_233, %scan3A_1620 = %broadcast_in_dim3A_233, %scan3A_1621 = %broadcast_in_dim3A_235, %scan3A_1622 = %broadcast_in_dim3A_235, %scan3A_1623 = %broadcast_in_dim3A_235, %scan3A_1624 = %broadcast_in_dim3A_235, %scan3A_1625 = %broadcast_in_dim3A_233, %scan3A_1626 = %broadcast_in_dim3A_233, %scan3A_1627 = %broadcast_in_dim3A_233, %scan3A_1628 = %broadcast_in_dim3A_233, %scan3A_1629 = %broadcast_in_dim3A_235, %scan3A_1630 = %broadcast_in_dim3A_235, %scan3A_1631 = %broadcast_in_dim3A_235, %scan3A_1632 = %broadcast_in_dim3A_235) -> (vector<16xf32>, vector<16xf32>, vector<16xf32>, vector<16xf32>, vector<16xf32>, vector<16xf32>, vector<16xf32>, vector<16xf32>, vector<16xf32>, vector<16xf32>, vector<16xf32>, vector<16xf32>, vector<16xf32>, vector<16xf32>, vector<16xf32>, vector<16xf32>)  : i32 {
        %mul3A_1633 = arith.constant 2 : i32
        %mul3A_1634 = arith.muli %scan3A_1616, %mul3A_1633 : i32
        %get3A = arith.constant 2 : i32
        %get3A_1635 = arith.index_cast %get3A : i32 to index
        %get3A_1636 = arith.index_cast %mul3A_1634 : i32 to index
        %get3A_1637 = arith.constant 0 : index
        %get3A_1638 = tpu.vector_load %arg4[%get3A_1635, %get3A_1636, %get3A_1637] {strides = array<i32>} : memref<8x32x32xf32, #tpu.memory_space<vmem>>, vector<16xf32>,
        %get3A_1639 = arith.constant 2 : i32
        %get3A_1640 = arith.index_cast %get3A_1639 : i32 to index
        %get3A_1641 = arith.index_cast %mul3A_1634 : i32 to index
        %get3A_1642 = arith.constant 16 : index
        %get3A_1643 = tpu.vector_load %arg4[%get3A_1640, %get3A_1641, %get3A_1642] {strides = array<i32>} : memref<8x32x32xf32, #tpu.memory_space<vmem>>, vector<16xf32>,
        %add3A_1644 = arith.constant 1 : i32
        %add3A_1645 = arith.addi %mul3A_1634, %add3A_1644 : i32
        %get3A_1646 = arith.constant 2 : i32
        %get3A_1647 = arith.index_cast %get3A_1646 : i32 to index
        %get3A_1648 = arith.index_cast %add3A_1645 : i32 to index
        %get3A_1649 = arith.constant 0 : index
        %get3A_1650 = tpu.vector_load %arg4[%get3A_1647, %get3A_1648, %get3A_1649] {strides = array<i32>} : memref<8x32x32xf32, #tpu.memory_space<vmem>>, vector<16xf32>,
        %add3A_1651 = arith.constant 1 : i32
        %add3A_1652 = arith.addi %mul3A_1634, %add3A_1651 : i32
        %get3A_1653 = arith.constant 2 : i32
        %get3A_1654 = arith.index_cast %get3A_1653 : i32 to index
        %get3A_1655 = arith.index_cast %add3A_1652 : i32 to index
        %get3A_1656 = arith.constant 16 : index
        %get3A_1657 = tpu.vector_load %arg4[%get3A_1654, %get3A_1655, %get3A_1656] {strides = array<i32>} : memref<8x32x32xf32, #tpu.memory_space<vmem>>, vector<16xf32>,
        %max3A_1658 = arith.maximumf %get3A_1638, %get3A_1643 : vector<16xf32>
        %min3A_1659 = arith.minimumf %get3A_1638, %get3A_1643 : vector<16xf32>
        %max3A_1660 = arith.maximumf %get3A_1650, %get3A_1657 : vector<16xf32>
        %min3A_1661 = arith.minimumf %get3A_1650, %get3A_1657 : vector<16xf32>
        %max3A_1662 = arith.maximumf %max3A_1658, %max3A_1660 : vector<16xf32>
        %min3A_1663 = arith.minimumf %max3A_1658, %max3A_1660 : vector<16xf32>
        %max3A_1664 = arith.maximumf %min3A_1659, %min3A_1661 : vector<16xf32>
        %min3A_1665 = arith.minimumf %min3A_1659, %min3A_1661 : vector<16xf32>
        %max3A_1666 = arith.maximumf %max3A_1664, %min3A_1663 : vector<16xf32>
        %min3A_1667 = arith.minimumf %max3A_1664, %min3A_1663 : vector<16xf32>
        %max3A_1668 = arith.maximumf %scan3A_1617, %min3A_1665 : vector<16xf32>
        %max3A_1669 = arith.maximumf %scan3A_1618, %min3A_1667 : vector<16xf32>
        %max3A_1670 = arith.maximumf %scan3A_1619, %max3A_1666 : vector<16xf32>
        %max3A_1671 = arith.maximumf %scan3A_1620, %max3A_1662 : vector<16xf32>
        %max3A_1672 = arith.maximumf %max3A_1668, %max3A_1670 : vector<16xf32>
        %min3A_1673 = arith.minimumf %max3A_1668, %max3A_1670 : vector<16xf32>
        %max3A_1674 = arith.maximumf %max3A_1669, %max3A_1671 : vector<16xf32>
        %min3A_1675 = arith.minimumf %max3A_1669, %max3A_1671 : vector<16xf32>
        %max3A_1676 = arith.maximumf %max3A_1672, %max3A_1674 : vector<16xf32>
        %min3A_1677 = arith.minimumf %max3A_1672, %max3A_1674 : vector<16xf32>
        %max3A_1678 = arith.maximumf %min3A_1673, %min3A_1675 : vector<16xf32>
        %min3A_1679 = arith.minimumf %min3A_1673, %min3A_1675 : vector<16xf32>
        %min3A_1680 = arith.minimumf %scan3A_1621, %max3A_1662 : vector<16xf32>
        %min3A_1681 = arith.minimumf %scan3A_1622, %max3A_1666 : vector<16xf32>
        %min3A_1682 = arith.minimumf %scan3A_1623, %min3A_1667 : vector<16xf32>
        %min3A_1683 = arith.minimumf %scan3A_1624, %min3A_1665 : vector<16xf32>
        %min3A_1684 = arith.minimumf %min3A_1680, %min3A_1682 : vector<16xf32>
        %max3A_1685 = arith.maximumf %min3A_1680, %min3A_1682 : vector<16xf32>
        %min3A_1686 = arith.minimumf %min3A_1681, %min3A_1683 : vector<16xf32>
        %max3A_1687 = arith.maximumf %min3A_1681, %min3A_1683 : vector<16xf32>
        %min3A_1688 = arith.minimumf %min3A_1684, %min3A_1686 : vector<16xf32>
        %max3A_1689 = arith.maximumf %min3A_1684, %min3A_1686 : vector<16xf32>
        %min3A_1690 = arith.minimumf %max3A_1685, %max3A_1687 : vector<16xf32>
        %max3A_1691 = arith.maximumf %max3A_1685, %max3A_1687 : vector<16xf32>
        %get3A_1692 = arith.constant 3 : i32
        %get3A_1693 = arith.index_cast %get3A_1692 : i32 to index
        %get3A_1694 = arith.index_cast %mul3A_1634 : i32 to index
        %get3A_1695 = arith.constant 0 : index
        %get3A_1696 = tpu.vector_load %arg4[%get3A_1693, %get3A_1694, %get3A_1695] {strides = array<i32>} : memref<8x32x32xf32, #tpu.memory_space<vmem>>, vector<16xf32>,
        %get3A_1697 = arith.constant 3 : i32
        %get3A_1698 = arith.index_cast %get3A_1697 : i32 to index
        %get3A_1699 = arith.index_cast %mul3A_1634 : i32 to index
        %get3A_1700 = arith.constant 16 : index
        %get3A_1701 = tpu.vector_load %arg4[%get3A_1698, %get3A_1699, %get3A_1700] {strides = array<i32>} : memref<8x32x32xf32, #tpu.memory_space<vmem>>, vector<16xf32>,
        %add3A_1702 = arith.constant 1 : i32
        %add3A_1703 = arith.addi %mul3A_1634, %add3A_1702 : i32
        %get3A_1704 = arith.constant 3 : i32
        %get3A_1705 = arith.index_cast %get3A_1704 : i32 to index
        %get3A_1706 = arith.index_cast %add3A_1703 : i32 to index
        %get3A_1707 = arith.constant 0 : index
        %get3A_1708 = tpu.vector_load %arg4[%get3A_1705, %get3A_1706, %get3A_1707] {strides = array<i32>} : memref<8x32x32xf32, #tpu.memory_space<vmem>>, vector<16xf32>,
        %add3A_1709 = arith.constant 1 : i32
        %add3A_1710 = arith.addi %mul3A_1634, %add3A_1709 : i32
        %get3A_1711 = arith.constant 3 : i32
        %get3A_1712 = arith.index_cast %get3A_1711 : i32 to index
        %get3A_1713 = arith.index_cast %add3A_1710 : i32 to index
        %get3A_1714 = arith.constant 16 : index
        %get3A_1715 = tpu.vector_load %arg4[%get3A_1712, %get3A_1713, %get3A_1714] {strides = array<i32>} : memref<8x32x32xf32, #tpu.memory_space<vmem>>, vector<16xf32>,
        %max3A_1716 = arith.maximumf %get3A_1696, %get3A_1701 : vector<16xf32>
        %min3A_1717 = arith.minimumf %get3A_1696, %get3A_1701 : vector<16xf32>
        %max3A_1718 = arith.maximumf %get3A_1708, %get3A_1715 : vector<16xf32>
        %min3A_1719 = arith.minimumf %get3A_1708, %get3A_1715 : vector<16xf32>
        %max3A_1720 = arith.maximumf %max3A_1716, %max3A_1718 : vector<16xf32>
        %min3A_1721 = arith.minimumf %max3A_1716, %max3A_1718 : vector<16xf32>
        %max3A_1722 = arith.maximumf %min3A_1717, %min3A_1719 : vector<16xf32>
        %min3A_1723 = arith.minimumf %min3A_1717, %min3A_1719 : vector<16xf32>
        %max3A_1724 = arith.maximumf %max3A_1722, %min3A_1721 : vector<16xf32>
        %min3A_1725 = arith.minimumf %max3A_1722, %min3A_1721 : vector<16xf32>
        %max3A_1726 = arith.maximumf %scan3A_1625, %min3A_1723 : vector<16xf32>
        %max3A_1727 = arith.maximumf %scan3A_1626, %min3A_1725 : vector<16xf32>
        %max3A_1728 = arith.maximumf %scan3A_1627, %max3A_1724 : vector<16xf32>
        %max3A_1729 = arith.maximumf %scan3A_1628, %max3A_1720 : vector<16xf32>
        %max3A_1730 = arith.maximumf %max3A_1726, %max3A_1728 : vector<16xf32>
        %min3A_1731 = arith.minimumf %max3A_1726, %max3A_1728 : vector<16xf32>
        %max3A_1732 = arith.maximumf %max3A_1727, %max3A_1729 : vector<16xf32>
        %min3A_1733 = arith.minimumf %max3A_1727, %max3A_1729 : vector<16xf32>
        %max3A_1734 = arith.maximumf %max3A_1730, %max3A_1732 : vector<16xf32>
        %min3A_1735 = arith.minimumf %max3A_1730, %max3A_1732 : vector<16xf32>
        %max3A_1736 = arith.maximumf %min3A_1731, %min3A_1733 : vector<16xf32>
        %min3A_1737 = arith.minimumf %min3A_1731, %min3A_1733 : vector<16xf32>
        %min3A_1738 = arith.minimumf %scan3A_1629, %max3A_1720 : vector<16xf32>
        %min3A_1739 = arith.minimumf %scan3A_1630, %max3A_1724 : vector<16xf32>
        %min3A_1740 = arith.minimumf %scan3A_1631, %min3A_1725 : vector<16xf32>
        %min3A_1741 = arith.minimumf %scan3A_1632, %min3A_1723 : vector<16xf32>
        %min3A_1742 = arith.minimumf %min3A_1738, %min3A_1740 : vector<16xf32>
        %max3A_1743 = arith.maximumf %min3A_1738, %min3A_1740 : vector<16xf32>
        %min3A_1744 = arith.minimumf %min3A_1739, %min3A_1741 : vector<16xf32>
        %max3A_1745 = arith.maximumf %min3A_1739, %min3A_1741 : vector<16xf32>
        %min3A_1746 = arith.minimumf %min3A_1742, %min3A_1744 : vector<16xf32>
        %max3A_1747 = arith.maximumf %min3A_1742, %min3A_1744 : vector<16xf32>
        %min3A_1748 = arith.minimumf %max3A_1743, %max3A_1745 : vector<16xf32>
        %max3A_1749 = arith.maximumf %max3A_1743, %max3A_1745 : vector<16xf32>
        scf.yield %max3A_1676, %min3A_1677, %max3A_1678, %min3A_1679, %min3A_1688, %max3A_1689, %min3A_1690, %max3A_1691, %max3A_1734, %min3A_1735, %max3A_1736, %min3A_1737, %min3A_1746, %max3A_1747, %min3A_1748, %max3A_1749 : vector<16xf32>, vector<16xf32>, vector<16xf32>, vector<16xf32>, vector<16xf32>, vector<16xf32>, vector<16xf32>, vector<16xf32>, vector<16xf32>, vector<16xf32>, vector<16xf32>, vector<16xf32>, vector<16xf32>, vector<16xf32>, vector<16xf32>, vector<16xf32>
      }
      %scan3A_241 = arith.constant 16 : i32
      %masked_sort3A_242 = arith.constant dense<true> : vector<16xi1>
      %masked_sort3A_243, %masked_sort3A_244, %masked_sort3A_245 = tpu.sort %scan3A_240#0, %scan3A_240#0 masked %masked_sort3A_242 {descending = true} : (vector<16xf32>, vector<16xf32>, vector<16xi1>) -> (vector<16xi1>, vector<16xf32>, vector<16xf32>)
      %masked_sort3A_246 = arith.constant dense<true> : vector<16xi1>
      %masked_sort3A_247, %masked_sort3A_248, %masked_sort3A_249 = tpu.sort %scan3A_240#1, %scan3A_240#1 masked %masked_sort3A_246 : (vector<16xf32>, vector<16xf32>, vector<16xi1>) -> (vector<16xi1>, vector<16xf32>, vector<16xf32>)
      %max3A_250 = arith.maximumf %masked_sort3A_244, %masked_sort3A_248 : vector<16xf32>
      %masked_sort3A_251 = arith.constant dense<true> : vector<16xi1>
      %masked_sort3A_252, %masked_sort3A_253, %masked_sort3A_254 = tpu.sort %scan3A_240#2, %scan3A_240#2 masked %masked_sort3A_251 {descending = true} : (vector<16xf32>, vector<16xf32>, vector<16xi1>) -> (vector<16xi1>, vector<16xf32>, vector<16xf32>)
      %masked_sort3A_255 = arith.constant dense<true> : vector<16xi1>
      %masked_sort3A_256, %masked_sort3A_257, %masked_sort3A_258 = tpu.sort %scan3A_240#3, %scan3A_240#3 masked %masked_sort3A_255 : (vector<16xf32>, vector<16xf32>, vector<16xi1>) -> (vector<16xi1>, vector<16xf32>, vector<16xf32>)
      %max3A_259 = arith.maximumf %masked_sort3A_253, %masked_sort3A_257 : vector<16xf32>
      %masked_sort3A_260 = arith.constant dense<true> : vector<16xi1>
      %masked_sort3A_261, %masked_sort3A_262, %masked_sort3A_263 = tpu.sort %max3A_250, %max3A_250 masked %masked_sort3A_260 {descending = true} : (vector<16xf32>, vector<16xf32>, vector<16xi1>) -> (vector<16xi1>, vector<16xf32>, vector<16xf32>)
      %masked_sort3A_264 = arith.constant dense<true> : vector<16xi1>
      %masked_sort3A_265, %masked_sort3A_266, %masked_sort3A_267 = tpu.sort %max3A_259, %max3A_259 masked %masked_sort3A_264 : (vector<16xf32>, vector<16xf32>, vector<16xi1>) -> (vector<16xi1>, vector<16xf32>, vector<16xf32>)
      %max3A_268 = arith.maximumf %masked_sort3A_262, %masked_sort3A_266 : vector<16xf32>
      %masked_sort3A_269 = arith.constant dense<true> : vector<16xi1>
      %masked_sort3A_270, %masked_sort3A_271, %masked_sort3A_272 = tpu.sort %max3A_268, %max3A_268 masked %masked_sort3A_269 {descending = true} : (vector<16xf32>, vector<16xf32>, vector<16xi1>) -> (vector<16xi1>, vector<16xf32>, vector<16xf32>)
      %lt3A_273 = arith.constant 4 : i32
      %lt3A_274 = vector.broadcast %lt3A_273 : i32 to vector<16xi32>
      %lt3A_275 = arith.cmpi slt, %iota3A, %lt3A_274 : vector<16xi32>
      %jit3A_276 = arith.constant 0.000000e+00 : f32
      %broadcast_in_dim3A_277 = vector.broadcast %jit3A_276 : f32 to vector<16xf32>
      %select_n3A_278 = arith.select %lt3A_275, %masked_sort3A_271, %broadcast_in_dim3A_277 : vector<16xi1>, vector<16xf32>
      %reduce_sum3A_279 = arith.constant true
      %reduce_sum3A_280 = vector.broadcast %reduce_sum3A_279 : i1 to vector<16xi1>
      %reduce_sum3A_281 = tpu.scan <sum>, %select_n3A_278 masked %reduce_sum3A_280 : vector<16xf32>, vector<16xi1> -> vector<16xf32>
      %reduce_sum3A_282 = vector.extract %reduce_sum3A_281[15] : f32 from vector<16xf32>
      %masked_sort3A_283 = arith.constant dense<true> : vector<16xi1>
      %masked_sort3A_284, %masked_sort3A_285, %masked_sort3A_286 = tpu.sort %scan3A_240#4, %scan3A_240#4 masked %masked_sort3A_283 : (vector<16xf32>, vector<16xf32>, vector<16xi1>) -> (vector<16xi1>, vector<16xf32>, vector<16xf32>)
      %masked_sort3A_287 = arith.constant dense<true> : vector<16xi1>
      %masked_sort3A_288, %masked_sort3A_289, %masked_sort3A_290 = tpu.sort %scan3A_240#5, %scan3A_240#5 masked %masked_sort3A_287 {descending = true} : (vector<16xf32>, vector<16xf32>, vector<16xi1>) -> (vector<16xi1>, vector<16xf32>, vector<16xf32>)
      %min3A_291 = arith.minimumf %masked_sort3A_285, %masked_sort3A_289 : vector<16xf32>
      %masked_sort3A_292 = arith.constant dense<true> : vector<16xi1>
      %masked_sort3A_293, %masked_sort3A_294, %masked_sort3A_295 = tpu.sort %scan3A_240#6, %scan3A_240#6 masked %masked_sort3A_292 : (vector<16xf32>, vector<16xf32>, vector<16xi1>) -> (vector<16xi1>, vector<16xf32>, vector<16xf32>)
      %masked_sort3A_296 = arith.constant dense<true> : vector<16xi1>
      %masked_sort3A_297, %masked_sort3A_298, %masked_sort3A_299 = tpu.sort %scan3A_240#7, %scan3A_240#7 masked %masked_sort3A_296 {descending = true} : (vector<16xf32>, vector<16xf32>, vector<16xi1>) -> (vector<16xi1>, vector<16xf32>, vector<16xf32>)
      %min3A_300 = arith.minimumf %masked_sort3A_294, %masked_sort3A_298 : vector<16xf32>
      %masked_sort3A_301 = arith.constant dense<true> : vector<16xi1>
      %masked_sort3A_302, %masked_sort3A_303, %masked_sort3A_304 = tpu.sort %min3A_291, %min3A_291 masked %masked_sort3A_301 : (vector<16xf32>, vector<16xf32>, vector<16xi1>) -> (vector<16xi1>, vector<16xf32>, vector<16xf32>)
      %masked_sort3A_305 = arith.constant dense<true> : vector<16xi1>
      %masked_sort3A_306, %masked_sort3A_307, %masked_sort3A_308 = tpu.sort %min3A_300, %min3A_300 masked %masked_sort3A_305 {descending = true} : (vector<16xf32>, vector<16xf32>, vector<16xi1>) -> (vector<16xi1>, vector<16xf32>, vector<16xf32>)
      %min3A_309 = arith.minimumf %masked_sort3A_303, %masked_sort3A_307 : vector<16xf32>
      %masked_sort3A_310 = arith.constant dense<true> : vector<16xi1>
      %masked_sort3A_311, %masked_sort3A_312, %masked_sort3A_313 = tpu.sort %min3A_309, %min3A_309 masked %masked_sort3A_310 : (vector<16xf32>, vector<16xf32>, vector<16xi1>) -> (vector<16xi1>, vector<16xf32>, vector<16xf32>)
      %lt3A_314 = arith.constant 4 : i32
      %lt3A_315 = vector.broadcast %lt3A_314 : i32 to vector<16xi32>
      %lt3A_316 = arith.cmpi slt, %iota3A, %lt3A_315 : vector<16xi32>
      %jit3A_317 = arith.constant 0.000000e+00 : f32
      %broadcast_in_dim3A_318 = vector.broadcast %jit3A_317 : f32 to vector<16xf32>
      %select_n3A_319 = arith.select %lt3A_316, %masked_sort3A_312, %broadcast_in_dim3A_318 : vector<16xi1>, vector<16xf32>
      %reduce_sum3A_320 = arith.constant true
      %reduce_sum3A_321 = vector.broadcast %reduce_sum3A_320 : i1 to vector<16xi1>
      %reduce_sum3A_322 = tpu.scan <sum>, %select_n3A_319 masked %reduce_sum3A_321 : vector<16xf32>, vector<16xi1> -> vector<16xf32>
      %reduce_sum3A_323 = vector.extract %reduce_sum3A_322[15] : f32 from vector<16xf32>
      %add3A_324 = arith.addf %reduce_sum3A_282, %reduce_sum3A_323 : f32
      %mul3A_325 = arith.constant 2.500000e-01 : f32
      %mul3A_326 = arith.mulf %add3A_324, %mul3A_325 : f32
      %masked_sort3A_327 = arith.constant dense<true> : vector<16xi1>
      %masked_sort3A_328, %masked_sort3A_329, %masked_sort3A_330 = tpu.sort %scan3A_240#8, %scan3A_240#8 masked %masked_sort3A_327 {descending = true} : (vector<16xf32>, vector<16xf32>, vector<16xi1>) -> (vector<16xi1>, vector<16xf32>, vector<16xf32>)
      %masked_sort3A_331 = arith.constant dense<true> : vector<16xi1>
      %masked_sort3A_332, %masked_sort3A_333, %masked_sort3A_334 = tpu.sort %scan3A_240#9, %scan3A_240#9 masked %masked_sort3A_331 : (vector<16xf32>, vector<16xf32>, vector<16xi1>) -> (vector<16xi1>, vector<16xf32>, vector<16xf32>)
      %max3A_335 = arith.maximumf %masked_sort3A_329, %masked_sort3A_333 : vector<16xf32>
      %masked_sort3A_336 = arith.constant dense<true> : vector<16xi1>
      %masked_sort3A_337, %masked_sort3A_338, %masked_sort3A_339 = tpu.sort %scan3A_240#10, %scan3A_240#10 masked %masked_sort3A_336 {descending = true} : (vector<16xf32>, vector<16xf32>, vector<16xi1>) -> (vector<16xi1>, vector<16xf32>, vector<16xf32>)
      %masked_sort3A_340 = arith.constant dense<true> : vector<16xi1>
      %masked_sort3A_341, %masked_sort3A_342, %masked_sort3A_343 = tpu.sort %scan3A_240#11, %scan3A_240#11 masked %masked_sort3A_340 : (vector<16xf32>, vector<16xf32>, vector<16xi1>) -> (vector<16xi1>, vector<16xf32>, vector<16xf32>)
      %max3A_344 = arith.maximumf %masked_sort3A_338, %masked_sort3A_342 : vector<16xf32>
      %masked_sort3A_345 = arith.constant dense<true> : vector<16xi1>
      %masked_sort3A_346, %masked_sort3A_347, %masked_sort3A_348 = tpu.sort %max3A_335, %max3A_335 masked %masked_sort3A_345 {descending = true} : (vector<16xf32>, vector<16xf32>, vector<16xi1>) -> (vector<16xi1>, vector<16xf32>, vector<16xf32>)
      %masked_sort3A_349 = arith.constant dense<true> : vector<16xi1>
      %masked_sort3A_350, %masked_sort3A_351, %masked_sort3A_352 = tpu.sort %max3A_344, %max3A_344 masked %masked_sort3A_349 : (vector<16xf32>, vector<16xf32>, vector<16xi1>) -> (vector<16xi1>, vector<16xf32>, vector<16xf32>)
      %max3A_353 = arith.maximumf %masked_sort3A_347, %masked_sort3A_351 : vector<16xf32>
      %masked_sort3A_354 = arith.constant dense<true> : vector<16xi1>
      %masked_sort3A_355, %masked_sort3A_356, %masked_sort3A_357 = tpu.sort %max3A_353, %max3A_353 masked %masked_sort3A_354 {descending = true} : (vector<16xf32>, vector<16xf32>, vector<16xi1>) -> (vector<16xi1>, vector<16xf32>, vector<16xf32>)
      %lt3A_358 = arith.constant 4 : i32
      %lt3A_359 = vector.broadcast %lt3A_358 : i32 to vector<16xi32>
      %lt3A_360 = arith.cmpi slt, %iota3A, %lt3A_359 : vector<16xi32>
      %jit3A_361 = arith.constant 0.000000e+00 : f32
      %broadcast_in_dim3A_362 = vector.broadcast %jit3A_361 : f32 to vector<16xf32>
      %select_n3A_363 = arith.select %lt3A_360, %masked_sort3A_356, %broadcast_in_dim3A_362 : vector<16xi1>, vector<16xf32>
      %reduce_sum3A_364 = arith.constant true
      %reduce_sum3A_365 = vector.broadcast %reduce_sum3A_364 : i1 to vector<16xi1>
      %reduce_sum3A_366 = tpu.scan <sum>, %select_n3A_363 masked %reduce_sum3A_365 : vector<16xf32>, vector<16xi1> -> vector<16xf32>
      %reduce_sum3A_367 = vector.extract %reduce_sum3A_366[15] : f32 from vector<16xf32>
      %masked_sort3A_368 = arith.constant dense<true> : vector<16xi1>
      %masked_sort3A_369, %masked_sort3A_370, %masked_sort3A_371 = tpu.sort %scan3A_240#12, %scan3A_240#12 masked %masked_sort3A_368 : (vector<16xf32>, vector<16xf32>, vector<16xi1>) -> (vector<16xi1>, vector<16xf32>, vector<16xf32>)
      %masked_sort3A_372 = arith.constant dense<true> : vector<16xi1>
      %masked_sort3A_373, %masked_sort3A_374, %masked_sort3A_375 = tpu.sort %scan3A_240#13, %scan3A_240#13 masked %masked_sort3A_372 {descending = true} : (vector<16xf32>, vector<16xf32>, vector<16xi1>) -> (vector<16xi1>, vector<16xf32>, vector<16xf32>)
      %min3A_376 = arith.minimumf %masked_sort3A_370, %masked_sort3A_374 : vector<16xf32>
      %masked_sort3A_377 = arith.constant dense<true> : vector<16xi1>
      %masked_sort3A_378, %masked_sort3A_379, %masked_sort3A_380 = tpu.sort %scan3A_240#14, %scan3A_240#14 masked %masked_sort3A_377 : (vector<16xf32>, vector<16xf32>, vector<16xi1>) -> (vector<16xi1>, vector<16xf32>, vector<16xf32>)
      %masked_sort3A_381 = arith.constant dense<true> : vector<16xi1>
      %masked_sort3A_382, %masked_sort3A_383, %masked_sort3A_384 = tpu.sort %scan3A_240#15, %scan3A_240#15 masked %masked_sort3A_381 {descending = true} : (vector<16xf32>, vector<16xf32>, vector<16xi1>) -> (vector<16xi1>, vector<16xf32>, vector<16xf32>)
      %min3A_385 = arith.minimumf %masked_sort3A_379, %masked_sort3A_383 : vector<16xf32>
      %masked_sort3A_386 = arith.constant dense<true> : vector<16xi1>
      %masked_sort3A_387, %masked_sort3A_388, %masked_sort3A_389 = tpu.sort %min3A_376, %min3A_376 masked %masked_sort3A_386 : (vector<16xf32>, vector<16xf32>, vector<16xi1>) -> (vector<16xi1>, vector<16xf32>, vector<16xf32>)
      %masked_sort3A_390 = arith.constant dense<true> : vector<16xi1>
      %masked_sort3A_391, %masked_sort3A_392, %masked_sort3A_393 = tpu.sort %min3A_385, %min3A_385 masked %masked_sort3A_390 {descending = true} : (vector<16xf32>, vector<16xf32>, vector<16xi1>) -> (vector<16xi1>, vector<16xf32>, vector<16xf32>)
      %min3A_394 = arith.minimumf %masked_sort3A_388, %masked_sort3A_392 : vector<16xf32>
      %masked_sort3A_395 = arith.constant dense<true> : vector<16xi1>
      %masked_sort3A_396, %masked_sort3A_397, %masked_sort3A_398 = tpu.sort %min3A_394, %min3A_394 masked %masked_sort3A_395 : (vector<16xf32>, vector<16xf32>, vector<16xi1>) -> (vector<16xi1>, vector<16xf32>, vector<16xf32>)
      %lt3A_399 = arith.constant 4 : i32
      %lt3A_400 = vector.broadcast %lt3A_399 : i32 to vector<16xi32>
      %lt3A_401 = arith.cmpi slt, %iota3A, %lt3A_400 : vector<16xi32>
      %jit3A_402 = arith.constant 0.000000e+00 : f32
      %broadcast_in_dim3A_403 = vector.broadcast %jit3A_402 : f32 to vector<16xf32>
      %select_n3A_404 = arith.select %lt3A_401, %masked_sort3A_397, %broadcast_in_dim3A_403 : vector<16xi1>, vector<16xf32>
      %reduce_sum3A_405 = arith.constant true
      %reduce_sum3A_406 = vector.broadcast %reduce_sum3A_405 : i1 to vector<16xi1>
      %reduce_sum3A_407 = tpu.scan <sum>, %select_n3A_404 masked %reduce_sum3A_406 : vector<16xf32>, vector<16xi1> -> vector<16xf32>
      %reduce_sum3A_408 = vector.extract %reduce_sum3A_407[15] : f32 from vector<16xf32>
      %add3A_409 = arith.addf %reduce_sum3A_367, %reduce_sum3A_408 : f32
      %mul3A_410 = arith.constant 2.500000e-01 : f32
      %mul3A_411 = arith.mulf %add3A_409, %mul3A_410 : f32
      %add3A_412 = arith.constant 2 : i32
      %add3A_413 = arith.addi %mul3A_45, %add3A_412 : i32
      %eq3A_414 = vector.broadcast %add3A_413 : i32 to vector<16xi32>
      %eq3A_415 = arith.cmpi eq, %iota3A, %eq3A_414 : vector<16xi32>
      %broadcast_in_dim3A_416 = vector.broadcast %mul3A_326 : f32 to vector<16xf32>
      %select_n3A_417 = arith.select %eq3A_415, %broadcast_in_dim3A_416, %select_n3A_231 : vector<16xi1>, vector<16xf32>
      %add3A_418 = arith.constant 2 : i32
      %add3A_419 = arith.addi %mul3A_45, %add3A_418 : i32
      %add3A_420 = arith.constant 1 : i32
      %add3A_421 = arith.addi %add3A_419, %add3A_420 : i32
      %eq3A_422 = vector.broadcast %add3A_421 : i32 to vector<16xi32>
      %eq3A_423 = arith.cmpi eq, %iota3A, %eq3A_422 : vector<16xi32>
      %broadcast_in_dim3A_424 = vector.broadcast %mul3A_411 : f32 to vector<16xf32>
      %select_n3A_425 = arith.select %eq3A_423, %broadcast_in_dim3A_424, %select_n3A_417 : vector<16xi1>, vector<16xf32>
      %broadcast_in_dim3A_426 = arith.constant 0xFF800000 : f32
      %broadcast_in_dim3A_427 = vector.broadcast %broadcast_in_dim3A_426 : f32 to vector<16xf32>
      %broadcast_in_dim3A_428 = arith.constant 0x7F800000 : f32
      %broadcast_in_dim3A_429 = vector.broadcast %broadcast_in_dim3A_428 : f32 to vector<16xf32>
      %scan3A_430 = arith.constant 0 : i32
      %scan3A_431 = arith.constant 16 : i32
      %scan3A_432 = arith.addi %scan3A_430, %scan3A_431 : i32
      %scan3A_433 = arith.constant 1 : i32
      %scan3A_434:16 = scf.for %scan3A_1616 = %scan3A_430 to %scan3A_432 step %scan3A_433 iter_args(%scan3A_1617 = %broadcast_in_dim3A_427, %scan3A_1618 = %broadcast_in_dim3A_427, %scan3A_1619 = %broadcast_in_dim3A_427, %scan3A_1620 = %broadcast_in_dim3A_427, %scan3A_1621 = %broadcast_in_dim3A_429, %scan3A_1622 = %broadcast_in_dim3A_429, %scan3A_1623 = %broadcast_in_dim3A_429, %scan3A_1624 = %broadcast_in_dim3A_429, %scan3A_1625 = %broadcast_in_dim3A_427, %scan3A_1626 = %broadcast_in_dim3A_427, %scan3A_1627 = %broadcast_in_dim3A_427, %scan3A_1628 = %broadcast_in_dim3A_427, %scan3A_1629 = %broadcast_in_dim3A_429, %scan3A_1630 = %broadcast_in_dim3A_429, %scan3A_1631 = %broadcast_in_dim3A_429, %scan3A_1632 = %broadcast_in_dim3A_429) -> (vector<16xf32>, vector<16xf32>, vector<16xf32>, vector<16xf32>, vector<16xf32>, vector<16xf32>, vector<16xf32>, vector<16xf32>, vector<16xf32>, vector<16xf32>, vector<16xf32>, vector<16xf32>, vector<16xf32>, vector<16xf32>, vector<16xf32>, vector<16xf32>)  : i32 {
        %mul3A_1633 = arith.constant 2 : i32
        %mul3A_1634 = arith.muli %scan3A_1616, %mul3A_1633 : i32
        %get3A = arith.constant 4 : i32
        %get3A_1635 = arith.index_cast %get3A : i32 to index
        %get3A_1636 = arith.index_cast %mul3A_1634 : i32 to index
        %get3A_1637 = arith.constant 0 : index
        %get3A_1638 = tpu.vector_load %arg4[%get3A_1635, %get3A_1636, %get3A_1637] {strides = array<i32>} : memref<8x32x32xf32, #tpu.memory_space<vmem>>, vector<16xf32>,
        %get3A_1639 = arith.constant 4 : i32
        %get3A_1640 = arith.index_cast %get3A_1639 : i32 to index
        %get3A_1641 = arith.index_cast %mul3A_1634 : i32 to index
        %get3A_1642 = arith.constant 16 : index
        %get3A_1643 = tpu.vector_load %arg4[%get3A_1640, %get3A_1641, %get3A_1642] {strides = array<i32>} : memref<8x32x32xf32, #tpu.memory_space<vmem>>, vector<16xf32>,
        %add3A_1644 = arith.constant 1 : i32
        %add3A_1645 = arith.addi %mul3A_1634, %add3A_1644 : i32
        %get3A_1646 = arith.constant 4 : i32
        %get3A_1647 = arith.index_cast %get3A_1646 : i32 to index
        %get3A_1648 = arith.index_cast %add3A_1645 : i32 to index
        %get3A_1649 = arith.constant 0 : index
        %get3A_1650 = tpu.vector_load %arg4[%get3A_1647, %get3A_1648, %get3A_1649] {strides = array<i32>} : memref<8x32x32xf32, #tpu.memory_space<vmem>>, vector<16xf32>,
        %add3A_1651 = arith.constant 1 : i32
        %add3A_1652 = arith.addi %mul3A_1634, %add3A_1651 : i32
        %get3A_1653 = arith.constant 4 : i32
        %get3A_1654 = arith.index_cast %get3A_1653 : i32 to index
        %get3A_1655 = arith.index_cast %add3A_1652 : i32 to index
        %get3A_1656 = arith.constant 16 : index
        %get3A_1657 = tpu.vector_load %arg4[%get3A_1654, %get3A_1655, %get3A_1656] {strides = array<i32>} : memref<8x32x32xf32, #tpu.memory_space<vmem>>, vector<16xf32>,
        %max3A_1658 = arith.maximumf %get3A_1638, %get3A_1643 : vector<16xf32>
        %min3A_1659 = arith.minimumf %get3A_1638, %get3A_1643 : vector<16xf32>
        %max3A_1660 = arith.maximumf %get3A_1650, %get3A_1657 : vector<16xf32>
        %min3A_1661 = arith.minimumf %get3A_1650, %get3A_1657 : vector<16xf32>
        %max3A_1662 = arith.maximumf %max3A_1658, %max3A_1660 : vector<16xf32>
        %min3A_1663 = arith.minimumf %max3A_1658, %max3A_1660 : vector<16xf32>
        %max3A_1664 = arith.maximumf %min3A_1659, %min3A_1661 : vector<16xf32>
        %min3A_1665 = arith.minimumf %min3A_1659, %min3A_1661 : vector<16xf32>
        %max3A_1666 = arith.maximumf %max3A_1664, %min3A_1663 : vector<16xf32>
        %min3A_1667 = arith.minimumf %max3A_1664, %min3A_1663 : vector<16xf32>
        %max3A_1668 = arith.maximumf %scan3A_1617, %min3A_1665 : vector<16xf32>
        %max3A_1669 = arith.maximumf %scan3A_1618, %min3A_1667 : vector<16xf32>
        %max3A_1670 = arith.maximumf %scan3A_1619, %max3A_1666 : vector<16xf32>
        %max3A_1671 = arith.maximumf %scan3A_1620, %max3A_1662 : vector<16xf32>
        %max3A_1672 = arith.maximumf %max3A_1668, %max3A_1670 : vector<16xf32>
        %min3A_1673 = arith.minimumf %max3A_1668, %max3A_1670 : vector<16xf32>
        %max3A_1674 = arith.maximumf %max3A_1669, %max3A_1671 : vector<16xf32>
        %min3A_1675 = arith.minimumf %max3A_1669, %max3A_1671 : vector<16xf32>
        %max3A_1676 = arith.maximumf %max3A_1672, %max3A_1674 : vector<16xf32>
        %min3A_1677 = arith.minimumf %max3A_1672, %max3A_1674 : vector<16xf32>
        %max3A_1678 = arith.maximumf %min3A_1673, %min3A_1675 : vector<16xf32>
        %min3A_1679 = arith.minimumf %min3A_1673, %min3A_1675 : vector<16xf32>
        %min3A_1680 = arith.minimumf %scan3A_1621, %max3A_1662 : vector<16xf32>
        %min3A_1681 = arith.minimumf %scan3A_1622, %max3A_1666 : vector<16xf32>
        %min3A_1682 = arith.minimumf %scan3A_1623, %min3A_1667 : vector<16xf32>
        %min3A_1683 = arith.minimumf %scan3A_1624, %min3A_1665 : vector<16xf32>
        %min3A_1684 = arith.minimumf %min3A_1680, %min3A_1682 : vector<16xf32>
        %max3A_1685 = arith.maximumf %min3A_1680, %min3A_1682 : vector<16xf32>
        %min3A_1686 = arith.minimumf %min3A_1681, %min3A_1683 : vector<16xf32>
        %max3A_1687 = arith.maximumf %min3A_1681, %min3A_1683 : vector<16xf32>
        %min3A_1688 = arith.minimumf %min3A_1684, %min3A_1686 : vector<16xf32>
        %max3A_1689 = arith.maximumf %min3A_1684, %min3A_1686 : vector<16xf32>
        %min3A_1690 = arith.minimumf %max3A_1685, %max3A_1687 : vector<16xf32>
        %max3A_1691 = arith.maximumf %max3A_1685, %max3A_1687 : vector<16xf32>
        %get3A_1692 = arith.constant 5 : i32
        %get3A_1693 = arith.index_cast %get3A_1692 : i32 to index
        %get3A_1694 = arith.index_cast %mul3A_1634 : i32 to index
        %get3A_1695 = arith.constant 0 : index
        %get3A_1696 = tpu.vector_load %arg4[%get3A_1693, %get3A_1694, %get3A_1695] {strides = array<i32>} : memref<8x32x32xf32, #tpu.memory_space<vmem>>, vector<16xf32>,
        %get3A_1697 = arith.constant 5 : i32
        %get3A_1698 = arith.index_cast %get3A_1697 : i32 to index
        %get3A_1699 = arith.index_cast %mul3A_1634 : i32 to index
        %get3A_1700 = arith.constant 16 : index
        %get3A_1701 = tpu.vector_load %arg4[%get3A_1698, %get3A_1699, %get3A_1700] {strides = array<i32>} : memref<8x32x32xf32, #tpu.memory_space<vmem>>, vector<16xf32>,
        %add3A_1702 = arith.constant 1 : i32
        %add3A_1703 = arith.addi %mul3A_1634, %add3A_1702 : i32
        %get3A_1704 = arith.constant 5 : i32
        %get3A_1705 = arith.index_cast %get3A_1704 : i32 to index
        %get3A_1706 = arith.index_cast %add3A_1703 : i32 to index
        %get3A_1707 = arith.constant 0 : index
        %get3A_1708 = tpu.vector_load %arg4[%get3A_1705, %get3A_1706, %get3A_1707] {strides = array<i32>} : memref<8x32x32xf32, #tpu.memory_space<vmem>>, vector<16xf32>,
        %add3A_1709 = arith.constant 1 : i32
        %add3A_1710 = arith.addi %mul3A_1634, %add3A_1709 : i32
        %get3A_1711 = arith.constant 5 : i32
        %get3A_1712 = arith.index_cast %get3A_1711 : i32 to index
        %get3A_1713 = arith.index_cast %add3A_1710 : i32 to index
        %get3A_1714 = arith.constant 16 : index
        %get3A_1715 = tpu.vector_load %arg4[%get3A_1712, %get3A_1713, %get3A_1714] {strides = array<i32>} : memref<8x32x32xf32, #tpu.memory_space<vmem>>, vector<16xf32>,
        %max3A_1716 = arith.maximumf %get3A_1696, %get3A_1701 : vector<16xf32>
        %min3A_1717 = arith.minimumf %get3A_1696, %get3A_1701 : vector<16xf32>
        %max3A_1718 = arith.maximumf %get3A_1708, %get3A_1715 : vector<16xf32>
        %min3A_1719 = arith.minimumf %get3A_1708, %get3A_1715 : vector<16xf32>
        %max3A_1720 = arith.maximumf %max3A_1716, %max3A_1718 : vector<16xf32>
        %min3A_1721 = arith.minimumf %max3A_1716, %max3A_1718 : vector<16xf32>
        %max3A_1722 = arith.maximumf %min3A_1717, %min3A_1719 : vector<16xf32>
        %min3A_1723 = arith.minimumf %min3A_1717, %min3A_1719 : vector<16xf32>
        %max3A_1724 = arith.maximumf %max3A_1722, %min3A_1721 : vector<16xf32>
        %min3A_1725 = arith.minimumf %max3A_1722, %min3A_1721 : vector<16xf32>
        %max3A_1726 = arith.maximumf %scan3A_1625, %min3A_1723 : vector<16xf32>
        %max3A_1727 = arith.maximumf %scan3A_1626, %min3A_1725 : vector<16xf32>
        %max3A_1728 = arith.maximumf %scan3A_1627, %max3A_1724 : vector<16xf32>
        %max3A_1729 = arith.maximumf %scan3A_1628, %max3A_1720 : vector<16xf32>
        %max3A_1730 = arith.maximumf %max3A_1726, %max3A_1728 : vector<16xf32>
        %min3A_1731 = arith.minimumf %max3A_1726, %max3A_1728 : vector<16xf32>
        %max3A_1732 = arith.maximumf %max3A_1727, %max3A_1729 : vector<16xf32>
        %min3A_1733 = arith.minimumf %max3A_1727, %max3A_1729 : vector<16xf32>
        %max3A_1734 = arith.maximumf %max3A_1730, %max3A_1732 : vector<16xf32>
        %min3A_1735 = arith.minimumf %max3A_1730, %max3A_1732 : vector<16xf32>
        %max3A_1736 = arith.maximumf %min3A_1731, %min3A_1733 : vector<16xf32>
        %min3A_1737 = arith.minimumf %min3A_1731, %min3A_1733 : vector<16xf32>
        %min3A_1738 = arith.minimumf %scan3A_1629, %max3A_1720 : vector<16xf32>
        %min3A_1739 = arith.minimumf %scan3A_1630, %max3A_1724 : vector<16xf32>
        %min3A_1740 = arith.minimumf %scan3A_1631, %min3A_1725 : vector<16xf32>
        %min3A_1741 = arith.minimumf %scan3A_1632, %min3A_1723 : vector<16xf32>
        %min3A_1742 = arith.minimumf %min3A_1738, %min3A_1740 : vector<16xf32>
        %max3A_1743 = arith.maximumf %min3A_1738, %min3A_1740 : vector<16xf32>
        %min3A_1744 = arith.minimumf %min3A_1739, %min3A_1741 : vector<16xf32>
        %max3A_1745 = arith.maximumf %min3A_1739, %min3A_1741 : vector<16xf32>
        %min3A_1746 = arith.minimumf %min3A_1742, %min3A_1744 : vector<16xf32>
        %max3A_1747 = arith.maximumf %min3A_1742, %min3A_1744 : vector<16xf32>
        %min3A_1748 = arith.minimumf %max3A_1743, %max3A_1745 : vector<16xf32>
        %max3A_1749 = arith.maximumf %max3A_1743, %max3A_1745 : vector<16xf32>
        scf.yield %max3A_1676, %min3A_1677, %max3A_1678, %min3A_1679, %min3A_1688, %max3A_1689, %min3A_1690, %max3A_1691, %max3A_1734, %min3A_1735, %max3A_1736, %min3A_1737, %min3A_1746, %max3A_1747, %min3A_1748, %max3A_1749 : vector<16xf32>, vector<16xf32>, vector<16xf32>, vector<16xf32>, vector<16xf32>, vector<16xf32>, vector<16xf32>, vector<16xf32>, vector<16xf32>, vector<16xf32>, vector<16xf32>, vector<16xf32>, vector<16xf32>, vector<16xf32>, vector<16xf32>, vector<16xf32>
      }
      %scan3A_435 = arith.constant 16 : i32
      %masked_sort3A_436 = arith.constant dense<true> : vector<16xi1>
      %masked_sort3A_437, %masked_sort3A_438, %masked_sort3A_439 = tpu.sort %scan3A_434#0, %scan3A_434#0 masked %masked_sort3A_436 {descending = true} : (vector<16xf32>, vector<16xf32>, vector<16xi1>) -> (vector<16xi1>, vector<16xf32>, vector<16xf32>)
      %masked_sort3A_440 = arith.constant dense<true> : vector<16xi1>
      %masked_sort3A_441, %masked_sort3A_442, %masked_sort3A_443 = tpu.sort %scan3A_434#1, %scan3A_434#1 masked %masked_sort3A_440 : (vector<16xf32>, vector<16xf32>, vector<16xi1>) -> (vector<16xi1>, vector<16xf32>, vector<16xf32>)
      %max3A_444 = arith.maximumf %masked_sort3A_438, %masked_sort3A_442 : vector<16xf32>
      %masked_sort3A_445 = arith.constant dense<true> : vector<16xi1>
      %masked_sort3A_446, %masked_sort3A_447, %masked_sort3A_448 = tpu.sort %scan3A_434#2, %scan3A_434#2 masked %masked_sort3A_445 {descending = true} : (vector<16xf32>, vector<16xf32>, vector<16xi1>) -> (vector<16xi1>, vector<16xf32>, vector<16xf32>)
      %masked_sort3A_449 = arith.constant dense<true> : vector<16xi1>
      %masked_sort3A_450, %masked_sort3A_451, %masked_sort3A_452 = tpu.sort %scan3A_434#3, %scan3A_434#3 masked %masked_sort3A_449 : (vector<16xf32>, vector<16xf32>, vector<16xi1>) -> (vector<16xi1>, vector<16xf32>, vector<16xf32>)
      %max3A_453 = arith.maximumf %masked_sort3A_447, %masked_sort3A_451 : vector<16xf32>
      %masked_sort3A_454 = arith.constant dense<true> : vector<16xi1>
      %masked_sort3A_455, %masked_sort3A_456, %masked_sort3A_457 = tpu.sort %max3A_444, %max3A_444 masked %masked_sort3A_454 {descending = true} : (vector<16xf32>, vector<16xf32>, vector<16xi1>) -> (vector<16xi1>, vector<16xf32>, vector<16xf32>)
      %masked_sort3A_458 = arith.constant dense<true> : vector<16xi1>
      %masked_sort3A_459, %masked_sort3A_460, %masked_sort3A_461 = tpu.sort %max3A_453, %max3A_453 masked %masked_sort3A_458 : (vector<16xf32>, vector<16xf32>, vector<16xi1>) -> (vector<16xi1>, vector<16xf32>, vector<16xf32>)
      %max3A_462 = arith.maximumf %masked_sort3A_456, %masked_sort3A_460 : vector<16xf32>
      %masked_sort3A_463 = arith.constant dense<true> : vector<16xi1>
      %masked_sort3A_464, %masked_sort3A_465, %masked_sort3A_466 = tpu.sort %max3A_462, %max3A_462 masked %masked_sort3A_463 {descending = true} : (vector<16xf32>, vector<16xf32>, vector<16xi1>) -> (vector<16xi1>, vector<16xf32>, vector<16xf32>)
      %lt3A_467 = arith.constant 4 : i32
      %lt3A_468 = vector.broadcast %lt3A_467 : i32 to vector<16xi32>
      %lt3A_469 = arith.cmpi slt, %iota3A, %lt3A_468 : vector<16xi32>
      %jit3A_470 = arith.constant 0.000000e+00 : f32
      %broadcast_in_dim3A_471 = vector.broadcast %jit3A_470 : f32 to vector<16xf32>
      %select_n3A_472 = arith.select %lt3A_469, %masked_sort3A_465, %broadcast_in_dim3A_471 : vector<16xi1>, vector<16xf32>
      %reduce_sum3A_473 = arith.constant true
      %reduce_sum3A_474 = vector.broadcast %reduce_sum3A_473 : i1 to vector<16xi1>
      %reduce_sum3A_475 = tpu.scan <sum>, %select_n3A_472 masked %reduce_sum3A_474 : vector<16xf32>, vector<16xi1> -> vector<16xf32>
      %reduce_sum3A_476 = vector.extract %reduce_sum3A_475[15] : f32 from vector<16xf32>
      %masked_sort3A_477 = arith.constant dense<true> : vector<16xi1>
      %masked_sort3A_478, %masked_sort3A_479, %masked_sort3A_480 = tpu.sort %scan3A_434#4, %scan3A_434#4 masked %masked_sort3A_477 : (vector<16xf32>, vector<16xf32>, vector<16xi1>) -> (vector<16xi1>, vector<16xf32>, vector<16xf32>)
      %masked_sort3A_481 = arith.constant dense<true> : vector<16xi1>
      %masked_sort3A_482, %masked_sort3A_483, %masked_sort3A_484 = tpu.sort %scan3A_434#5, %scan3A_434#5 masked %masked_sort3A_481 {descending = true} : (vector<16xf32>, vector<16xf32>, vector<16xi1>) -> (vector<16xi1>, vector<16xf32>, vector<16xf32>)
      %min3A_485 = arith.minimumf %masked_sort3A_479, %masked_sort3A_483 : vector<16xf32>
      %masked_sort3A_486 = arith.constant dense<true> : vector<16xi1>
      %masked_sort3A_487, %masked_sort3A_488, %masked_sort3A_489 = tpu.sort %scan3A_434#6, %scan3A_434#6 masked %masked_sort3A_486 : (vector<16xf32>, vector<16xf32>, vector<16xi1>) -> (vector<16xi1>, vector<16xf32>, vector<16xf32>)
      %masked_sort3A_490 = arith.constant dense<true> : vector<16xi1>
      %masked_sort3A_491, %masked_sort3A_492, %masked_sort3A_493 = tpu.sort %scan3A_434#7, %scan3A_434#7 masked %masked_sort3A_490 {descending = true} : (vector<16xf32>, vector<16xf32>, vector<16xi1>) -> (vector<16xi1>, vector<16xf32>, vector<16xf32>)
      %min3A_494 = arith.minimumf %masked_sort3A_488, %masked_sort3A_492 : vector<16xf32>
      %masked_sort3A_495 = arith.constant dense<true> : vector<16xi1>
      %masked_sort3A_496, %masked_sort3A_497, %masked_sort3A_498 = tpu.sort %min3A_485, %min3A_485 masked %masked_sort3A_495 : (vector<16xf32>, vector<16xf32>, vector<16xi1>) -> (vector<16xi1>, vector<16xf32>, vector<16xf32>)
      %masked_sort3A_499 = arith.constant dense<true> : vector<16xi1>
      %masked_sort3A_500, %masked_sort3A_501, %masked_sort3A_502 = tpu.sort %min3A_494, %min3A_494 masked %masked_sort3A_499 {descending = true} : (vector<16xf32>, vector<16xf32>, vector<16xi1>) -> (vector<16xi1>, vector<16xf32>, vector<16xf32>)
      %min3A_503 = arith.minimumf %masked_sort3A_497, %masked_sort3A_501 : vector<16xf32>
      %masked_sort3A_504 = arith.constant dense<true> : vector<16xi1>
      %masked_sort3A_505, %masked_sort3A_506, %masked_sort3A_507 = tpu.sort %min3A_503, %min3A_503 masked %masked_sort3A_504 : (vector<16xf32>, vector<16xf32>, vector<16xi1>) -> (vector<16xi1>, vector<16xf32>, vector<16xf32>)
      %lt3A_508 = arith.constant 4 : i32
      %lt3A_509 = vector.broadcast %lt3A_508 : i32 to vector<16xi32>
      %lt3A_510 = arith.cmpi slt, %iota3A, %lt3A_509 : vector<16xi32>
      %jit3A_511 = arith.constant 0.000000e+00 : f32
      %broadcast_in_dim3A_512 = vector.broadcast %jit3A_511 : f32 to vector<16xf32>
      %select_n3A_513 = arith.select %lt3A_510, %masked_sort3A_506, %broadcast_in_dim3A_512 : vector<16xi1>, vector<16xf32>
      %reduce_sum3A_514 = arith.constant true
      %reduce_sum3A_515 = vector.broadcast %reduce_sum3A_514 : i1 to vector<16xi1>
      %reduce_sum3A_516 = tpu.scan <sum>, %select_n3A_513 masked %reduce_sum3A_515 : vector<16xf32>, vector<16xi1> -> vector<16xf32>
      %reduce_sum3A_517 = vector.extract %reduce_sum3A_516[15] : f32 from vector<16xf32>
      %add3A_518 = arith.addf %reduce_sum3A_476, %reduce_sum3A_517 : f32
      %mul3A_519 = arith.constant 2.500000e-01 : f32
      %mul3A_520 = arith.mulf %add3A_518, %mul3A_519 : f32
      %masked_sort3A_521 = arith.constant dense<true> : vector<16xi1>
      %masked_sort3A_522, %masked_sort3A_523, %masked_sort3A_524 = tpu.sort %scan3A_434#8, %scan3A_434#8 masked %masked_sort3A_521 {descending = true} : (vector<16xf32>, vector<16xf32>, vector<16xi1>) -> (vector<16xi1>, vector<16xf32>, vector<16xf32>)
      %masked_sort3A_525 = arith.constant dense<true> : vector<16xi1>
      %masked_sort3A_526, %masked_sort3A_527, %masked_sort3A_528 = tpu.sort %scan3A_434#9, %scan3A_434#9 masked %masked_sort3A_525 : (vector<16xf32>, vector<16xf32>, vector<16xi1>) -> (vector<16xi1>, vector<16xf32>, vector<16xf32>)
      %max3A_529 = arith.maximumf %masked_sort3A_523, %masked_sort3A_527 : vector<16xf32>
      %masked_sort3A_530 = arith.constant dense<true> : vector<16xi1>
      %masked_sort3A_531, %masked_sort3A_532, %masked_sort3A_533 = tpu.sort %scan3A_434#10, %scan3A_434#10 masked %masked_sort3A_530 {descending = true} : (vector<16xf32>, vector<16xf32>, vector<16xi1>) -> (vector<16xi1>, vector<16xf32>, vector<16xf32>)
      %masked_sort3A_534 = arith.constant dense<true> : vector<16xi1>
      %masked_sort3A_535, %masked_sort3A_536, %masked_sort3A_537 = tpu.sort %scan3A_434#11, %scan3A_434#11 masked %masked_sort3A_534 : (vector<16xf32>, vector<16xf32>, vector<16xi1>) -> (vector<16xi1>, vector<16xf32>, vector<16xf32>)
      %max3A_538 = arith.maximumf %masked_sort3A_532, %masked_sort3A_536 : vector<16xf32>
      %masked_sort3A_539 = arith.constant dense<true> : vector<16xi1>
      %masked_sort3A_540, %masked_sort3A_541, %masked_sort3A_542 = tpu.sort %max3A_529, %max3A_529 masked %masked_sort3A_539 {descending = true} : (vector<16xf32>, vector<16xf32>, vector<16xi1>) -> (vector<16xi1>, vector<16xf32>, vector<16xf32>)
      %masked_sort3A_543 = arith.constant dense<true> : vector<16xi1>
      %masked_sort3A_544, %masked_sort3A_545, %masked_sort3A_546 = tpu.sort %max3A_538, %max3A_538 masked %masked_sort3A_543 : (vector<16xf32>, vector<16xf32>, vector<16xi1>) -> (vector<16xi1>, vector<16xf32>, vector<16xf32>)
      %max3A_547 = arith.maximumf %masked_sort3A_541, %masked_sort3A_545 : vector<16xf32>
      %masked_sort3A_548 = arith.constant dense<true> : vector<16xi1>
      %masked_sort3A_549, %masked_sort3A_550, %masked_sort3A_551 = tpu.sort %max3A_547, %max3A_547 masked %masked_sort3A_548 {descending = true} : (vector<16xf32>, vector<16xf32>, vector<16xi1>) -> (vector<16xi1>, vector<16xf32>, vector<16xf32>)
      %lt3A_552 = arith.constant 4 : i32
      %lt3A_553 = vector.broadcast %lt3A_552 : i32 to vector<16xi32>
      %lt3A_554 = arith.cmpi slt, %iota3A, %lt3A_553 : vector<16xi32>
      %jit3A_555 = arith.constant 0.000000e+00 : f32
      %broadcast_in_dim3A_556 = vector.broadcast %jit3A_555 : f32 to vector<16xf32>
      %select_n3A_557 = arith.select %lt3A_554, %masked_sort3A_550, %broadcast_in_dim3A_556 : vector<16xi1>, vector<16xf32>
      %reduce_sum3A_558 = arith.constant true
      %reduce_sum3A_559 = vector.broadcast %reduce_sum3A_558 : i1 to vector<16xi1>
      %reduce_sum3A_560 = tpu.scan <sum>, %select_n3A_557 masked %reduce_sum3A_559 : vector<16xf32>, vector<16xi1> -> vector<16xf32>
      %reduce_sum3A_561 = vector.extract %reduce_sum3A_560[15] : f32 from vector<16xf32>
      %masked_sort3A_562 = arith.constant dense<true> : vector<16xi1>
      %masked_sort3A_563, %masked_sort3A_564, %masked_sort3A_565 = tpu.sort %scan3A_434#12, %scan3A_434#12 masked %masked_sort3A_562 : (vector<16xf32>, vector<16xf32>, vector<16xi1>) -> (vector<16xi1>, vector<16xf32>, vector<16xf32>)
      %masked_sort3A_566 = arith.constant dense<true> : vector<16xi1>
      %masked_sort3A_567, %masked_sort3A_568, %masked_sort3A_569 = tpu.sort %scan3A_434#13, %scan3A_434#13 masked %masked_sort3A_566 {descending = true} : (vector<16xf32>, vector<16xf32>, vector<16xi1>) -> (vector<16xi1>, vector<16xf32>, vector<16xf32>)
      %min3A_570 = arith.minimumf %masked_sort3A_564, %masked_sort3A_568 : vector<16xf32>
      %masked_sort3A_571 = arith.constant dense<true> : vector<16xi1>
      %masked_sort3A_572, %masked_sort3A_573, %masked_sort3A_574 = tpu.sort %scan3A_434#14, %scan3A_434#14 masked %masked_sort3A_571 : (vector<16xf32>, vector<16xf32>, vector<16xi1>) -> (vector<16xi1>, vector<16xf32>, vector<16xf32>)
      %masked_sort3A_575 = arith.constant dense<true> : vector<16xi1>
      %masked_sort3A_576, %masked_sort3A_577, %masked_sort3A_578 = tpu.sort %scan3A_434#15, %scan3A_434#15 masked %masked_sort3A_575 {descending = true} : (vector<16xf32>, vector<16xf32>, vector<16xi1>) -> (vector<16xi1>, vector<16xf32>, vector<16xf32>)
      %min3A_579 = arith.minimumf %masked_sort3A_573, %masked_sort3A_577 : vector<16xf32>
      %masked_sort3A_580 = arith.constant dense<true> : vector<16xi1>
      %masked_sort3A_581, %masked_sort3A_582, %masked_sort3A_583 = tpu.sort %min3A_570, %min3A_570 masked %masked_sort3A_580 : (vector<16xf32>, vector<16xf32>, vector<16xi1>) -> (vector<16xi1>, vector<16xf32>, vector<16xf32>)
      %masked_sort3A_584 = arith.constant dense<true> : vector<16xi1>
      %masked_sort3A_585, %masked_sort3A_586, %masked_sort3A_587 = tpu.sort %min3A_579, %min3A_579 masked %masked_sort3A_584 {descending = true} : (vector<16xf32>, vector<16xf32>, vector<16xi1>) -> (vector<16xi1>, vector<16xf32>, vector<16xf32>)
      %min3A_588 = arith.minimumf %masked_sort3A_582, %masked_sort3A_586 : vector<16xf32>
      %masked_sort3A_589 = arith.constant dense<true> : vector<16xi1>
      %masked_sort3A_590, %masked_sort3A_591, %masked_sort3A_592 = tpu.sort %min3A_588, %min3A_588 masked %masked_sort3A_589 : (vector<16xf32>, vector<16xf32>, vector<16xi1>) -> (vector<16xi1>, vector<16xf32>, vector<16xf32>)
      %lt3A_593 = arith.constant 4 : i32
      %lt3A_594 = vector.broadcast %lt3A_593 : i32 to vector<16xi32>
      %lt3A_595 = arith.cmpi slt, %iota3A, %lt3A_594 : vector<16xi32>
      %jit3A_596 = arith.constant 0.000000e+00 : f32
      %broadcast_in_dim3A_597 = vector.broadcast %jit3A_596 : f32 to vector<16xf32>
      %select_n3A_598 = arith.select %lt3A_595, %masked_sort3A_591, %broadcast_in_dim3A_597 : vector<16xi1>, vector<16xf32>
      %reduce_sum3A_599 = arith.constant true
      %reduce_sum3A_600 = vector.broadcast %reduce_sum3A_599 : i1 to vector<16xi1>
      %reduce_sum3A_601 = tpu.scan <sum>, %select_n3A_598 masked %reduce_sum3A_600 : vector<16xf32>, vector<16xi1> -> vector<16xf32>
      %reduce_sum3A_602 = vector.extract %reduce_sum3A_601[15] : f32 from vector<16xf32>
      %add3A_603 = arith.addf %reduce_sum3A_561, %reduce_sum3A_602 : f32
      %mul3A_604 = arith.constant 2.500000e-01 : f32
      %mul3A_605 = arith.mulf %add3A_603, %mul3A_604 : f32
      %add3A_606 = arith.constant 4 : i32
      %add3A_607 = arith.addi %mul3A_45, %add3A_606 : i32
      %eq3A_608 = vector.broadcast %add3A_607 : i32 to vector<16xi32>
      %eq3A_609 = arith.cmpi eq, %iota3A, %eq3A_608 : vector<16xi32>
      %broadcast_in_dim3A_610 = vector.broadcast %mul3A_520 : f32 to vector<16xf32>
      %select_n3A_611 = arith.select %eq3A_609, %broadcast_in_dim3A_610, %select_n3A_425 : vector<16xi1>, vector<16xf32>
      %add3A_612 = arith.constant 4 : i32
      %add3A_613 = arith.addi %mul3A_45, %add3A_612 : i32
      %add3A_614 = arith.constant 1 : i32
      %add3A_615 = arith.addi %add3A_613, %add3A_614 : i32
      %eq3A_616 = vector.broadcast %add3A_615 : i32 to vector<16xi32>
      %eq3A_617 = arith.cmpi eq, %iota3A, %eq3A_616 : vector<16xi32>
      %broadcast_in_dim3A_618 = vector.broadcast %mul3A_605 : f32 to vector<16xf32>
      %select_n3A_619 = arith.select %eq3A_617, %broadcast_in_dim3A_618, %select_n3A_611 : vector<16xi1>, vector<16xf32>
      %broadcast_in_dim3A_620 = arith.constant 0xFF800000 : f32
      %broadcast_in_dim3A_621 = vector.broadcast %broadcast_in_dim3A_620 : f32 to vector<16xf32>
      %broadcast_in_dim3A_622 = arith.constant 0x7F800000 : f32
      %broadcast_in_dim3A_623 = vector.broadcast %broadcast_in_dim3A_622 : f32 to vector<16xf32>
      %scan3A_624 = arith.constant 0 : i32
      %scan3A_625 = arith.constant 16 : i32
      %scan3A_626 = arith.addi %scan3A_624, %scan3A_625 : i32
      %scan3A_627 = arith.constant 1 : i32
      %scan3A_628:16 = scf.for %scan3A_1616 = %scan3A_624 to %scan3A_626 step %scan3A_627 iter_args(%scan3A_1617 = %broadcast_in_dim3A_621, %scan3A_1618 = %broadcast_in_dim3A_621, %scan3A_1619 = %broadcast_in_dim3A_621, %scan3A_1620 = %broadcast_in_dim3A_621, %scan3A_1621 = %broadcast_in_dim3A_623, %scan3A_1622 = %broadcast_in_dim3A_623, %scan3A_1623 = %broadcast_in_dim3A_623, %scan3A_1624 = %broadcast_in_dim3A_623, %scan3A_1625 = %broadcast_in_dim3A_621, %scan3A_1626 = %broadcast_in_dim3A_621, %scan3A_1627 = %broadcast_in_dim3A_621, %scan3A_1628 = %broadcast_in_dim3A_621, %scan3A_1629 = %broadcast_in_dim3A_623, %scan3A_1630 = %broadcast_in_dim3A_623, %scan3A_1631 = %broadcast_in_dim3A_623, %scan3A_1632 = %broadcast_in_dim3A_623) -> (vector<16xf32>, vector<16xf32>, vector<16xf32>, vector<16xf32>, vector<16xf32>, vector<16xf32>, vector<16xf32>, vector<16xf32>, vector<16xf32>, vector<16xf32>, vector<16xf32>, vector<16xf32>, vector<16xf32>, vector<16xf32>, vector<16xf32>, vector<16xf32>)  : i32 {
        %mul3A_1633 = arith.constant 2 : i32
        %mul3A_1634 = arith.muli %scan3A_1616, %mul3A_1633 : i32
        %get3A = arith.constant 6 : i32
        %get3A_1635 = arith.index_cast %get3A : i32 to index
        %get3A_1636 = arith.index_cast %mul3A_1634 : i32 to index
        %get3A_1637 = arith.constant 0 : index
        %get3A_1638 = tpu.vector_load %arg4[%get3A_1635, %get3A_1636, %get3A_1637] {strides = array<i32>} : memref<8x32x32xf32, #tpu.memory_space<vmem>>, vector<16xf32>,
        %get3A_1639 = arith.constant 6 : i32
        %get3A_1640 = arith.index_cast %get3A_1639 : i32 to index
        %get3A_1641 = arith.index_cast %mul3A_1634 : i32 to index
        %get3A_1642 = arith.constant 16 : index
        %get3A_1643 = tpu.vector_load %arg4[%get3A_1640, %get3A_1641, %get3A_1642] {strides = array<i32>} : memref<8x32x32xf32, #tpu.memory_space<vmem>>, vector<16xf32>,
        %add3A_1644 = arith.constant 1 : i32
        %add3A_1645 = arith.addi %mul3A_1634, %add3A_1644 : i32
        %get3A_1646 = arith.constant 6 : i32
        %get3A_1647 = arith.index_cast %get3A_1646 : i32 to index
        %get3A_1648 = arith.index_cast %add3A_1645 : i32 to index
        %get3A_1649 = arith.constant 0 : index
        %get3A_1650 = tpu.vector_load %arg4[%get3A_1647, %get3A_1648, %get3A_1649] {strides = array<i32>} : memref<8x32x32xf32, #tpu.memory_space<vmem>>, vector<16xf32>,
        %add3A_1651 = arith.constant 1 : i32
        %add3A_1652 = arith.addi %mul3A_1634, %add3A_1651 : i32
        %get3A_1653 = arith.constant 6 : i32
        %get3A_1654 = arith.index_cast %get3A_1653 : i32 to index
        %get3A_1655 = arith.index_cast %add3A_1652 : i32 to index
        %get3A_1656 = arith.constant 16 : index
        %get3A_1657 = tpu.vector_load %arg4[%get3A_1654, %get3A_1655, %get3A_1656] {strides = array<i32>} : memref<8x32x32xf32, #tpu.memory_space<vmem>>, vector<16xf32>,
        %max3A_1658 = arith.maximumf %get3A_1638, %get3A_1643 : vector<16xf32>
        %min3A_1659 = arith.minimumf %get3A_1638, %get3A_1643 : vector<16xf32>
        %max3A_1660 = arith.maximumf %get3A_1650, %get3A_1657 : vector<16xf32>
        %min3A_1661 = arith.minimumf %get3A_1650, %get3A_1657 : vector<16xf32>
        %max3A_1662 = arith.maximumf %max3A_1658, %max3A_1660 : vector<16xf32>
        %min3A_1663 = arith.minimumf %max3A_1658, %max3A_1660 : vector<16xf32>
        %max3A_1664 = arith.maximumf %min3A_1659, %min3A_1661 : vector<16xf32>
        %min3A_1665 = arith.minimumf %min3A_1659, %min3A_1661 : vector<16xf32>
        %max3A_1666 = arith.maximumf %max3A_1664, %min3A_1663 : vector<16xf32>
        %min3A_1667 = arith.minimumf %max3A_1664, %min3A_1663 : vector<16xf32>
        %max3A_1668 = arith.maximumf %scan3A_1617, %min3A_1665 : vector<16xf32>
        %max3A_1669 = arith.maximumf %scan3A_1618, %min3A_1667 : vector<16xf32>
        %max3A_1670 = arith.maximumf %scan3A_1619, %max3A_1666 : vector<16xf32>
        %max3A_1671 = arith.maximumf %scan3A_1620, %max3A_1662 : vector<16xf32>
        %max3A_1672 = arith.maximumf %max3A_1668, %max3A_1670 : vector<16xf32>
        %min3A_1673 = arith.minimumf %max3A_1668, %max3A_1670 : vector<16xf32>
        %max3A_1674 = arith.maximumf %max3A_1669, %max3A_1671 : vector<16xf32>
        %min3A_1675 = arith.minimumf %max3A_1669, %max3A_1671 : vector<16xf32>
        %max3A_1676 = arith.maximumf %max3A_1672, %max3A_1674 : vector<16xf32>
        %min3A_1677 = arith.minimumf %max3A_1672, %max3A_1674 : vector<16xf32>
        %max3A_1678 = arith.maximumf %min3A_1673, %min3A_1675 : vector<16xf32>
        %min3A_1679 = arith.minimumf %min3A_1673, %min3A_1675 : vector<16xf32>
        %min3A_1680 = arith.minimumf %scan3A_1621, %max3A_1662 : vector<16xf32>
        %min3A_1681 = arith.minimumf %scan3A_1622, %max3A_1666 : vector<16xf32>
        %min3A_1682 = arith.minimumf %scan3A_1623, %min3A_1667 : vector<16xf32>
        %min3A_1683 = arith.minimumf %scan3A_1624, %min3A_1665 : vector<16xf32>
        %min3A_1684 = arith.minimumf %min3A_1680, %min3A_1682 : vector<16xf32>
        %max3A_1685 = arith.maximumf %min3A_1680, %min3A_1682 : vector<16xf32>
        %min3A_1686 = arith.minimumf %min3A_1681, %min3A_1683 : vector<16xf32>
        %max3A_1687 = arith.maximumf %min3A_1681, %min3A_1683 : vector<16xf32>
        %min3A_1688 = arith.minimumf %min3A_1684, %min3A_1686 : vector<16xf32>
        %max3A_1689 = arith.maximumf %min3A_1684, %min3A_1686 : vector<16xf32>
        %min3A_1690 = arith.minimumf %max3A_1685, %max3A_1687 : vector<16xf32>
        %max3A_1691 = arith.maximumf %max3A_1685, %max3A_1687 : vector<16xf32>
        %get3A_1692 = arith.constant 7 : i32
        %get3A_1693 = arith.index_cast %get3A_1692 : i32 to index
        %get3A_1694 = arith.index_cast %mul3A_1634 : i32 to index
        %get3A_1695 = arith.constant 0 : index
        %get3A_1696 = tpu.vector_load %arg4[%get3A_1693, %get3A_1694, %get3A_1695] {strides = array<i32>} : memref<8x32x32xf32, #tpu.memory_space<vmem>>, vector<16xf32>,
        %get3A_1697 = arith.constant 7 : i32
        %get3A_1698 = arith.index_cast %get3A_1697 : i32 to index
        %get3A_1699 = arith.index_cast %mul3A_1634 : i32 to index
        %get3A_1700 = arith.constant 16 : index
        %get3A_1701 = tpu.vector_load %arg4[%get3A_1698, %get3A_1699, %get3A_1700] {strides = array<i32>} : memref<8x32x32xf32, #tpu.memory_space<vmem>>, vector<16xf32>,
        %add3A_1702 = arith.constant 1 : i32
        %add3A_1703 = arith.addi %mul3A_1634, %add3A_1702 : i32
        %get3A_1704 = arith.constant 7 : i32
        %get3A_1705 = arith.index_cast %get3A_1704 : i32 to index
        %get3A_1706 = arith.index_cast %add3A_1703 : i32 to index
        %get3A_1707 = arith.constant 0 : index
        %get3A_1708 = tpu.vector_load %arg4[%get3A_1705, %get3A_1706, %get3A_1707] {strides = array<i32>} : memref<8x32x32xf32, #tpu.memory_space<vmem>>, vector<16xf32>,
        %add3A_1709 = arith.constant 1 : i32
        %add3A_1710 = arith.addi %mul3A_1634, %add3A_1709 : i32
        %get3A_1711 = arith.constant 7 : i32
        %get3A_1712 = arith.index_cast %get3A_1711 : i32 to index
        %get3A_1713 = arith.index_cast %add3A_1710 : i32 to index
        %get3A_1714 = arith.constant 16 : index
        %get3A_1715 = tpu.vector_load %arg4[%get3A_1712, %get3A_1713, %get3A_1714] {strides = array<i32>} : memref<8x32x32xf32, #tpu.memory_space<vmem>>, vector<16xf32>,
        %max3A_1716 = arith.maximumf %get3A_1696, %get3A_1701 : vector<16xf32>
        %min3A_1717 = arith.minimumf %get3A_1696, %get3A_1701 : vector<16xf32>
        %max3A_1718 = arith.maximumf %get3A_1708, %get3A_1715 : vector<16xf32>
        %min3A_1719 = arith.minimumf %get3A_1708, %get3A_1715 : vector<16xf32>
        %max3A_1720 = arith.maximumf %max3A_1716, %max3A_1718 : vector<16xf32>
        %min3A_1721 = arith.minimumf %max3A_1716, %max3A_1718 : vector<16xf32>
        %max3A_1722 = arith.maximumf %min3A_1717, %min3A_1719 : vector<16xf32>
        %min3A_1723 = arith.minimumf %min3A_1717, %min3A_1719 : vector<16xf32>
        %max3A_1724 = arith.maximumf %max3A_1722, %min3A_1721 : vector<16xf32>
        %min3A_1725 = arith.minimumf %max3A_1722, %min3A_1721 : vector<16xf32>
        %max3A_1726 = arith.maximumf %scan3A_1625, %min3A_1723 : vector<16xf32>
        %max3A_1727 = arith.maximumf %scan3A_1626, %min3A_1725 : vector<16xf32>
        %max3A_1728 = arith.maximumf %scan3A_1627, %max3A_1724 : vector<16xf32>
        %max3A_1729 = arith.maximumf %scan3A_1628, %max3A_1720 : vector<16xf32>
        %max3A_1730 = arith.maximumf %max3A_1726, %max3A_1728 : vector<16xf32>
        %min3A_1731 = arith.minimumf %max3A_1726, %max3A_1728 : vector<16xf32>
        %max3A_1732 = arith.maximumf %max3A_1727, %max3A_1729 : vector<16xf32>
        %min3A_1733 = arith.minimumf %max3A_1727, %max3A_1729 : vector<16xf32>
        %max3A_1734 = arith.maximumf %max3A_1730, %max3A_1732 : vector<16xf32>
        %min3A_1735 = arith.minimumf %max3A_1730, %max3A_1732 : vector<16xf32>
        %max3A_1736 = arith.maximumf %min3A_1731, %min3A_1733 : vector<16xf32>
        %min3A_1737 = arith.minimumf %min3A_1731, %min3A_1733 : vector<16xf32>
        %min3A_1738 = arith.minimumf %scan3A_1629, %max3A_1720 : vector<16xf32>
        %min3A_1739 = arith.minimumf %scan3A_1630, %max3A_1724 : vector<16xf32>
        %min3A_1740 = arith.minimumf %scan3A_1631, %min3A_1725 : vector<16xf32>
        %min3A_1741 = arith.minimumf %scan3A_1632, %min3A_1723 : vector<16xf32>
        %min3A_1742 = arith.minimumf %min3A_1738, %min3A_1740 : vector<16xf32>
        %max3A_1743 = arith.maximumf %min3A_1738, %min3A_1740 : vector<16xf32>
        %min3A_1744 = arith.minimumf %min3A_1739, %min3A_1741 : vector<16xf32>
        %max3A_1745 = arith.maximumf %min3A_1739, %min3A_1741 : vector<16xf32>
        %min3A_1746 = arith.minimumf %min3A_1742, %min3A_1744 : vector<16xf32>
        %max3A_1747 = arith.maximumf %min3A_1742, %min3A_1744 : vector<16xf32>
        %min3A_1748 = arith.minimumf %max3A_1743, %max3A_1745 : vector<16xf32>
        %max3A_1749 = arith.maximumf %max3A_1743, %max3A_1745 : vector<16xf32>
        scf.yield %max3A_1676, %min3A_1677, %max3A_1678, %min3A_1679, %min3A_1688, %max3A_1689, %min3A_1690, %max3A_1691, %max3A_1734, %min3A_1735, %max3A_1736, %min3A_1737, %min3A_1746, %max3A_1747, %min3A_1748, %max3A_1749 : vector<16xf32>, vector<16xf32>, vector<16xf32>, vector<16xf32>, vector<16xf32>, vector<16xf32>, vector<16xf32>, vector<16xf32>, vector<16xf32>, vector<16xf32>, vector<16xf32>, vector<16xf32>, vector<16xf32>, vector<16xf32>, vector<16xf32>, vector<16xf32>
      }
      %scan3A_629 = arith.constant 16 : i32
      %masked_sort3A_630 = arith.constant dense<true> : vector<16xi1>
      %masked_sort3A_631, %masked_sort3A_632, %masked_sort3A_633 = tpu.sort %scan3A_628#0, %scan3A_628#0 masked %masked_sort3A_630 {descending = true} : (vector<16xf32>, vector<16xf32>, vector<16xi1>) -> (vector<16xi1>, vector<16xf32>, vector<16xf32>)
      %masked_sort3A_634 = arith.constant dense<true> : vector<16xi1>
      %masked_sort3A_635, %masked_sort3A_636, %masked_sort3A_637 = tpu.sort %scan3A_628#1, %scan3A_628#1 masked %masked_sort3A_634 : (vector<16xf32>, vector<16xf32>, vector<16xi1>) -> (vector<16xi1>, vector<16xf32>, vector<16xf32>)
      %max3A_638 = arith.maximumf %masked_sort3A_632, %masked_sort3A_636 : vector<16xf32>
      %masked_sort3A_639 = arith.constant dense<true> : vector<16xi1>
      %masked_sort3A_640, %masked_sort3A_641, %masked_sort3A_642 = tpu.sort %scan3A_628#2, %scan3A_628#2 masked %masked_sort3A_639 {descending = true} : (vector<16xf32>, vector<16xf32>, vector<16xi1>) -> (vector<16xi1>, vector<16xf32>, vector<16xf32>)
      %masked_sort3A_643 = arith.constant dense<true> : vector<16xi1>
      %masked_sort3A_644, %masked_sort3A_645, %masked_sort3A_646 = tpu.sort %scan3A_628#3, %scan3A_628#3 masked %masked_sort3A_643 : (vector<16xf32>, vector<16xf32>, vector<16xi1>) -> (vector<16xi1>, vector<16xf32>, vector<16xf32>)
      %max3A_647 = arith.maximumf %masked_sort3A_641, %masked_sort3A_645 : vector<16xf32>
      %masked_sort3A_648 = arith.constant dense<true> : vector<16xi1>
      %masked_sort3A_649, %masked_sort3A_650, %masked_sort3A_651 = tpu.sort %max3A_638, %max3A_638 masked %masked_sort3A_648 {descending = true} : (vector<16xf32>, vector<16xf32>, vector<16xi1>) -> (vector<16xi1>, vector<16xf32>, vector<16xf32>)
      %masked_sort3A_652 = arith.constant dense<true> : vector<16xi1>
      %masked_sort3A_653, %masked_sort3A_654, %masked_sort3A_655 = tpu.sort %max3A_647, %max3A_647 masked %masked_sort3A_652 : (vector<16xf32>, vector<16xf32>, vector<16xi1>) -> (vector<16xi1>, vector<16xf32>, vector<16xf32>)
      %max3A_656 = arith.maximumf %masked_sort3A_650, %masked_sort3A_654 : vector<16xf32>
      %masked_sort3A_657 = arith.constant dense<true> : vector<16xi1>
      %masked_sort3A_658, %masked_sort3A_659, %masked_sort3A_660 = tpu.sort %max3A_656, %max3A_656 masked %masked_sort3A_657 {descending = true} : (vector<16xf32>, vector<16xf32>, vector<16xi1>) -> (vector<16xi1>, vector<16xf32>, vector<16xf32>)
      %lt3A_661 = arith.constant 4 : i32
      %lt3A_662 = vector.broadcast %lt3A_661 : i32 to vector<16xi32>
      %lt3A_663 = arith.cmpi slt, %iota3A, %lt3A_662 : vector<16xi32>
      %jit3A_664 = arith.constant 0.000000e+00 : f32
      %broadcast_in_dim3A_665 = vector.broadcast %jit3A_664 : f32 to vector<16xf32>
      %select_n3A_666 = arith.select %lt3A_663, %masked_sort3A_659, %broadcast_in_dim3A_665 : vector<16xi1>, vector<16xf32>
      %reduce_sum3A_667 = arith.constant true
      %reduce_sum3A_668 = vector.broadcast %reduce_sum3A_667 : i1 to vector<16xi1>
      %reduce_sum3A_669 = tpu.scan <sum>, %select_n3A_666 masked %reduce_sum3A_668 : vector<16xf32>, vector<16xi1> -> vector<16xf32>
      %reduce_sum3A_670 = vector.extract %reduce_sum3A_669[15] : f32 from vector<16xf32>
      %masked_sort3A_671 = arith.constant dense<true> : vector<16xi1>
      %masked_sort3A_672, %masked_sort3A_673, %masked_sort3A_674 = tpu.sort %scan3A_628#4, %scan3A_628#4 masked %masked_sort3A_671 : (vector<16xf32>, vector<16xf32>, vector<16xi1>) -> (vector<16xi1>, vector<16xf32>, vector<16xf32>)
      %masked_sort3A_675 = arith.constant dense<true> : vector<16xi1>
      %masked_sort3A_676, %masked_sort3A_677, %masked_sort3A_678 = tpu.sort %scan3A_628#5, %scan3A_628#5 masked %masked_sort3A_675 {descending = true} : (vector<16xf32>, vector<16xf32>, vector<16xi1>) -> (vector<16xi1>, vector<16xf32>, vector<16xf32>)
      %min3A_679 = arith.minimumf %masked_sort3A_673, %masked_sort3A_677 : vector<16xf32>
      %masked_sort3A_680 = arith.constant dense<true> : vector<16xi1>
      %masked_sort3A_681, %masked_sort3A_682, %masked_sort3A_683 = tpu.sort %scan3A_628#6, %scan3A_628#6 masked %masked_sort3A_680 : (vector<16xf32>, vector<16xf32>, vector<16xi1>) -> (vector<16xi1>, vector<16xf32>, vector<16xf32>)
      %masked_sort3A_684 = arith.constant dense<true> : vector<16xi1>
      %masked_sort3A_685, %masked_sort3A_686, %masked_sort3A_687 = tpu.sort %scan3A_628#7, %scan3A_628#7 masked %masked_sort3A_684 {descending = true} : (vector<16xf32>, vector<16xf32>, vector<16xi1>) -> (vector<16xi1>, vector<16xf32>, vector<16xf32>)
      %min3A_688 = arith.minimumf %masked_sort3A_682, %masked_sort3A_686 : vector<16xf32>
      %masked_sort3A_689 = arith.constant dense<true> : vector<16xi1>
      %masked_sort3A_690, %masked_sort3A_691, %masked_sort3A_692 = tpu.sort %min3A_679, %min3A_679 masked %masked_sort3A_689 : (vector<16xf32>, vector<16xf32>, vector<16xi1>) -> (vector<16xi1>, vector<16xf32>, vector<16xf32>)
      %masked_sort3A_693 = arith.constant dense<true> : vector<16xi1>
      %masked_sort3A_694, %masked_sort3A_695, %masked_sort3A_696 = tpu.sort %min3A_688, %min3A_688 masked %masked_sort3A_693 {descending = true} : (vector<16xf32>, vector<16xf32>, vector<16xi1>) -> (vector<16xi1>, vector<16xf32>, vector<16xf32>)
      %min3A_697 = arith.minimumf %masked_sort3A_691, %masked_sort3A_695 : vector<16xf32>
      %masked_sort3A_698 = arith.constant dense<true> : vector<16xi1>
      %masked_sort3A_699, %masked_sort3A_700, %masked_sort3A_701 = tpu.sort %min3A_697, %min3A_697 masked %masked_sort3A_698 : (vector<16xf32>, vector<16xf32>, vector<16xi1>) -> (vector<16xi1>, vector<16xf32>, vector<16xf32>)
      %lt3A_702 = arith.constant 4 : i32
      %lt3A_703 = vector.broadcast %lt3A_702 : i32 to vector<16xi32>
      %lt3A_704 = arith.cmpi slt, %iota3A, %lt3A_703 : vector<16xi32>
      %jit3A_705 = arith.constant 0.000000e+00 : f32
      %broadcast_in_dim3A_706 = vector.broadcast %jit3A_705 : f32 to vector<16xf32>
      %select_n3A_707 = arith.select %lt3A_704, %masked_sort3A_700, %broadcast_in_dim3A_706 : vector<16xi1>, vector<16xf32>
      %reduce_sum3A_708 = arith.constant true
      %reduce_sum3A_709 = vector.broadcast %reduce_sum3A_708 : i1 to vector<16xi1>
      %reduce_sum3A_710 = tpu.scan <sum>, %select_n3A_707 masked %reduce_sum3A_709 : vector<16xf32>, vector<16xi1> -> vector<16xf32>
      %reduce_sum3A_711 = vector.extract %reduce_sum3A_710[15] : f32 from vector<16xf32>
      %add3A_712 = arith.addf %reduce_sum3A_670, %reduce_sum3A_711 : f32
      %mul3A_713 = arith.constant 2.500000e-01 : f32
      %mul3A_714 = arith.mulf %add3A_712, %mul3A_713 : f32
      %masked_sort3A_715 = arith.constant dense<true> : vector<16xi1>
      %masked_sort3A_716, %masked_sort3A_717, %masked_sort3A_718 = tpu.sort %scan3A_628#8, %scan3A_628#8 masked %masked_sort3A_715 {descending = true} : (vector<16xf32>, vector<16xf32>, vector<16xi1>) -> (vector<16xi1>, vector<16xf32>, vector<16xf32>)
      %masked_sort3A_719 = arith.constant dense<true> : vector<16xi1>
      %masked_sort3A_720, %masked_sort3A_721, %masked_sort3A_722 = tpu.sort %scan3A_628#9, %scan3A_628#9 masked %masked_sort3A_719 : (vector<16xf32>, vector<16xf32>, vector<16xi1>) -> (vector<16xi1>, vector<16xf32>, vector<16xf32>)
      %max3A_723 = arith.maximumf %masked_sort3A_717, %masked_sort3A_721 : vector<16xf32>
      %masked_sort3A_724 = arith.constant dense<true> : vector<16xi1>
      %masked_sort3A_725, %masked_sort3A_726, %masked_sort3A_727 = tpu.sort %scan3A_628#10, %scan3A_628#10 masked %masked_sort3A_724 {descending = true} : (vector<16xf32>, vector<16xf32>, vector<16xi1>) -> (vector<16xi1>, vector<16xf32>, vector<16xf32>)
      %masked_sort3A_728 = arith.constant dense<true> : vector<16xi1>
      %masked_sort3A_729, %masked_sort3A_730, %masked_sort3A_731 = tpu.sort %scan3A_628#11, %scan3A_628#11 masked %masked_sort3A_728 : (vector<16xf32>, vector<16xf32>, vector<16xi1>) -> (vector<16xi1>, vector<16xf32>, vector<16xf32>)
      %max3A_732 = arith.maximumf %masked_sort3A_726, %masked_sort3A_730 : vector<16xf32>
      %masked_sort3A_733 = arith.constant dense<true> : vector<16xi1>
      %masked_sort3A_734, %masked_sort3A_735, %masked_sort3A_736 = tpu.sort %max3A_723, %max3A_723 masked %masked_sort3A_733 {descending = true} : (vector<16xf32>, vector<16xf32>, vector<16xi1>) -> (vector<16xi1>, vector<16xf32>, vector<16xf32>)
      %masked_sort3A_737 = arith.constant dense<true> : vector<16xi1>
      %masked_sort3A_738, %masked_sort3A_739, %masked_sort3A_740 = tpu.sort %max3A_732, %max3A_732 masked %masked_sort3A_737 : (vector<16xf32>, vector<16xf32>, vector<16xi1>) -> (vector<16xi1>, vector<16xf32>, vector<16xf32>)
      %max3A_741 = arith.maximumf %masked_sort3A_735, %masked_sort3A_739 : vector<16xf32>
      %masked_sort3A_742 = arith.constant dense<true> : vector<16xi1>
      %masked_sort3A_743, %masked_sort3A_744, %masked_sort3A_745 = tpu.sort %max3A_741, %max3A_741 masked %masked_sort3A_742 {descending = true} : (vector<16xf32>, vector<16xf32>, vector<16xi1>) -> (vector<16xi1>, vector<16xf32>, vector<16xf32>)
      %lt3A_746 = arith.constant 4 : i32
      %lt3A_747 = vector.broadcast %lt3A_746 : i32 to vector<16xi32>
      %lt3A_748 = arith.cmpi slt, %iota3A, %lt3A_747 : vector<16xi32>
      %jit3A_749 = arith.constant 0.000000e+00 : f32
      %broadcast_in_dim3A_750 = vector.broadcast %jit3A_749 : f32 to vector<16xf32>
      %select_n3A_751 = arith.select %lt3A_748, %masked_sort3A_744, %broadcast_in_dim3A_750 : vector<16xi1>, vector<16xf32>
      %reduce_sum3A_752 = arith.constant true
      %reduce_sum3A_753 = vector.broadcast %reduce_sum3A_752 : i1 to vector<16xi1>
      %reduce_sum3A_754 = tpu.scan <sum>, %select_n3A_751 masked %reduce_sum3A_753 : vector<16xf32>, vector<16xi1> -> vector<16xf32>
      %reduce_sum3A_755 = vector.extract %reduce_sum3A_754[15] : f32 from vector<16xf32>
      %masked_sort3A_756 = arith.constant dense<true> : vector<16xi1>
      %masked_sort3A_757, %masked_sort3A_758, %masked_sort3A_759 = tpu.sort %scan3A_628#12, %scan3A_628#12 masked %masked_sort3A_756 : (vector<16xf32>, vector<16xf32>, vector<16xi1>) -> (vector<16xi1>, vector<16xf32>, vector<16xf32>)
      %masked_sort3A_760 = arith.constant dense<true> : vector<16xi1>
      %masked_sort3A_761, %masked_sort3A_762, %masked_sort3A_763 = tpu.sort %scan3A_628#13, %scan3A_628#13 masked %masked_sort3A_760 {descending = true} : (vector<16xf32>, vector<16xf32>, vector<16xi1>) -> (vector<16xi1>, vector<16xf32>, vector<16xf32>)
      %min3A_764 = arith.minimumf %masked_sort3A_758, %masked_sort3A_762 : vector<16xf32>
      %masked_sort3A_765 = arith.constant dense<true> : vector<16xi1>
      %masked_sort3A_766, %masked_sort3A_767, %masked_sort3A_768 = tpu.sort %scan3A_628#14, %scan3A_628#14 masked %masked_sort3A_765 : (vector<16xf32>, vector<16xf32>, vector<16xi1>) -> (vector<16xi1>, vector<16xf32>, vector<16xf32>)
      %masked_sort3A_769 = arith.constant dense<true> : vector<16xi1>
      %masked_sort3A_770, %masked_sort3A_771, %masked_sort3A_772 = tpu.sort %scan3A_628#15, %scan3A_628#15 masked %masked_sort3A_769 {descending = true} : (vector<16xf32>, vector<16xf32>, vector<16xi1>) -> (vector<16xi1>, vector<16xf32>, vector<16xf32>)
      %min3A_773 = arith.minimumf %masked_sort3A_767, %masked_sort3A_771 : vector<16xf32>
      %masked_sort3A_774 = arith.constant dense<true> : vector<16xi1>
      %masked_sort3A_775, %masked_sort3A_776, %masked_sort3A_777 = tpu.sort %min3A_764, %min3A_764 masked %masked_sort3A_774 : (vector<16xf32>, vector<16xf32>, vector<16xi1>) -> (vector<16xi1>, vector<16xf32>, vector<16xf32>)
      %masked_sort3A_778 = arith.constant dense<true> : vector<16xi1>
      %masked_sort3A_779, %masked_sort3A_780, %masked_sort3A_781 = tpu.sort %min3A_773, %min3A_773 masked %masked_sort3A_778 {descending = true} : (vector<16xf32>, vector<16xf32>, vector<16xi1>) -> (vector<16xi1>, vector<16xf32>, vector<16xf32>)
      %min3A_782 = arith.minimumf %masked_sort3A_776, %masked_sort3A_780 : vector<16xf32>
      %masked_sort3A_783 = arith.constant dense<true> : vector<16xi1>
      %masked_sort3A_784, %masked_sort3A_785, %masked_sort3A_786 = tpu.sort %min3A_782, %min3A_782 masked %masked_sort3A_783 : (vector<16xf32>, vector<16xf32>, vector<16xi1>) -> (vector<16xi1>, vector<16xf32>, vector<16xf32>)
      %lt3A_787 = arith.constant 4 : i32
      %lt3A_788 = vector.broadcast %lt3A_787 : i32 to vector<16xi32>
      %lt3A_789 = arith.cmpi slt, %iota3A, %lt3A_788 : vector<16xi32>
      %jit3A_790 = arith.constant 0.000000e+00 : f32
      %broadcast_in_dim3A_791 = vector.broadcast %jit3A_790 : f32 to vector<16xf32>
      %select_n3A_792 = arith.select %lt3A_789, %masked_sort3A_785, %broadcast_in_dim3A_791 : vector<16xi1>, vector<16xf32>
      %reduce_sum3A_793 = arith.constant true
      %reduce_sum3A_794 = vector.broadcast %reduce_sum3A_793 : i1 to vector<16xi1>
      %reduce_sum3A_795 = tpu.scan <sum>, %select_n3A_792 masked %reduce_sum3A_794 : vector<16xf32>, vector<16xi1> -> vector<16xf32>
      %reduce_sum3A_796 = vector.extract %reduce_sum3A_795[15] : f32 from vector<16xf32>
      %add3A_797 = arith.addf %reduce_sum3A_755, %reduce_sum3A_796 : f32
      %mul3A_798 = arith.constant 2.500000e-01 : f32
      %mul3A_799 = arith.mulf %add3A_797, %mul3A_798 : f32
      %add3A_800 = arith.constant 6 : i32
      %add3A_801 = arith.addi %mul3A_45, %add3A_800 : i32
      %eq3A_802 = vector.broadcast %add3A_801 : i32 to vector<16xi32>
      %eq3A_803 = arith.cmpi eq, %iota3A, %eq3A_802 : vector<16xi32>
      %broadcast_in_dim3A_804 = vector.broadcast %mul3A_714 : f32 to vector<16xf32>
      %select_n3A_805 = arith.select %eq3A_803, %broadcast_in_dim3A_804, %select_n3A_619 : vector<16xi1>, vector<16xf32>
      %add3A_806 = arith.constant 6 : i32
      %add3A_807 = arith.addi %mul3A_45, %add3A_806 : i32
      %add3A_808 = arith.constant 1 : i32
      %add3A_809 = arith.addi %add3A_807, %add3A_808 : i32
      %eq3A_810 = vector.broadcast %add3A_809 : i32 to vector<16xi32>
      %eq3A_811 = arith.cmpi eq, %iota3A, %eq3A_810 : vector<16xi32>
      %broadcast_in_dim3A_812 = vector.broadcast %mul3A_799 : f32 to vector<16xf32>
      %select_n3A_813 = arith.select %eq3A_811, %broadcast_in_dim3A_812, %select_n3A_805 : vector<16xi1>, vector<16xf32>
      %add3A_814 = arith.constant 1 : i32
      %add3A_815 = arith.addi %scan3A_18, %add3A_814 : i32
      %lt3A_816 = arith.constant 48 : i32
      %lt3A_817 = arith.cmpi slt, %add3A_815, %lt3A_816 : i32
      %convert_element_type3A = arith.extui %lt3A_817 : i1 to i32
      %cond3A = arith.constant 0 : i32
      %cond3A_818 = arith.cmpi ne, %convert_element_type3A, %cond3A : i32
      scf.if %cond3A_818 {
        %add3A_1616 = arith.constant 2 : i32
        %add3A_1617 = arith.addi %mul3A_21, %add3A_1616 : i32
        %mul3A_1618 = arith.constant 8 : i32
        %mul3A_1619 = arith.muli %add3A_1617, %mul3A_1618 : i32
        %dma_start3A_1620 = arith.constant 0 : i32
        %dma_start3A_1621 = arith.constant 0 : i32
        %dma_start3A_1622 = tpu.memref_slice %arg2[%add3A, %mul3A_1619, %dma_start3A_1620, %dma_start3A_1621] : memref<32x768x32x32xf32, #tpu.memory_space<hbm>> -> memref<1x8x32x32xf32, #tpu.memory_space<hbm>>
        %dma_start3A_1623 = tpu.memref_squeeze %dma_start3A_1622 : memref<1x8x32x32xf32, #tpu.memory_space<hbm>> -> memref<8x32x32xf32, #tpu.memory_space<hbm>>
        %dma_start3A_1624 = arith.constant 0 : i32
        %dma_start3A_1625 = arith.constant 0 : i32
        %dma_start3A_1626 = tpu.memref_slice %arg2[%add3A, %mul3A_1619, %dma_start3A_1624, %dma_start3A_1625] : memref<32x768x32x32xf32, #tpu.memory_space<hbm>> -> memref<1x8x32x32xf32, #tpu.memory_space<hbm>>
        %dma_start3A_1627 = tpu.memref_squeeze %dma_start3A_1626 : memref<1x8x32x32xf32, #tpu.memory_space<hbm>> -> memref<8x32x32xf32, #tpu.memory_space<hbm>>
        tpu.enqueue_dma source(%dma_start3A_1627 : memref<8x32x32xf32, #tpu.memory_space<hbm>>) target(%arg4 : memref<8x32x32xf32, #tpu.memory_space<vmem>>) target_semaphore(%arg7 : memref<!tpu.dma_semaphore, #tpu.memory_space<semaphore_mem>>)
      } else {
      }
      %add3A_819 = arith.constant 1 : i32
      %add3A_820 = arith.addi %mul3A_21, %add3A_819 : i32
      %mul3A_821 = arith.constant 8 : i32
      %mul3A_822 = arith.muli %add3A_820, %mul3A_821 : i32
      %dma_wait3A_823 = arith.constant 0 : i32
      %dma_wait3A_824 = arith.constant 0 : i32
      %dma_wait3A_825 = tpu.memref_slice %arg2[%add3A, %mul3A_822, %dma_wait3A_823, %dma_wait3A_824] : memref<32x768x32x32xf32, #tpu.memory_space<hbm>> -> memref<1x8x32x32xf32, #tpu.memory_space<hbm>>
      %dma_wait3A_826 = tpu.memref_squeeze %dma_wait3A_825 : memref<1x8x32x32xf32, #tpu.memory_space<hbm>> -> memref<8x32x32xf32, #tpu.memory_space<hbm>>
      %dma_wait3A_827 = arith.constant 0 : i32
      %dma_wait3A_828 = arith.constant 0 : i32
      %dma_wait3A_829 = tpu.memref_slice %arg2[%add3A, %mul3A_822, %dma_wait3A_827, %dma_wait3A_828] : memref<32x768x32x32xf32, #tpu.memory_space<hbm>> -> memref<1x8x32x32xf32, #tpu.memory_space<hbm>>
      %dma_wait3A_830 = tpu.memref_squeeze %dma_wait3A_829 : memref<1x8x32x32xf32, #tpu.memory_space<hbm>> -> memref<8x32x32xf32, #tpu.memory_space<hbm>>
      tpu.wait_dma2 semaphore(%arg8 : memref<!tpu.dma_semaphore, #tpu.memory_space<semaphore_mem>>) src(%dma_wait3A_830 : memref<8x32x32xf32, #tpu.memory_space<hbm>>) dst(%arg5 : memref<8x32x32xf32, #tpu.memory_space<vmem>>)
      %add3A_831 = arith.constant 1 : i32
      %add3A_832 = arith.addi %mul3A_21, %add3A_831 : i32
      %rem3A_833 = arith.constant 2 : i32
      %rem3A_834 = arith.remsi %add3A_832, %rem3A_833 : i32
      %mul3A_835 = arith.constant 8 : i32
      %mul3A_836 = arith.muli %rem3A_834, %mul3A_835 : i32
      %broadcast_in_dim3A_837 = arith.constant 0xFF800000 : f32
      %broadcast_in_dim3A_838 = vector.broadcast %broadcast_in_dim3A_837 : f32 to vector<16xf32>
      %broadcast_in_dim3A_839 = arith.constant 0x7F800000 : f32
      %broadcast_in_dim3A_840 = vector.broadcast %broadcast_in_dim3A_839 : f32 to vector<16xf32>
      %scan3A_841 = arith.constant 0 : i32
      %scan3A_842 = arith.constant 16 : i32
      %scan3A_843 = arith.addi %scan3A_841, %scan3A_842 : i32
      %scan3A_844 = arith.constant 1 : i32
      %scan3A_845:16 = scf.for %scan3A_1616 = %scan3A_841 to %scan3A_843 step %scan3A_844 iter_args(%scan3A_1617 = %broadcast_in_dim3A_838, %scan3A_1618 = %broadcast_in_dim3A_838, %scan3A_1619 = %broadcast_in_dim3A_838, %scan3A_1620 = %broadcast_in_dim3A_838, %scan3A_1621 = %broadcast_in_dim3A_840, %scan3A_1622 = %broadcast_in_dim3A_840, %scan3A_1623 = %broadcast_in_dim3A_840, %scan3A_1624 = %broadcast_in_dim3A_840, %scan3A_1625 = %broadcast_in_dim3A_838, %scan3A_1626 = %broadcast_in_dim3A_838, %scan3A_1627 = %broadcast_in_dim3A_838, %scan3A_1628 = %broadcast_in_dim3A_838, %scan3A_1629 = %broadcast_in_dim3A_840, %scan3A_1630 = %broadcast_in_dim3A_840, %scan3A_1631 = %broadcast_in_dim3A_840, %scan3A_1632 = %broadcast_in_dim3A_840) -> (vector<16xf32>, vector<16xf32>, vector<16xf32>, vector<16xf32>, vector<16xf32>, vector<16xf32>, vector<16xf32>, vector<16xf32>, vector<16xf32>, vector<16xf32>, vector<16xf32>, vector<16xf32>, vector<16xf32>, vector<16xf32>, vector<16xf32>, vector<16xf32>)  : i32 {
        %mul3A_1633 = arith.constant 2 : i32
        %mul3A_1634 = arith.muli %scan3A_1616, %mul3A_1633 : i32
        %get3A = arith.constant 0 : i32
        %get3A_1635 = arith.index_cast %get3A : i32 to index
        %get3A_1636 = arith.index_cast %mul3A_1634 : i32 to index
        %get3A_1637 = arith.constant 0 : index
        %get3A_1638 = tpu.vector_load %arg5[%get3A_1635, %get3A_1636, %get3A_1637] {strides = array<i32>} : memref<8x32x32xf32, #tpu.memory_space<vmem>>, vector<16xf32>,
        %get3A_1639 = arith.constant 0 : i32
        %get3A_1640 = arith.index_cast %get3A_1639 : i32 to index
        %get3A_1641 = arith.index_cast %mul3A_1634 : i32 to index
        %get3A_1642 = arith.constant 16 : index
        %get3A_1643 = tpu.vector_load %arg5[%get3A_1640, %get3A_1641, %get3A_1642] {strides = array<i32>} : memref<8x32x32xf32, #tpu.memory_space<vmem>>, vector<16xf32>,
        %add3A_1644 = arith.constant 1 : i32
        %add3A_1645 = arith.addi %mul3A_1634, %add3A_1644 : i32
        %get3A_1646 = arith.constant 0 : i32
        %get3A_1647 = arith.index_cast %get3A_1646 : i32 to index
        %get3A_1648 = arith.index_cast %add3A_1645 : i32 to index
        %get3A_1649 = arith.constant 0 : index
        %get3A_1650 = tpu.vector_load %arg5[%get3A_1647, %get3A_1648, %get3A_1649] {strides = array<i32>} : memref<8x32x32xf32, #tpu.memory_space<vmem>>, vector<16xf32>,
        %add3A_1651 = arith.constant 1 : i32
        %add3A_1652 = arith.addi %mul3A_1634, %add3A_1651 : i32
        %get3A_1653 = arith.constant 0 : i32
        %get3A_1654 = arith.index_cast %get3A_1653 : i32 to index
        %get3A_1655 = arith.index_cast %add3A_1652 : i32 to index
        %get3A_1656 = arith.constant 16 : index
        %get3A_1657 = tpu.vector_load %arg5[%get3A_1654, %get3A_1655, %get3A_1656] {strides = array<i32>} : memref<8x32x32xf32, #tpu.memory_space<vmem>>, vector<16xf32>,
        %max3A_1658 = arith.maximumf %get3A_1638, %get3A_1643 : vector<16xf32>
        %min3A_1659 = arith.minimumf %get3A_1638, %get3A_1643 : vector<16xf32>
        %max3A_1660 = arith.maximumf %get3A_1650, %get3A_1657 : vector<16xf32>
        %min3A_1661 = arith.minimumf %get3A_1650, %get3A_1657 : vector<16xf32>
        %max3A_1662 = arith.maximumf %max3A_1658, %max3A_1660 : vector<16xf32>
        %min3A_1663 = arith.minimumf %max3A_1658, %max3A_1660 : vector<16xf32>
        %max3A_1664 = arith.maximumf %min3A_1659, %min3A_1661 : vector<16xf32>
        %min3A_1665 = arith.minimumf %min3A_1659, %min3A_1661 : vector<16xf32>
        %max3A_1666 = arith.maximumf %max3A_1664, %min3A_1663 : vector<16xf32>
        %min3A_1667 = arith.minimumf %max3A_1664, %min3A_1663 : vector<16xf32>
        %max3A_1668 = arith.maximumf %scan3A_1617, %min3A_1665 : vector<16xf32>
        %max3A_1669 = arith.maximumf %scan3A_1618, %min3A_1667 : vector<16xf32>
        %max3A_1670 = arith.maximumf %scan3A_1619, %max3A_1666 : vector<16xf32>
        %max3A_1671 = arith.maximumf %scan3A_1620, %max3A_1662 : vector<16xf32>
        %max3A_1672 = arith.maximumf %max3A_1668, %max3A_1670 : vector<16xf32>
        %min3A_1673 = arith.minimumf %max3A_1668, %max3A_1670 : vector<16xf32>
        %max3A_1674 = arith.maximumf %max3A_1669, %max3A_1671 : vector<16xf32>
        %min3A_1675 = arith.minimumf %max3A_1669, %max3A_1671 : vector<16xf32>
        %max3A_1676 = arith.maximumf %max3A_1672, %max3A_1674 : vector<16xf32>
        %min3A_1677 = arith.minimumf %max3A_1672, %max3A_1674 : vector<16xf32>
        %max3A_1678 = arith.maximumf %min3A_1673, %min3A_1675 : vector<16xf32>
        %min3A_1679 = arith.minimumf %min3A_1673, %min3A_1675 : vector<16xf32>
        %min3A_1680 = arith.minimumf %scan3A_1621, %max3A_1662 : vector<16xf32>
        %min3A_1681 = arith.minimumf %scan3A_1622, %max3A_1666 : vector<16xf32>
        %min3A_1682 = arith.minimumf %scan3A_1623, %min3A_1667 : vector<16xf32>
        %min3A_1683 = arith.minimumf %scan3A_1624, %min3A_1665 : vector<16xf32>
        %min3A_1684 = arith.minimumf %min3A_1680, %min3A_1682 : vector<16xf32>
        %max3A_1685 = arith.maximumf %min3A_1680, %min3A_1682 : vector<16xf32>
        %min3A_1686 = arith.minimumf %min3A_1681, %min3A_1683 : vector<16xf32>
        %max3A_1687 = arith.maximumf %min3A_1681, %min3A_1683 : vector<16xf32>
        %min3A_1688 = arith.minimumf %min3A_1684, %min3A_1686 : vector<16xf32>
        %max3A_1689 = arith.maximumf %min3A_1684, %min3A_1686 : vector<16xf32>
        %min3A_1690 = arith.minimumf %max3A_1685, %max3A_1687 : vector<16xf32>
        %max3A_1691 = arith.maximumf %max3A_1685, %max3A_1687 : vector<16xf32>
        %get3A_1692 = arith.constant 1 : i32
        %get3A_1693 = arith.index_cast %get3A_1692 : i32 to index
        %get3A_1694 = arith.index_cast %mul3A_1634 : i32 to index
        %get3A_1695 = arith.constant 0 : index
        %get3A_1696 = tpu.vector_load %arg5[%get3A_1693, %get3A_1694, %get3A_1695] {strides = array<i32>} : memref<8x32x32xf32, #tpu.memory_space<vmem>>, vector<16xf32>,
        %get3A_1697 = arith.constant 1 : i32
        %get3A_1698 = arith.index_cast %get3A_1697 : i32 to index
        %get3A_1699 = arith.index_cast %mul3A_1634 : i32 to index
        %get3A_1700 = arith.constant 16 : index
        %get3A_1701 = tpu.vector_load %arg5[%get3A_1698, %get3A_1699, %get3A_1700] {strides = array<i32>} : memref<8x32x32xf32, #tpu.memory_space<vmem>>, vector<16xf32>,
        %add3A_1702 = arith.constant 1 : i32
        %add3A_1703 = arith.addi %mul3A_1634, %add3A_1702 : i32
        %get3A_1704 = arith.constant 1 : i32
        %get3A_1705 = arith.index_cast %get3A_1704 : i32 to index
        %get3A_1706 = arith.index_cast %add3A_1703 : i32 to index
        %get3A_1707 = arith.constant 0 : index
        %get3A_1708 = tpu.vector_load %arg5[%get3A_1705, %get3A_1706, %get3A_1707] {strides = array<i32>} : memref<8x32x32xf32, #tpu.memory_space<vmem>>, vector<16xf32>,
        %add3A_1709 = arith.constant 1 : i32
        %add3A_1710 = arith.addi %mul3A_1634, %add3A_1709 : i32
        %get3A_1711 = arith.constant 1 : i32
        %get3A_1712 = arith.index_cast %get3A_1711 : i32 to index
        %get3A_1713 = arith.index_cast %add3A_1710 : i32 to index
        %get3A_1714 = arith.constant 16 : index
        %get3A_1715 = tpu.vector_load %arg5[%get3A_1712, %get3A_1713, %get3A_1714] {strides = array<i32>} : memref<8x32x32xf32, #tpu.memory_space<vmem>>, vector<16xf32>,
        %max3A_1716 = arith.maximumf %get3A_1696, %get3A_1701 : vector<16xf32>
        %min3A_1717 = arith.minimumf %get3A_1696, %get3A_1701 : vector<16xf32>
        %max3A_1718 = arith.maximumf %get3A_1708, %get3A_1715 : vector<16xf32>
        %min3A_1719 = arith.minimumf %get3A_1708, %get3A_1715 : vector<16xf32>
        %max3A_1720 = arith.maximumf %max3A_1716, %max3A_1718 : vector<16xf32>
        %min3A_1721 = arith.minimumf %max3A_1716, %max3A_1718 : vector<16xf32>
        %max3A_1722 = arith.maximumf %min3A_1717, %min3A_1719 : vector<16xf32>
        %min3A_1723 = arith.minimumf %min3A_1717, %min3A_1719 : vector<16xf32>
        %max3A_1724 = arith.maximumf %max3A_1722, %min3A_1721 : vector<16xf32>
        %min3A_1725 = arith.minimumf %max3A_1722, %min3A_1721 : vector<16xf32>
        %max3A_1726 = arith.maximumf %scan3A_1625, %min3A_1723 : vector<16xf32>
        %max3A_1727 = arith.maximumf %scan3A_1626, %min3A_1725 : vector<16xf32>
        %max3A_1728 = arith.maximumf %scan3A_1627, %max3A_1724 : vector<16xf32>
        %max3A_1729 = arith.maximumf %scan3A_1628, %max3A_1720 : vector<16xf32>
        %max3A_1730 = arith.maximumf %max3A_1726, %max3A_1728 : vector<16xf32>
        %min3A_1731 = arith.minimumf %max3A_1726, %max3A_1728 : vector<16xf32>
        %max3A_1732 = arith.maximumf %max3A_1727, %max3A_1729 : vector<16xf32>
        %min3A_1733 = arith.minimumf %max3A_1727, %max3A_1729 : vector<16xf32>
        %max3A_1734 = arith.maximumf %max3A_1730, %max3A_1732 : vector<16xf32>
        %min3A_1735 = arith.minimumf %max3A_1730, %max3A_1732 : vector<16xf32>
        %max3A_1736 = arith.maximumf %min3A_1731, %min3A_1733 : vector<16xf32>
        %min3A_1737 = arith.minimumf %min3A_1731, %min3A_1733 : vector<16xf32>
        %min3A_1738 = arith.minimumf %scan3A_1629, %max3A_1720 : vector<16xf32>
        %min3A_1739 = arith.minimumf %scan3A_1630, %max3A_1724 : vector<16xf32>
        %min3A_1740 = arith.minimumf %scan3A_1631, %min3A_1725 : vector<16xf32>
        %min3A_1741 = arith.minimumf %scan3A_1632, %min3A_1723 : vector<16xf32>
        %min3A_1742 = arith.minimumf %min3A_1738, %min3A_1740 : vector<16xf32>
        %max3A_1743 = arith.maximumf %min3A_1738, %min3A_1740 : vector<16xf32>
        %min3A_1744 = arith.minimumf %min3A_1739, %min3A_1741 : vector<16xf32>
        %max3A_1745 = arith.maximumf %min3A_1739, %min3A_1741 : vector<16xf32>
        %min3A_1746 = arith.minimumf %min3A_1742, %min3A_1744 : vector<16xf32>
        %max3A_1747 = arith.maximumf %min3A_1742, %min3A_1744 : vector<16xf32>
        %min3A_1748 = arith.minimumf %max3A_1743, %max3A_1745 : vector<16xf32>
        %max3A_1749 = arith.maximumf %max3A_1743, %max3A_1745 : vector<16xf32>
        scf.yield %max3A_1676, %min3A_1677, %max3A_1678, %min3A_1679, %min3A_1688, %max3A_1689, %min3A_1690, %max3A_1691, %max3A_1734, %min3A_1735, %max3A_1736, %min3A_1737, %min3A_1746, %max3A_1747, %min3A_1748, %max3A_1749 : vector<16xf32>, vector<16xf32>, vector<16xf32>, vector<16xf32>, vector<16xf32>, vector<16xf32>, vector<16xf32>, vector<16xf32>, vector<16xf32>, vector<16xf32>, vector<16xf32>, vector<16xf32>, vector<16xf32>, vector<16xf32>, vector<16xf32>, vector<16xf32>
      }
      %scan3A_846 = arith.constant 16 : i32
      %masked_sort3A_847 = arith.constant dense<true> : vector<16xi1>
      %masked_sort3A_848, %masked_sort3A_849, %masked_sort3A_850 = tpu.sort %scan3A_845#0, %scan3A_845#0 masked %masked_sort3A_847 {descending = true} : (vector<16xf32>, vector<16xf32>, vector<16xi1>) -> (vector<16xi1>, vector<16xf32>, vector<16xf32>)
      %masked_sort3A_851 = arith.constant dense<true> : vector<16xi1>
      %masked_sort3A_852, %masked_sort3A_853, %masked_sort3A_854 = tpu.sort %scan3A_845#1, %scan3A_845#1 masked %masked_sort3A_851 : (vector<16xf32>, vector<16xf32>, vector<16xi1>) -> (vector<16xi1>, vector<16xf32>, vector<16xf32>)
      %max3A_855 = arith.maximumf %masked_sort3A_849, %masked_sort3A_853 : vector<16xf32>
      %masked_sort3A_856 = arith.constant dense<true> : vector<16xi1>
      %masked_sort3A_857, %masked_sort3A_858, %masked_sort3A_859 = tpu.sort %scan3A_845#2, %scan3A_845#2 masked %masked_sort3A_856 {descending = true} : (vector<16xf32>, vector<16xf32>, vector<16xi1>) -> (vector<16xi1>, vector<16xf32>, vector<16xf32>)
      %masked_sort3A_860 = arith.constant dense<true> : vector<16xi1>
      %masked_sort3A_861, %masked_sort3A_862, %masked_sort3A_863 = tpu.sort %scan3A_845#3, %scan3A_845#3 masked %masked_sort3A_860 : (vector<16xf32>, vector<16xf32>, vector<16xi1>) -> (vector<16xi1>, vector<16xf32>, vector<16xf32>)
      %max3A_864 = arith.maximumf %masked_sort3A_858, %masked_sort3A_862 : vector<16xf32>
      %masked_sort3A_865 = arith.constant dense<true> : vector<16xi1>
      %masked_sort3A_866, %masked_sort3A_867, %masked_sort3A_868 = tpu.sort %max3A_855, %max3A_855 masked %masked_sort3A_865 {descending = true} : (vector<16xf32>, vector<16xf32>, vector<16xi1>) -> (vector<16xi1>, vector<16xf32>, vector<16xf32>)
      %masked_sort3A_869 = arith.constant dense<true> : vector<16xi1>
      %masked_sort3A_870, %masked_sort3A_871, %masked_sort3A_872 = tpu.sort %max3A_864, %max3A_864 masked %masked_sort3A_869 : (vector<16xf32>, vector<16xf32>, vector<16xi1>) -> (vector<16xi1>, vector<16xf32>, vector<16xf32>)
      %max3A_873 = arith.maximumf %masked_sort3A_867, %masked_sort3A_871 : vector<16xf32>
      %masked_sort3A_874 = arith.constant dense<true> : vector<16xi1>
      %masked_sort3A_875, %masked_sort3A_876, %masked_sort3A_877 = tpu.sort %max3A_873, %max3A_873 masked %masked_sort3A_874 {descending = true} : (vector<16xf32>, vector<16xf32>, vector<16xi1>) -> (vector<16xi1>, vector<16xf32>, vector<16xf32>)
      %lt3A_878 = arith.constant 4 : i32
      %lt3A_879 = vector.broadcast %lt3A_878 : i32 to vector<16xi32>
      %lt3A_880 = arith.cmpi slt, %iota3A, %lt3A_879 : vector<16xi32>
      %jit3A_881 = arith.constant 0.000000e+00 : f32
      %broadcast_in_dim3A_882 = vector.broadcast %jit3A_881 : f32 to vector<16xf32>
      %select_n3A_883 = arith.select %lt3A_880, %masked_sort3A_876, %broadcast_in_dim3A_882 : vector<16xi1>, vector<16xf32>
      %reduce_sum3A_884 = arith.constant true
      %reduce_sum3A_885 = vector.broadcast %reduce_sum3A_884 : i1 to vector<16xi1>
      %reduce_sum3A_886 = tpu.scan <sum>, %select_n3A_883 masked %reduce_sum3A_885 : vector<16xf32>, vector<16xi1> -> vector<16xf32>
      %reduce_sum3A_887 = vector.extract %reduce_sum3A_886[15] : f32 from vector<16xf32>
      %masked_sort3A_888 = arith.constant dense<true> : vector<16xi1>
      %masked_sort3A_889, %masked_sort3A_890, %masked_sort3A_891 = tpu.sort %scan3A_845#4, %scan3A_845#4 masked %masked_sort3A_888 : (vector<16xf32>, vector<16xf32>, vector<16xi1>) -> (vector<16xi1>, vector<16xf32>, vector<16xf32>)
      %masked_sort3A_892 = arith.constant dense<true> : vector<16xi1>
      %masked_sort3A_893, %masked_sort3A_894, %masked_sort3A_895 = tpu.sort %scan3A_845#5, %scan3A_845#5 masked %masked_sort3A_892 {descending = true} : (vector<16xf32>, vector<16xf32>, vector<16xi1>) -> (vector<16xi1>, vector<16xf32>, vector<16xf32>)
      %min3A_896 = arith.minimumf %masked_sort3A_890, %masked_sort3A_894 : vector<16xf32>
      %masked_sort3A_897 = arith.constant dense<true> : vector<16xi1>
      %masked_sort3A_898, %masked_sort3A_899, %masked_sort3A_900 = tpu.sort %scan3A_845#6, %scan3A_845#6 masked %masked_sort3A_897 : (vector<16xf32>, vector<16xf32>, vector<16xi1>) -> (vector<16xi1>, vector<16xf32>, vector<16xf32>)
      %masked_sort3A_901 = arith.constant dense<true> : vector<16xi1>
      %masked_sort3A_902, %masked_sort3A_903, %masked_sort3A_904 = tpu.sort %scan3A_845#7, %scan3A_845#7 masked %masked_sort3A_901 {descending = true} : (vector<16xf32>, vector<16xf32>, vector<16xi1>) -> (vector<16xi1>, vector<16xf32>, vector<16xf32>)
      %min3A_905 = arith.minimumf %masked_sort3A_899, %masked_sort3A_903 : vector<16xf32>
      %masked_sort3A_906 = arith.constant dense<true> : vector<16xi1>
      %masked_sort3A_907, %masked_sort3A_908, %masked_sort3A_909 = tpu.sort %min3A_896, %min3A_896 masked %masked_sort3A_906 : (vector<16xf32>, vector<16xf32>, vector<16xi1>) -> (vector<16xi1>, vector<16xf32>, vector<16xf32>)
      %masked_sort3A_910 = arith.constant dense<true> : vector<16xi1>
      %masked_sort3A_911, %masked_sort3A_912, %masked_sort3A_913 = tpu.sort %min3A_905, %min3A_905 masked %masked_sort3A_910 {descending = true} : (vector<16xf32>, vector<16xf32>, vector<16xi1>) -> (vector<16xi1>, vector<16xf32>, vector<16xf32>)
      %min3A_914 = arith.minimumf %masked_sort3A_908, %masked_sort3A_912 : vector<16xf32>
      %masked_sort3A_915 = arith.constant dense<true> : vector<16xi1>
      %masked_sort3A_916, %masked_sort3A_917, %masked_sort3A_918 = tpu.sort %min3A_914, %min3A_914 masked %masked_sort3A_915 : (vector<16xf32>, vector<16xf32>, vector<16xi1>) -> (vector<16xi1>, vector<16xf32>, vector<16xf32>)
      %lt3A_919 = arith.constant 4 : i32
      %lt3A_920 = vector.broadcast %lt3A_919 : i32 to vector<16xi32>
      %lt3A_921 = arith.cmpi slt, %iota3A, %lt3A_920 : vector<16xi32>
      %jit3A_922 = arith.constant 0.000000e+00 : f32
      %broadcast_in_dim3A_923 = vector.broadcast %jit3A_922 : f32 to vector<16xf32>
      %select_n3A_924 = arith.select %lt3A_921, %masked_sort3A_917, %broadcast_in_dim3A_923 : vector<16xi1>, vector<16xf32>
      %reduce_sum3A_925 = arith.constant true
      %reduce_sum3A_926 = vector.broadcast %reduce_sum3A_925 : i1 to vector<16xi1>
      %reduce_sum3A_927 = tpu.scan <sum>, %select_n3A_924 masked %reduce_sum3A_926 : vector<16xf32>, vector<16xi1> -> vector<16xf32>
      %reduce_sum3A_928 = vector.extract %reduce_sum3A_927[15] : f32 from vector<16xf32>
      %add3A_929 = arith.addf %reduce_sum3A_887, %reduce_sum3A_928 : f32
      %mul3A_930 = arith.constant 2.500000e-01 : f32
      %mul3A_931 = arith.mulf %add3A_929, %mul3A_930 : f32
      %masked_sort3A_932 = arith.constant dense<true> : vector<16xi1>
      %masked_sort3A_933, %masked_sort3A_934, %masked_sort3A_935 = tpu.sort %scan3A_845#8, %scan3A_845#8 masked %masked_sort3A_932 {descending = true} : (vector<16xf32>, vector<16xf32>, vector<16xi1>) -> (vector<16xi1>, vector<16xf32>, vector<16xf32>)
      %masked_sort3A_936 = arith.constant dense<true> : vector<16xi1>
      %masked_sort3A_937, %masked_sort3A_938, %masked_sort3A_939 = tpu.sort %scan3A_845#9, %scan3A_845#9 masked %masked_sort3A_936 : (vector<16xf32>, vector<16xf32>, vector<16xi1>) -> (vector<16xi1>, vector<16xf32>, vector<16xf32>)
      %max3A_940 = arith.maximumf %masked_sort3A_934, %masked_sort3A_938 : vector<16xf32>
      %masked_sort3A_941 = arith.constant dense<true> : vector<16xi1>
      %masked_sort3A_942, %masked_sort3A_943, %masked_sort3A_944 = tpu.sort %scan3A_845#10, %scan3A_845#10 masked %masked_sort3A_941 {descending = true} : (vector<16xf32>, vector<16xf32>, vector<16xi1>) -> (vector<16xi1>, vector<16xf32>, vector<16xf32>)
      %masked_sort3A_945 = arith.constant dense<true> : vector<16xi1>
      %masked_sort3A_946, %masked_sort3A_947, %masked_sort3A_948 = tpu.sort %scan3A_845#11, %scan3A_845#11 masked %masked_sort3A_945 : (vector<16xf32>, vector<16xf32>, vector<16xi1>) -> (vector<16xi1>, vector<16xf32>, vector<16xf32>)
      %max3A_949 = arith.maximumf %masked_sort3A_943, %masked_sort3A_947 : vector<16xf32>
      %masked_sort3A_950 = arith.constant dense<true> : vector<16xi1>
      %masked_sort3A_951, %masked_sort3A_952, %masked_sort3A_953 = tpu.sort %max3A_940, %max3A_940 masked %masked_sort3A_950 {descending = true} : (vector<16xf32>, vector<16xf32>, vector<16xi1>) -> (vector<16xi1>, vector<16xf32>, vector<16xf32>)
      %masked_sort3A_954 = arith.constant dense<true> : vector<16xi1>
      %masked_sort3A_955, %masked_sort3A_956, %masked_sort3A_957 = tpu.sort %max3A_949, %max3A_949 masked %masked_sort3A_954 : (vector<16xf32>, vector<16xf32>, vector<16xi1>) -> (vector<16xi1>, vector<16xf32>, vector<16xf32>)
      %max3A_958 = arith.maximumf %masked_sort3A_952, %masked_sort3A_956 : vector<16xf32>
      %masked_sort3A_959 = arith.constant dense<true> : vector<16xi1>
      %masked_sort3A_960, %masked_sort3A_961, %masked_sort3A_962 = tpu.sort %max3A_958, %max3A_958 masked %masked_sort3A_959 {descending = true} : (vector<16xf32>, vector<16xf32>, vector<16xi1>) -> (vector<16xi1>, vector<16xf32>, vector<16xf32>)
      %lt3A_963 = arith.constant 4 : i32
      %lt3A_964 = vector.broadcast %lt3A_963 : i32 to vector<16xi32>
      %lt3A_965 = arith.cmpi slt, %iota3A, %lt3A_964 : vector<16xi32>
      %jit3A_966 = arith.constant 0.000000e+00 : f32
      %broadcast_in_dim3A_967 = vector.broadcast %jit3A_966 : f32 to vector<16xf32>
      %select_n3A_968 = arith.select %lt3A_965, %masked_sort3A_961, %broadcast_in_dim3A_967 : vector<16xi1>, vector<16xf32>
      %reduce_sum3A_969 = arith.constant true
      %reduce_sum3A_970 = vector.broadcast %reduce_sum3A_969 : i1 to vector<16xi1>
      %reduce_sum3A_971 = tpu.scan <sum>, %select_n3A_968 masked %reduce_sum3A_970 : vector<16xf32>, vector<16xi1> -> vector<16xf32>
      %reduce_sum3A_972 = vector.extract %reduce_sum3A_971[15] : f32 from vector<16xf32>
      %masked_sort3A_973 = arith.constant dense<true> : vector<16xi1>
      %masked_sort3A_974, %masked_sort3A_975, %masked_sort3A_976 = tpu.sort %scan3A_845#12, %scan3A_845#12 masked %masked_sort3A_973 : (vector<16xf32>, vector<16xf32>, vector<16xi1>) -> (vector<16xi1>, vector<16xf32>, vector<16xf32>)
      %masked_sort3A_977 = arith.constant dense<true> : vector<16xi1>
      %masked_sort3A_978, %masked_sort3A_979, %masked_sort3A_980 = tpu.sort %scan3A_845#13, %scan3A_845#13 masked %masked_sort3A_977 {descending = true} : (vector<16xf32>, vector<16xf32>, vector<16xi1>) -> (vector<16xi1>, vector<16xf32>, vector<16xf32>)
      %min3A_981 = arith.minimumf %masked_sort3A_975, %masked_sort3A_979 : vector<16xf32>
      %masked_sort3A_982 = arith.constant dense<true> : vector<16xi1>
      %masked_sort3A_983, %masked_sort3A_984, %masked_sort3A_985 = tpu.sort %scan3A_845#14, %scan3A_845#14 masked %masked_sort3A_982 : (vector<16xf32>, vector<16xf32>, vector<16xi1>) -> (vector<16xi1>, vector<16xf32>, vector<16xf32>)
      %masked_sort3A_986 = arith.constant dense<true> : vector<16xi1>
      %masked_sort3A_987, %masked_sort3A_988, %masked_sort3A_989 = tpu.sort %scan3A_845#15, %scan3A_845#15 masked %masked_sort3A_986 {descending = true} : (vector<16xf32>, vector<16xf32>, vector<16xi1>) -> (vector<16xi1>, vector<16xf32>, vector<16xf32>)
      %min3A_990 = arith.minimumf %masked_sort3A_984, %masked_sort3A_988 : vector<16xf32>
      %masked_sort3A_991 = arith.constant dense<true> : vector<16xi1>
      %masked_sort3A_992, %masked_sort3A_993, %masked_sort3A_994 = tpu.sort %min3A_981, %min3A_981 masked %masked_sort3A_991 : (vector<16xf32>, vector<16xf32>, vector<16xi1>) -> (vector<16xi1>, vector<16xf32>, vector<16xf32>)
      %masked_sort3A_995 = arith.constant dense<true> : vector<16xi1>
      %masked_sort3A_996, %masked_sort3A_997, %masked_sort3A_998 = tpu.sort %min3A_990, %min3A_990 masked %masked_sort3A_995 {descending = true} : (vector<16xf32>, vector<16xf32>, vector<16xi1>) -> (vector<16xi1>, vector<16xf32>, vector<16xf32>)
      %min3A_999 = arith.minimumf %masked_sort3A_993, %masked_sort3A_997 : vector<16xf32>
      %masked_sort3A_1000 = arith.constant dense<true> : vector<16xi1>
      %masked_sort3A_1001, %masked_sort3A_1002, %masked_sort3A_1003 = tpu.sort %min3A_999, %min3A_999 masked %masked_sort3A_1000 : (vector<16xf32>, vector<16xf32>, vector<16xi1>) -> (vector<16xi1>, vector<16xf32>, vector<16xf32>)
      %lt3A_1004 = arith.constant 4 : i32
      %lt3A_1005 = vector.broadcast %lt3A_1004 : i32 to vector<16xi32>
      %lt3A_1006 = arith.cmpi slt, %iota3A, %lt3A_1005 : vector<16xi32>
      %jit3A_1007 = arith.constant 0.000000e+00 : f32
      %broadcast_in_dim3A_1008 = vector.broadcast %jit3A_1007 : f32 to vector<16xf32>
      %select_n3A_1009 = arith.select %lt3A_1006, %masked_sort3A_1002, %broadcast_in_dim3A_1008 : vector<16xi1>, vector<16xf32>
      %reduce_sum3A_1010 = arith.constant true
      %reduce_sum3A_1011 = vector.broadcast %reduce_sum3A_1010 : i1 to vector<16xi1>
      %reduce_sum3A_1012 = tpu.scan <sum>, %select_n3A_1009 masked %reduce_sum3A_1011 : vector<16xf32>, vector<16xi1> -> vector<16xf32>
      %reduce_sum3A_1013 = vector.extract %reduce_sum3A_1012[15] : f32 from vector<16xf32>
      %add3A_1014 = arith.addf %reduce_sum3A_972, %reduce_sum3A_1013 : f32
      %mul3A_1015 = arith.constant 2.500000e-01 : f32
      %mul3A_1016 = arith.mulf %add3A_1014, %mul3A_1015 : f32
      %add3A_1017 = arith.constant 0 : i32
      %add3A_1018 = arith.addi %mul3A_836, %add3A_1017 : i32
      %eq3A_1019 = vector.broadcast %add3A_1018 : i32 to vector<16xi32>
      %eq3A_1020 = arith.cmpi eq, %iota3A, %eq3A_1019 : vector<16xi32>
      %broadcast_in_dim3A_1021 = vector.broadcast %mul3A_931 : f32 to vector<16xf32>
      %select_n3A_1022 = arith.select %eq3A_1020, %broadcast_in_dim3A_1021, %select_n3A_813 : vector<16xi1>, vector<16xf32>
      %add3A_1023 = arith.constant 0 : i32
      %add3A_1024 = arith.addi %mul3A_836, %add3A_1023 : i32
      %add3A_1025 = arith.constant 1 : i32
      %add3A_1026 = arith.addi %add3A_1024, %add3A_1025 : i32
      %eq3A_1027 = vector.broadcast %add3A_1026 : i32 to vector<16xi32>
      %eq3A_1028 = arith.cmpi eq, %iota3A, %eq3A_1027 : vector<16xi32>
      %broadcast_in_dim3A_1029 = vector.broadcast %mul3A_1016 : f32 to vector<16xf32>
      %select_n3A_1030 = arith.select %eq3A_1028, %broadcast_in_dim3A_1029, %select_n3A_1022 : vector<16xi1>, vector<16xf32>
      %broadcast_in_dim3A_1031 = arith.constant 0xFF800000 : f32
      %broadcast_in_dim3A_1032 = vector.broadcast %broadcast_in_dim3A_1031 : f32 to vector<16xf32>
      %broadcast_in_dim3A_1033 = arith.constant 0x7F800000 : f32
      %broadcast_in_dim3A_1034 = vector.broadcast %broadcast_in_dim3A_1033 : f32 to vector<16xf32>
      %scan3A_1035 = arith.constant 0 : i32
      %scan3A_1036 = arith.constant 16 : i32
      %scan3A_1037 = arith.addi %scan3A_1035, %scan3A_1036 : i32
      %scan3A_1038 = arith.constant 1 : i32
      %scan3A_1039:16 = scf.for %scan3A_1616 = %scan3A_1035 to %scan3A_1037 step %scan3A_1038 iter_args(%scan3A_1617 = %broadcast_in_dim3A_1032, %scan3A_1618 = %broadcast_in_dim3A_1032, %scan3A_1619 = %broadcast_in_dim3A_1032, %scan3A_1620 = %broadcast_in_dim3A_1032, %scan3A_1621 = %broadcast_in_dim3A_1034, %scan3A_1622 = %broadcast_in_dim3A_1034, %scan3A_1623 = %broadcast_in_dim3A_1034, %scan3A_1624 = %broadcast_in_dim3A_1034, %scan3A_1625 = %broadcast_in_dim3A_1032, %scan3A_1626 = %broadcast_in_dim3A_1032, %scan3A_1627 = %broadcast_in_dim3A_1032, %scan3A_1628 = %broadcast_in_dim3A_1032, %scan3A_1629 = %broadcast_in_dim3A_1034, %scan3A_1630 = %broadcast_in_dim3A_1034, %scan3A_1631 = %broadcast_in_dim3A_1034, %scan3A_1632 = %broadcast_in_dim3A_1034) -> (vector<16xf32>, vector<16xf32>, vector<16xf32>, vector<16xf32>, vector<16xf32>, vector<16xf32>, vector<16xf32>, vector<16xf32>, vector<16xf32>, vector<16xf32>, vector<16xf32>, vector<16xf32>, vector<16xf32>, vector<16xf32>, vector<16xf32>, vector<16xf32>)  : i32 {
        %mul3A_1633 = arith.constant 2 : i32
        %mul3A_1634 = arith.muli %scan3A_1616, %mul3A_1633 : i32
        %get3A = arith.constant 2 : i32
        %get3A_1635 = arith.index_cast %get3A : i32 to index
        %get3A_1636 = arith.index_cast %mul3A_1634 : i32 to index
        %get3A_1637 = arith.constant 0 : index
        %get3A_1638 = tpu.vector_load %arg5[%get3A_1635, %get3A_1636, %get3A_1637] {strides = array<i32>} : memref<8x32x32xf32, #tpu.memory_space<vmem>>, vector<16xf32>,
        %get3A_1639 = arith.constant 2 : i32
        %get3A_1640 = arith.index_cast %get3A_1639 : i32 to index
        %get3A_1641 = arith.index_cast %mul3A_1634 : i32 to index
        %get3A_1642 = arith.constant 16 : index
        %get3A_1643 = tpu.vector_load %arg5[%get3A_1640, %get3A_1641, %get3A_1642] {strides = array<i32>} : memref<8x32x32xf32, #tpu.memory_space<vmem>>, vector<16xf32>,
        %add3A_1644 = arith.constant 1 : i32
        %add3A_1645 = arith.addi %mul3A_1634, %add3A_1644 : i32
        %get3A_1646 = arith.constant 2 : i32
        %get3A_1647 = arith.index_cast %get3A_1646 : i32 to index
        %get3A_1648 = arith.index_cast %add3A_1645 : i32 to index
        %get3A_1649 = arith.constant 0 : index
        %get3A_1650 = tpu.vector_load %arg5[%get3A_1647, %get3A_1648, %get3A_1649] {strides = array<i32>} : memref<8x32x32xf32, #tpu.memory_space<vmem>>, vector<16xf32>,
        %add3A_1651 = arith.constant 1 : i32
        %add3A_1652 = arith.addi %mul3A_1634, %add3A_1651 : i32
        %get3A_1653 = arith.constant 2 : i32
        %get3A_1654 = arith.index_cast %get3A_1653 : i32 to index
        %get3A_1655 = arith.index_cast %add3A_1652 : i32 to index
        %get3A_1656 = arith.constant 16 : index
        %get3A_1657 = tpu.vector_load %arg5[%get3A_1654, %get3A_1655, %get3A_1656] {strides = array<i32>} : memref<8x32x32xf32, #tpu.memory_space<vmem>>, vector<16xf32>,
        %max3A_1658 = arith.maximumf %get3A_1638, %get3A_1643 : vector<16xf32>
        %min3A_1659 = arith.minimumf %get3A_1638, %get3A_1643 : vector<16xf32>
        %max3A_1660 = arith.maximumf %get3A_1650, %get3A_1657 : vector<16xf32>
        %min3A_1661 = arith.minimumf %get3A_1650, %get3A_1657 : vector<16xf32>
        %max3A_1662 = arith.maximumf %max3A_1658, %max3A_1660 : vector<16xf32>
        %min3A_1663 = arith.minimumf %max3A_1658, %max3A_1660 : vector<16xf32>
        %max3A_1664 = arith.maximumf %min3A_1659, %min3A_1661 : vector<16xf32>
        %min3A_1665 = arith.minimumf %min3A_1659, %min3A_1661 : vector<16xf32>
        %max3A_1666 = arith.maximumf %max3A_1664, %min3A_1663 : vector<16xf32>
        %min3A_1667 = arith.minimumf %max3A_1664, %min3A_1663 : vector<16xf32>
        %max3A_1668 = arith.maximumf %scan3A_1617, %min3A_1665 : vector<16xf32>
        %max3A_1669 = arith.maximumf %scan3A_1618, %min3A_1667 : vector<16xf32>
        %max3A_1670 = arith.maximumf %scan3A_1619, %max3A_1666 : vector<16xf32>
        %max3A_1671 = arith.maximumf %scan3A_1620, %max3A_1662 : vector<16xf32>
        %max3A_1672 = arith.maximumf %max3A_1668, %max3A_1670 : vector<16xf32>
        %min3A_1673 = arith.minimumf %max3A_1668, %max3A_1670 : vector<16xf32>
        %max3A_1674 = arith.maximumf %max3A_1669, %max3A_1671 : vector<16xf32>
        %min3A_1675 = arith.minimumf %max3A_1669, %max3A_1671 : vector<16xf32>
        %max3A_1676 = arith.maximumf %max3A_1672, %max3A_1674 : vector<16xf32>
        %min3A_1677 = arith.minimumf %max3A_1672, %max3A_1674 : vector<16xf32>
        %max3A_1678 = arith.maximumf %min3A_1673, %min3A_1675 : vector<16xf32>
        %min3A_1679 = arith.minimumf %min3A_1673, %min3A_1675 : vector<16xf32>
        %min3A_1680 = arith.minimumf %scan3A_1621, %max3A_1662 : vector<16xf32>
        %min3A_1681 = arith.minimumf %scan3A_1622, %max3A_1666 : vector<16xf32>
        %min3A_1682 = arith.minimumf %scan3A_1623, %min3A_1667 : vector<16xf32>
        %min3A_1683 = arith.minimumf %scan3A_1624, %min3A_1665 : vector<16xf32>
        %min3A_1684 = arith.minimumf %min3A_1680, %min3A_1682 : vector<16xf32>
        %max3A_1685 = arith.maximumf %min3A_1680, %min3A_1682 : vector<16xf32>
        %min3A_1686 = arith.minimumf %min3A_1681, %min3A_1683 : vector<16xf32>
        %max3A_1687 = arith.maximumf %min3A_1681, %min3A_1683 : vector<16xf32>
        %min3A_1688 = arith.minimumf %min3A_1684, %min3A_1686 : vector<16xf32>
        %max3A_1689 = arith.maximumf %min3A_1684, %min3A_1686 : vector<16xf32>
        %min3A_1690 = arith.minimumf %max3A_1685, %max3A_1687 : vector<16xf32>
        %max3A_1691 = arith.maximumf %max3A_1685, %max3A_1687 : vector<16xf32>
        %get3A_1692 = arith.constant 3 : i32
        %get3A_1693 = arith.index_cast %get3A_1692 : i32 to index
        %get3A_1694 = arith.index_cast %mul3A_1634 : i32 to index
        %get3A_1695 = arith.constant 0 : index
        %get3A_1696 = tpu.vector_load %arg5[%get3A_1693, %get3A_1694, %get3A_1695] {strides = array<i32>} : memref<8x32x32xf32, #tpu.memory_space<vmem>>, vector<16xf32>,
        %get3A_1697 = arith.constant 3 : i32
        %get3A_1698 = arith.index_cast %get3A_1697 : i32 to index
        %get3A_1699 = arith.index_cast %mul3A_1634 : i32 to index
        %get3A_1700 = arith.constant 16 : index
        %get3A_1701 = tpu.vector_load %arg5[%get3A_1698, %get3A_1699, %get3A_1700] {strides = array<i32>} : memref<8x32x32xf32, #tpu.memory_space<vmem>>, vector<16xf32>,
        %add3A_1702 = arith.constant 1 : i32
        %add3A_1703 = arith.addi %mul3A_1634, %add3A_1702 : i32
        %get3A_1704 = arith.constant 3 : i32
        %get3A_1705 = arith.index_cast %get3A_1704 : i32 to index
        %get3A_1706 = arith.index_cast %add3A_1703 : i32 to index
        %get3A_1707 = arith.constant 0 : index
        %get3A_1708 = tpu.vector_load %arg5[%get3A_1705, %get3A_1706, %get3A_1707] {strides = array<i32>} : memref<8x32x32xf32, #tpu.memory_space<vmem>>, vector<16xf32>,
        %add3A_1709 = arith.constant 1 : i32
        %add3A_1710 = arith.addi %mul3A_1634, %add3A_1709 : i32
        %get3A_1711 = arith.constant 3 : i32
        %get3A_1712 = arith.index_cast %get3A_1711 : i32 to index
        %get3A_1713 = arith.index_cast %add3A_1710 : i32 to index
        %get3A_1714 = arith.constant 16 : index
        %get3A_1715 = tpu.vector_load %arg5[%get3A_1712, %get3A_1713, %get3A_1714] {strides = array<i32>} : memref<8x32x32xf32, #tpu.memory_space<vmem>>, vector<16xf32>,
        %max3A_1716 = arith.maximumf %get3A_1696, %get3A_1701 : vector<16xf32>
        %min3A_1717 = arith.minimumf %get3A_1696, %get3A_1701 : vector<16xf32>
        %max3A_1718 = arith.maximumf %get3A_1708, %get3A_1715 : vector<16xf32>
        %min3A_1719 = arith.minimumf %get3A_1708, %get3A_1715 : vector<16xf32>
        %max3A_1720 = arith.maximumf %max3A_1716, %max3A_1718 : vector<16xf32>
        %min3A_1721 = arith.minimumf %max3A_1716, %max3A_1718 : vector<16xf32>
        %max3A_1722 = arith.maximumf %min3A_1717, %min3A_1719 : vector<16xf32>
        %min3A_1723 = arith.minimumf %min3A_1717, %min3A_1719 : vector<16xf32>
        %max3A_1724 = arith.maximumf %max3A_1722, %min3A_1721 : vector<16xf32>
        %min3A_1725 = arith.minimumf %max3A_1722, %min3A_1721 : vector<16xf32>
        %max3A_1726 = arith.maximumf %scan3A_1625, %min3A_1723 : vector<16xf32>
        %max3A_1727 = arith.maximumf %scan3A_1626, %min3A_1725 : vector<16xf32>
        %max3A_1728 = arith.maximumf %scan3A_1627, %max3A_1724 : vector<16xf32>
        %max3A_1729 = arith.maximumf %scan3A_1628, %max3A_1720 : vector<16xf32>
        %max3A_1730 = arith.maximumf %max3A_1726, %max3A_1728 : vector<16xf32>
        %min3A_1731 = arith.minimumf %max3A_1726, %max3A_1728 : vector<16xf32>
        %max3A_1732 = arith.maximumf %max3A_1727, %max3A_1729 : vector<16xf32>
        %min3A_1733 = arith.minimumf %max3A_1727, %max3A_1729 : vector<16xf32>
        %max3A_1734 = arith.maximumf %max3A_1730, %max3A_1732 : vector<16xf32>
        %min3A_1735 = arith.minimumf %max3A_1730, %max3A_1732 : vector<16xf32>
        %max3A_1736 = arith.maximumf %min3A_1731, %min3A_1733 : vector<16xf32>
        %min3A_1737 = arith.minimumf %min3A_1731, %min3A_1733 : vector<16xf32>
        %min3A_1738 = arith.minimumf %scan3A_1629, %max3A_1720 : vector<16xf32>
        %min3A_1739 = arith.minimumf %scan3A_1630, %max3A_1724 : vector<16xf32>
        %min3A_1740 = arith.minimumf %scan3A_1631, %min3A_1725 : vector<16xf32>
        %min3A_1741 = arith.minimumf %scan3A_1632, %min3A_1723 : vector<16xf32>
        %min3A_1742 = arith.minimumf %min3A_1738, %min3A_1740 : vector<16xf32>
        %max3A_1743 = arith.maximumf %min3A_1738, %min3A_1740 : vector<16xf32>
        %min3A_1744 = arith.minimumf %min3A_1739, %min3A_1741 : vector<16xf32>
        %max3A_1745 = arith.maximumf %min3A_1739, %min3A_1741 : vector<16xf32>
        %min3A_1746 = arith.minimumf %min3A_1742, %min3A_1744 : vector<16xf32>
        %max3A_1747 = arith.maximumf %min3A_1742, %min3A_1744 : vector<16xf32>
        %min3A_1748 = arith.minimumf %max3A_1743, %max3A_1745 : vector<16xf32>
        %max3A_1749 = arith.maximumf %max3A_1743, %max3A_1745 : vector<16xf32>
        scf.yield %max3A_1676, %min3A_1677, %max3A_1678, %min3A_1679, %min3A_1688, %max3A_1689, %min3A_1690, %max3A_1691, %max3A_1734, %min3A_1735, %max3A_1736, %min3A_1737, %min3A_1746, %max3A_1747, %min3A_1748, %max3A_1749 : vector<16xf32>, vector<16xf32>, vector<16xf32>, vector<16xf32>, vector<16xf32>, vector<16xf32>, vector<16xf32>, vector<16xf32>, vector<16xf32>, vector<16xf32>, vector<16xf32>, vector<16xf32>, vector<16xf32>, vector<16xf32>, vector<16xf32>, vector<16xf32>
      }
      %scan3A_1040 = arith.constant 16 : i32
      %masked_sort3A_1041 = arith.constant dense<true> : vector<16xi1>
      %masked_sort3A_1042, %masked_sort3A_1043, %masked_sort3A_1044 = tpu.sort %scan3A_1039#0, %scan3A_1039#0 masked %masked_sort3A_1041 {descending = true} : (vector<16xf32>, vector<16xf32>, vector<16xi1>) -> (vector<16xi1>, vector<16xf32>, vector<16xf32>)
      %masked_sort3A_1045 = arith.constant dense<true> : vector<16xi1>
      %masked_sort3A_1046, %masked_sort3A_1047, %masked_sort3A_1048 = tpu.sort %scan3A_1039#1, %scan3A_1039#1 masked %masked_sort3A_1045 : (vector<16xf32>, vector<16xf32>, vector<16xi1>) -> (vector<16xi1>, vector<16xf32>, vector<16xf32>)
      %max3A_1049 = arith.maximumf %masked_sort3A_1043, %masked_sort3A_1047 : vector<16xf32>
      %masked_sort3A_1050 = arith.constant dense<true> : vector<16xi1>
      %masked_sort3A_1051, %masked_sort3A_1052, %masked_sort3A_1053 = tpu.sort %scan3A_1039#2, %scan3A_1039#2 masked %masked_sort3A_1050 {descending = true} : (vector<16xf32>, vector<16xf32>, vector<16xi1>) -> (vector<16xi1>, vector<16xf32>, vector<16xf32>)
      %masked_sort3A_1054 = arith.constant dense<true> : vector<16xi1>
      %masked_sort3A_1055, %masked_sort3A_1056, %masked_sort3A_1057 = tpu.sort %scan3A_1039#3, %scan3A_1039#3 masked %masked_sort3A_1054 : (vector<16xf32>, vector<16xf32>, vector<16xi1>) -> (vector<16xi1>, vector<16xf32>, vector<16xf32>)
      %max3A_1058 = arith.maximumf %masked_sort3A_1052, %masked_sort3A_1056 : vector<16xf32>
      %masked_sort3A_1059 = arith.constant dense<true> : vector<16xi1>
      %masked_sort3A_1060, %masked_sort3A_1061, %masked_sort3A_1062 = tpu.sort %max3A_1049, %max3A_1049 masked %masked_sort3A_1059 {descending = true} : (vector<16xf32>, vector<16xf32>, vector<16xi1>) -> (vector<16xi1>, vector<16xf32>, vector<16xf32>)
      %masked_sort3A_1063 = arith.constant dense<true> : vector<16xi1>
      %masked_sort3A_1064, %masked_sort3A_1065, %masked_sort3A_1066 = tpu.sort %max3A_1058, %max3A_1058 masked %masked_sort3A_1063 : (vector<16xf32>, vector<16xf32>, vector<16xi1>) -> (vector<16xi1>, vector<16xf32>, vector<16xf32>)
      %max3A_1067 = arith.maximumf %masked_sort3A_1061, %masked_sort3A_1065 : vector<16xf32>
      %masked_sort3A_1068 = arith.constant dense<true> : vector<16xi1>
      %masked_sort3A_1069, %masked_sort3A_1070, %masked_sort3A_1071 = tpu.sort %max3A_1067, %max3A_1067 masked %masked_sort3A_1068 {descending = true} : (vector<16xf32>, vector<16xf32>, vector<16xi1>) -> (vector<16xi1>, vector<16xf32>, vector<16xf32>)
      %lt3A_1072 = arith.constant 4 : i32
      %lt3A_1073 = vector.broadcast %lt3A_1072 : i32 to vector<16xi32>
      %lt3A_1074 = arith.cmpi slt, %iota3A, %lt3A_1073 : vector<16xi32>
      %jit3A_1075 = arith.constant 0.000000e+00 : f32
      %broadcast_in_dim3A_1076 = vector.broadcast %jit3A_1075 : f32 to vector<16xf32>
      %select_n3A_1077 = arith.select %lt3A_1074, %masked_sort3A_1070, %broadcast_in_dim3A_1076 : vector<16xi1>, vector<16xf32>
      %reduce_sum3A_1078 = arith.constant true
      %reduce_sum3A_1079 = vector.broadcast %reduce_sum3A_1078 : i1 to vector<16xi1>
      %reduce_sum3A_1080 = tpu.scan <sum>, %select_n3A_1077 masked %reduce_sum3A_1079 : vector<16xf32>, vector<16xi1> -> vector<16xf32>
      %reduce_sum3A_1081 = vector.extract %reduce_sum3A_1080[15] : f32 from vector<16xf32>
      %masked_sort3A_1082 = arith.constant dense<true> : vector<16xi1>
      %masked_sort3A_1083, %masked_sort3A_1084, %masked_sort3A_1085 = tpu.sort %scan3A_1039#4, %scan3A_1039#4 masked %masked_sort3A_1082 : (vector<16xf32>, vector<16xf32>, vector<16xi1>) -> (vector<16xi1>, vector<16xf32>, vector<16xf32>)
      %masked_sort3A_1086 = arith.constant dense<true> : vector<16xi1>
      %masked_sort3A_1087, %masked_sort3A_1088, %masked_sort3A_1089 = tpu.sort %scan3A_1039#5, %scan3A_1039#5 masked %masked_sort3A_1086 {descending = true} : (vector<16xf32>, vector<16xf32>, vector<16xi1>) -> (vector<16xi1>, vector<16xf32>, vector<16xf32>)
      %min3A_1090 = arith.minimumf %masked_sort3A_1084, %masked_sort3A_1088 : vector<16xf32>
      %masked_sort3A_1091 = arith.constant dense<true> : vector<16xi1>
      %masked_sort3A_1092, %masked_sort3A_1093, %masked_sort3A_1094 = tpu.sort %scan3A_1039#6, %scan3A_1039#6 masked %masked_sort3A_1091 : (vector<16xf32>, vector<16xf32>, vector<16xi1>) -> (vector<16xi1>, vector<16xf32>, vector<16xf32>)
      %masked_sort3A_1095 = arith.constant dense<true> : vector<16xi1>
      %masked_sort3A_1096, %masked_sort3A_1097, %masked_sort3A_1098 = tpu.sort %scan3A_1039#7, %scan3A_1039#7 masked %masked_sort3A_1095 {descending = true} : (vector<16xf32>, vector<16xf32>, vector<16xi1>) -> (vector<16xi1>, vector<16xf32>, vector<16xf32>)
      %min3A_1099 = arith.minimumf %masked_sort3A_1093, %masked_sort3A_1097 : vector<16xf32>
      %masked_sort3A_1100 = arith.constant dense<true> : vector<16xi1>
      %masked_sort3A_1101, %masked_sort3A_1102, %masked_sort3A_1103 = tpu.sort %min3A_1090, %min3A_1090 masked %masked_sort3A_1100 : (vector<16xf32>, vector<16xf32>, vector<16xi1>) -> (vector<16xi1>, vector<16xf32>, vector<16xf32>)
      %masked_sort3A_1104 = arith.constant dense<true> : vector<16xi1>
      %masked_sort3A_1105, %masked_sort3A_1106, %masked_sort3A_1107 = tpu.sort %min3A_1099, %min3A_1099 masked %masked_sort3A_1104 {descending = true} : (vector<16xf32>, vector<16xf32>, vector<16xi1>) -> (vector<16xi1>, vector<16xf32>, vector<16xf32>)
      %min3A_1108 = arith.minimumf %masked_sort3A_1102, %masked_sort3A_1106 : vector<16xf32>
      %masked_sort3A_1109 = arith.constant dense<true> : vector<16xi1>
      %masked_sort3A_1110, %masked_sort3A_1111, %masked_sort3A_1112 = tpu.sort %min3A_1108, %min3A_1108 masked %masked_sort3A_1109 : (vector<16xf32>, vector<16xf32>, vector<16xi1>) -> (vector<16xi1>, vector<16xf32>, vector<16xf32>)
      %lt3A_1113 = arith.constant 4 : i32
      %lt3A_1114 = vector.broadcast %lt3A_1113 : i32 to vector<16xi32>
      %lt3A_1115 = arith.cmpi slt, %iota3A, %lt3A_1114 : vector<16xi32>
      %jit3A_1116 = arith.constant 0.000000e+00 : f32
      %broadcast_in_dim3A_1117 = vector.broadcast %jit3A_1116 : f32 to vector<16xf32>
      %select_n3A_1118 = arith.select %lt3A_1115, %masked_sort3A_1111, %broadcast_in_dim3A_1117 : vector<16xi1>, vector<16xf32>
      %reduce_sum3A_1119 = arith.constant true
      %reduce_sum3A_1120 = vector.broadcast %reduce_sum3A_1119 : i1 to vector<16xi1>
      %reduce_sum3A_1121 = tpu.scan <sum>, %select_n3A_1118 masked %reduce_sum3A_1120 : vector<16xf32>, vector<16xi1> -> vector<16xf32>
      %reduce_sum3A_1122 = vector.extract %reduce_sum3A_1121[15] : f32 from vector<16xf32>
      %add3A_1123 = arith.addf %reduce_sum3A_1081, %reduce_sum3A_1122 : f32
      %mul3A_1124 = arith.constant 2.500000e-01 : f32
      %mul3A_1125 = arith.mulf %add3A_1123, %mul3A_1124 : f32
      %masked_sort3A_1126 = arith.constant dense<true> : vector<16xi1>
      %masked_sort3A_1127, %masked_sort3A_1128, %masked_sort3A_1129 = tpu.sort %scan3A_1039#8, %scan3A_1039#8 masked %masked_sort3A_1126 {descending = true} : (vector<16xf32>, vector<16xf32>, vector<16xi1>) -> (vector<16xi1>, vector<16xf32>, vector<16xf32>)
      %masked_sort3A_1130 = arith.constant dense<true> : vector<16xi1>
      %masked_sort3A_1131, %masked_sort3A_1132, %masked_sort3A_1133 = tpu.sort %scan3A_1039#9, %scan3A_1039#9 masked %masked_sort3A_1130 : (vector<16xf32>, vector<16xf32>, vector<16xi1>) -> (vector<16xi1>, vector<16xf32>, vector<16xf32>)
      %max3A_1134 = arith.maximumf %masked_sort3A_1128, %masked_sort3A_1132 : vector<16xf32>
      %masked_sort3A_1135 = arith.constant dense<true> : vector<16xi1>
      %masked_sort3A_1136, %masked_sort3A_1137, %masked_sort3A_1138 = tpu.sort %scan3A_1039#10, %scan3A_1039#10 masked %masked_sort3A_1135 {descending = true} : (vector<16xf32>, vector<16xf32>, vector<16xi1>) -> (vector<16xi1>, vector<16xf32>, vector<16xf32>)
      %masked_sort3A_1139 = arith.constant dense<true> : vector<16xi1>
      %masked_sort3A_1140, %masked_sort3A_1141, %masked_sort3A_1142 = tpu.sort %scan3A_1039#11, %scan3A_1039#11 masked %masked_sort3A_1139 : (vector<16xf32>, vector<16xf32>, vector<16xi1>) -> (vector<16xi1>, vector<16xf32>, vector<16xf32>)
      %max3A_1143 = arith.maximumf %masked_sort3A_1137, %masked_sort3A_1141 : vector<16xf32>
      %masked_sort3A_1144 = arith.constant dense<true> : vector<16xi1>
      %masked_sort3A_1145, %masked_sort3A_1146, %masked_sort3A_1147 = tpu.sort %max3A_1134, %max3A_1134 masked %masked_sort3A_1144 {descending = true} : (vector<16xf32>, vector<16xf32>, vector<16xi1>) -> (vector<16xi1>, vector<16xf32>, vector<16xf32>)
      %masked_sort3A_1148 = arith.constant dense<true> : vector<16xi1>
      %masked_sort3A_1149, %masked_sort3A_1150, %masked_sort3A_1151 = tpu.sort %max3A_1143, %max3A_1143 masked %masked_sort3A_1148 : (vector<16xf32>, vector<16xf32>, vector<16xi1>) -> (vector<16xi1>, vector<16xf32>, vector<16xf32>)
      %max3A_1152 = arith.maximumf %masked_sort3A_1146, %masked_sort3A_1150 : vector<16xf32>
      %masked_sort3A_1153 = arith.constant dense<true> : vector<16xi1>
      %masked_sort3A_1154, %masked_sort3A_1155, %masked_sort3A_1156 = tpu.sort %max3A_1152, %max3A_1152 masked %masked_sort3A_1153 {descending = true} : (vector<16xf32>, vector<16xf32>, vector<16xi1>) -> (vector<16xi1>, vector<16xf32>, vector<16xf32>)
      %lt3A_1157 = arith.constant 4 : i32
      %lt3A_1158 = vector.broadcast %lt3A_1157 : i32 to vector<16xi32>
      %lt3A_1159 = arith.cmpi slt, %iota3A, %lt3A_1158 : vector<16xi32>
      %jit3A_1160 = arith.constant 0.000000e+00 : f32
      %broadcast_in_dim3A_1161 = vector.broadcast %jit3A_1160 : f32 to vector<16xf32>
      %select_n3A_1162 = arith.select %lt3A_1159, %masked_sort3A_1155, %broadcast_in_dim3A_1161 : vector<16xi1>, vector<16xf32>
      %reduce_sum3A_1163 = arith.constant true
      %reduce_sum3A_1164 = vector.broadcast %reduce_sum3A_1163 : i1 to vector<16xi1>
      %reduce_sum3A_1165 = tpu.scan <sum>, %select_n3A_1162 masked %reduce_sum3A_1164 : vector<16xf32>, vector<16xi1> -> vector<16xf32>
      %reduce_sum3A_1166 = vector.extract %reduce_sum3A_1165[15] : f32 from vector<16xf32>
      %masked_sort3A_1167 = arith.constant dense<true> : vector<16xi1>
      %masked_sort3A_1168, %masked_sort3A_1169, %masked_sort3A_1170 = tpu.sort %scan3A_1039#12, %scan3A_1039#12 masked %masked_sort3A_1167 : (vector<16xf32>, vector<16xf32>, vector<16xi1>) -> (vector<16xi1>, vector<16xf32>, vector<16xf32>)
      %masked_sort3A_1171 = arith.constant dense<true> : vector<16xi1>
      %masked_sort3A_1172, %masked_sort3A_1173, %masked_sort3A_1174 = tpu.sort %scan3A_1039#13, %scan3A_1039#13 masked %masked_sort3A_1171 {descending = true} : (vector<16xf32>, vector<16xf32>, vector<16xi1>) -> (vector<16xi1>, vector<16xf32>, vector<16xf32>)
      %min3A_1175 = arith.minimumf %masked_sort3A_1169, %masked_sort3A_1173 : vector<16xf32>
      %masked_sort3A_1176 = arith.constant dense<true> : vector<16xi1>
      %masked_sort3A_1177, %masked_sort3A_1178, %masked_sort3A_1179 = tpu.sort %scan3A_1039#14, %scan3A_1039#14 masked %masked_sort3A_1176 : (vector<16xf32>, vector<16xf32>, vector<16xi1>) -> (vector<16xi1>, vector<16xf32>, vector<16xf32>)
      %masked_sort3A_1180 = arith.constant dense<true> : vector<16xi1>
      %masked_sort3A_1181, %masked_sort3A_1182, %masked_sort3A_1183 = tpu.sort %scan3A_1039#15, %scan3A_1039#15 masked %masked_sort3A_1180 {descending = true} : (vector<16xf32>, vector<16xf32>, vector<16xi1>) -> (vector<16xi1>, vector<16xf32>, vector<16xf32>)
      %min3A_1184 = arith.minimumf %masked_sort3A_1178, %masked_sort3A_1182 : vector<16xf32>
      %masked_sort3A_1185 = arith.constant dense<true> : vector<16xi1>
      %masked_sort3A_1186, %masked_sort3A_1187, %masked_sort3A_1188 = tpu.sort %min3A_1175, %min3A_1175 masked %masked_sort3A_1185 : (vector<16xf32>, vector<16xf32>, vector<16xi1>) -> (vector<16xi1>, vector<16xf32>, vector<16xf32>)
      %masked_sort3A_1189 = arith.constant dense<true> : vector<16xi1>
      %masked_sort3A_1190, %masked_sort3A_1191, %masked_sort3A_1192 = tpu.sort %min3A_1184, %min3A_1184 masked %masked_sort3A_1189 {descending = true} : (vector<16xf32>, vector<16xf32>, vector<16xi1>) -> (vector<16xi1>, vector<16xf32>, vector<16xf32>)
      %min3A_1193 = arith.minimumf %masked_sort3A_1187, %masked_sort3A_1191 : vector<16xf32>
      %masked_sort3A_1194 = arith.constant dense<true> : vector<16xi1>
      %masked_sort3A_1195, %masked_sort3A_1196, %masked_sort3A_1197 = tpu.sort %min3A_1193, %min3A_1193 masked %masked_sort3A_1194 : (vector<16xf32>, vector<16xf32>, vector<16xi1>) -> (vector<16xi1>, vector<16xf32>, vector<16xf32>)
      %lt3A_1198 = arith.constant 4 : i32
      %lt3A_1199 = vector.broadcast %lt3A_1198 : i32 to vector<16xi32>
      %lt3A_1200 = arith.cmpi slt, %iota3A, %lt3A_1199 : vector<16xi32>
      %jit3A_1201 = arith.constant 0.000000e+00 : f32
      %broadcast_in_dim3A_1202 = vector.broadcast %jit3A_1201 : f32 to vector<16xf32>
      %select_n3A_1203 = arith.select %lt3A_1200, %masked_sort3A_1196, %broadcast_in_dim3A_1202 : vector<16xi1>, vector<16xf32>
      %reduce_sum3A_1204 = arith.constant true
      %reduce_sum3A_1205 = vector.broadcast %reduce_sum3A_1204 : i1 to vector<16xi1>
      %reduce_sum3A_1206 = tpu.scan <sum>, %select_n3A_1203 masked %reduce_sum3A_1205 : vector<16xf32>, vector<16xi1> -> vector<16xf32>
      %reduce_sum3A_1207 = vector.extract %reduce_sum3A_1206[15] : f32 from vector<16xf32>
      %add3A_1208 = arith.addf %reduce_sum3A_1166, %reduce_sum3A_1207 : f32
      %mul3A_1209 = arith.constant 2.500000e-01 : f32
      %mul3A_1210 = arith.mulf %add3A_1208, %mul3A_1209 : f32
      %add3A_1211 = arith.constant 2 : i32
      %add3A_1212 = arith.addi %mul3A_836, %add3A_1211 : i32
      %eq3A_1213 = vector.broadcast %add3A_1212 : i32 to vector<16xi32>
      %eq3A_1214 = arith.cmpi eq, %iota3A, %eq3A_1213 : vector<16xi32>
      %broadcast_in_dim3A_1215 = vector.broadcast %mul3A_1125 : f32 to vector<16xf32>
      %select_n3A_1216 = arith.select %eq3A_1214, %broadcast_in_dim3A_1215, %select_n3A_1030 : vector<16xi1>, vector<16xf32>
      %add3A_1217 = arith.constant 2 : i32
      %add3A_1218 = arith.addi %mul3A_836, %add3A_1217 : i32
      %add3A_1219 = arith.constant 1 : i32
      %add3A_1220 = arith.addi %add3A_1218, %add3A_1219 : i32
      %eq3A_1221 = vector.broadcast %add3A_1220 : i32 to vector<16xi32>
      %eq3A_1222 = arith.cmpi eq, %iota3A, %eq3A_1221 : vector<16xi32>
      %broadcast_in_dim3A_1223 = vector.broadcast %mul3A_1210 : f32 to vector<16xf32>
      %select_n3A_1224 = arith.select %eq3A_1222, %broadcast_in_dim3A_1223, %select_n3A_1216 : vector<16xi1>, vector<16xf32>
      %broadcast_in_dim3A_1225 = arith.constant 0xFF800000 : f32
      %broadcast_in_dim3A_1226 = vector.broadcast %broadcast_in_dim3A_1225 : f32 to vector<16xf32>
      %broadcast_in_dim3A_1227 = arith.constant 0x7F800000 : f32
      %broadcast_in_dim3A_1228 = vector.broadcast %broadcast_in_dim3A_1227 : f32 to vector<16xf32>
      %scan3A_1229 = arith.constant 0 : i32
      %scan3A_1230 = arith.constant 16 : i32
      %scan3A_1231 = arith.addi %scan3A_1229, %scan3A_1230 : i32
      %scan3A_1232 = arith.constant 1 : i32
      %scan3A_1233:16 = scf.for %scan3A_1616 = %scan3A_1229 to %scan3A_1231 step %scan3A_1232 iter_args(%scan3A_1617 = %broadcast_in_dim3A_1226, %scan3A_1618 = %broadcast_in_dim3A_1226, %scan3A_1619 = %broadcast_in_dim3A_1226, %scan3A_1620 = %broadcast_in_dim3A_1226, %scan3A_1621 = %broadcast_in_dim3A_1228, %scan3A_1622 = %broadcast_in_dim3A_1228, %scan3A_1623 = %broadcast_in_dim3A_1228, %scan3A_1624 = %broadcast_in_dim3A_1228, %scan3A_1625 = %broadcast_in_dim3A_1226, %scan3A_1626 = %broadcast_in_dim3A_1226, %scan3A_1627 = %broadcast_in_dim3A_1226, %scan3A_1628 = %broadcast_in_dim3A_1226, %scan3A_1629 = %broadcast_in_dim3A_1228, %scan3A_1630 = %broadcast_in_dim3A_1228, %scan3A_1631 = %broadcast_in_dim3A_1228, %scan3A_1632 = %broadcast_in_dim3A_1228) -> (vector<16xf32>, vector<16xf32>, vector<16xf32>, vector<16xf32>, vector<16xf32>, vector<16xf32>, vector<16xf32>, vector<16xf32>, vector<16xf32>, vector<16xf32>, vector<16xf32>, vector<16xf32>, vector<16xf32>, vector<16xf32>, vector<16xf32>, vector<16xf32>)  : i32 {
        %mul3A_1633 = arith.constant 2 : i32
        %mul3A_1634 = arith.muli %scan3A_1616, %mul3A_1633 : i32
        %get3A = arith.constant 4 : i32
        %get3A_1635 = arith.index_cast %get3A : i32 to index
        %get3A_1636 = arith.index_cast %mul3A_1634 : i32 to index
        %get3A_1637 = arith.constant 0 : index
        %get3A_1638 = tpu.vector_load %arg5[%get3A_1635, %get3A_1636, %get3A_1637] {strides = array<i32>} : memref<8x32x32xf32, #tpu.memory_space<vmem>>, vector<16xf32>,
        %get3A_1639 = arith.constant 4 : i32
        %get3A_1640 = arith.index_cast %get3A_1639 : i32 to index
        %get3A_1641 = arith.index_cast %mul3A_1634 : i32 to index
        %get3A_1642 = arith.constant 16 : index
        %get3A_1643 = tpu.vector_load %arg5[%get3A_1640, %get3A_1641, %get3A_1642] {strides = array<i32>} : memref<8x32x32xf32, #tpu.memory_space<vmem>>, vector<16xf32>,
        %add3A_1644 = arith.constant 1 : i32
        %add3A_1645 = arith.addi %mul3A_1634, %add3A_1644 : i32
        %get3A_1646 = arith.constant 4 : i32
        %get3A_1647 = arith.index_cast %get3A_1646 : i32 to index
        %get3A_1648 = arith.index_cast %add3A_1645 : i32 to index
        %get3A_1649 = arith.constant 0 : index
        %get3A_1650 = tpu.vector_load %arg5[%get3A_1647, %get3A_1648, %get3A_1649] {strides = array<i32>} : memref<8x32x32xf32, #tpu.memory_space<vmem>>, vector<16xf32>,
        %add3A_1651 = arith.constant 1 : i32
        %add3A_1652 = arith.addi %mul3A_1634, %add3A_1651 : i32
        %get3A_1653 = arith.constant 4 : i32
        %get3A_1654 = arith.index_cast %get3A_1653 : i32 to index
        %get3A_1655 = arith.index_cast %add3A_1652 : i32 to index
        %get3A_1656 = arith.constant 16 : index
        %get3A_1657 = tpu.vector_load %arg5[%get3A_1654, %get3A_1655, %get3A_1656] {strides = array<i32>} : memref<8x32x32xf32, #tpu.memory_space<vmem>>, vector<16xf32>,
        %max3A_1658 = arith.maximumf %get3A_1638, %get3A_1643 : vector<16xf32>
        %min3A_1659 = arith.minimumf %get3A_1638, %get3A_1643 : vector<16xf32>
        %max3A_1660 = arith.maximumf %get3A_1650, %get3A_1657 : vector<16xf32>
        %min3A_1661 = arith.minimumf %get3A_1650, %get3A_1657 : vector<16xf32>
        %max3A_1662 = arith.maximumf %max3A_1658, %max3A_1660 : vector<16xf32>
        %min3A_1663 = arith.minimumf %max3A_1658, %max3A_1660 : vector<16xf32>
        %max3A_1664 = arith.maximumf %min3A_1659, %min3A_1661 : vector<16xf32>
        %min3A_1665 = arith.minimumf %min3A_1659, %min3A_1661 : vector<16xf32>
        %max3A_1666 = arith.maximumf %max3A_1664, %min3A_1663 : vector<16xf32>
        %min3A_1667 = arith.minimumf %max3A_1664, %min3A_1663 : vector<16xf32>
        %max3A_1668 = arith.maximumf %scan3A_1617, %min3A_1665 : vector<16xf32>
        %max3A_1669 = arith.maximumf %scan3A_1618, %min3A_1667 : vector<16xf32>
        %max3A_1670 = arith.maximumf %scan3A_1619, %max3A_1666 : vector<16xf32>
        %max3A_1671 = arith.maximumf %scan3A_1620, %max3A_1662 : vector<16xf32>
        %max3A_1672 = arith.maximumf %max3A_1668, %max3A_1670 : vector<16xf32>
        %min3A_1673 = arith.minimumf %max3A_1668, %max3A_1670 : vector<16xf32>
        %max3A_1674 = arith.maximumf %max3A_1669, %max3A_1671 : vector<16xf32>
        %min3A_1675 = arith.minimumf %max3A_1669, %max3A_1671 : vector<16xf32>
        %max3A_1676 = arith.maximumf %max3A_1672, %max3A_1674 : vector<16xf32>
        %min3A_1677 = arith.minimumf %max3A_1672, %max3A_1674 : vector<16xf32>
        %max3A_1678 = arith.maximumf %min3A_1673, %min3A_1675 : vector<16xf32>
        %min3A_1679 = arith.minimumf %min3A_1673, %min3A_1675 : vector<16xf32>
        %min3A_1680 = arith.minimumf %scan3A_1621, %max3A_1662 : vector<16xf32>
        %min3A_1681 = arith.minimumf %scan3A_1622, %max3A_1666 : vector<16xf32>
        %min3A_1682 = arith.minimumf %scan3A_1623, %min3A_1667 : vector<16xf32>
        %min3A_1683 = arith.minimumf %scan3A_1624, %min3A_1665 : vector<16xf32>
        %min3A_1684 = arith.minimumf %min3A_1680, %min3A_1682 : vector<16xf32>
        %max3A_1685 = arith.maximumf %min3A_1680, %min3A_1682 : vector<16xf32>
        %min3A_1686 = arith.minimumf %min3A_1681, %min3A_1683 : vector<16xf32>
        %max3A_1687 = arith.maximumf %min3A_1681, %min3A_1683 : vector<16xf32>
        %min3A_1688 = arith.minimumf %min3A_1684, %min3A_1686 : vector<16xf32>
        %max3A_1689 = arith.maximumf %min3A_1684, %min3A_1686 : vector<16xf32>
        %min3A_1690 = arith.minimumf %max3A_1685, %max3A_1687 : vector<16xf32>
        %max3A_1691 = arith.maximumf %max3A_1685, %max3A_1687 : vector<16xf32>
        %get3A_1692 = arith.constant 5 : i32
        %get3A_1693 = arith.index_cast %get3A_1692 : i32 to index
        %get3A_1694 = arith.index_cast %mul3A_1634 : i32 to index
        %get3A_1695 = arith.constant 0 : index
        %get3A_1696 = tpu.vector_load %arg5[%get3A_1693, %get3A_1694, %get3A_1695] {strides = array<i32>} : memref<8x32x32xf32, #tpu.memory_space<vmem>>, vector<16xf32>,
        %get3A_1697 = arith.constant 5 : i32
        %get3A_1698 = arith.index_cast %get3A_1697 : i32 to index
        %get3A_1699 = arith.index_cast %mul3A_1634 : i32 to index
        %get3A_1700 = arith.constant 16 : index
        %get3A_1701 = tpu.vector_load %arg5[%get3A_1698, %get3A_1699, %get3A_1700] {strides = array<i32>} : memref<8x32x32xf32, #tpu.memory_space<vmem>>, vector<16xf32>,
        %add3A_1702 = arith.constant 1 : i32
        %add3A_1703 = arith.addi %mul3A_1634, %add3A_1702 : i32
        %get3A_1704 = arith.constant 5 : i32
        %get3A_1705 = arith.index_cast %get3A_1704 : i32 to index
        %get3A_1706 = arith.index_cast %add3A_1703 : i32 to index
        %get3A_1707 = arith.constant 0 : index
        %get3A_1708 = tpu.vector_load %arg5[%get3A_1705, %get3A_1706, %get3A_1707] {strides = array<i32>} : memref<8x32x32xf32, #tpu.memory_space<vmem>>, vector<16xf32>,
        %add3A_1709 = arith.constant 1 : i32
        %add3A_1710 = arith.addi %mul3A_1634, %add3A_1709 : i32
        %get3A_1711 = arith.constant 5 : i32
        %get3A_1712 = arith.index_cast %get3A_1711 : i32 to index
        %get3A_1713 = arith.index_cast %add3A_1710 : i32 to index
        %get3A_1714 = arith.constant 16 : index
        %get3A_1715 = tpu.vector_load %arg5[%get3A_1712, %get3A_1713, %get3A_1714] {strides = array<i32>} : memref<8x32x32xf32, #tpu.memory_space<vmem>>, vector<16xf32>,
        %max3A_1716 = arith.maximumf %get3A_1696, %get3A_1701 : vector<16xf32>
        %min3A_1717 = arith.minimumf %get3A_1696, %get3A_1701 : vector<16xf32>
        %max3A_1718 = arith.maximumf %get3A_1708, %get3A_1715 : vector<16xf32>
        %min3A_1719 = arith.minimumf %get3A_1708, %get3A_1715 : vector<16xf32>
        %max3A_1720 = arith.maximumf %max3A_1716, %max3A_1718 : vector<16xf32>
        %min3A_1721 = arith.minimumf %max3A_1716, %max3A_1718 : vector<16xf32>
        %max3A_1722 = arith.maximumf %min3A_1717, %min3A_1719 : vector<16xf32>
        %min3A_1723 = arith.minimumf %min3A_1717, %min3A_1719 : vector<16xf32>
        %max3A_1724 = arith.maximumf %max3A_1722, %min3A_1721 : vector<16xf32>
        %min3A_1725 = arith.minimumf %max3A_1722, %min3A_1721 : vector<16xf32>
        %max3A_1726 = arith.maximumf %scan3A_1625, %min3A_1723 : vector<16xf32>
        %max3A_1727 = arith.maximumf %scan3A_1626, %min3A_1725 : vector<16xf32>
        %max3A_1728 = arith.maximumf %scan3A_1627, %max3A_1724 : vector<16xf32>
        %max3A_1729 = arith.maximumf %scan3A_1628, %max3A_1720 : vector<16xf32>
        %max3A_1730 = arith.maximumf %max3A_1726, %max3A_1728 : vector<16xf32>
        %min3A_1731 = arith.minimumf %max3A_1726, %max3A_1728 : vector<16xf32>
        %max3A_1732 = arith.maximumf %max3A_1727, %max3A_1729 : vector<16xf32>
        %min3A_1733 = arith.minimumf %max3A_1727, %max3A_1729 : vector<16xf32>
        %max3A_1734 = arith.maximumf %max3A_1730, %max3A_1732 : vector<16xf32>
        %min3A_1735 = arith.minimumf %max3A_1730, %max3A_1732 : vector<16xf32>
        %max3A_1736 = arith.maximumf %min3A_1731, %min3A_1733 : vector<16xf32>
        %min3A_1737 = arith.minimumf %min3A_1731, %min3A_1733 : vector<16xf32>
        %min3A_1738 = arith.minimumf %scan3A_1629, %max3A_1720 : vector<16xf32>
        %min3A_1739 = arith.minimumf %scan3A_1630, %max3A_1724 : vector<16xf32>
        %min3A_1740 = arith.minimumf %scan3A_1631, %min3A_1725 : vector<16xf32>
        %min3A_1741 = arith.minimumf %scan3A_1632, %min3A_1723 : vector<16xf32>
        %min3A_1742 = arith.minimumf %min3A_1738, %min3A_1740 : vector<16xf32>
        %max3A_1743 = arith.maximumf %min3A_1738, %min3A_1740 : vector<16xf32>
        %min3A_1744 = arith.minimumf %min3A_1739, %min3A_1741 : vector<16xf32>
        %max3A_1745 = arith.maximumf %min3A_1739, %min3A_1741 : vector<16xf32>
        %min3A_1746 = arith.minimumf %min3A_1742, %min3A_1744 : vector<16xf32>
        %max3A_1747 = arith.maximumf %min3A_1742, %min3A_1744 : vector<16xf32>
        %min3A_1748 = arith.minimumf %max3A_1743, %max3A_1745 : vector<16xf32>
        %max3A_1749 = arith.maximumf %max3A_1743, %max3A_1745 : vector<16xf32>
        scf.yield %max3A_1676, %min3A_1677, %max3A_1678, %min3A_1679, %min3A_1688, %max3A_1689, %min3A_1690, %max3A_1691, %max3A_1734, %min3A_1735, %max3A_1736, %min3A_1737, %min3A_1746, %max3A_1747, %min3A_1748, %max3A_1749 : vector<16xf32>, vector<16xf32>, vector<16xf32>, vector<16xf32>, vector<16xf32>, vector<16xf32>, vector<16xf32>, vector<16xf32>, vector<16xf32>, vector<16xf32>, vector<16xf32>, vector<16xf32>, vector<16xf32>, vector<16xf32>, vector<16xf32>, vector<16xf32>
      }
      %scan3A_1234 = arith.constant 16 : i32
      %masked_sort3A_1235 = arith.constant dense<true> : vector<16xi1>
      %masked_sort3A_1236, %masked_sort3A_1237, %masked_sort3A_1238 = tpu.sort %scan3A_1233#0, %scan3A_1233#0 masked %masked_sort3A_1235 {descending = true} : (vector<16xf32>, vector<16xf32>, vector<16xi1>) -> (vector<16xi1>, vector<16xf32>, vector<16xf32>)
      %masked_sort3A_1239 = arith.constant dense<true> : vector<16xi1>
      %masked_sort3A_1240, %masked_sort3A_1241, %masked_sort3A_1242 = tpu.sort %scan3A_1233#1, %scan3A_1233#1 masked %masked_sort3A_1239 : (vector<16xf32>, vector<16xf32>, vector<16xi1>) -> (vector<16xi1>, vector<16xf32>, vector<16xf32>)
      %max3A_1243 = arith.maximumf %masked_sort3A_1237, %masked_sort3A_1241 : vector<16xf32>
      %masked_sort3A_1244 = arith.constant dense<true> : vector<16xi1>
      %masked_sort3A_1245, %masked_sort3A_1246, %masked_sort3A_1247 = tpu.sort %scan3A_1233#2, %scan3A_1233#2 masked %masked_sort3A_1244 {descending = true} : (vector<16xf32>, vector<16xf32>, vector<16xi1>) -> (vector<16xi1>, vector<16xf32>, vector<16xf32>)
      %masked_sort3A_1248 = arith.constant dense<true> : vector<16xi1>
      %masked_sort3A_1249, %masked_sort3A_1250, %masked_sort3A_1251 = tpu.sort %scan3A_1233#3, %scan3A_1233#3 masked %masked_sort3A_1248 : (vector<16xf32>, vector<16xf32>, vector<16xi1>) -> (vector<16xi1>, vector<16xf32>, vector<16xf32>)
      %max3A_1252 = arith.maximumf %masked_sort3A_1246, %masked_sort3A_1250 : vector<16xf32>
      %masked_sort3A_1253 = arith.constant dense<true> : vector<16xi1>
      %masked_sort3A_1254, %masked_sort3A_1255, %masked_sort3A_1256 = tpu.sort %max3A_1243, %max3A_1243 masked %masked_sort3A_1253 {descending = true} : (vector<16xf32>, vector<16xf32>, vector<16xi1>) -> (vector<16xi1>, vector<16xf32>, vector<16xf32>)
      %masked_sort3A_1257 = arith.constant dense<true> : vector<16xi1>
      %masked_sort3A_1258, %masked_sort3A_1259, %masked_sort3A_1260 = tpu.sort %max3A_1252, %max3A_1252 masked %masked_sort3A_1257 : (vector<16xf32>, vector<16xf32>, vector<16xi1>) -> (vector<16xi1>, vector<16xf32>, vector<16xf32>)
      %max3A_1261 = arith.maximumf %masked_sort3A_1255, %masked_sort3A_1259 : vector<16xf32>
      %masked_sort3A_1262 = arith.constant dense<true> : vector<16xi1>
      %masked_sort3A_1263, %masked_sort3A_1264, %masked_sort3A_1265 = tpu.sort %max3A_1261, %max3A_1261 masked %masked_sort3A_1262 {descending = true} : (vector<16xf32>, vector<16xf32>, vector<16xi1>) -> (vector<16xi1>, vector<16xf32>, vector<16xf32>)
      %lt3A_1266 = arith.constant 4 : i32
      %lt3A_1267 = vector.broadcast %lt3A_1266 : i32 to vector<16xi32>
      %lt3A_1268 = arith.cmpi slt, %iota3A, %lt3A_1267 : vector<16xi32>
      %jit3A_1269 = arith.constant 0.000000e+00 : f32
      %broadcast_in_dim3A_1270 = vector.broadcast %jit3A_1269 : f32 to vector<16xf32>
      %select_n3A_1271 = arith.select %lt3A_1268, %masked_sort3A_1264, %broadcast_in_dim3A_1270 : vector<16xi1>, vector<16xf32>
      %reduce_sum3A_1272 = arith.constant true
      %reduce_sum3A_1273 = vector.broadcast %reduce_sum3A_1272 : i1 to vector<16xi1>
      %reduce_sum3A_1274 = tpu.scan <sum>, %select_n3A_1271 masked %reduce_sum3A_1273 : vector<16xf32>, vector<16xi1> -> vector<16xf32>
      %reduce_sum3A_1275 = vector.extract %reduce_sum3A_1274[15] : f32 from vector<16xf32>
      %masked_sort3A_1276 = arith.constant dense<true> : vector<16xi1>
      %masked_sort3A_1277, %masked_sort3A_1278, %masked_sort3A_1279 = tpu.sort %scan3A_1233#4, %scan3A_1233#4 masked %masked_sort3A_1276 : (vector<16xf32>, vector<16xf32>, vector<16xi1>) -> (vector<16xi1>, vector<16xf32>, vector<16xf32>)
      %masked_sort3A_1280 = arith.constant dense<true> : vector<16xi1>
      %masked_sort3A_1281, %masked_sort3A_1282, %masked_sort3A_1283 = tpu.sort %scan3A_1233#5, %scan3A_1233#5 masked %masked_sort3A_1280 {descending = true} : (vector<16xf32>, vector<16xf32>, vector<16xi1>) -> (vector<16xi1>, vector<16xf32>, vector<16xf32>)
      %min3A_1284 = arith.minimumf %masked_sort3A_1278, %masked_sort3A_1282 : vector<16xf32>
      %masked_sort3A_1285 = arith.constant dense<true> : vector<16xi1>
      %masked_sort3A_1286, %masked_sort3A_1287, %masked_sort3A_1288 = tpu.sort %scan3A_1233#6, %scan3A_1233#6 masked %masked_sort3A_1285 : (vector<16xf32>, vector<16xf32>, vector<16xi1>) -> (vector<16xi1>, vector<16xf32>, vector<16xf32>)
      %masked_sort3A_1289 = arith.constant dense<true> : vector<16xi1>
      %masked_sort3A_1290, %masked_sort3A_1291, %masked_sort3A_1292 = tpu.sort %scan3A_1233#7, %scan3A_1233#7 masked %masked_sort3A_1289 {descending = true} : (vector<16xf32>, vector<16xf32>, vector<16xi1>) -> (vector<16xi1>, vector<16xf32>, vector<16xf32>)
      %min3A_1293 = arith.minimumf %masked_sort3A_1287, %masked_sort3A_1291 : vector<16xf32>
      %masked_sort3A_1294 = arith.constant dense<true> : vector<16xi1>
      %masked_sort3A_1295, %masked_sort3A_1296, %masked_sort3A_1297 = tpu.sort %min3A_1284, %min3A_1284 masked %masked_sort3A_1294 : (vector<16xf32>, vector<16xf32>, vector<16xi1>) -> (vector<16xi1>, vector<16xf32>, vector<16xf32>)
      %masked_sort3A_1298 = arith.constant dense<true> : vector<16xi1>
      %masked_sort3A_1299, %masked_sort3A_1300, %masked_sort3A_1301 = tpu.sort %min3A_1293, %min3A_1293 masked %masked_sort3A_1298 {descending = true} : (vector<16xf32>, vector<16xf32>, vector<16xi1>) -> (vector<16xi1>, vector<16xf32>, vector<16xf32>)
      %min3A_1302 = arith.minimumf %masked_sort3A_1296, %masked_sort3A_1300 : vector<16xf32>
      %masked_sort3A_1303 = arith.constant dense<true> : vector<16xi1>
      %masked_sort3A_1304, %masked_sort3A_1305, %masked_sort3A_1306 = tpu.sort %min3A_1302, %min3A_1302 masked %masked_sort3A_1303 : (vector<16xf32>, vector<16xf32>, vector<16xi1>) -> (vector<16xi1>, vector<16xf32>, vector<16xf32>)
      %lt3A_1307 = arith.constant 4 : i32
      %lt3A_1308 = vector.broadcast %lt3A_1307 : i32 to vector<16xi32>
      %lt3A_1309 = arith.cmpi slt, %iota3A, %lt3A_1308 : vector<16xi32>
      %jit3A_1310 = arith.constant 0.000000e+00 : f32
      %broadcast_in_dim3A_1311 = vector.broadcast %jit3A_1310 : f32 to vector<16xf32>
      %select_n3A_1312 = arith.select %lt3A_1309, %masked_sort3A_1305, %broadcast_in_dim3A_1311 : vector<16xi1>, vector<16xf32>
      %reduce_sum3A_1313 = arith.constant true
      %reduce_sum3A_1314 = vector.broadcast %reduce_sum3A_1313 : i1 to vector<16xi1>
      %reduce_sum3A_1315 = tpu.scan <sum>, %select_n3A_1312 masked %reduce_sum3A_1314 : vector<16xf32>, vector<16xi1> -> vector<16xf32>
      %reduce_sum3A_1316 = vector.extract %reduce_sum3A_1315[15] : f32 from vector<16xf32>
      %add3A_1317 = arith.addf %reduce_sum3A_1275, %reduce_sum3A_1316 : f32
      %mul3A_1318 = arith.constant 2.500000e-01 : f32
      %mul3A_1319 = arith.mulf %add3A_1317, %mul3A_1318 : f32
      %masked_sort3A_1320 = arith.constant dense<true> : vector<16xi1>
      %masked_sort3A_1321, %masked_sort3A_1322, %masked_sort3A_1323 = tpu.sort %scan3A_1233#8, %scan3A_1233#8 masked %masked_sort3A_1320 {descending = true} : (vector<16xf32>, vector<16xf32>, vector<16xi1>) -> (vector<16xi1>, vector<16xf32>, vector<16xf32>)
      %masked_sort3A_1324 = arith.constant dense<true> : vector<16xi1>
      %masked_sort3A_1325, %masked_sort3A_1326, %masked_sort3A_1327 = tpu.sort %scan3A_1233#9, %scan3A_1233#9 masked %masked_sort3A_1324 : (vector<16xf32>, vector<16xf32>, vector<16xi1>) -> (vector<16xi1>, vector<16xf32>, vector<16xf32>)
      %max3A_1328 = arith.maximumf %masked_sort3A_1322, %masked_sort3A_1326 : vector<16xf32>
      %masked_sort3A_1329 = arith.constant dense<true> : vector<16xi1>
      %masked_sort3A_1330, %masked_sort3A_1331, %masked_sort3A_1332 = tpu.sort %scan3A_1233#10, %scan3A_1233#10 masked %masked_sort3A_1329 {descending = true} : (vector<16xf32>, vector<16xf32>, vector<16xi1>) -> (vector<16xi1>, vector<16xf32>, vector<16xf32>)
      %masked_sort3A_1333 = arith.constant dense<true> : vector<16xi1>
      %masked_sort3A_1334, %masked_sort3A_1335, %masked_sort3A_1336 = tpu.sort %scan3A_1233#11, %scan3A_1233#11 masked %masked_sort3A_1333 : (vector<16xf32>, vector<16xf32>, vector<16xi1>) -> (vector<16xi1>, vector<16xf32>, vector<16xf32>)
      %max3A_1337 = arith.maximumf %masked_sort3A_1331, %masked_sort3A_1335 : vector<16xf32>
      %masked_sort3A_1338 = arith.constant dense<true> : vector<16xi1>
      %masked_sort3A_1339, %masked_sort3A_1340, %masked_sort3A_1341 = tpu.sort %max3A_1328, %max3A_1328 masked %masked_sort3A_1338 {descending = true} : (vector<16xf32>, vector<16xf32>, vector<16xi1>) -> (vector<16xi1>, vector<16xf32>, vector<16xf32>)
      %masked_sort3A_1342 = arith.constant dense<true> : vector<16xi1>
      %masked_sort3A_1343, %masked_sort3A_1344, %masked_sort3A_1345 = tpu.sort %max3A_1337, %max3A_1337 masked %masked_sort3A_1342 : (vector<16xf32>, vector<16xf32>, vector<16xi1>) -> (vector<16xi1>, vector<16xf32>, vector<16xf32>)
      %max3A_1346 = arith.maximumf %masked_sort3A_1340, %masked_sort3A_1344 : vector<16xf32>
      %masked_sort3A_1347 = arith.constant dense<true> : vector<16xi1>
      %masked_sort3A_1348, %masked_sort3A_1349, %masked_sort3A_1350 = tpu.sort %max3A_1346, %max3A_1346 masked %masked_sort3A_1347 {descending = true} : (vector<16xf32>, vector<16xf32>, vector<16xi1>) -> (vector<16xi1>, vector<16xf32>, vector<16xf32>)
      %lt3A_1351 = arith.constant 4 : i32
      %lt3A_1352 = vector.broadcast %lt3A_1351 : i32 to vector<16xi32>
      %lt3A_1353 = arith.cmpi slt, %iota3A, %lt3A_1352 : vector<16xi32>
      %jit3A_1354 = arith.constant 0.000000e+00 : f32
      %broadcast_in_dim3A_1355 = vector.broadcast %jit3A_1354 : f32 to vector<16xf32>
      %select_n3A_1356 = arith.select %lt3A_1353, %masked_sort3A_1349, %broadcast_in_dim3A_1355 : vector<16xi1>, vector<16xf32>
      %reduce_sum3A_1357 = arith.constant true
      %reduce_sum3A_1358 = vector.broadcast %reduce_sum3A_1357 : i1 to vector<16xi1>
      %reduce_sum3A_1359 = tpu.scan <sum>, %select_n3A_1356 masked %reduce_sum3A_1358 : vector<16xf32>, vector<16xi1> -> vector<16xf32>
      %reduce_sum3A_1360 = vector.extract %reduce_sum3A_1359[15] : f32 from vector<16xf32>
      %masked_sort3A_1361 = arith.constant dense<true> : vector<16xi1>
      %masked_sort3A_1362, %masked_sort3A_1363, %masked_sort3A_1364 = tpu.sort %scan3A_1233#12, %scan3A_1233#12 masked %masked_sort3A_1361 : (vector<16xf32>, vector<16xf32>, vector<16xi1>) -> (vector<16xi1>, vector<16xf32>, vector<16xf32>)
      %masked_sort3A_1365 = arith.constant dense<true> : vector<16xi1>
      %masked_sort3A_1366, %masked_sort3A_1367, %masked_sort3A_1368 = tpu.sort %scan3A_1233#13, %scan3A_1233#13 masked %masked_sort3A_1365 {descending = true} : (vector<16xf32>, vector<16xf32>, vector<16xi1>) -> (vector<16xi1>, vector<16xf32>, vector<16xf32>)
      %min3A_1369 = arith.minimumf %masked_sort3A_1363, %masked_sort3A_1367 : vector<16xf32>
      %masked_sort3A_1370 = arith.constant dense<true> : vector<16xi1>
      %masked_sort3A_1371, %masked_sort3A_1372, %masked_sort3A_1373 = tpu.sort %scan3A_1233#14, %scan3A_1233#14 masked %masked_sort3A_1370 : (vector<16xf32>, vector<16xf32>, vector<16xi1>) -> (vector<16xi1>, vector<16xf32>, vector<16xf32>)
      %masked_sort3A_1374 = arith.constant dense<true> : vector<16xi1>
      %masked_sort3A_1375, %masked_sort3A_1376, %masked_sort3A_1377 = tpu.sort %scan3A_1233#15, %scan3A_1233#15 masked %masked_sort3A_1374 {descending = true} : (vector<16xf32>, vector<16xf32>, vector<16xi1>) -> (vector<16xi1>, vector<16xf32>, vector<16xf32>)
      %min3A_1378 = arith.minimumf %masked_sort3A_1372, %masked_sort3A_1376 : vector<16xf32>
      %masked_sort3A_1379 = arith.constant dense<true> : vector<16xi1>
      %masked_sort3A_1380, %masked_sort3A_1381, %masked_sort3A_1382 = tpu.sort %min3A_1369, %min3A_1369 masked %masked_sort3A_1379 : (vector<16xf32>, vector<16xf32>, vector<16xi1>) -> (vector<16xi1>, vector<16xf32>, vector<16xf32>)
      %masked_sort3A_1383 = arith.constant dense<true> : vector<16xi1>
      %masked_sort3A_1384, %masked_sort3A_1385, %masked_sort3A_1386 = tpu.sort %min3A_1378, %min3A_1378 masked %masked_sort3A_1383 {descending = true} : (vector<16xf32>, vector<16xf32>, vector<16xi1>) -> (vector<16xi1>, vector<16xf32>, vector<16xf32>)
      %min3A_1387 = arith.minimumf %masked_sort3A_1381, %masked_sort3A_1385 : vector<16xf32>
      %masked_sort3A_1388 = arith.constant dense<true> : vector<16xi1>
      %masked_sort3A_1389, %masked_sort3A_1390, %masked_sort3A_1391 = tpu.sort %min3A_1387, %min3A_1387 masked %masked_sort3A_1388 : (vector<16xf32>, vector<16xf32>, vector<16xi1>) -> (vector<16xi1>, vector<16xf32>, vector<16xf32>)
      %lt3A_1392 = arith.constant 4 : i32
      %lt3A_1393 = vector.broadcast %lt3A_1392 : i32 to vector<16xi32>
      %lt3A_1394 = arith.cmpi slt, %iota3A, %lt3A_1393 : vector<16xi32>
      %jit3A_1395 = arith.constant 0.000000e+00 : f32
      %broadcast_in_dim3A_1396 = vector.broadcast %jit3A_1395 : f32 to vector<16xf32>
      %select_n3A_1397 = arith.select %lt3A_1394, %masked_sort3A_1390, %broadcast_in_dim3A_1396 : vector<16xi1>, vector<16xf32>
      %reduce_sum3A_1398 = arith.constant true
      %reduce_sum3A_1399 = vector.broadcast %reduce_sum3A_1398 : i1 to vector<16xi1>
      %reduce_sum3A_1400 = tpu.scan <sum>, %select_n3A_1397 masked %reduce_sum3A_1399 : vector<16xf32>, vector<16xi1> -> vector<16xf32>
      %reduce_sum3A_1401 = vector.extract %reduce_sum3A_1400[15] : f32 from vector<16xf32>
      %add3A_1402 = arith.addf %reduce_sum3A_1360, %reduce_sum3A_1401 : f32
      %mul3A_1403 = arith.constant 2.500000e-01 : f32
      %mul3A_1404 = arith.mulf %add3A_1402, %mul3A_1403 : f32
      %add3A_1405 = arith.constant 4 : i32
      %add3A_1406 = arith.addi %mul3A_836, %add3A_1405 : i32
      %eq3A_1407 = vector.broadcast %add3A_1406 : i32 to vector<16xi32>
      %eq3A_1408 = arith.cmpi eq, %iota3A, %eq3A_1407 : vector<16xi32>
      %broadcast_in_dim3A_1409 = vector.broadcast %mul3A_1319 : f32 to vector<16xf32>
      %select_n3A_1410 = arith.select %eq3A_1408, %broadcast_in_dim3A_1409, %select_n3A_1224 : vector<16xi1>, vector<16xf32>
      %add3A_1411 = arith.constant 4 : i32
      %add3A_1412 = arith.addi %mul3A_836, %add3A_1411 : i32
      %add3A_1413 = arith.constant 1 : i32
      %add3A_1414 = arith.addi %add3A_1412, %add3A_1413 : i32
      %eq3A_1415 = vector.broadcast %add3A_1414 : i32 to vector<16xi32>
      %eq3A_1416 = arith.cmpi eq, %iota3A, %eq3A_1415 : vector<16xi32>
      %broadcast_in_dim3A_1417 = vector.broadcast %mul3A_1404 : f32 to vector<16xf32>
      %select_n3A_1418 = arith.select %eq3A_1416, %broadcast_in_dim3A_1417, %select_n3A_1410 : vector<16xi1>, vector<16xf32>
      %broadcast_in_dim3A_1419 = arith.constant 0xFF800000 : f32
      %broadcast_in_dim3A_1420 = vector.broadcast %broadcast_in_dim3A_1419 : f32 to vector<16xf32>
      %broadcast_in_dim3A_1421 = arith.constant 0x7F800000 : f32
      %broadcast_in_dim3A_1422 = vector.broadcast %broadcast_in_dim3A_1421 : f32 to vector<16xf32>
      %scan3A_1423 = arith.constant 0 : i32
      %scan3A_1424 = arith.constant 16 : i32
      %scan3A_1425 = arith.addi %scan3A_1423, %scan3A_1424 : i32
      %scan3A_1426 = arith.constant 1 : i32
      %scan3A_1427:16 = scf.for %scan3A_1616 = %scan3A_1423 to %scan3A_1425 step %scan3A_1426 iter_args(%scan3A_1617 = %broadcast_in_dim3A_1420, %scan3A_1618 = %broadcast_in_dim3A_1420, %scan3A_1619 = %broadcast_in_dim3A_1420, %scan3A_1620 = %broadcast_in_dim3A_1420, %scan3A_1621 = %broadcast_in_dim3A_1422, %scan3A_1622 = %broadcast_in_dim3A_1422, %scan3A_1623 = %broadcast_in_dim3A_1422, %scan3A_1624 = %broadcast_in_dim3A_1422, %scan3A_1625 = %broadcast_in_dim3A_1420, %scan3A_1626 = %broadcast_in_dim3A_1420, %scan3A_1627 = %broadcast_in_dim3A_1420, %scan3A_1628 = %broadcast_in_dim3A_1420, %scan3A_1629 = %broadcast_in_dim3A_1422, %scan3A_1630 = %broadcast_in_dim3A_1422, %scan3A_1631 = %broadcast_in_dim3A_1422, %scan3A_1632 = %broadcast_in_dim3A_1422) -> (vector<16xf32>, vector<16xf32>, vector<16xf32>, vector<16xf32>, vector<16xf32>, vector<16xf32>, vector<16xf32>, vector<16xf32>, vector<16xf32>, vector<16xf32>, vector<16xf32>, vector<16xf32>, vector<16xf32>, vector<16xf32>, vector<16xf32>, vector<16xf32>)  : i32 {
        %mul3A_1633 = arith.constant 2 : i32
        %mul3A_1634 = arith.muli %scan3A_1616, %mul3A_1633 : i32
        %get3A = arith.constant 6 : i32
        %get3A_1635 = arith.index_cast %get3A : i32 to index
        %get3A_1636 = arith.index_cast %mul3A_1634 : i32 to index
        %get3A_1637 = arith.constant 0 : index
        %get3A_1638 = tpu.vector_load %arg5[%get3A_1635, %get3A_1636, %get3A_1637] {strides = array<i32>} : memref<8x32x32xf32, #tpu.memory_space<vmem>>, vector<16xf32>,
        %get3A_1639 = arith.constant 6 : i32
        %get3A_1640 = arith.index_cast %get3A_1639 : i32 to index
        %get3A_1641 = arith.index_cast %mul3A_1634 : i32 to index
        %get3A_1642 = arith.constant 16 : index
        %get3A_1643 = tpu.vector_load %arg5[%get3A_1640, %get3A_1641, %get3A_1642] {strides = array<i32>} : memref<8x32x32xf32, #tpu.memory_space<vmem>>, vector<16xf32>,
        %add3A_1644 = arith.constant 1 : i32
        %add3A_1645 = arith.addi %mul3A_1634, %add3A_1644 : i32
        %get3A_1646 = arith.constant 6 : i32
        %get3A_1647 = arith.index_cast %get3A_1646 : i32 to index
        %get3A_1648 = arith.index_cast %add3A_1645 : i32 to index
        %get3A_1649 = arith.constant 0 : index
        %get3A_1650 = tpu.vector_load %arg5[%get3A_1647, %get3A_1648, %get3A_1649] {strides = array<i32>} : memref<8x32x32xf32, #tpu.memory_space<vmem>>, vector<16xf32>,
        %add3A_1651 = arith.constant 1 : i32
        %add3A_1652 = arith.addi %mul3A_1634, %add3A_1651 : i32
        %get3A_1653 = arith.constant 6 : i32
        %get3A_1654 = arith.index_cast %get3A_1653 : i32 to index
        %get3A_1655 = arith.index_cast %add3A_1652 : i32 to index
        %get3A_1656 = arith.constant 16 : index
        %get3A_1657 = tpu.vector_load %arg5[%get3A_1654, %get3A_1655, %get3A_1656] {strides = array<i32>} : memref<8x32x32xf32, #tpu.memory_space<vmem>>, vector<16xf32>,
        %max3A_1658 = arith.maximumf %get3A_1638, %get3A_1643 : vector<16xf32>
        %min3A_1659 = arith.minimumf %get3A_1638, %get3A_1643 : vector<16xf32>
        %max3A_1660 = arith.maximumf %get3A_1650, %get3A_1657 : vector<16xf32>
        %min3A_1661 = arith.minimumf %get3A_1650, %get3A_1657 : vector<16xf32>
        %max3A_1662 = arith.maximumf %max3A_1658, %max3A_1660 : vector<16xf32>
        %min3A_1663 = arith.minimumf %max3A_1658, %max3A_1660 : vector<16xf32>
        %max3A_1664 = arith.maximumf %min3A_1659, %min3A_1661 : vector<16xf32>
        %min3A_1665 = arith.minimumf %min3A_1659, %min3A_1661 : vector<16xf32>
        %max3A_1666 = arith.maximumf %max3A_1664, %min3A_1663 : vector<16xf32>
        %min3A_1667 = arith.minimumf %max3A_1664, %min3A_1663 : vector<16xf32>
        %max3A_1668 = arith.maximumf %scan3A_1617, %min3A_1665 : vector<16xf32>
        %max3A_1669 = arith.maximumf %scan3A_1618, %min3A_1667 : vector<16xf32>
        %max3A_1670 = arith.maximumf %scan3A_1619, %max3A_1666 : vector<16xf32>
        %max3A_1671 = arith.maximumf %scan3A_1620, %max3A_1662 : vector<16xf32>
        %max3A_1672 = arith.maximumf %max3A_1668, %max3A_1670 : vector<16xf32>
        %min3A_1673 = arith.minimumf %max3A_1668, %max3A_1670 : vector<16xf32>
        %max3A_1674 = arith.maximumf %max3A_1669, %max3A_1671 : vector<16xf32>
        %min3A_1675 = arith.minimumf %max3A_1669, %max3A_1671 : vector<16xf32>
        %max3A_1676 = arith.maximumf %max3A_1672, %max3A_1674 : vector<16xf32>
        %min3A_1677 = arith.minimumf %max3A_1672, %max3A_1674 : vector<16xf32>
        %max3A_1678 = arith.maximumf %min3A_1673, %min3A_1675 : vector<16xf32>
        %min3A_1679 = arith.minimumf %min3A_1673, %min3A_1675 : vector<16xf32>
        %min3A_1680 = arith.minimumf %scan3A_1621, %max3A_1662 : vector<16xf32>
        %min3A_1681 = arith.minimumf %scan3A_1622, %max3A_1666 : vector<16xf32>
        %min3A_1682 = arith.minimumf %scan3A_1623, %min3A_1667 : vector<16xf32>
        %min3A_1683 = arith.minimumf %scan3A_1624, %min3A_1665 : vector<16xf32>
        %min3A_1684 = arith.minimumf %min3A_1680, %min3A_1682 : vector<16xf32>
        %max3A_1685 = arith.maximumf %min3A_1680, %min3A_1682 : vector<16xf32>
        %min3A_1686 = arith.minimumf %min3A_1681, %min3A_1683 : vector<16xf32>
        %max3A_1687 = arith.maximumf %min3A_1681, %min3A_1683 : vector<16xf32>
        %min3A_1688 = arith.minimumf %min3A_1684, %min3A_1686 : vector<16xf32>
        %max3A_1689 = arith.maximumf %min3A_1684, %min3A_1686 : vector<16xf32>
        %min3A_1690 = arith.minimumf %max3A_1685, %max3A_1687 : vector<16xf32>
        %max3A_1691 = arith.maximumf %max3A_1685, %max3A_1687 : vector<16xf32>
        %get3A_1692 = arith.constant 7 : i32
        %get3A_1693 = arith.index_cast %get3A_1692 : i32 to index
        %get3A_1694 = arith.index_cast %mul3A_1634 : i32 to index
        %get3A_1695 = arith.constant 0 : index
        %get3A_1696 = tpu.vector_load %arg5[%get3A_1693, %get3A_1694, %get3A_1695] {strides = array<i32>} : memref<8x32x32xf32, #tpu.memory_space<vmem>>, vector<16xf32>,
        %get3A_1697 = arith.constant 7 : i32
        %get3A_1698 = arith.index_cast %get3A_1697 : i32 to index
        %get3A_1699 = arith.index_cast %mul3A_1634 : i32 to index
        %get3A_1700 = arith.constant 16 : index
        %get3A_1701 = tpu.vector_load %arg5[%get3A_1698, %get3A_1699, %get3A_1700] {strides = array<i32>} : memref<8x32x32xf32, #tpu.memory_space<vmem>>, vector<16xf32>,
        %add3A_1702 = arith.constant 1 : i32
        %add3A_1703 = arith.addi %mul3A_1634, %add3A_1702 : i32
        %get3A_1704 = arith.constant 7 : i32
        %get3A_1705 = arith.index_cast %get3A_1704 : i32 to index
        %get3A_1706 = arith.index_cast %add3A_1703 : i32 to index
        %get3A_1707 = arith.constant 0 : index
        %get3A_1708 = tpu.vector_load %arg5[%get3A_1705, %get3A_1706, %get3A_1707] {strides = array<i32>} : memref<8x32x32xf32, #tpu.memory_space<vmem>>, vector<16xf32>,
        %add3A_1709 = arith.constant 1 : i32
        %add3A_1710 = arith.addi %mul3A_1634, %add3A_1709 : i32
        %get3A_1711 = arith.constant 7 : i32
        %get3A_1712 = arith.index_cast %get3A_1711 : i32 to index
        %get3A_1713 = arith.index_cast %add3A_1710 : i32 to index
        %get3A_1714 = arith.constant 16 : index
        %get3A_1715 = tpu.vector_load %arg5[%get3A_1712, %get3A_1713, %get3A_1714] {strides = array<i32>} : memref<8x32x32xf32, #tpu.memory_space<vmem>>, vector<16xf32>,
        %max3A_1716 = arith.maximumf %get3A_1696, %get3A_1701 : vector<16xf32>
        %min3A_1717 = arith.minimumf %get3A_1696, %get3A_1701 : vector<16xf32>
        %max3A_1718 = arith.maximumf %get3A_1708, %get3A_1715 : vector<16xf32>
        %min3A_1719 = arith.minimumf %get3A_1708, %get3A_1715 : vector<16xf32>
        %max3A_1720 = arith.maximumf %max3A_1716, %max3A_1718 : vector<16xf32>
        %min3A_1721 = arith.minimumf %max3A_1716, %max3A_1718 : vector<16xf32>
        %max3A_1722 = arith.maximumf %min3A_1717, %min3A_1719 : vector<16xf32>
        %min3A_1723 = arith.minimumf %min3A_1717, %min3A_1719 : vector<16xf32>
        %max3A_1724 = arith.maximumf %max3A_1722, %min3A_1721 : vector<16xf32>
        %min3A_1725 = arith.minimumf %max3A_1722, %min3A_1721 : vector<16xf32>
        %max3A_1726 = arith.maximumf %scan3A_1625, %min3A_1723 : vector<16xf32>
        %max3A_1727 = arith.maximumf %scan3A_1626, %min3A_1725 : vector<16xf32>
        %max3A_1728 = arith.maximumf %scan3A_1627, %max3A_1724 : vector<16xf32>
        %max3A_1729 = arith.maximumf %scan3A_1628, %max3A_1720 : vector<16xf32>
        %max3A_1730 = arith.maximumf %max3A_1726, %max3A_1728 : vector<16xf32>
        %min3A_1731 = arith.minimumf %max3A_1726, %max3A_1728 : vector<16xf32>
        %max3A_1732 = arith.maximumf %max3A_1727, %max3A_1729 : vector<16xf32>
        %min3A_1733 = arith.minimumf %max3A_1727, %max3A_1729 : vector<16xf32>
        %max3A_1734 = arith.maximumf %max3A_1730, %max3A_1732 : vector<16xf32>
        %min3A_1735 = arith.minimumf %max3A_1730, %max3A_1732 : vector<16xf32>
        %max3A_1736 = arith.maximumf %min3A_1731, %min3A_1733 : vector<16xf32>
        %min3A_1737 = arith.minimumf %min3A_1731, %min3A_1733 : vector<16xf32>
        %min3A_1738 = arith.minimumf %scan3A_1629, %max3A_1720 : vector<16xf32>
        %min3A_1739 = arith.minimumf %scan3A_1630, %max3A_1724 : vector<16xf32>
        %min3A_1740 = arith.minimumf %scan3A_1631, %min3A_1725 : vector<16xf32>
        %min3A_1741 = arith.minimumf %scan3A_1632, %min3A_1723 : vector<16xf32>
        %min3A_1742 = arith.minimumf %min3A_1738, %min3A_1740 : vector<16xf32>
        %max3A_1743 = arith.maximumf %min3A_1738, %min3A_1740 : vector<16xf32>
        %min3A_1744 = arith.minimumf %min3A_1739, %min3A_1741 : vector<16xf32>
        %max3A_1745 = arith.maximumf %min3A_1739, %min3A_1741 : vector<16xf32>
        %min3A_1746 = arith.minimumf %min3A_1742, %min3A_1744 : vector<16xf32>
        %max3A_1747 = arith.maximumf %min3A_1742, %min3A_1744 : vector<16xf32>
        %min3A_1748 = arith.minimumf %max3A_1743, %max3A_1745 : vector<16xf32>
        %max3A_1749 = arith.maximumf %max3A_1743, %max3A_1745 : vector<16xf32>
        scf.yield %max3A_1676, %min3A_1677, %max3A_1678, %min3A_1679, %min3A_1688, %max3A_1689, %min3A_1690, %max3A_1691, %max3A_1734, %min3A_1735, %max3A_1736, %min3A_1737, %min3A_1746, %max3A_1747, %min3A_1748, %max3A_1749 : vector<16xf32>, vector<16xf32>, vector<16xf32>, vector<16xf32>, vector<16xf32>, vector<16xf32>, vector<16xf32>, vector<16xf32>, vector<16xf32>, vector<16xf32>, vector<16xf32>, vector<16xf32>, vector<16xf32>, vector<16xf32>, vector<16xf32>, vector<16xf32>
      }
      %scan3A_1428 = arith.constant 16 : i32
      %masked_sort3A_1429 = arith.constant dense<true> : vector<16xi1>
      %masked_sort3A_1430, %masked_sort3A_1431, %masked_sort3A_1432 = tpu.sort %scan3A_1427#0, %scan3A_1427#0 masked %masked_sort3A_1429 {descending = true} : (vector<16xf32>, vector<16xf32>, vector<16xi1>) -> (vector<16xi1>, vector<16xf32>, vector<16xf32>)
      %masked_sort3A_1433 = arith.constant dense<true> : vector<16xi1>
      %masked_sort3A_1434, %masked_sort3A_1435, %masked_sort3A_1436 = tpu.sort %scan3A_1427#1, %scan3A_1427#1 masked %masked_sort3A_1433 : (vector<16xf32>, vector<16xf32>, vector<16xi1>) -> (vector<16xi1>, vector<16xf32>, vector<16xf32>)
      %max3A_1437 = arith.maximumf %masked_sort3A_1431, %masked_sort3A_1435 : vector<16xf32>
      %masked_sort3A_1438 = arith.constant dense<true> : vector<16xi1>
      %masked_sort3A_1439, %masked_sort3A_1440, %masked_sort3A_1441 = tpu.sort %scan3A_1427#2, %scan3A_1427#2 masked %masked_sort3A_1438 {descending = true} : (vector<16xf32>, vector<16xf32>, vector<16xi1>) -> (vector<16xi1>, vector<16xf32>, vector<16xf32>)
      %masked_sort3A_1442 = arith.constant dense<true> : vector<16xi1>
      %masked_sort3A_1443, %masked_sort3A_1444, %masked_sort3A_1445 = tpu.sort %scan3A_1427#3, %scan3A_1427#3 masked %masked_sort3A_1442 : (vector<16xf32>, vector<16xf32>, vector<16xi1>) -> (vector<16xi1>, vector<16xf32>, vector<16xf32>)
      %max3A_1446 = arith.maximumf %masked_sort3A_1440, %masked_sort3A_1444 : vector<16xf32>
      %masked_sort3A_1447 = arith.constant dense<true> : vector<16xi1>
      %masked_sort3A_1448, %masked_sort3A_1449, %masked_sort3A_1450 = tpu.sort %max3A_1437, %max3A_1437 masked %masked_sort3A_1447 {descending = true} : (vector<16xf32>, vector<16xf32>, vector<16xi1>) -> (vector<16xi1>, vector<16xf32>, vector<16xf32>)
      %masked_sort3A_1451 = arith.constant dense<true> : vector<16xi1>
      %masked_sort3A_1452, %masked_sort3A_1453, %masked_sort3A_1454 = tpu.sort %max3A_1446, %max3A_1446 masked %masked_sort3A_1451 : (vector<16xf32>, vector<16xf32>, vector<16xi1>) -> (vector<16xi1>, vector<16xf32>, vector<16xf32>)
      %max3A_1455 = arith.maximumf %masked_sort3A_1449, %masked_sort3A_1453 : vector<16xf32>
      %masked_sort3A_1456 = arith.constant dense<true> : vector<16xi1>
      %masked_sort3A_1457, %masked_sort3A_1458, %masked_sort3A_1459 = tpu.sort %max3A_1455, %max3A_1455 masked %masked_sort3A_1456 {descending = true} : (vector<16xf32>, vector<16xf32>, vector<16xi1>) -> (vector<16xi1>, vector<16xf32>, vector<16xf32>)
      %lt3A_1460 = arith.constant 4 : i32
      %lt3A_1461 = vector.broadcast %lt3A_1460 : i32 to vector<16xi32>
      %lt3A_1462 = arith.cmpi slt, %iota3A, %lt3A_1461 : vector<16xi32>
      %jit3A_1463 = arith.constant 0.000000e+00 : f32
      %broadcast_in_dim3A_1464 = vector.broadcast %jit3A_1463 : f32 to vector<16xf32>
      %select_n3A_1465 = arith.select %lt3A_1462, %masked_sort3A_1458, %broadcast_in_dim3A_1464 : vector<16xi1>, vector<16xf32>
      %reduce_sum3A_1466 = arith.constant true
      %reduce_sum3A_1467 = vector.broadcast %reduce_sum3A_1466 : i1 to vector<16xi1>
      %reduce_sum3A_1468 = tpu.scan <sum>, %select_n3A_1465 masked %reduce_sum3A_1467 : vector<16xf32>, vector<16xi1> -> vector<16xf32>
      %reduce_sum3A_1469 = vector.extract %reduce_sum3A_1468[15] : f32 from vector<16xf32>
      %masked_sort3A_1470 = arith.constant dense<true> : vector<16xi1>
      %masked_sort3A_1471, %masked_sort3A_1472, %masked_sort3A_1473 = tpu.sort %scan3A_1427#4, %scan3A_1427#4 masked %masked_sort3A_1470 : (vector<16xf32>, vector<16xf32>, vector<16xi1>) -> (vector<16xi1>, vector<16xf32>, vector<16xf32>)
      %masked_sort3A_1474 = arith.constant dense<true> : vector<16xi1>
      %masked_sort3A_1475, %masked_sort3A_1476, %masked_sort3A_1477 = tpu.sort %scan3A_1427#5, %scan3A_1427#5 masked %masked_sort3A_1474 {descending = true} : (vector<16xf32>, vector<16xf32>, vector<16xi1>) -> (vector<16xi1>, vector<16xf32>, vector<16xf32>)
      %min3A_1478 = arith.minimumf %masked_sort3A_1472, %masked_sort3A_1476 : vector<16xf32>
      %masked_sort3A_1479 = arith.constant dense<true> : vector<16xi1>
      %masked_sort3A_1480, %masked_sort3A_1481, %masked_sort3A_1482 = tpu.sort %scan3A_1427#6, %scan3A_1427#6 masked %masked_sort3A_1479 : (vector<16xf32>, vector<16xf32>, vector<16xi1>) -> (vector<16xi1>, vector<16xf32>, vector<16xf32>)
      %masked_sort3A_1483 = arith.constant dense<true> : vector<16xi1>
      %masked_sort3A_1484, %masked_sort3A_1485, %masked_sort3A_1486 = tpu.sort %scan3A_1427#7, %scan3A_1427#7 masked %masked_sort3A_1483 {descending = true} : (vector<16xf32>, vector<16xf32>, vector<16xi1>) -> (vector<16xi1>, vector<16xf32>, vector<16xf32>)
      %min3A_1487 = arith.minimumf %masked_sort3A_1481, %masked_sort3A_1485 : vector<16xf32>
      %masked_sort3A_1488 = arith.constant dense<true> : vector<16xi1>
      %masked_sort3A_1489, %masked_sort3A_1490, %masked_sort3A_1491 = tpu.sort %min3A_1478, %min3A_1478 masked %masked_sort3A_1488 : (vector<16xf32>, vector<16xf32>, vector<16xi1>) -> (vector<16xi1>, vector<16xf32>, vector<16xf32>)
      %masked_sort3A_1492 = arith.constant dense<true> : vector<16xi1>
      %masked_sort3A_1493, %masked_sort3A_1494, %masked_sort3A_1495 = tpu.sort %min3A_1487, %min3A_1487 masked %masked_sort3A_1492 {descending = true} : (vector<16xf32>, vector<16xf32>, vector<16xi1>) -> (vector<16xi1>, vector<16xf32>, vector<16xf32>)
      %min3A_1496 = arith.minimumf %masked_sort3A_1490, %masked_sort3A_1494 : vector<16xf32>
      %masked_sort3A_1497 = arith.constant dense<true> : vector<16xi1>
      %masked_sort3A_1498, %masked_sort3A_1499, %masked_sort3A_1500 = tpu.sort %min3A_1496, %min3A_1496 masked %masked_sort3A_1497 : (vector<16xf32>, vector<16xf32>, vector<16xi1>) -> (vector<16xi1>, vector<16xf32>, vector<16xf32>)
      %lt3A_1501 = arith.constant 4 : i32
      %lt3A_1502 = vector.broadcast %lt3A_1501 : i32 to vector<16xi32>
      %lt3A_1503 = arith.cmpi slt, %iota3A, %lt3A_1502 : vector<16xi32>
      %jit3A_1504 = arith.constant 0.000000e+00 : f32
      %broadcast_in_dim3A_1505 = vector.broadcast %jit3A_1504 : f32 to vector<16xf32>
      %select_n3A_1506 = arith.select %lt3A_1503, %masked_sort3A_1499, %broadcast_in_dim3A_1505 : vector<16xi1>, vector<16xf32>
      %reduce_sum3A_1507 = arith.constant true
      %reduce_sum3A_1508 = vector.broadcast %reduce_sum3A_1507 : i1 to vector<16xi1>
      %reduce_sum3A_1509 = tpu.scan <sum>, %select_n3A_1506 masked %reduce_sum3A_1508 : vector<16xf32>, vector<16xi1> -> vector<16xf32>
      %reduce_sum3A_1510 = vector.extract %reduce_sum3A_1509[15] : f32 from vector<16xf32>
      %add3A_1511 = arith.addf %reduce_sum3A_1469, %reduce_sum3A_1510 : f32
      %mul3A_1512 = arith.constant 2.500000e-01 : f32
      %mul3A_1513 = arith.mulf %add3A_1511, %mul3A_1512 : f32
      %masked_sort3A_1514 = arith.constant dense<true> : vector<16xi1>
      %masked_sort3A_1515, %masked_sort3A_1516, %masked_sort3A_1517 = tpu.sort %scan3A_1427#8, %scan3A_1427#8 masked %masked_sort3A_1514 {descending = true} : (vector<16xf32>, vector<16xf32>, vector<16xi1>) -> (vector<16xi1>, vector<16xf32>, vector<16xf32>)
      %masked_sort3A_1518 = arith.constant dense<true> : vector<16xi1>
      %masked_sort3A_1519, %masked_sort3A_1520, %masked_sort3A_1521 = tpu.sort %scan3A_1427#9, %scan3A_1427#9 masked %masked_sort3A_1518 : (vector<16xf32>, vector<16xf32>, vector<16xi1>) -> (vector<16xi1>, vector<16xf32>, vector<16xf32>)
      %max3A_1522 = arith.maximumf %masked_sort3A_1516, %masked_sort3A_1520 : vector<16xf32>
      %masked_sort3A_1523 = arith.constant dense<true> : vector<16xi1>
      %masked_sort3A_1524, %masked_sort3A_1525, %masked_sort3A_1526 = tpu.sort %scan3A_1427#10, %scan3A_1427#10 masked %masked_sort3A_1523 {descending = true} : (vector<16xf32>, vector<16xf32>, vector<16xi1>) -> (vector<16xi1>, vector<16xf32>, vector<16xf32>)
      %masked_sort3A_1527 = arith.constant dense<true> : vector<16xi1>
      %masked_sort3A_1528, %masked_sort3A_1529, %masked_sort3A_1530 = tpu.sort %scan3A_1427#11, %scan3A_1427#11 masked %masked_sort3A_1527 : (vector<16xf32>, vector<16xf32>, vector<16xi1>) -> (vector<16xi1>, vector<16xf32>, vector<16xf32>)
      %max3A_1531 = arith.maximumf %masked_sort3A_1525, %masked_sort3A_1529 : vector<16xf32>
      %masked_sort3A_1532 = arith.constant dense<true> : vector<16xi1>
      %masked_sort3A_1533, %masked_sort3A_1534, %masked_sort3A_1535 = tpu.sort %max3A_1522, %max3A_1522 masked %masked_sort3A_1532 {descending = true} : (vector<16xf32>, vector<16xf32>, vector<16xi1>) -> (vector<16xi1>, vector<16xf32>, vector<16xf32>)
      %masked_sort3A_1536 = arith.constant dense<true> : vector<16xi1>
      %masked_sort3A_1537, %masked_sort3A_1538, %masked_sort3A_1539 = tpu.sort %max3A_1531, %max3A_1531 masked %masked_sort3A_1536 : (vector<16xf32>, vector<16xf32>, vector<16xi1>) -> (vector<16xi1>, vector<16xf32>, vector<16xf32>)
      %max3A_1540 = arith.maximumf %masked_sort3A_1534, %masked_sort3A_1538 : vector<16xf32>
      %masked_sort3A_1541 = arith.constant dense<true> : vector<16xi1>
      %masked_sort3A_1542, %masked_sort3A_1543, %masked_sort3A_1544 = tpu.sort %max3A_1540, %max3A_1540 masked %masked_sort3A_1541 {descending = true} : (vector<16xf32>, vector<16xf32>, vector<16xi1>) -> (vector<16xi1>, vector<16xf32>, vector<16xf32>)
      %lt3A_1545 = arith.constant 4 : i32
      %lt3A_1546 = vector.broadcast %lt3A_1545 : i32 to vector<16xi32>
      %lt3A_1547 = arith.cmpi slt, %iota3A, %lt3A_1546 : vector<16xi32>
      %jit3A_1548 = arith.constant 0.000000e+00 : f32
      %broadcast_in_dim3A_1549 = vector.broadcast %jit3A_1548 : f32 to vector<16xf32>
      %select_n3A_1550 = arith.select %lt3A_1547, %masked_sort3A_1543, %broadcast_in_dim3A_1549 : vector<16xi1>, vector<16xf32>
      %reduce_sum3A_1551 = arith.constant true
      %reduce_sum3A_1552 = vector.broadcast %reduce_sum3A_1551 : i1 to vector<16xi1>
      %reduce_sum3A_1553 = tpu.scan <sum>, %select_n3A_1550 masked %reduce_sum3A_1552 : vector<16xf32>, vector<16xi1> -> vector<16xf32>
      %reduce_sum3A_1554 = vector.extract %reduce_sum3A_1553[15] : f32 from vector<16xf32>
      %masked_sort3A_1555 = arith.constant dense<true> : vector<16xi1>
      %masked_sort3A_1556, %masked_sort3A_1557, %masked_sort3A_1558 = tpu.sort %scan3A_1427#12, %scan3A_1427#12 masked %masked_sort3A_1555 : (vector<16xf32>, vector<16xf32>, vector<16xi1>) -> (vector<16xi1>, vector<16xf32>, vector<16xf32>)
      %masked_sort3A_1559 = arith.constant dense<true> : vector<16xi1>
      %masked_sort3A_1560, %masked_sort3A_1561, %masked_sort3A_1562 = tpu.sort %scan3A_1427#13, %scan3A_1427#13 masked %masked_sort3A_1559 {descending = true} : (vector<16xf32>, vector<16xf32>, vector<16xi1>) -> (vector<16xi1>, vector<16xf32>, vector<16xf32>)
      %min3A_1563 = arith.minimumf %masked_sort3A_1557, %masked_sort3A_1561 : vector<16xf32>
      %masked_sort3A_1564 = arith.constant dense<true> : vector<16xi1>
      %masked_sort3A_1565, %masked_sort3A_1566, %masked_sort3A_1567 = tpu.sort %scan3A_1427#14, %scan3A_1427#14 masked %masked_sort3A_1564 : (vector<16xf32>, vector<16xf32>, vector<16xi1>) -> (vector<16xi1>, vector<16xf32>, vector<16xf32>)
      %masked_sort3A_1568 = arith.constant dense<true> : vector<16xi1>
      %masked_sort3A_1569, %masked_sort3A_1570, %masked_sort3A_1571 = tpu.sort %scan3A_1427#15, %scan3A_1427#15 masked %masked_sort3A_1568 {descending = true} : (vector<16xf32>, vector<16xf32>, vector<16xi1>) -> (vector<16xi1>, vector<16xf32>, vector<16xf32>)
      %min3A_1572 = arith.minimumf %masked_sort3A_1566, %masked_sort3A_1570 : vector<16xf32>
      %masked_sort3A_1573 = arith.constant dense<true> : vector<16xi1>
      %masked_sort3A_1574, %masked_sort3A_1575, %masked_sort3A_1576 = tpu.sort %min3A_1563, %min3A_1563 masked %masked_sort3A_1573 : (vector<16xf32>, vector<16xf32>, vector<16xi1>) -> (vector<16xi1>, vector<16xf32>, vector<16xf32>)
      %masked_sort3A_1577 = arith.constant dense<true> : vector<16xi1>
      %masked_sort3A_1578, %masked_sort3A_1579, %masked_sort3A_1580 = tpu.sort %min3A_1572, %min3A_1572 masked %masked_sort3A_1577 {descending = true} : (vector<16xf32>, vector<16xf32>, vector<16xi1>) -> (vector<16xi1>, vector<16xf32>, vector<16xf32>)
      %min3A_1581 = arith.minimumf %masked_sort3A_1575, %masked_sort3A_1579 : vector<16xf32>
      %masked_sort3A_1582 = arith.constant dense<true> : vector<16xi1>
      %masked_sort3A_1583, %masked_sort3A_1584, %masked_sort3A_1585 = tpu.sort %min3A_1581, %min3A_1581 masked %masked_sort3A_1582 : (vector<16xf32>, vector<16xf32>, vector<16xi1>) -> (vector<16xi1>, vector<16xf32>, vector<16xf32>)
      %lt3A_1586 = arith.constant 4 : i32
      %lt3A_1587 = vector.broadcast %lt3A_1586 : i32 to vector<16xi32>
      %lt3A_1588 = arith.cmpi slt, %iota3A, %lt3A_1587 : vector<16xi32>
      %jit3A_1589 = arith.constant 0.000000e+00 : f32
      %broadcast_in_dim3A_1590 = vector.broadcast %jit3A_1589 : f32 to vector<16xf32>
      %select_n3A_1591 = arith.select %lt3A_1588, %masked_sort3A_1584, %broadcast_in_dim3A_1590 : vector<16xi1>, vector<16xf32>
      %reduce_sum3A_1592 = arith.constant true
      %reduce_sum3A_1593 = vector.broadcast %reduce_sum3A_1592 : i1 to vector<16xi1>
      %reduce_sum3A_1594 = tpu.scan <sum>, %select_n3A_1591 masked %reduce_sum3A_1593 : vector<16xf32>, vector<16xi1> -> vector<16xf32>
      %reduce_sum3A_1595 = vector.extract %reduce_sum3A_1594[15] : f32 from vector<16xf32>
      %add3A_1596 = arith.addf %reduce_sum3A_1554, %reduce_sum3A_1595 : f32
      %mul3A_1597 = arith.constant 2.500000e-01 : f32
      %mul3A_1598 = arith.mulf %add3A_1596, %mul3A_1597 : f32
      %add3A_1599 = arith.constant 6 : i32
      %add3A_1600 = arith.addi %mul3A_836, %add3A_1599 : i32
      %eq3A_1601 = vector.broadcast %add3A_1600 : i32 to vector<16xi32>
      %eq3A_1602 = arith.cmpi eq, %iota3A, %eq3A_1601 : vector<16xi32>
      %broadcast_in_dim3A_1603 = vector.broadcast %mul3A_1513 : f32 to vector<16xf32>
      %select_n3A_1604 = arith.select %eq3A_1602, %broadcast_in_dim3A_1603, %select_n3A_1418 : vector<16xi1>, vector<16xf32>
      %add3A_1605 = arith.constant 6 : i32
      %add3A_1606 = arith.addi %mul3A_836, %add3A_1605 : i32
      %add3A_1607 = arith.constant 1 : i32
      %add3A_1608 = arith.addi %add3A_1606, %add3A_1607 : i32
      %eq3A_1609 = vector.broadcast %add3A_1608 : i32 to vector<16xi32>
      %eq3A_1610 = arith.cmpi eq, %iota3A, %eq3A_1609 : vector<16xi32>
      %broadcast_in_dim3A_1611 = vector.broadcast %mul3A_1598 : f32 to vector<16xf32>
      %select_n3A_1612 = arith.select %eq3A_1610, %broadcast_in_dim3A_1611, %select_n3A_1604 : vector<16xi1>, vector<16xf32>
      %mul3A_1613 = arith.constant 16 : i32
      %mul3A_1614 = arith.muli %scan3A_18, %mul3A_1613 : i32
      %multiple_of3A = tpu.assume_multiple %mul3A_1614, 8 : i32
      %swap3A = arith.index_cast %multiple_of3A : i32 to index
      %swap3A_1615 = tpu.vector_load %arg6[%swap3A] {strides = array<i32>} : memref<768xf32, #tpu.memory_space<vmem>>, vector<16xf32>,
      tpu.vector_store %arg6[%swap3A], %select_n3A_1612 {strides = array<i32>} : memref<768xf32, #tpu.memory_space<vmem>>, vector<16xf32>,
      scf.yield %select_n3A_1612 : vector<16xf32>
    }
    %scan3A_17 = arith.constant 48 : i32
    "tpu.region"() ({
      %run_scoped3A = tpu.sem_alloc : memref<!tpu.dma_semaphore, #tpu.memory_space<semaphore_mem>>
      %dma_start3A_18 = tpu.memref_slice %arg3[%mul3A_2] : memref<24576xf32, #tpu.memory_space<hbm>> -> memref<768xf32, #tpu.memory_space<hbm>>
      %dma_start3A_19 = tpu.memref_slice %arg3[%mul3A_2] : memref<24576xf32, #tpu.memory_space<hbm>> -> memref<768xf32, #tpu.memory_space<hbm>>
      tpu.enqueue_dma source(%arg6 : memref<768xf32, #tpu.memory_space<vmem>>) target(%dma_start3A_19 : memref<768xf32, #tpu.memory_space<hbm>>) target_semaphore(%run_scoped3A : memref<!tpu.dma_semaphore, #tpu.memory_space<semaphore_mem>>)
      %dma_wait3A = tpu.memref_slice %arg3[%mul3A_2] : memref<24576xf32, #tpu.memory_space<hbm>> -> memref<768xf32, #tpu.memory_space<hbm>>
      %dma_wait3A_20 = tpu.memref_slice %arg3[%mul3A_2] : memref<24576xf32, #tpu.memory_space<hbm>> -> memref<768xf32, #tpu.memory_space<hbm>>
      tpu.wait_dma2 semaphore(%run_scoped3A : memref<!tpu.dma_semaphore, #tpu.memory_space<semaphore_mem>>) src(%arg6 : memref<768xf32, #tpu.memory_space<vmem>>) dst(%dma_wait3A_20 : memref<768xf32, #tpu.memory_space<hbm>>)
      tpu.yield
    }) : () -> ()
    return
  }
}

</mosaic_0001>

<sc_bundles>
// kernel: kernel.3.cloned.1.call-start
scs
__scs_entry_jumppad:
0x0: {  	(pc) =	sbr.rel $0x88, $3  }
0x1: {  	(tag) =	ssettag $0x0;
	lr =	simm.s32 $0x1  }
0x2: {  	[smem:$0x3FA0] =	sst lr;
	_ =	strace $0xD0000000  }
0x3: {  	_ = 	snop  }
0x4: {  	_ = 	snop  }
0x5: {  	_ = 	snop  }
0x6: {  	_ = 	snop  }
0x7: {  	_ = 	snop  }
__scs_overlays_trampoline_lowered:
0x8: {  	[smem:$0x3FAF] =	sst s0  }
0x9: {  	[smem:$0x3FB0] =	sst s1  }
0xa: {  	[smem:$0x3FB1] =	sst s2  }
0xb: {  	[smem:$0x3FB2] =	sst s3  }
0xc: {  	[smem:$0x3FB3] =	sst s4  }
0xd: {  	[smem:$0x3FB4] =	sst s5  }
0xe: {  	[smem:$0x3FB5] =	sst s6  }
0xf: {  	[smem:$0x3FB6] =	sst s7  }
0x10: {  	[smem:$0x3FB7] =	sst s8  }
0x11: {  	[smem:$0x3FB8] =	sst s9;
	s0 =	simm.s32 @!p0 $0x0  }
0x12: {  	s1 =	sld [smem:$0x3F9E];
	s0 =	simm.s32 @p0 $0x1  }
0x13: {  	[smem:$0x3FB9] =	sst s0;
	s0 =	simm.s32 @!p1 $0x0  }
0x14: {  	s2 =	sld [smem:$0x3F9D];
	s0 =	simm.s32 @p1 $0x1  }
0x15: {  	[smem:$0x3FBA] =	sst s0;
	s0 =	simm.s32 @!p2 $0x0  }
0x16: {  	s3 =	sld [smem:$0x3FDB];
	s0 =	simm.s32 @p2 $0x1  }
0x17: {  	s4 =	simm.s32 $0x1BF5;
	[smem:$0x3FBC] =	sst s0  }
0x18: {  	s0 =	sld [smem:$0x3F9F];
	_ =	swait.ge [sflag:s4], $0x0  }
0x19: {  	s7 =	sld [smem:$0x3FA0]  }
0x1a: {  	s8 =	sadd.s32 $0xFFFFE003, lr  }
0x1b: {  	s9 =	sadd.s32 $0xFFFFFEF7, lr;
	s5 =	simm.s32 $0xFFFFFFFF;
	p2 =	slt.u32 s8, $0xFFFFF086  }
0x1c: {  	p1 =	slt.u32 s9, $0xF7A;
	s5 =	simm.s32 @!p2 $0x0  }
0x1d: {  	s5 =	simm.s32 @p1 $0x1;
	p0 =	seq.s32 s7, s2  }
0x1e: {  	s7 =	smul.u32 @!p0 $0xF7A, s2;
	p2 =	seq.s32 @!p0 s5, $0x0  }
0x1f: {  	s9 =	smul.u32 $0xF7A, s1;
	s8 =	simm.s32 @!p0 $0x1BF5;
	p2 =	por !p2, p0  }
0x20: {  	[sflag:s8] =	ssyncset.s32 @!p0 $0xFFFFF086;
	s6 =	sadd.s32 @!p0 s3, s7;
	s7 =	simm.s32 @!p0 $0x108  }
0x21: {  	s3 =	sadd.s32 s3, s9;
	s6 =	sadd.s32 @!p0 $0x88, s6;
	s7 =	simm.s32 @p2 $0x1082  }
0x22: {  	[simem:s7], [sflag:s8] =	dma.local @!p0 [hbm:s6], $0xF7A  }
0x23: {  	s9 =	sor.u32 $0xD0000000, s2;
	s6 =	simm.s32 $0x108;
	_ =	swait.ge @!p0 [sflag:s8], $0x0  }
0x24: {  	s3 =	sadd.s32 $0x88, s3;
	s6 =	simm.s32 @!p1 $0x1082;
	[sflag:s4] =	ssyncset.s32 $0xFFFFF086  }
0x25: {  	[simem:s6], [sflag:s4] =	dma.local [hbm:s3], $0xF7A  }
0x26: {  	[smem:$0x3FA0] =	sst s1;
	(tag) =	ssettag s2;
	_ =	strace s9  }
0x27: {  	s1 =	sld [smem:$0x3FB0]  }
0x28: {  	s2 =	sld [smem:$0x3FB1]  }
0x29: {  	s4 =	sld [smem:$0x3FB3]  }
0x2a: {  	p0 =	seq.s32 s5, $0x0;
	s5 =	sld [smem:$0x3FB4]  }
0x2b: {  	s6 =	sld [smem:$0x3FB5]  }
0x2c: {  	s7 =	sld [smem:$0x3FB6]  }
0x2d: {  	s3 =	simm.s32 $0x108;
	s8 =	sld [smem:$0x3FB7]  }
0x2e: {  	s3 =	simm.s32 @!p0 $0x1082;
	s9 =	sld [smem:$0x3FB8]  }
0x2f: {  	lr =	sadd.s32 s0, s3;
	s0 =	sld [smem:$0x3FAF]  }
0x30: {  	s3 =	sld [smem:$0x3FB2]  }
0x31: {  	[smem:$0x3FBB] =	sst s10  }
0x32: {  	s10 =	sld [smem:$0x3FB9];
	_ =	sdelay $0x3  }
0x33: {  	p0 =	seq.s32 s10, $0x1;
	s10 =	sld [smem:$0x3FBB];
	_ =	sdelay $0x3  }
0x34: {  	[smem:$0x3FBB] =	sst s10  }
0x35: {  	s10 =	sld [smem:$0x3FBA];
	_ =	sdelay $0x3  }
0x36: {  	p1 =	seq.s32 s10, $0x1;
	s10 =	sld [smem:$0x3FBB];
	_ =	sdelay $0x3  }
0x37: {  	[smem:$0x3FBB] =	sst s10  }
0x38: {  	s10 =	sld [smem:$0x3FBC]  }
0x39: {  	_ = 	snop;
	(pc) =	sbr.ind lr, $3  }
0x3a: {  	_ = 	snop  }
0x3b: {  	_ = 	snop  }
0x3c: {  	p2 =	seq.s32 s10, $0x1;
	s10 =	sld [smem:$0x3FBB]  }
0x3d: {  	_ =	shalt  }
0x3e: {  	_ =	shalt  }
0x3f: {  	_ =	shalt  }
0x40: {  	_ =	shalt  }
0x41: {  	_ =	shalt  }
0x42: {  	_ =	shalt  }
0x43: {  	_ =	shalt  }
0x44: {  	_ =	shalt  }
0x45: {  	_ =	shalt  }
0x46: {  	_ =	shalt  }
0x47: {  	_ =	shalt  }
0x48: {  	_ =	shalt  }
0x49: {  	_ =	shalt  }
0x4a: {  	_ =	shalt  }
0x4b: {  	_ =	shalt  }
0x4c: {  	_ =	shalt  }
0x4d: {  	_ =	shalt  }
0x4e: {  	_ =	shalt  }
0x4f: {  	_ =	shalt  }
0x50: {  	_ =	shalt  }
0x51: {  	_ =	shalt  }
0x52: {  	_ =	shalt  }
0x53: {  	_ =	shalt  }
0x54: {  	_ =	shalt  }
0x55: {  	_ =	shalt  }
0x56: {  	_ =	shalt  }
0x57: {  	_ =	shalt  }
0x58: {  	_ =	shalt  }
0x59: {  	_ =	shalt  }
0x5a: {  	_ =	shalt  }
0x5b: {  	_ =	shalt  }
0x5c: {  	_ =	shalt  }
0x5d: {  	_ =	shalt  }
0x5e: {  	_ =	shalt  }
0x5f: {  	_ =	shalt  }
0x60: {  	_ =	shalt  }
0x61: {  	_ =	shalt  }
0x62: {  	_ =	shalt  }
0x63: {  	_ =	shalt  }
0x64: {  	_ =	shalt  }
0x65: {  	_ =	shalt  }
0x66: {  	_ =	shalt  }
0x67: {  	_ =	shalt  }
0x68: {  	_ =	shalt  }
0x69: {  	_ =	shalt  }
0x6a: {  	_ =	shalt  }
0x6b: {  	_ =	shalt  }
0x6c: {  	_ =	shalt  }
0x6d: {  	_ =	shalt  }
0x6e: {  	_ =	shalt  }
0x6f: {  	_ =	shalt  }
0x70: {  	_ =	shalt  }
0x71: {  	_ =	shalt  }
0x72: {  	_ =	shalt  }
0x73: {  	_ =	shalt  }
0x74: {  	_ =	shalt  }
0x75: {  	_ =	shalt  }
0x76: {  	_ =	shalt  }
0x77: {  	_ =	shalt  }
0x78: {  	_ =	shalt  }
0x79: {  	_ =	shalt  }
0x7a: {  	_ =	shalt  }
0x7b: {  	_ =	shalt  }
0x7c: {  	_ =	shalt  }
0x7d: {  	_ =	shalt  }
0x7e: {  	_ =	shalt  }
0x7f: {  	_ =	shalt  }
0x80: {  	_ =	shalt  }
0x81: {  	_ =	shalt  }
0x82: {  	_ =	shalt  }
0x83: {  	_ =	shalt  }
0x84: {  	_ =	shalt  }
0x85: {  	_ =	shalt  }
0x86: {  	_ =	shalt  }
0x87: {  	_ =	shalt  }
.Lfunc_end0:
.L_simem_size_0:
called_computation_lowered:
.L_overlay_start_0:
0x88: {  	s2 =	sld [smem:$0x3FD9]  }
0x89: {  	s3 =	sld [smem:$0x3FFE];
	_ =	sdelay $0x1  }
0x8a: {  	s1 =	srdreg.scid  }
0x8b: {  	s0 =	sand.u32 $0x1, s1  }
0x8c: {  	s17 =	sshll.u32 s0, $0xA;
	s2 =	sadd.s32 s3, s2  }
0x8d: {  	s2 =	sadd.s32 s2, s17  }
0x8e: {  	[smem:$0x3FC7] =	sst s2  }
0x8f: {  	_ = 	snop  }
0x90: {  	s2 =	sld [smem:$0x3FD0];
	(tm) =	ssettm $0x1  }
0x91: {  	s18 =	sld [smem:$0x3FFB];
	_ =	sdelay $0x3  }
0x92: {  	_ =	strace s18  }
0x93: {  	s3 =	sld [smem:$0x3FFC];
	_ =	sdelay $0x3  }
0x94: {  	_ =	strace s3  }
0x95: {  	s3 =	sld [smem:$0x3FFD];
	_ =	sdelay $0x3  }
0x96: {  	_ =	strace s3  }
0x97: {  	_ =	strace $0x8FFFFFFF  }
0x98: {  	s19 =	sld [smem:$0x3FDB];
	_ =	sdelay $0x1  }
0x99: {  	s4 =	simm.s32 $_scs_section_size  }
0x9a: {  	s5 =	simm.s32 $_size__tile_overlayer_lowered;
	s6 =	simm.s32 $_tile_overlayer_lowered  }
0x9b: {  	s22 =	simm.s32 $0x1BFF;
	s21 =	sshll.u32 s6, $0x1;
	s3 =	sadd.s32 s4, s19  }
0x9c: {  	s7 =	simm.s32 $0x0;
	s20 =	sshll.u32 s5, $0x1;
	s5 =	sadd.s32 s21, s3  }
0x9d: {  	[timem:s7], [sflag:s22] =	dma.local [hbm:s5], s20  }
0x9e: {  	_ =	swait.ge [sflag:s22], s20  }
0x9f: {  	s4 =	ssub.s32 $0x0, s20;
	[sflag:s22] =	ssyncset.done $0x0  }
0xa0: {  	[sflag:s22] =	ssyncadd.s32 s4;
	_ =	sdelay $0x1  }
0xa1: {  	s23 =	simm.s32 $0x1B8B  }
0xa2: {  	_ =	swait.ge [sflag:s23], $0x1  }
0xa3: {  	[sflag:s23] =	ssyncset.done $0x0  }
0xa4: {  	s25 =	simm.s32 $0x1B8E;
	s24 =	sld [smem:$0x3FFE];
	[sflag:s23] =	ssyncadd.s32 $0xFFFFFFFF  }
0xa5: {  	s26 =	simm.s32 $execute0_lowered;
	[smem:$0x3FD2] =	sst s25  }
0xa6: {  	s5 =	sshll.u32 s26, $0x1;
	_ =	strace $0x80000046;
	[dreg:$0x1] =	wrdreg $0xFFFFFFFF  }
0xa7: {  	s28 =	simm.s32 $_size_execute0_lowered;
	s3 =	sadd.s32 s3, s5;
	[dreg:$0x0] =	wrdreg $0x0  }
0xa8: {  	s5 =	sshll.u32 s28, $0x1;
	[dreg:$0x2] =	wrdreg s3  }
0xa9: {  	[dreg:$0x3] =	wrdreg s5  }
0xaa: {  	[dreg:$0x4] =	wrdreg $0xC0  }
0xab: {  	_ =	task [dreg:s7], $0x5FFFF  }
0xac: {  	[dreg:$0x1] =	wrdreg $0xFFFFFFFF  }
0xad: {  	[dreg:$0x0] =	wrdreg $0x60  }
0xae: {  	[dreg:$0x2] =	wrdreg s24  }
0xaf: {  	[dreg:$0x3] =	wrdreg s2  }
0xb0: {  	[dreg:$0x4] =	wrdreg $0x9  }
0xb1: {  	_ =	task.clear_ibuf [dreg:s7], $0x5FFFF;
	_ =	strace $0x90000046  }
0xb2: {  	s29 =	simm.s32 $0x9;
	_ =	strace $0x80000048  }
0xb3: {  	_ =	swait.ge [sflag:s29], $0x1  }
0xb4: {  	[sflag:s29] =	ssyncadd.s32 $0xFFFFFFFF  }
0xb5: {  	_ =	strace $0x90000048  }
0xb6: {  	_ =	sfence  }
0xb7: {  	s30 =	sld [smem:$0x0];
	_ =	sdelay $0x2  }
0xb8: {  	s31 =	sshll.u32 s1, $0xD;
	s1 =	sshrl.u32 s1, $0x2  }
0xb9: {  	s3 =	sand.u32 $0x4000, s31;
	s1 =	sadd.s32 s1, s30  }
0xba: {  	s0 =	sor.u32 s3, s0;
	s1 =	sshll.u32 s1, $0x11  }
0xbb: {  	s0 =	sor.u32 s1, s0  }
0xbc: {  	s0 =	sadd.s32 $0x8F2B, s0  }
0xbd: {  	[sflag:s0] =	ssyncadd.remote.s32 $0x1  }
0xbe: {  	_ =	sfence.sel $0xFFFF  }
0xbf: {  	[dreg:$0x0] =	wrdreg $0xFFFFFFFF;
	(pc) =	sbr.abs _section_cstart, $3  }
0xc0: {  	[dreg:$0x1] =	wrdreg $0xFFFFFFFF  }
0xc1: {  	_ =	task.clear_ibuf [dreg:s7], $0x2FFFF;
	_ =	strace $0x9FFFFFFF  }
0xc2: {  	(tm) =	ssettm $0x7FFFFFFF  }
0xc3: {  	_ =	shalt  }
tec
execute0_lowered:
.L_overlay_start_1:
0x0: {  	(tag) =	ssettag $0x1  }
0x1: {  	s3 =	rddreg [dreg:$0x0];
	s1 =	srdreg.scid  }
0x2: {  	s0 =	stileid.u32;
	s7 =	rddreg [dreg:$0x1]  }
0x3: {  	s2 =	simm.s32 $0x0;
	s11 =	simm.s32 $0x2;
	s12 =	simm.s32 $0x10000  }
0x4: {  	s13 =	simm.s32 $0x3;
	s4 =	sand.u32 $0x1, s1;
	s5 =	sshll.u32 s0, $0x1  }
0x5: {  	s14 =	simm.s32 $0x0;
	[smem:$0x7FF] =	sst s2;
	s5 =	sor.u32 s4, s5  }
0x6: {  	s3 =	sadd.s32 $0x400, s3;
	s4 =	ssub.s32 $0x2, s4;
	s6 =	smul.u32 $0x300000, s5  }
0x7: {  	_ =	strace $0x80000047;
	s8 =	sshrl.u32 s4, $0x1;
	s10 =	smul.u32 $0x60, s5  }
0x8: {  	vm0 =	vcmask $0x704;
	s8 =	ssub.s32 s4, s8;
	s9 =	sshrl.u32 s6, $0x3;
	s5 =	sor.u32 $0x8000, s6  }
0x9: {  	vm1 =	vcmask $0xB08;
	vm2 =	vcmask $0xF0C;
	vm3 =	vcmask $0x1310;
	s6 =	sor.u32 $0x10000, s6;
	s7 =	sadd.s32 s7, s10;
	s8 =	smax.u32 s8, $0x1  }
0xa: {  	vm4 =	vcmask $0x1714;
	vm5 =	vcmask $0x1B18;
	vm6 =	vcmask $0x1F1C;
	s10 =	simm.s32 $0x1;
	s4 =	sadd.s32 s3, s9;
	s9 =	simm.s32 $0x8000  }
.LBB2_1:
0xb: {  	[tilespmem:s2], [sflag:$0x1] =	stream.linear.gather [hbm4b:s4+s2], $0x8000, $0x38;
	[tilespmem:$0x10300] =	vst v63  }
0xc: {  	s15 =	simm.s32 $0x0  }
.LBB2_2:
0xd: {  	s16 =	sshll.u32 s15, $0x10  }
0xe: {  	s17 =	sadd.s32 s16, s5  }
0xf: {  	s17 =	sshrl.u32 s17, $0x3  }
0x10: {  	s18 =	simm.s32 $0x0;
	s17 =	sadd.s32 s3, s17  }
0x11: {  	[tilespmem:s9], [sflag:$0x2] =	stream.linear.gather [hbm4b:s17+s18], $0x8000, $0x38;
	[tilespmem:$0x10300] =	vst v63  }
0x12: {  	_ =	swait.ge [sflag:s10], $0x8000  }
0x13: {  	[sflag:s10] =	ssyncset.done $0x0  }
0x14: {  	s31 =	simm.s32 $0x0;
	[sflag:s10] =	ssyncadd.s32 $0xFFFF8000  }
0x15: {  	v0 =	vld [tilespmem:s31+$0x0]  }
0x16: {  	v1 =	vld [tilespmem:s31+$0x10]  }
0x17: {  	v2 =	vld [tilespmem:s31+$0x80]  }
0x18: {  	v3 =	vld [tilespmem:s31+$0x90]  }
0x19: {  	v4 =	vld [tilespmem:s31+$0x1000]  }
0x1a: {  	v5 =	vld [tilespmem:s31+$0x1010]  }
0x1b: {  	v6 =	vld [tilespmem:s31+$0x1080]  }
0x1c: {  	v7 =	vld [tilespmem:s31+$0x1090]  }
0x1d: {  	v19 =	vimm.f32 $-Inf;
	v20 =	vimm.f32 $+Inf  }
0x1e: {  	v13 =	vimm.f32 $+Inf;
	v16 =	vimm.f32 $+Inf;
	v17 =	vimm.f32 $+Inf  }
0x1f: {  	v11 =	vimm.f32 $-Inf;
	v12 =	vimm.f32 $-Inf;
	v8 =	vmax.f32 v0, v1  }
0x20: {  	v0 =	vmin.f32 v0, v1;
	v1 =	vmax.f32 v2, v3;
	v2 =	vmin.f32 v2, v3  }
0x21: {  	v3 =	vmax.f32 v4, v5;
	v5 =	vmin.f32 v4, v5;
	v9 =	vmax.f32 v6, v7  }
0x22: {  	v6 =	vmin.f32 v6, v7;
	v14 =	vmax.f32 v8, v1;
	v15 =	vmin.f32 v0, v2  }
0x23: {  	v7 =	vmax.f32 v3, v9;
	v4 =	vmin.f32 v5, v6;
	v1 =	vmin.f32 v8, v1  }
0x24: {  	v0 =	vmax.f32 v0, v2;
	v2 =	vmin.f32 v3, v9;
	v8 =	vimm.f32 $-Inf  }
0x25: {  	v3 =	vimm.f32 $+Inf;
	v18 =	vmax.f32 v0, v1;
	v21 =	vmin.f32 v0, v1  }
0x26: {  	v0 =	vmax.f32 v5, v6;
	v22 =	vmax.f32 v19, v15;
	v24 =	vmax.f32 v19, v14  }
0x27: {  	v6 =	vimm.f32 $+Inf;
	v5 =	vimm.f32 $+Inf;
	v1 =	vimm.f32 $+Inf  }
0x28: {  	v10 =	vmax.f32 v0, v2;
	v9 =	vmin.f32 v0, v2;
	v23 =	vmax.f32 v19, v21  }
0x29: {  	s17 =	simm.s32 $0x400;
	v25 =	vmax.f32 v19, v18;
	v2 =	vimm.f32 $-Inf;
	v0 =	vimm.f32 $+Inf  }
.LBB2_3:
0x2a: {  	p0 =	sne.s32 s17, $0x3C00;
	v26 =	vmax.f32 v22, v25;
	v22 =	vmin.f32 v22, v25;
	v25 =	vmin.f32 v23, v24  }
0x2b: {  	v23 =	vmax.f32 v23, v24;
	v13 =	vmin.f32 v13, v14;
	v24 =	vmin.f32 v22, v25  }
0x2c: {  	v14 =	vmin.f32 v16, v18;
	v16 =	vmin.f32 v17, v21;
	v6 =	vmin.f32 v6, v15  }
0x2d: {  	v15 =	vmin.f32 v13, v16;
	v17 =	vmax.f32 v13, v16;
	v18 =	vmax.f32 v14, v6  }
0x2e: {  	s18 =	sshra.s32 s17, $0x2;
	v8 =	vmax.f32 v8, v4;
	v14 =	vmin.f32 v14, v6;
	v6 =	vmax.f32 v17, v18  }
0x2f: {  	v11 =	vmax.f32 v11, v9;
	v12 =	vmax.f32 v12, v10;
	v2 =	vmax.f32 v2, v7;
	v21 =	vld [tilespmem:s18+$0x0]  }
0x30: {  	v16 =	vmax.f32 v8, v12;
	v12 =	vmin.f32 v8, v12;
	v28 =	vmin.f32 v11, v2;
	v27 =	vld [tilespmem:s18+$0x10]  }
0x31: {  	v5 =	vmin.f32 v5, v7;
	v11 =	vmax.f32 v11, v2;
	v2 =	vmin.f32 v12, v28;
	v29 =	vld [tilespmem:s18+$0x80]  }
0x32: {  	v3 =	vmin.f32 v3, v10;
	v0 =	vmin.f32 v0, v9;
	v1 =	vmin.f32 v1, v4;
	v7 =	vld [tilespmem:s18+$0x90]  }
0x33: {  	v9 =	vmin.f32 v5, v0;
	v5 =	vmax.f32 v5, v0;
	v8 =	vmax.f32 v3, v1;
	v4 =	vld [tilespmem:s18+$0x1000]  }
0x34: {  	v3 =	vmin.f32 v3, v1;
	v0 =	vmin.f32 v5, v8;
	v1 =	vmax.f32 v5, v8;
	v10 =	vld [tilespmem:s18+$0x1010]  }
0x35: {  	v8 =	vmax.f32 v16, v11;
	v5 =	vmin.f32 v9, v3;
	v3 =	vmax.f32 v9, v3;
	v30 =	vld [tilespmem:s18+$0x1080]  }
0x36: {  	v13 =	vmin.f32 v15, v14;
	v11 =	vmin.f32 v16, v11;
	v12 =	vmax.f32 v12, v28;
	v9 =	vld [tilespmem:s18+$0x1090]  }
0x37: {  	v28 =	vmax.f32 v26, v23;
	v16 =	vmax.f32 v15, v14;
	v17 =	vmin.f32 v17, v18  }
0x38: {  	v25 =	vmax.f32 v22, v25;
	v23 =	vmin.f32 v26, v23  }
0x39: {  	v18 =	vmax.f32 v21, v27;
	v21 =	vmin.f32 v21, v27;
	v22 =	vmax.f32 v29, v7  }
0x3a: {  	v26 =	vmin.f32 v29, v7;
	v27 =	vmax.f32 v4, v10;
	v10 =	vmin.f32 v4, v10  }
0x3b: {  	v14 =	vmax.f32 v18, v22;
	v29 =	vmax.f32 v30, v9;
	v9 =	vmin.f32 v30, v9  }
.Ltmp0:
0x3c: {  	v15 =	vmin.f32 v21, v26;
	v7 =	vmax.f32 v27, v29;
	v4 =	vmin.f32 v10, v9;
	(pc) =	sbr.rel @p0 .LBB2_3-.Ltmp0, $4  }
0x3d: {  	v22 =	vmin.f32 v18, v22;
	v21 =	vmax.f32 v21, v26;
	v26 =	vmin.f32 v27, v29  }
0x3e: {  	v18 =	vmax.f32 v21, v22;
	v21 =	vmin.f32 v21, v22;
	v9 =	vmax.f32 v10, v9  }
0x3f: {  	v22 =	vmax.f32 v28, v15;
	v10 =	vmax.f32 v9, v26;
	v9 =	vmin.f32 v9, v26  }
0x40: {  	s17 =	sadd.s32 $0x400, s17;
	v24 =	vmax.f32 v24, v14;
	v23 =	vmax.f32 v23, v21;
	v25 =	vmax.f32 v25, v18  }
0x41: {  	v26 =	vmax.f32 v22, v25;
	v22 =	vmin.f32 v22, v25  }
0x42: {  	v25 =	vmin.f32 v23, v24;
	v23 =	vmax.f32 v23, v24;
	v13 =	vmin.f32 v13, v14  }
0x43: {  	v14 =	vmin.f32 v16, v18;
	v16 =	vmin.f32 v17, v21;
	v6 =	vmin.f32 v6, v15  }
0x44: {  	v8 =	vmax.f32 v8, v4;
	v11 =	vmax.f32 v11, v9;
	v12 =	vmax.f32 v12, v10  }
0x45: {  	v2 =	vmax.f32 v2, v7;
	v5 =	vmin.f32 v5, v7;
	v3 =	vmin.f32 v3, v10  }
0x46: {  	v0 =	vmin.f32 v0, v9;
	v1 =	vmin.f32 v1, v4;
	v24 =	vmin.f32 v22, v25  }
0x47: {  	v15 =	vmin.f32 v13, v16;
	v13 =	vmax.f32 v13, v16;
	v17 =	vmax.f32 v14, v6  }
0x48: {  	v16 =	vmax.f32 v8, v12;
	v12 =	vmin.f32 v8, v12;
	v18 =	vmin.f32 v11, v2  }
0x49: {  	v6 =	vmin.f32 v14, v6;
	[tilespmem:$0x1FF20] =	vst v24;
	v14 =	vmax.f32 v13, v17;
	v8 =	vmin.f32 v12, v18  }
0x4a: {  	[tilespmem:$0x1FF40] =	vst v8;
	v8 =	vmin.f32 v5, v0;
	v0 =	vmax.f32 v5, v0;
	v5 =	vmax.f32 v3, v1  }
0x4b: {  	s17 =	simm.s32 $0xFFFFF000;
	[tilespmem:$0x1FF30] =	vst v14;
	v1 =	vmin.f32 v3, v1;
	v3 =	vmin.f32 v0, v5  }
0x4c: {  	v21 =	vld [tilespmem:s17+$0x3010];
	v2 =	vmax.f32 v11, v2;
	v0 =	vmax.f32 v0, v5;
	[tilespmem:$0x1FF50] =	vst v3  }
0x4d: {  	v7 =	vld [tilespmem:s17+$0x3080];
	[tilespmem:$0x1FF60] =	vst v0;
	v3 =	vmax.f32 v16, v2  }
0x4e: {  	v4 =	vld [tilespmem:s17+$0x3090];
	v2 =	vmin.f32 v16, v2;
	[tilespmem:$0x1FF70] =	vst v3  }
0x4f: {  	v24 =	vld [tilespmem:s17+$0x4000];
	v3 =	vmin.f32 v8, v1;
	[tilespmem:$0x1FFB0] =	vst v2  }
0x50: {  	v14 =	vld [tilespmem:s17+$0x3000];
	v1 =	vmax.f32 v8, v1;
	[tilespmem:$0x1FF80] =	vst v3  }
0x51: {  	v0 =	vld [tilespmem:s17+$0x4010];
	v2 =	vmax.f32 v12, v18;
	[tilespmem:$0x1FF90] =	vst v1  }
0x52: {  	v1 =	vld [tilespmem:s17+$0x4080];
	v3 =	vmin.f32 v15, v6;
	[tilespmem:$0x1FFC0] =	vst v2  }
0x53: {  	v18 =	vmax.f32 v22, v25;
	v12 =	vmax.f32 v7, v4;
	v2 =	vld [tilespmem:s17+$0x4090];
	[tilespmem:$0x1FFA0] =	vst v3;
	v3 =	vmax.f32 v26, v23  }
0x54: {  	v4 =	vmin.f32 v7, v4;
	v25 =	vimm.f32 $+Inf;
	[tilespmem:$0x1FFD0] =	vst v3;
	v3 =	vmax.f32 v15, v6  }
0x55: {  	v6 =	vmin.f32 v14, v21;
	[tilespmem:$0x1FFE0] =	vst v3;
	v3 =	vmin.f32 v13, v17;
	v17 =	vmin.f32 v26, v23  }
0x56: {  	v7 =	vmax.f32 v24, v0;
	v0 =	vmin.f32 v24, v0;
	v27 =	vmin.f32 v6, v4  }
0x57: {  	v23 =	vimm.f32 $+Inf;
	[tilespmem:$0x1FFF0] =	vst v3;
	v3 =	vmax.f32 v14, v21;
	v30 =	vmax.f32 v19, v27  }
0x58: {  	v21 =	vimm.f32 $-Inf;
	v26 =	vmax.f32 v3, v12;
	v15 =	vmax.f32 v1, v2  }
0x59: {  	v1 =	vmin.f32 v1, v2;
	v2 =	vmin.f32 v3, v12;
	v3 =	vmax.f32 v6, v4  }
0x5a: {  	v12 =	vimm.f32 $+Inf;
	v6 =	vimm.f32 $+Inf;
	v14 =	vmax.f32 v7, v15  }
0x5b: {  	v13 =	vmin.f32 v0, v1;
	v4 =	vmin.f32 v7, v15;
	v28 =	vmax.f32 v3, v2  }
0x5c: {  	v29 =	vmin.f32 v3, v2;
	v0 =	vmax.f32 v0, v1;
	v32 =	vmax.f32 v19, v26  }
0x5d: {  	v15 =	vimm.f32 $-Inf;
	v3 =	vimm.f32 $-Inf;
	v7 =	vimm.f32 $+Inf  }
0x5e: {  	v2 =	vimm.f32 $+Inf;
	v24 =	vmax.f32 v0, v4;
	v22 =	vmin.f32 v0, v4  }
0x5f: {  	s17 =	simm.s32 $0xFFFFC400;
	v31 =	vmax.f32 v19, v29;
	v33 =	vmax.f32 v19, v28;
	v0 =	vimm.f32 $+Inf  }
.LBB2_5:
0x60: {  	p0 =	sne.s32 s17, $0xFFFFFC00;
	v1 =	vmax.f32 v30, v33;
	v4 =	vmin.f32 v30, v33;
	v30 =	vmin.f32 v31, v32  }
0x61: {  	v31 =	vmax.f32 v31, v32;
	v20 =	vmin.f32 v20, v26;
	v32 =	vmin.f32 v4, v30  }
0x62: {  	v23 =	vmin.f32 v23, v28;
	v25 =	vmin.f32 v25, v29;
	v12 =	vmin.f32 v12, v27  }
0x63: {  	v26 =	vmin.f32 v20, v25;
	v25 =	vmax.f32 v20, v25;
	v27 =	vmax.f32 v23, v12  }
0x64: {  	v19 =	vmax.f32 v19, v13;
	v23 =	vmin.f32 v23, v12;
	v12 =	vmax.f32 v25, v27  }
0x65: {  	s18 =	sshra.s32 s17, $0x2;
	v15 =	vmax.f32 v15, v22;
	v3 =	vmax.f32 v3, v14;
	v20 =	vmax.f32 v21, v24  }
0x66: {  	v33 =	vmin.f32 v15, v3;
	v21 =	vmax.f32 v19, v20;
	v29 =	vmin.f32 v19, v20;
	v28 =	vld [tilespmem:s18+$0x3000]  }
0x67: {  	v7 =	vmin.f32 v7, v14;
	v15 =	vmax.f32 v15, v3;
	v3 =	vmin.f32 v29, v33;
	v34 =	vld [tilespmem:s18+$0x3010]  }
0x68: {  	v6 =	vmin.f32 v6, v24;
	v0 =	vmin.f32 v0, v22;
	v2 =	vmin.f32 v2, v13;
	v14 =	vld [tilespmem:s18+$0x3080]  }
0x69: {  	v20 =	vmin.f32 v7, v0;
	v7 =	vmax.f32 v7, v0;
	v19 =	vmax.f32 v6, v2;
	v13 =	vld [tilespmem:s18+$0x3090]  }
0x6a: {  	v6 =	vmin.f32 v6, v2;
	v0 =	vmin.f32 v7, v19;
	v2 =	vmax.f32 v7, v19;
	v22 =	vld [tilespmem:s18+$0x4000]  }
0x6b: {  	v19 =	vmax.f32 v21, v15;
	v7 =	vmin.f32 v20, v6;
	v6 =	vmax.f32 v20, v6;
	v24 =	vld [tilespmem:s18+$0x4010]  }
0x6c: {  	v20 =	vmin.f32 v26, v23;
	v15 =	vmin.f32 v21, v15;
	v21 =	vmax.f32 v29, v33;
	v35 =	vld [tilespmem:s18+$0x4080]  }
0x6d: {  	v25 =	vmin.f32 v25, v27;
	v33 =	vmax.f32 v1, v31;
	v23 =	vmax.f32 v26, v23;
	v29 =	vld [tilespmem:s18+$0x4090]  }
0x6e: {  	v36 =	vmax.f32 v4, v30;
	v31 =	vmin.f32 v1, v31  }
0x6f: {  	v4 =	vimm.f32 $+Inf;
	v1 =	vimm.f32 $-Inf  }
0x70: {  	v30 =	vmax.f32 v28, v34;
	v28 =	vmin.f32 v28, v34;
	v34 =	vmax.f32 v14, v13  }
0x71: {  	v37 =	vmin.f32 v14, v13;
	v38 =	vmax.f32 v22, v24;
	v22 =	vmin.f32 v22, v24  }
0x72: {  	v26 =	vmax.f32 v30, v34;
	v24 =	vmax.f32 v35, v29;
	v35 =	vmin.f32 v35, v29  }
.Ltmp1:
0x73: {  	v27 =	vmin.f32 v28, v37;
	v14 =	vmax.f32 v38, v24;
	v13 =	vmin.f32 v22, v35;
	(pc) =	sbr.rel @p0 .LBB2_5-.Ltmp1, $4  }
0x74: {  	v29 =	vmin.f32 v30, v34;
	v30 =	vmax.f32 v28, v37;
	v34 =	vmin.f32 v38, v24  }
0x75: {  	v28 =	vmax.f32 v30, v29;
	v29 =	vmin.f32 v30, v29;
	v22 =	vmax.f32 v22, v35  }
0x76: {  	v30 =	vmax.f32 v33, v27;
	v24 =	vmax.f32 v22, v34;
	v22 =	vmin.f32 v22, v34  }
0x77: {  	s17 =	sadd.s32 $0x400, s17;
	v32 =	vmax.f32 v32, v26;
	v31 =	vmax.f32 v31, v29;
	v33 =	vmax.f32 v36, v28  }
0x78: {  	v34 =	vmax.f32 v30, v33;
	v35 =	vmin.f32 v30, v33  }
0x79: {  	v36 =	vmin.f32 v31, v32;
	v61 =	vmax.f32 v31, v32;
	v20 =	vmin.f32 v20, v26  }
0x7a: {  	v23 =	vmin.f32 v23, v28;
	v26 =	vmin.f32 v25, v29;
	v12 =	vmin.f32 v12, v27  }
0x7b: {  	v19 =	vmax.f32 v19, v13;
	v15 =	vmax.f32 v15, v22;
	v3 =	vmax.f32 v3, v14  }
0x7c: {  	v7 =	vmin.f32 v7, v14;
	v6 =	vmin.f32 v6, v24;
	v0 =	vmin.f32 v0, v22  }
0x7d: {  	v2 =	vmin.f32 v2, v13;
	v42 =	vimm.f32 $+Inf;
	v43 =	vimm.f32 $+Inf  }
0x7e: {  	v25 =	vmin.f32 v35, v36;
	v31 =	vmax.f32 v20, v26;
	v37 =	vmax.f32 v23, v12  }
0x7f: {  	s17 =	simm.s32 $0x0;
	v30 =	vmin.f32 v20, v26;
	v12 =	vmin.f32 v23, v12;
	v20 =	vmax.f32 v21, v24  }
0x80: {  	v38 =	vld [tilespmem:s17+$0x4000];
	v62 =	vmin.f32 v15, v3;
	v3 =	vmax.f32 v15, v3;
	v15 =	vmax.f32 v7, v0  }
0x81: {  	v39 =	vld [tilespmem:s17+$0x4010];
	v0 =	vmin.f32 v7, v0;
	v32 =	vmax.f32 v34, v61;
	v33 =	vmin.f32 v34, v61  }
0x82: {  	v14 =	vld [tilespmem:s17+$0x4080];
	v34 =	vmax.f32 v35, v36;
	v23 =	vmax.f32 v31, v37;
	v27 =	vmax.f32 v19, v20  }
0x83: {  	v13 =	vld [tilespmem:s17+$0x4090];
	v28 =	vmin.f32 v19, v20;
	v20 =	vmax.f32 v6, v2;
	v2 =	vmin.f32 v6, v2  }
0x84: {  	v40 =	vld [tilespmem:s17+$0x5000];
	v29 =	vmin.f32 v30, v12;
	v30 =	vmax.f32 v30, v12;
	v31 =	vmin.f32 v31, v37  }
0x85: {  	v6 =	vld [tilespmem:s17+$0x5010];
	v37 =	vimm.f32 $-Inf;
	v24 =	vmin.f32 v28, v62;
	v19 =	vmin.f32 v15, v20  }
0x86: {  	v7 =	vld [tilespmem:s17+$0x5080];
	v20 =	vmax.f32 v15, v20;
	v26 =	vmax.f32 v27, v3;
	v21 =	vmin.f32 v0, v2  }
0x87: {  	v22 =	vmax.f32 v0, v2;
	v27 =	vmin.f32 v27, v3;
	v0 =	vld [tilespmem:s17+$0x5090];
	v28 =	vmax.f32 v28, v62  }
0x88: {  	v2 =	vmax.f32 v38, v39;
	v3 =	vmin.f32 v38, v39;
	v12 =	vmax.f32 v14, v13  }
0x89: {  	v13 =	vmin.f32 v14, v13;
	v39 =	vimm.f32 $+Inf;
	v38 =	vimm.f32 $-Inf  }
0x8a: {  	v15 =	vmax.f32 v40, v6;
	v6 =	vmin.f32 v40, v6;
	v40 =	vmax.f32 v2, v12  }
0x8b: {  	v41 =	vmin.f32 v3, v13;
	v2 =	vmin.f32 v2, v12;
	v3 =	vmax.f32 v3, v13  }
0x8c: {  	v13 =	vimm.f32 $+Inf;
	v63 =	vmax.f32 v7, v0;
	v0 =	vmin.f32 v7, v0  }
0x8d: {  	v44 =	vmax.f32 v3, v2;
	v45 =	vmin.f32 v3, v2;
	v46 =	vmax.f32 v1, v41  }
0x8e: {  	v48 =	vmax.f32 v1, v40;
	v3 =	vimm.f32 $-Inf;
	v2 =	vimm.f32 $+Inf  }
0x8f: {  	v14 =	vmax.f32 v15, v63;
	v7 =	vmin.f32 v6, v0;
	v12 =	vmin.f32 v15, v63  }
0x90: {  	v0 =	vmax.f32 v6, v0;
	v47 =	vmax.f32 v1, v45;
	v49 =	vmax.f32 v1, v44  }
0x91: {  	v15 =	vimm.f32 $-Inf;
	v6 =	vimm.f32 $+Inf;
	v36 =	vmax.f32 v0, v12  }
0x92: {  	s18 =	simm.s32 $0x400;
	v35 =	vmin.f32 v0, v12;
	v12 =	vimm.f32 $+Inf;
	v0 =	vimm.f32 $+Inf  }
.LBB2_7:
0x93: {  	p0 =	sne.s32 s18, $0x3C00;
	v50 =	vmax.f32 v46, v49;
	v46 =	vmin.f32 v46, v49;
	v49 =	vmin.f32 v47, v48  }
0x94: {  	v47 =	vmax.f32 v47, v48;
	v39 =	vmin.f32 v39, v40;
	v48 =	vmin.f32 v46, v49  }
0x95: {  	v40 =	vmin.f32 v42, v44;
	v42 =	vmin.f32 v43, v45;
	v13 =	vmin.f32 v13, v41  }
0x96: {  	v41 =	vmin.f32 v39, v42;
	v43 =	vmax.f32 v39, v42;
	v44 =	vmax.f32 v40, v13  }
0x97: {  	s19 =	sshra.s32 s18, $0x2;
	v15 =	vmax.f32 v15, v7;
	v40 =	vmin.f32 v40, v13;
	v13 =	vmax.f32 v43, v44  }
0x98: {  	v37 =	vmax.f32 v37, v35;
	v38 =	vmax.f32 v38, v36;
	v3 =	vmax.f32 v3, v14;
	v45 =	vld [tilespmem:s19+$0x4000]  }
0x99: {  	v42 =	vmax.f32 v15, v38;
	v38 =	vmin.f32 v15, v38;
	v52 =	vmin.f32 v37, v3;
	v51 =	vld [tilespmem:s19+$0x4010]  }
0x9a: {  	v12 =	vmin.f32 v12, v14;
	v37 =	vmax.f32 v37, v3;
	v3 =	vmin.f32 v38, v52;
	v53 =	vld [tilespmem:s19+$0x4080]  }
0x9b: {  	v6 =	vmin.f32 v6, v36;
	v0 =	vmin.f32 v0, v35;
	v2 =	vmin.f32 v2, v7;
	v14 =	vld [tilespmem:s19+$0x4090]  }
0x9c: {  	v35 =	vmin.f32 v12, v0;
	v12 =	vmax.f32 v12, v0;
	v15 =	vmax.f32 v6, v2;
	v7 =	vld [tilespmem:s19+$0x5000]  }
0x9d: {  	v6 =	vmin.f32 v6, v2;
	v0 =	vmin.f32 v12, v15;
	v2 =	vmax.f32 v12, v15;
	v36 =	vld [tilespmem:s19+$0x5010]  }
0x9e: {  	v15 =	vmax.f32 v42, v37;
	v12 =	vmin.f32 v35, v6;
	v6 =	vmax.f32 v35, v6;
	v54 =	vld [tilespmem:s19+$0x5080]  }
0x9f: {  	v39 =	vmin.f32 v41, v40;
	v37 =	vmin.f32 v42, v37;
	v38 =	vmax.f32 v38, v52;
	v35 =	vld [tilespmem:s19+$0x5090]  }
0xa0: {  	v52 =	vmax.f32 v50, v47;
	v42 =	vmax.f32 v41, v40;
	v43 =	vmin.f32 v43, v44  }
0xa1: {  	v49 =	vmax.f32 v46, v49;
	v47 =	vmin.f32 v50, v47  }
0xa2: {  	v44 =	vmax.f32 v45, v51;
	v45 =	vmin.f32 v45, v51;
	v46 =	vmax.f32 v53, v14  }
0xa3: {  	v50 =	vmin.f32 v53, v14;
	v51 =	vmax.f32 v7, v36;
	v36 =	vmin.f32 v7, v36  }
0xa4: {  	v40 =	vmax.f32 v44, v46;
	v53 =	vmax.f32 v54, v35;
	v35 =	vmin.f32 v54, v35  }
.Ltmp2:
0xa5: {  	v41 =	vmin.f32 v45, v50;
	v14 =	vmax.f32 v51, v53;
	v7 =	vmin.f32 v36, v35;
	(pc) =	sbr.rel @p0 .LBB2_7-.Ltmp2, $4  }
0xa6: {  	v46 =	vmin.f32 v44, v46;
	v45 =	vmax.f32 v45, v50;
	v50 =	vmin.f32 v51, v53  }
0xa7: {  	v44 =	vmax.f32 v45, v46;
	v45 =	vmin.f32 v45, v46;
	v35 =	vmax.f32 v36, v35  }
0xa8: {  	v46 =	vmax.f32 v52, v41;
	v36 =	vmax.f32 v35, v50;
	v35 =	vmin.f32 v35, v50  }
0xa9: {  	s18 =	sadd.s32 $0x400, s18;
	v48 =	vmax.f32 v48, v40;
	v47 =	vmax.f32 v47, v45;
	v49 =	vmax.f32 v49, v44  }
0xaa: {  	v50 =	vmax.f32 v46, v49;
	v51 =	vmin.f32 v46, v49;
	v52 =	vmin.f32 v47, v48  }
0xab: {  	v60 =	vmax.f32 v47, v48;
	v39 =	vmin.f32 v39, v40;
	v62 =	vmin.f32 v42, v44  }
0xac: {  	v63 =	vmin.f32 v43, v45;
	v13 =	vmin.f32 v13, v41;
	v15 =	vmax.f32 v15, v7  }
0xad: {  	v37 =	vmax.f32 v37, v35;
	v38 =	vmax.f32 v38, v36;
	v3 =	vmax.f32 v3, v14  }
0xae: {  	v12 =	vmin.f32 v12, v14;
	v6 =	vmin.f32 v6, v36;
	v0 =	vmin.f32 v0, v35  }
0xaf: {  	v2 =	vmin.f32 v2, v7;
	v53 =	vmin.f32 v51, v52;
	v41 =	vmin.f32 v39, v63  }
0xb0: {  	v39 =	vmax.f32 v39, v63;
	v42 =	vmax.f32 v62, v13;
	v13 =	vmin.f32 v62, v13  }
0xb1: {  	v9 =	vmax.f32 v15, v38;
	v15 =	vmin.f32 v15, v38;
	v10 =	vmin.f32 v37, v3  }
0xb2: {  	v40 =	vld [tilespmem:s17+$0x6000];
	v3 =	vmax.f32 v37, v3;
	v35 =	vmin.f32 v12, v0;
	v0 =	vmax.f32 v12, v0  }
0xb3: {  	v61 =	vld [tilespmem:s17+$0x6010];
	v12 =	vmax.f32 v6, v2;
	v2 =	vmin.f32 v6, v2;
	v62 =	vimm.f32 $+Inf  }
0xb4: {  	v14 =	vld [tilespmem:s17+$0x6080];
	v63 =	vimm.f32 $+Inf;
	v38 =	vimm.f32 $+Inf;
	v37 =	vimm.f32 $+Inf  }
0xb5: {  	v7 =	vld [tilespmem:s17+$0x6090];
	v49 =	vmax.f32 v39, v42;
	v46 =	vmin.f32 v15, v10;
	v44 =	vmin.f32 v0, v12  }
0xb6: {  	v11 =	vld [tilespmem:s17+$0x7000];
	v45 =	vmax.f32 v0, v12;
	v54 =	vmax.f32 v9, v3;
	v47 =	vmin.f32 v35, v2  }
0xb7: {  	v6 =	vld [tilespmem:s17+$0x7010];
	v48 =	vmax.f32 v35, v2;
	v57 =	vmin.f32 v41, v13;
	v55 =	vmin.f32 v9, v3  }
0xb8: {  	v12 =	vld [tilespmem:s17+$0x7080];
	v56 =	vmax.f32 v15, v10;
	v0 =	vmax.f32 v50, v60;
	v58 =	vmax.f32 v41, v13  }
0xb9: {  	v15 =	vld [tilespmem:s17+$0x7090];
	v59 =	vmin.f32 v39, v42;
	v2 =	vmin.f32 v50, v60;
	v3 =	vmax.f32 v51, v52  }
0xba: {  	v50 =	vimm.f32 $+Inf;
	v41 =	vimm.f32 $-Inf;
	v35 =	vimm.f32 $+Inf  }
0xbb: {  	v13 =	vmax.f32 v40, v61;
	v51 =	vmin.f32 v40, v61;
	v52 =	vmax.f32 v14, v7  }
0xbc: {  	v7 =	vmin.f32 v14, v7;
	v14 =	vmax.f32 v11, v6;
	v36 =	vmin.f32 v11, v6  }
0xbd: {  	v61 =	vmax.f32 v13, v52;
	v60 =	vmin.f32 v51, v7;
	v13 =	vmin.f32 v13, v52  }
0xbe: {  	v7 =	vmax.f32 v51, v7;
	v51 =	vimm.f32 $-Inf;
	v6 =	vmax.f32 v12, v15  }
0xbf: {  	v52 =	vimm.f32 $-Inf;
	v12 =	vmin.f32 v12, v15;
	v40 =	vmax.f32 v14, v6  }
0xc0: {  	v39 =	vmin.f32 v36, v12;
	v14 =	vmin.f32 v14, v6;
	v6 =	vmax.f32 v7, v13  }
0xc1: {  	v7 =	vmin.f32 v7, v13;
	v13 =	vmax.f32 v36, v12;
	v12 =	vmax.f32 v1, v60  }
0xc2: {  	v36 =	vimm.f32 $+Inf;
	v43 =	vmax.f32 v13, v14;
	v42 =	vmin.f32 v13, v14  }
0xc3: {  	s17 =	simm.s32 $0x400;
	v13 =	vmax.f32 v1, v7;
	v15 =	vmax.f32 v1, v6;
	v14 =	vmax.f32 v1, v61  }
.LBB2_9:
0xc4: {  	p0 =	sne.s32 s17, $0x3C00;
	v5 =	vmax.f32 v12, v15;
	v12 =	vmin.f32 v12, v15;
	v15 =	vmin.f32 v13, v14  }
0xc5: {  	v13 =	vmax.f32 v13, v14;
	v4 =	vmin.f32 v4, v61;
	v14 =	vmin.f32 v12, v15  }
0xc6: {  	v6 =	vmin.f32 v62, v6;
	v7 =	vmin.f32 v63, v7;
	v50 =	vmin.f32 v50, v60  }
0xc7: {  	v60 =	vmin.f32 v4, v7;
	v7 =	vmax.f32 v4, v7;
	v61 =	vmax.f32 v6, v50  }
0xc8: {  	s18 =	sshra.s32 s17, $0x2;
	v1 =	vmax.f32 v1, v39;
	v6 =	vmin.f32 v6, v50;
	v50 =	vmax.f32 v7, v61  }
0xc9: {  	v41 =	vmax.f32 v41, v40;
	v4 =	vmax.f32 v51, v42;
	v51 =	vmax.f32 v52, v43;
	v11 =	vld [tilespmem:s18+$0x6000]  }
0xca: {  	v52 =	vmax.f32 v1, v51;
	v62 =	vmin.f32 v1, v51;
	v63 =	vmin.f32 v4, v41;
	v8 =	vld [tilespmem:s18+$0x6010]  }
0xcb: {  	v51 =	vmax.f32 v4, v41;
	v1 =	vmin.f32 v38, v40;
	v41 =	vmin.f32 v62, v63;
	v9 =	vld [tilespmem:s18+$0x6080]  }
0xcc: {  	v35 =	vmin.f32 v35, v42;
	v36 =	vmin.f32 v36, v39;
	v4 =	vmin.f32 v37, v43;
	v40 =	vld [tilespmem:s18+$0x6090]  }
0xcd: {  	v37 =	vmin.f32 v1, v35;
	v1 =	vmax.f32 v1, v35;
	v38 =	vmax.f32 v4, v36;
	v39 =	vld [tilespmem:s18+$0x7000]  }
0xce: {  	v4 =	vmin.f32 v4, v36;
	v35 =	vmin.f32 v1, v38;
	v36 =	vmax.f32 v1, v38;
	v42 =	vld [tilespmem:s18+$0x7010]  }
0xcf: {  	v1 =	vmax.f32 v52, v51;
	v38 =	vmin.f32 v37, v4;
	v37 =	vmax.f32 v37, v4;
	v43 =	vld [tilespmem:s18+$0x7080]  }
0xd0: {  	v4 =	vmin.f32 v60, v6;
	v51 =	vmin.f32 v52, v51;
	v52 =	vmax.f32 v62, v63;
	v10 =	vld [tilespmem:s18+$0x7090]  }
0xd1: {  	v16 =	vmax.f32 v5, v13;
	v62 =	vmax.f32 v60, v6;
	v63 =	vmin.f32 v7, v61  }
0xd2: {  	v5 =	vmin.f32 v5, v13;
	v15 =	vmax.f32 v12, v15  }
0xd3: {  	v6 =	vmax.f32 v11, v8;
	v7 =	vmin.f32 v11, v8;
	v8 =	vmax.f32 v9, v40  }
0xd4: {  	v9 =	vmin.f32 v9, v40;
	v11 =	vmax.f32 v39, v42;
	v12 =	vmin.f32 v39, v42  }
0xd5: {  	v61 =	vmax.f32 v6, v8;
	v13 =	vmax.f32 v43, v10;
	v10 =	vmin.f32 v43, v10  }
.Ltmp3:
0xd6: {  	v60 =	vmin.f32 v7, v9;
	v40 =	vmax.f32 v11, v13;
	v39 =	vmin.f32 v12, v10;
	(pc) =	sbr.rel @p0 .LBB2_9-.Ltmp3, $4  }
0xd7: {  	v8 =	vmin.f32 v6, v8;
	v7 =	vmax.f32 v7, v9;
	v9 =	vmin.f32 v11, v13  }
0xd8: {  	v6 =	vmax.f32 v7, v8;
	v7 =	vmin.f32 v7, v8;
	v8 =	vmax.f32 v12, v10  }
0xd9: {  	v12 =	vmax.f32 v16, v60;
	v43 =	vmax.f32 v8, v9;
	v42 =	vmin.f32 v8, v9  }
0xda: {  	s17 =	sadd.s32 $0x400, s17;
	v14 =	vmax.f32 v14, v61;
	v15 =	vmax.f32 v15, v6;
	v13 =	vmax.f32 v5, v7  }
0xdb: {  	v5 =	vld [tilespmem:$0x1FFD0];
	_ =	sdelay $0x4  }
0xdc: {  	(xrf1) =	vsort.dscd.msk.f32 $0xffff, v5, v5;
	v5 =	vld [tilespmem:$0x1FF20];
	_ =	sdelay $0x2  }
0xdd: {  	(xrf1) =	vsort.ascd.msk.f32 $0xffff, v17, v17  }
0xde: {  	(xrf1) =	vsort.dscd.msk.f32 $0xffff, v18, v18  }
0xdf: {  	(xrf1) =	vsort.ascd.msk.f32 $0xffff, v5, v5;
	_ =	sdelay $0xa  }
0xe0: {  	v5, _, _ =	vpop (xrf1)  }
0xe1: {  	v8, _, _ =	vpop (xrf1)  }
0xe2: {  	v9, _, _ =	vpop (xrf1)  }
0xe3: {  	v5 =	vmax.f32 v5, v8;
	v8, _, _ =	vpop (xrf1)  }
0xe4: {  	(xrf1) =	vsort.dscd.msk.f32 $0xffff, v5, v5;
	v8 =	vmax.f32 v9, v8  }
0xe5: {  	(xrf1) =	vsort.ascd.msk.f32 $0xffff, v8, v8;
	_ =	sdelay $0xc  }
0xe6: {  	v5, _, _ =	vpop (xrf1)  }
0xe7: {  	v8, _, _ =	vpop (xrf1)  }
0xe8: {  	v5 =	vmax.f32 v5, v8  }
0xe9: {  	(xrf1) =	vsort.dscd.msk.f32 $0xffff, v5, v5;
	v5 =	vld [tilespmem:$0x1FFA0];
	_ =	sdelay $0x4  }
0xea: {  	(xrf1) =	vsort.ascd.msk.f32 $0xffff, v5, v5;
	v5 =	vld [tilespmem:$0x1FFE0];
	_ =	sdelay $0x4  }
0xeb: {  	(xrf1) =	vsort.dscd.msk.f32 $0xffff, v5, v5;
	v5 =	vld [tilespmem:$0x1FFF0];
	_ =	sdelay $0x4  }
0xec: {  	(xrf1) =	vsort.ascd.msk.f32 $0xffff, v5, v5;
	v5 =	vld [tilespmem:$0x1FF30];
	_ =	sdelay $0x4  }
0xed: {  	(xrf1) =	vsort.dscd.msk.f32 $0xffff, v5, v5;
	_ =	sdelay $0x9  }
0xee: {  	v8, _, _ =	vpop (xrf1)  }
0xef: {  	v5, _, _ =	vpop (xrf1)  }
0xf0: {  	v9, _, _ =	vpop (xrf1)  }
0xf1: {  	v10, _, _ =	vpop (xrf1)  }
0xf2: {  	v5 =	vmin.f32 v5, v9;
	v9, _, _ =	vpop (xrf1)  }
0xf3: {  	(xrf1) =	vsort.ascd.msk.f32 $0xffff, v5, v5;
	v9 =	vmin.f32 v10, v9  }
0xf4: {  	(xrf1) =	vsort.dscd.msk.f32 $0xffff, v9, v9;
	_ =	sdelay $0xc  }
0xf5: {  	v5, _, _ =	vpop (xrf1)  }
0xf6: {  	v9, _, _ =	vpop (xrf1)  }
0xf7: {  	v5 =	vmin.f32 v5, v9  }
0xf8: {  	(xrf1) =	vsort.ascd.msk.f32 $0xffff, v5, v5;
	v5 =	vld [tilespmem:$0x1FF70];
	_ =	sdelay $0x4  }
0xf9: {  	(xrf1) =	vsort.dscd.msk.f32 $0xffff, v5, v5;
	v5 =	vld [tilespmem:$0x1FFB0];
	_ =	sdelay $0x4  }
0xfa: {  	(xrf1) =	vsort.ascd.msk.f32 $0xffff, v5, v5;
	v5 =	vld [tilespmem:$0x1FFC0];
	_ =	sdelay $0x4  }
0xfb: {  	(xrf1) =	vsort.dscd.msk.f32 $0xffff, v5, v5;
	v5 =	vld [tilespmem:$0x1FF40];
	_ =	sdelay $0x4  }
0xfc: {  	(xrf1) =	vsort.ascd.msk.f32 $0xffff, v5, v5;
	_ =	sdelay $0x9  }
0xfd: {  	v5, _, _ =	vpop (xrf1)  }
0xfe: {  	v9, _, _ =	vpop (xrf1)  }
0xff: {  	v10, _, _ =	vpop (xrf1)  }
0x100: {  	v11, _, _ =	vpop (xrf1)  }
0x101: {  	v9 =	vmax.f32 v9, v10;
	v10, _, _ =	vpop (xrf1)  }
0x102: {  	(xrf1) =	vsort.dscd.msk.f32 $0xffff, v9, v9;
	v10 =	vmax.f32 v11, v10  }
0x103: {  	(xrf1) =	vsort.ascd.msk.f32 $0xffff, v10, v10;
	_ =	sdelay $0xc  }
0x104: {  	v9, _, _ =	vpop (xrf1)  }
0x105: {  	v10, _, _ =	vpop (xrf1)  }
0x106: {  	v9 =	vmax.f32 v9, v10  }
0x107: {  	(xrf1) =	vsort.dscd.msk.f32 $0xffff, v9, v9;
	v9 =	vld [tilespmem:$0x1FF80];
	_ =	sdelay $0x4  }
0x108: {  	(xrf1) =	vsort.ascd.msk.f32 $0xffff, v9, v9;
	v9 =	vld [tilespmem:$0x1FF90];
	_ =	sdelay $0x4  }
0x109: {  	(xrf1) =	vsort.dscd.msk.f32 $0xffff, v9, v9;
	v9 =	vld [tilespmem:$0x1FF50];
	_ =	sdelay $0x4  }
0x10a: {  	(xrf1) =	vsort.ascd.msk.f32 $0xffff, v9, v9;
	v9 =	vld [tilespmem:$0x1FF60];
	_ =	sdelay $0x4  }
0x10b: {  	(xrf1) =	vsort.dscd.msk.f32 $0xffff, v9, v9;
	_ =	sdelay $0x9  }
0x10c: {  	v9, _, _ =	vpop (xrf1)  }
0x10d: {  	v10, _, _ =	vpop (xrf1)  }
0x10e: {  	v11, _, _ =	vpop (xrf1)  }
0x10f: {  	v16, _, _ =	vpop (xrf1)  }
0x110: {  	v10 =	vmin.f32 v10, v11;
	v11, _, _ =	vpop (xrf1)  }
0x111: {  	(xrf1) =	vsort.ascd.msk.f32 $0xffff, v10, v10;
	v11 =	vmin.f32 v16, v11  }
0x112: {  	(xrf1) =	vsort.dscd.msk.f32 $0xffff, v11, v11;
	_ =	sdelay $0xc  }
0x113: {  	v10, _, _ =	vpop (xrf1)  }
0x114: {  	v11, _, _ =	vpop (xrf1)  }
0x115: {  	v10 =	vmin.f32 v10, v11  }
0x116: {  	(xrf1) =	vsort.ascd.msk.f32 $0xffff, v10, v10  }
0x117: {  	(xrf1) =	vsort.dscd.msk.f32 $0xffff, v32, v32  }
0x118: {  	(xrf1) =	vsort.ascd.msk.f32 $0xffff, v33, v33  }
0x119: {  	(xrf1) =	vsort.dscd.msk.f32 $0xffff, v34, v34  }
0x11a: {  	(xrf1) =	vsort.ascd.msk.f32 $0xffff, v25, v25;
	_ =	sdelay $0x9  }
0x11b: {  	v10, _, _ =	vpop (xrf1)  }
0x11c: {  	v11, _, _ =	vpop (xrf1)  }
0x11d: {  	v16, _, _ =	vpop (xrf1)  }
0x11e: {  	v17, _, _ =	vpop (xrf1)  }
0x11f: {  	v11 =	vmax.f32 v11, v16;
	v16, _, _ =	vpop (xrf1)  }
0x120: {  	(xrf1) =	vsort.dscd.msk.f32 $0xffff, v11, v11;
	v16 =	vmax.f32 v17, v16  }
0x121: {  	(xrf1) =	vsort.ascd.msk.f32 $0xffff, v16, v16;
	_ =	sdelay $0xc  }
0x122: {  	v11, _, _ =	vpop (xrf1)  }
0x123: {  	v16, _, _ =	vpop (xrf1)  }
0x124: {  	v11 =	vmax.f32 v11, v16  }
0x125: {  	(xrf1) =	vsort.dscd.msk.f32 $0xffff, v11, v11  }
0x126: {  	(xrf1) =	vsort.ascd.msk.f32 $0xffff, v29, v29  }
0x127: {  	(xrf1) =	vsort.dscd.msk.f32 $0xffff, v30, v30  }
0x128: {  	(xrf1) =	vsort.ascd.msk.f32 $0xffff, v31, v31  }
0x129: {  	(xrf1) =	vsort.dscd.msk.f32 $0xffff, v23, v23;
	_ =	sdelay $0x9  }
0x12a: {  	v11, _, _ =	vpop (xrf1)  }
0x12b: {  	v16, _, _ =	vpop (xrf1)  }
0x12c: {  	v17, _, _ =	vpop (xrf1)  }
0x12d: {  	v18, _, _ =	vpop (xrf1)  }
0x12e: {  	v16 =	vmin.f32 v16, v17;
	v17, _, _ =	vpop (xrf1)  }
0x12f: {  	(xrf1) =	vsort.ascd.msk.f32 $0xffff, v16, v16;
	v17 =	vmin.f32 v18, v17  }
0x130: {  	(xrf1) =	vsort.dscd.msk.f32 $0xffff, v17, v17;
	_ =	sdelay $0xc  }
0x131: {  	v16, _, _ =	vpop (xrf1)  }
0x132: {  	v17, _, _ =	vpop (xrf1)  }
0x133: {  	v16 =	vmin.f32 v16, v17  }
0x134: {  	(xrf1) =	vsort.ascd.msk.f32 $0xffff, v16, v16  }
0x135: {  	(xrf1) =	vsort.dscd.msk.f32 $0xffff, v26, v26  }
0x136: {  	(xrf1) =	vsort.ascd.msk.f32 $0xffff, v27, v27  }
0x137: {  	(xrf1) =	vsort.dscd.msk.f32 $0xffff, v28, v28  }
0x138: {  	(xrf1) =	vsort.ascd.msk.f32 $0xffff, v24, v24;
	_ =	sdelay $0x9  }
0x139: {  	v16, _, _ =	vpop (xrf1)  }
0x13a: {  	v17, _, _ =	vpop (xrf1)  }
0x13b: {  	v18, _, _ =	vpop (xrf1)  }
0x13c: {  	v23, _, _ =	vpop (xrf1)  }
0x13d: {  	v17 =	vmax.f32 v17, v18;
	v18, _, _ =	vpop (xrf1)  }
0x13e: {  	(xrf1) =	vsort.dscd.msk.f32 $0xffff, v17, v17;
	v18 =	vmax.f32 v23, v18  }
0x13f: {  	(xrf1) =	vsort.ascd.msk.f32 $0xffff, v18, v18;
	_ =	sdelay $0xc  }
0x140: {  	v17, _, _ =	vpop (xrf1)  }
0x141: {  	v18, _, _ =	vpop (xrf1)  }
0x142: {  	v17 =	vmax.f32 v17, v18  }
0x143: {  	(xrf1) =	vsort.dscd.msk.f32 $0xffff, v17, v17  }
0x144: {  	(xrf1) =	vsort.ascd.msk.f32 $0xffff, v21, v21  }
0x145: {  	(xrf1) =	vsort.dscd.msk.f32 $0xffff, v22, v22  }
0x146: {  	(xrf1) =	vsort.ascd.msk.f32 $0xffff, v19, v19  }
0x147: {  	(xrf1) =	vsort.dscd.msk.f32 $0xffff, v20, v20;
	_ =	sdelay $0x9  }
0x148: {  	v17, _, _ =	vpop (xrf1)  }
0x149: {  	v18, _, _ =	vpop (xrf1)  }
0x14a: {  	v19, _, _ =	vpop (xrf1)  }
0x14b: {  	v20, _, _ =	vpop (xrf1)  }
0x14c: {  	v18 =	vmin.f32 v18, v19;
	v19, _, _ =	vpop (xrf1)  }
0x14d: {  	(xrf1) =	vsort.ascd.msk.f32 $0xffff, v18, v18;
	v19 =	vmin.f32 v20, v19  }
0x14e: {  	(xrf1) =	vsort.dscd.msk.f32 $0xffff, v19, v19;
	_ =	sdelay $0xc  }
0x14f: {  	v18, _, _ =	vpop (xrf1)  }
0x150: {  	v19, _, _ =	vpop (xrf1)  }
0x151: {  	v18 =	vmin.f32 v18, v19  }
0x152: {  	(xrf1) =	vsort.ascd.msk.f32 $0xffff, v18, v18  }
0x153: {  	(xrf1) =	vsort.dscd.msk.f32 $0xffff, v0, v0  }
0x154: {  	(xrf1) =	vsort.ascd.msk.f32 $0xffff, v2, v2  }
0x155: {  	(xrf1) =	vsort.dscd.msk.f32 $0xffff, v3, v3  }
0x156: {  	(xrf1) =	vsort.ascd.msk.f32 $0xffff, v53, v53;
	_ =	sdelay $0x9  }
0x157: {  	v0, _, _ =	vpop (xrf1)  }
0x158: {  	v2, _, _ =	vpop (xrf1)  }
0x159: {  	v3, _, _ =	vpop (xrf1)  }
0x15a: {  	v18, _, _ =	vpop (xrf1)  }
0x15b: {  	v2 =	vmax.f32 v2, v3;
	v3, _, _ =	vpop (xrf1)  }
0x15c: {  	(xrf1) =	vsort.dscd.msk.f32 $0xffff, v2, v2;
	v3 =	vmax.f32 v18, v3  }
0x15d: {  	(xrf1) =	vsort.ascd.msk.f32 $0xffff, v3, v3;
	_ =	sdelay $0xc  }
0x15e: {  	v2, _, _ =	vpop (xrf1)  }
0x15f: {  	v3, _, _ =	vpop (xrf1)  }
0x160: {  	v2 =	vmax.f32 v2, v3  }
0x161: {  	(xrf1) =	vsort.dscd.msk.f32 $0xffff, v2, v2  }
0x162: {  	(xrf1) =	vsort.ascd.msk.f32 $0xffff, v57, v57  }
0x163: {  	(xrf1) =	vsort.dscd.msk.f32 $0xffff, v58, v58  }
0x164: {  	(xrf1) =	vsort.ascd.msk.f32 $0xffff, v59, v59  }
0x165: {  	(xrf1) =	vsort.dscd.msk.f32 $0xffff, v49, v49;
	_ =	sdelay $0x9  }
0x166: {  	v2, _, _ =	vpop (xrf1)  }
0x167: {  	v3, _, _ =	vpop (xrf1)  }
0x168: {  	v18, _, _ =	vpop (xrf1)  }
0x169: {  	v19, _, _ =	vpop (xrf1)  }
0x16a: {  	v3 =	vmin.f32 v3, v18;
	v18, _, _ =	vpop (xrf1)  }
0x16b: {  	(xrf1) =	vsort.ascd.msk.f32 $0xffff, v3, v3;
	v18 =	vmin.f32 v19, v18  }
0x16c: {  	(xrf1) =	vsort.dscd.msk.f32 $0xffff, v18, v18;
	_ =	sdelay $0xc  }
0x16d: {  	v3, _, _ =	vpop (xrf1)  }
0x16e: {  	v18, _, _ =	vpop (xrf1)  }
0x16f: {  	v3 =	vmin.f32 v3, v18  }
0x170: {  	(xrf1) =	vsort.ascd.msk.f32 $0xffff, v3, v3  }
0x171: {  	(xrf1) =	vsort.dscd.msk.f32 $0xffff, v54, v54  }
0x172: {  	(xrf1) =	vsort.ascd.msk.f32 $0xffff, v55, v55  }
0x173: {  	(xrf1) =	vsort.dscd.msk.f32 $0xffff, v56, v56  }
0x174: {  	(xrf1) =	vsort.ascd.msk.f32 $0xffff, v46, v46;
	_ =	sdelay $0x9  }
0x175: {  	v3, _, _ =	vpop (xrf1)  }
0x176: {  	v18, _, _ =	vpop (xrf1)  }
0x177: {  	v19, _, _ =	vpop (xrf1)  }
0x178: {  	v20, _, _ =	vpop (xrf1)  }
0x179: {  	v18 =	vmax.f32 v18, v19;
	v19, _, _ =	vpop (xrf1)  }
0x17a: {  	(xrf1) =	vsort.dscd.msk.f32 $0xffff, v18, v18;
	v19 =	vmax.f32 v20, v19  }
0x17b: {  	(xrf1) =	vsort.ascd.msk.f32 $0xffff, v19, v19;
	_ =	sdelay $0xc  }
0x17c: {  	v18, _, _ =	vpop (xrf1)  }
0x17d: {  	v19, _, _ =	vpop (xrf1)  }
0x17e: {  	v18 =	vmax.f32 v18, v19  }
0x17f: {  	(xrf1) =	vsort.dscd.msk.f32 $0xffff, v18, v18  }
0x180: {  	(xrf1) =	vsort.ascd.msk.f32 $0xffff, v47, v47  }
0x181: {  	(xrf1) =	vsort.dscd.msk.f32 $0xffff, v48, v48  }
0x182: {  	(xrf1) =	vsort.ascd.msk.f32 $0xffff, v44, v44  }
0x183: {  	(xrf1) =	vsort.dscd.msk.f32 $0xffff, v45, v45;
	_ =	sdelay $0x9  }
0x184: {  	v18, _, _ =	vpop (xrf1)  }
0x185: {  	v19, _, _ =	vpop (xrf1)  }
0x186: {  	v20, _, _ =	vpop (xrf1)  }
0x187: {  	v21, _, _ =	vpop (xrf1)  }
0x188: {  	v19 =	vmin.f32 v19, v20;
	v20, _, _ =	vpop (xrf1)  }
0x189: {  	(xrf1) =	vsort.ascd.msk.f32 $0xffff, v19, v19;
	v20 =	vmin.f32 v21, v20  }
0x18a: {  	(xrf1) =	vsort.dscd.msk.f32 $0xffff, v20, v20;
	_ =	sdelay $0xc  }
0x18b: {  	v19, _, _ =	vpop (xrf1)  }
0x18c: {  	v20, _, _ =	vpop (xrf1)  }
0x18d: {  	v21 =	vmax.f32 v12, v15;
	v19 =	vmin.f32 v19, v20;
	v20 =	vmax.f32 v13, v14  }
0x18e: {  	v12 =	vmin.f32 v12, v15;
	(xrf1) =	vsort.ascd.msk.f32 $0xffff, v19, v19;
	v15 =	vmax.f32 v21, v20  }
0x18f: {  	v13 =	vmin.f32 v13, v14;
	v14 =	vmin.f32 v21, v20;
	(xrf1) =	vsort.dscd.msk.f32 $0xffff, v15, v15  }
0x190: {  	v15 =	vmax.f32 v12, v13;
	(xrf1) =	vsort.ascd.msk.f32 $0xffff, v14, v14  }
0x191: {  	v12 =	vmin.f32 v12, v13;
	(xrf1) =	vsort.dscd.msk.f32 $0xffff, v15, v15  }
0x192: {  	(xrf1) =	vsort.ascd.msk.f32 $0xffff, v12, v12;
	_ =	sdelay $0x9  }
0x193: {  	v12, _, _ =	vpop (xrf1)  }
0x194: {  	v13, _, _ =	vpop (xrf1)  }
0x195: {  	v14, _, _ =	vpop (xrf1)  }
0x196: {  	v15, _, _ =	vpop (xrf1)  }
0x197: {  	v13 =	vmax.f32 v13, v14;
	v14, _, _ =	vpop (xrf1)  }
0x198: {  	(xrf1) =	vsort.dscd.msk.f32 $0xffff, v13, v13;
	v14 =	vmax.f32 v15, v14  }
0x199: {  	(xrf1) =	vsort.ascd.msk.f32 $0xffff, v14, v14;
	_ =	sdelay $0xc  }
0x19a: {  	v4 =	vmin.f32 v4, v61;
	v13, _, _ =	vpop (xrf1)  }
0x19b: {  	v6 =	vmin.f32 v62, v6;
	v7 =	vmin.f32 v63, v7;
	v14 =	vmin.f32 v50, v60;
	v15, _, _ =	vpop (xrf1)  }
0x19c: {  	v19 =	vmin.f32 v4, v7;
	v13 =	vmax.f32 v13, v15;
	v15 =	vmin.f32 v6, v14  }
0x19d: {  	v4 =	vmax.f32 v4, v7;
	(xrf1) =	vsort.dscd.msk.f32 $0xffff, v13, v13;
	v7 =	vmin.f32 v19, v15  }
0x19e: {  	v6 =	vmax.f32 v6, v14;
	v13 =	vmax.f32 v19, v15;
	(xrf1) =	vsort.ascd.msk.f32 $0xffff, v7, v7  }
0x19f: {  	v7 =	vmin.f32 v4, v6;
	(xrf1) =	vsort.dscd.msk.f32 $0xffff, v13, v13  }
0x1a0: {  	v4 =	vmax.f32 v4, v6;
	(xrf1) =	vsort.ascd.msk.f32 $0xffff, v7, v7  }
0x1a1: {  	(xrf1) =	vsort.dscd.msk.f32 $0xffff, v4, v4;
	_ =	sdelay $0x9  }
0x1a2: {  	v4, _, _ =	vpop (xrf1)  }
0x1a3: {  	v6, _, _ =	vpop (xrf1)  }
0x1a4: {  	v7, _, _ =	vpop (xrf1)  }
0x1a5: {  	v13, _, _ =	vpop (xrf1)  }
0x1a6: {  	v6 =	vmin.f32 v6, v7;
	v7, _, _ =	vpop (xrf1)  }
0x1a7: {  	(xrf1) =	vsort.ascd.msk.f32 $0xffff, v6, v6;
	v7 =	vmin.f32 v13, v7  }
0x1a8: {  	(xrf1) =	vsort.dscd.msk.f32 $0xffff, v7, v7;
	_ =	sdelay $0xc  }
0x1a9: {  	v1 =	vmax.f32 v1, v39;
	v6, _, _ =	vpop (xrf1)  }
0x1aa: {  	v14 =	vmax.f32 v41, v40;
	v13 =	vmax.f32 v52, v43;
	v7 =	vmax.f32 v51, v42;
	v15, _, _ =	vpop (xrf1)  }
0x1ab: {  	v19 =	vmax.f32 v1, v13;
	v6 =	vmin.f32 v6, v15;
	v15 =	vmax.f32 v7, v14  }
0x1ac: {  	v1 =	vmin.f32 v1, v13;
	(xrf1) =	vsort.ascd.msk.f32 $0xffff, v6, v6;
	v6 =	vmax.f32 v19, v15  }
0x1ad: {  	v7 =	vmin.f32 v7, v14;
	v13 =	vmin.f32 v19, v15;
	(xrf1) =	vsort.dscd.msk.f32 $0xffff, v6, v6  }
0x1ae: {  	v6 =	vmax.f32 v1, v7;
	(xrf1) =	vsort.ascd.msk.f32 $0xffff, v13, v13  }
0x1af: {  	v1 =	vmin.f32 v1, v7;
	(xrf1) =	vsort.dscd.msk.f32 $0xffff, v6, v6  }
0x1b0: {  	(xrf1) =	vsort.ascd.msk.f32 $0xffff, v1, v1;
	_ =	sdelay $0x9  }
0x1b1: {  	v1, _, _ =	vpop (xrf1)  }
0x1b2: {  	v6, _, _ =	vpop (xrf1)  }
0x1b3: {  	v7, _, _ =	vpop (xrf1)  }
0x1b4: {  	v13, _, _ =	vpop (xrf1)  }
0x1b5: {  	v6 =	vmax.f32 v6, v7;
	v7, _, _ =	vpop (xrf1)  }
0x1b6: {  	(xrf1) =	vsort.dscd.msk.f32 $0xffff, v6, v6;
	v7 =	vmax.f32 v13, v7  }
0x1b7: {  	(xrf1) =	vsort.ascd.msk.f32 $0xffff, v7, v7;
	_ =	sdelay $0xc  }
0x1b8: {  	v14 =	vmin.f32 v35, v42;
	v7, _, _ =	vpop (xrf1)  }
0x1b9: {  	v15 =	vmin.f32 v36, v39;
	v6 =	vmin.f32 v38, v40;
	v13 =	vmin.f32 v37, v43;
	v19, _, _ =	vpop (xrf1)  }
0x1ba: {  	v20 =	vmin.f32 v6, v14;
	v21 =	vmin.f32 v13, v15;
	v7 =	vmax.f32 v7, v19  }
0x1bb: {  	v6 =	vmax.f32 v6, v14;
	v14 =	vmin.f32 v20, v21;
	(xrf1) =	vsort.dscd.msk.f32 $0xffff, v7, v7  }
0x1bc: {  	v7 =	vmax.f32 v13, v15;
	v13 =	vmax.f32 v20, v21;
	(xrf1) =	vsort.ascd.msk.f32 $0xffff, v14, v14  }
0x1bd: {  	v14 =	vmin.f32 v6, v7;
	(xrf1) =	vsort.dscd.msk.f32 $0xffff, v13, v13  }
0x1be: {  	v6 =	vmax.f32 v6, v7;
	(xrf1) =	vsort.ascd.msk.f32 $0xffff, v14, v14  }
0x1bf: {  	(xrf1) =	vsort.dscd.msk.f32 $0xffff, v6, v6;
	_ =	sdelay $0x9  }
0x1c0: {  	v6, _, _ =	vpop (xrf1)  }
0x1c1: {  	v7, _, _ =	vpop (xrf1)  }
0x1c2: {  	v13, _, _ =	vpop (xrf1)  }
0x1c3: {  	v14, _, _ =	vpop (xrf1)  }
0x1c4: {  	v7 =	vmin.f32 v7, v13;
	v13, _, _ =	vpop (xrf1)  }
0x1c5: {  	(xrf1) =	vsort.ascd.msk.f32 $0xffff, v7, v7;
	v13 =	vmin.f32 v14, v13  }
0x1c6: {  	(xrf1) =	vsort.dscd.msk.f32 $0xffff, v13, v13;
	_ =	sdelay $0x9  }
0x1c7: {  	vm7 =	vmmov $0xf  }
0x1c8: {  	v8 =	vnsel vm7, $0x0, v8;
	_ =	sdelay $0x1  }
0x1c9: {  	v7, _, _ =	vpop (xrf1)  }
0x1ca: {  	(xrf2) =	vadd.scan.msk.f32 $0xffff, v8;
	v5 =	vnsel vm7, $0x0, v5;
	v8, _, _ =	vpop (xrf1)  }
0x1cb: {  	(xrf2) =	vadd.scan.msk.f32 $0xffff, v5;
	v5 =	vmin.f32 v7, v8  }
0x1cc: {  	v7 =	vnsel vm7, $0x0, v9;
	(xrf1) =	vsort.ascd.msk.f32 $0xffff, v5, v5  }
0x1cd: {  	(xrf2) =	vadd.scan.msk.f32 $0xffff, v7;
	v5 =	vnsel vm7, $0x0, v10  }
0x1ce: {  	(xrf2) =	vadd.scan.msk.f32 $0xffff, v5;
	v5 =	vnsel vm7, $0x0, v11  }
0x1cf: {  	(xrf2) =	vadd.scan.msk.f32 $0xffff, v5  }
0x1d0: {  	v5 =	vnsel vm7, $0x0, v16  }
0x1d1: {  	(xrf2) =	vadd.scan.msk.f32 $0xffff, v5;
	v5 =	vnsel vm7, $0x0, v17  }
0x1d2: {  	(xrf2) =	vadd.scan.msk.f32 $0xffff, v5  }
0x1d3: {  	v0 =	vnsel vm7, $0x0, v0  }
0x1d4: {  	(xrf2) =	vadd.scan.msk.f32 $0xffff, v0;
	v0 =	vnsel vm7, $0x0, v2  }
0x1d5: {  	v2, _, _ =	vpop (xrf2);
	(xrf2) =	vadd.scan.msk.f32 $0xffff, v0;
	v0 =	vnsel vm7, $0x0, v3  }
0x1d6: {  	v3, _, _ =	vpop (xrf2);
	(xrf2) =	vadd.scan.msk.f32 $0xffff, v0;
	v0 =	vnsel vm7, $0x0, v18  }
0x1d7: {  	(v2sf) =	vpush v2, $0xF;
	(xrf2) =	vadd.scan.msk.f32 $0xffff, v0;
	v0 =	vnsel vm7, $0x0, v12;
	v2, _, _ =	vpop (xrf2)  }
0x1d8: {  	(v2sf) =	vpush v3, $0xF;
	(xrf2) =	vadd.scan.msk.f32 $0xffff, v0;
	v0 =	vnsel vm7, $0x0, v4;
	v3, _, _ =	vpop (xrf2)  }
0x1d9: {  	(xrf2) =	vadd.scan.msk.f32 $0xffff, v0;
	v0 =	vnsel vm7, $0x0, v1;
	(v2sf) =	vpush v2, $0xF;
	v1, _, _ =	vpop (xrf2)  }
0x1da: {  	(xrf2) =	vadd.scan.msk.f32 $0xffff, v0;
	(v2sf) =	vpush v3, $0xF;
	v0 =	vnsel vm7, $0x0, v6;
	v2, _, _ =	vpop (xrf1)  }
0x1db: {  	(v2sf) =	vpush v1, $0xF;
	v1, _, _ =	vpop (xrf2);
	(xrf2) =	vadd.scan.msk.f32 $0xffff, v0;
	v0 =	vnsel vm7, $0x0, v2  }
0x1dc: {  	(v2sf) =	vpush v1, $0xF;
	v1, _, _ =	vpop (xrf2);
	(xrf2) =	vadd.scan.msk.f32 $0xffff, v0;
	_ =	sdelay $0x1  }
0x1dd: {  	(v2sf) =	vpush v1, $0xF;
	v0, _, _ =	vpop (xrf2)  }
0x1de: {  	v1, _, _ =	vpop (xrf2);
	(v2sf) =	vpush v0, $0xF  }
0x1df: {  	v0, _, _ =	vpop (xrf2);
	(v2sf) =	vpush v1, $0xF  }
0x1e0: {  	v1, _, _ =	vpop (xrf2);
	(v2sf) =	vpush v0, $0xF  }
0x1e1: {  	v0, _, _ =	vpop (xrf2);
	(v2sf) =	vpush v1, $0xF  }
0x1e2: {  	v1, _, _ =	vpop (xrf2);
	(v2sf) =	vpush v0, $0xF  }
0x1e3: {  	p0 =	seq.s32 s15, $0x2F;
	v0, _, _ =	vpop (xrf2);
	(v2sf) =	vpush v1, $0xF  }
0x1e4: {  	s16 =	sadd.s32 @!p0 s16, s6;
	(v2sf) =	vpush v0, $0xF;
	v0, _, _ =	vpop (xrf2)  }
0x1e5: {  	s16 =	sshrl.u32 @!p0 s16, $0x3;
	s17 =	spop (v2sf);
	(v2sf) =	vpush v0, $0xF;
	v0, _, _ =	vpop (xrf2)  }
0x1e6: {  	s1 =	simm.s32 @!p0 $0x0;
	s16 =	sadd.s32 @!p0 s3, s16;
	s18 =	spop (v2sf);
	(v2sf) =	vpush v0, $0xF  }
0x1e7: {  	[tilespmem:s1], [sflag:$0x1] =	stream.linear.gather @!p0 [hbm4b:s16+s1], $0x8000, $0x38;
	[tilespmem:$0x10300] =	vst v63  }
0x1e8: {  	s19 =	spop (v2sf)  }
0x1e9: {  	s20 =	spop (v2sf)  }
0x1ea: {  	s21 =	spop (v2sf)  }
0x1eb: {  	s22 =	spop (v2sf)  }
0x1ec: {  	s23 =	spop (v2sf)  }
0x1ed: {  	s24 =	spop (v2sf)  }
0x1ee: {  	s25 =	spop (v2sf)  }
0x1ef: {  	s26 =	spop (v2sf)  }
0x1f0: {  	s28 =	spop (v2sf)  }
0x1f1: {  	s29 =	spop (v2sf)  }
0x1f2: {  	s30 =	spop (v2sf)  }
0x1f3: {  	s31 =	spop (v2sf)  }
0x1f4: {  	s1 =	spop (v2sf)  }
0x1f5: {  	s16 =	spop (v2sf)  }
0x1f6: {  	_ =	swait.ge [sflag:s11], $0x8000  }
0x1f7: {  	s17 =	sadd.f32 s18, s17;
	[sflag:s11] =	ssyncset.done $0x0  }
0x1f8: {  	s20 =	sadd.f32 s20, s19;
	s19 =	simm.s32 $0x0;
	[sflag:s11] =	ssyncadd.s32 $0xFFFF8000  }
0x1f9: {  	s17 =	smul.f32 $2.500000000e-01, s17;
	s22 =	sadd.f32 s22, s21;
	v0 =	vld [tilespmem:s19+$0x8000]  }
0x1fa: {  	s18 =	smul.f32 $2.500000000e-01, s20;
	s23 =	sadd.f32 s24, s23;
	v1 =	vld [tilespmem:s19+$0x8010]  }
0x1fb: {  	v2 =	vmov s17;
	s24 =	sadd.f32 s26, s25;
	s25 =	smul.f32 $2.500000000e-01, s22;
	v3 =	vld [tilespmem:s19+$0x8080]  }
0x1fc: {  	v2 =	vsel vm0, s18, v2;
	s21 =	smul.f32 $2.500000000e-01, s23;
	s26 =	sadd.f32 s29, s28;
	v4 =	vld [tilespmem:s19+$0x8090]  }
0x1fd: {  	s28 =	smul.f32 $2.500000000e-01, s24;
	v2 =	vsel vm1, s25, v2;
	s29 =	sadd.f32 s31, s30;
	v5 =	vld [tilespmem:s19+$0x9000]  }
0x1fe: {  	v2 =	vsel vm2, s21, v2;
	s30 =	smul.f32 $2.500000000e-01, s26;
	s1 =	sadd.f32 s16, s1;
	v6 =	vld [tilespmem:s19+$0x9010]  }
0x1ff: {  	v2 =	vsel vm3, s28, v2;
	s31 =	smul.f32 $2.500000000e-01, s29;
	v7 =	vld [tilespmem:s19+$0x9080]  }
0x200: {  	v20 =	vimm.f32 $-Inf;
	v2 =	vsel vm4, s30, v2;
	s1 =	smul.f32 $2.500000000e-01, s1;
	v8 =	vld [tilespmem:s19+$0x9090]  }
0x201: {  	v21 =	vimm.f32 $+Inf;
	v13 =	vimm.f32 $+Inf;
	v2 =	vsel vm5, s31, v2  }
0x202: {  	v11 =	vimm.f32 $-Inf;
	v16 =	vimm.f32 $+Inf;
	v2 =	vsel vm6, s1, v2  }
0x203: {  	v17 =	vimm.f32 $+Inf;
	v12 =	vimm.f32 $-Inf;
	[tilespmem:$0x1FF10] =	vst v2;
	v2 =	vmax.f32 v0, v1  }
0x204: {  	v0 =	vmin.f32 v0, v1;
	v1 =	vmax.f32 v3, v4;
	v4 =	vmin.f32 v3, v4  }
0x205: {  	v9 =	vmax.f32 v5, v6;
	v5 =	vmin.f32 v5, v6;
	v6 =	vmax.f32 v7, v8  }
0x206: {  	v8 =	vmin.f32 v7, v8;
	v14 =	vmax.f32 v2, v1;
	v15 =	vmin.f32 v0, v4  }
0x207: {  	v7 =	vmax.f32 v9, v6;
	v3 =	vmin.f32 v5, v8;
	v1 =	vmin.f32 v2, v1  }
0x208: {  	v0 =	vmax.f32 v0, v4;
	v2 =	vmin.f32 v9, v6;
	v6 =	vimm.f32 $+Inf  }
0x209: {  	v4 =	vimm.f32 $+Inf;
	v18 =	vmax.f32 v0, v1;
	v19 =	vmin.f32 v0, v1  }
0x20a: {  	v0 =	vmax.f32 v5, v8;
	v22 =	vmax.f32 v20, v15;
	v24 =	vmax.f32 v20, v14  }
0x20b: {  	v8 =	vimm.f32 $-Inf;
	v5 =	vimm.f32 $+Inf;
	v1 =	vimm.f32 $+Inf  }
0x20c: {  	v10 =	vmax.f32 v0, v2;
	v9 =	vmin.f32 v0, v2;
	v23 =	vmax.f32 v20, v19  }
0x20d: {  	s17 =	simm.s32 $0x400;
	s16 =	sadd.s32 $0x1, s15;
	v25 =	vmax.f32 v20, v18;
	v2 =	vimm.f32 $-Inf;
	v0 =	vimm.f32 $+Inf  }
.LBB2_11:
0x20e: {  	p0 =	sne.s32 s17, $0x3C00;
	v26 =	vmax.f32 v22, v25;
	v22 =	vmin.f32 v22, v25;
	v25 =	vmin.f32 v23, v24  }
0x20f: {  	v23 =	vmax.f32 v23, v24;
	v13 =	vmin.f32 v13, v14;
	v24 =	vmin.f32 v22, v25  }
0x210: {  	v14 =	vmin.f32 v16, v18;
	v16 =	vmin.f32 v17, v19;
	v6 =	vmin.f32 v6, v15  }
0x211: {  	v15 =	vmin.f32 v13, v16;
	v17 =	vmax.f32 v13, v16;
	v18 =	vmax.f32 v14, v6  }
0x212: {  	s1 =	sshra.s32 s17, $0x2;
	v8 =	vmax.f32 v8, v3;
	v14 =	vmin.f32 v14, v6;
	v6 =	vmax.f32 v17, v18  }
0x213: {  	v11 =	vmax.f32 v11, v9;
	v12 =	vmax.f32 v12, v10;
	v2 =	vmax.f32 v2, v7;
	v19 =	vld [tilespmem:s1+$0x8000]  }
0x214: {  	v16 =	vmax.f32 v8, v12;
	v12 =	vmin.f32 v8, v12;
	v28 =	vmin.f32 v11, v2;
	v27 =	vld [tilespmem:s1+$0x8010]  }
0x215: {  	v5 =	vmin.f32 v5, v7;
	v11 =	vmax.f32 v11, v2;
	v2 =	vmin.f32 v12, v28;
	v29 =	vld [tilespmem:s1+$0x8080]  }
0x216: {  	v4 =	vmin.f32 v4, v10;
	v0 =	vmin.f32 v0, v9;
	v1 =	vmin.f32 v1, v3;
	v7 =	vld [tilespmem:s1+$0x8090]  }
0x217: {  	v9 =	vmin.f32 v5, v0;
	v5 =	vmax.f32 v5, v0;
	v8 =	vmax.f32 v4, v1;
	v3 =	vld [tilespmem:s1+$0x9000]  }
0x218: {  	v4 =	vmin.f32 v4, v1;
	v0 =	vmin.f32 v5, v8;
	v1 =	vmax.f32 v5, v8;
	v10 =	vld [tilespmem:s1+$0x9010]  }
0x219: {  	v8 =	vmax.f32 v16, v11;
	v5 =	vmin.f32 v9, v4;
	v4 =	vmax.f32 v9, v4;
	v30 =	vld [tilespmem:s1+$0x9080]  }
0x21a: {  	v13 =	vmin.f32 v15, v14;
	v11 =	vmin.f32 v16, v11;
	v12 =	vmax.f32 v12, v28;
	v9 =	vld [tilespmem:s1+$0x9090]  }
0x21b: {  	v28 =	vmax.f32 v26, v23;
	v16 =	vmax.f32 v15, v14;
	v17 =	vmin.f32 v17, v18  }
0x21c: {  	v25 =	vmax.f32 v22, v25;
	v23 =	vmin.f32 v26, v23  }
0x21d: {  	v18 =	vmax.f32 v19, v27;
	v19 =	vmin.f32 v19, v27;
	v22 =	vmax.f32 v29, v7  }
0x21e: {  	v26 =	vmin.f32 v29, v7;
	v27 =	vmax.f32 v3, v10;
	v10 =	vmin.f32 v3, v10  }
0x21f: {  	v14 =	vmax.f32 v18, v22;
	v29 =	vmax.f32 v30, v9;
	v9 =	vmin.f32 v30, v9  }
.Ltmp4:
0x220: {  	v15 =	vmin.f32 v19, v26;
	v7 =	vmax.f32 v27, v29;
	v3 =	vmin.f32 v10, v9;
	(pc) =	sbr.rel @p0 .LBB2_11-.Ltmp4, $4  }
0x221: {  	v22 =	vmin.f32 v18, v22;
	v19 =	vmax.f32 v19, v26;
	v26 =	vmin.f32 v27, v29  }
0x222: {  	v18 =	vmax.f32 v19, v22;
	v19 =	vmin.f32 v19, v22;
	v9 =	vmax.f32 v10, v9  }
0x223: {  	v22 =	vmax.f32 v28, v15;
	v10 =	vmax.f32 v9, v26;
	v9 =	vmin.f32 v9, v26  }
0x224: {  	s17 =	sadd.s32 $0x400, s17;
	v24 =	vmax.f32 v24, v14;
	v23 =	vmax.f32 v23, v19;
	v25 =	vmax.f32 v25, v18  }
0x225: {  	v26 =	vmax.f32 v22, v25;
	v22 =	vmin.f32 v22, v25  }
0x226: {  	v25 =	vmin.f32 v23, v24;
	v23 =	vmax.f32 v23, v24;
	v13 =	vmin.f32 v13, v14  }
0x227: {  	v14 =	vmin.f32 v16, v18;
	v16 =	vmin.f32 v17, v19;
	v6 =	vmin.f32 v6, v15  }
0x228: {  	v2 =	vmax.f32 v2, v7;
	v5 =	vmin.f32 v5, v7;
	v4 =	vmin.f32 v4, v10  }
0x229: {  	v15 =	vmin.f32 v13, v16;
	v16 =	vmax.f32 v13, v16;
	v18 =	vmax.f32 v14, v6  }
0x22a: {  	v0 =	vmin.f32 v0, v9;
	v14 =	vmin.f32 v14, v6;
	v6 =	vmax.f32 v16, v18  }
0x22b: {  	[tilespmem:$0x1FE50] =	vst v6;
	v6 =	vmax.f32 v8, v3;
	v8 =	vmax.f32 v11, v9;
	v11 =	vmax.f32 v12, v10  }
0x22c: {  	v13 =	vmax.f32 v6, v11;
	v11 =	vmin.f32 v6, v11;
	v17 =	vmin.f32 v8, v2  }
0x22d: {  	v1 =	vmin.f32 v1, v3;
	v24 =	vmin.f32 v22, v25;
	v6 =	vmin.f32 v11, v17  }
0x22e: {  	[tilespmem:$0x1FE60] =	vst v6;
	v6 =	vmin.f32 v5, v0;
	v0 =	vmax.f32 v5, v0;
	v5 =	vmax.f32 v4, v1  }
0x22f: {  	s1 =	simm.s32 $0xFFFFF000;
	[tilespmem:$0x1FE40] =	vst v24;
	v1 =	vmin.f32 v4, v1;
	v4 =	vmin.f32 v0, v5  }
0x230: {  	v24 =	vld [tilespmem:s1+$0xB010];
	v2 =	vmax.f32 v8, v2;
	v0 =	vmax.f32 v0, v5;
	[tilespmem:$0x1FE70] =	vst v4  }
0x231: {  	v12 =	vld [tilespmem:s1+$0xB000];
	[tilespmem:$0x1FE80] =	vst v0;
	v4 =	vmax.f32 v13, v2  }
0x232: {  	v7 =	vld [tilespmem:s1+$0xB080];
	v2 =	vmin.f32 v13, v2;
	[tilespmem:$0x1FE90] =	vst v4  }
0x233: {  	v3 =	vld [tilespmem:s1+$0xB090];
	v4 =	vmin.f32 v6, v1;
	[tilespmem:$0x1FED0] =	vst v2  }
0x234: {  	v8 =	vld [tilespmem:s1+$0xC000];
	v1 =	vmax.f32 v6, v1;
	[tilespmem:$0x1FEA0] =	vst v4  }
0x235: {  	v19 =	vmax.f32 v22, v25;
	v0 =	vld [tilespmem:s1+$0xC010];
	v2 =	vmax.f32 v11, v17;
	[tilespmem:$0x1FEB0] =	vst v1  }
0x236: {  	v25 =	vimm.f32 $+Inf;
	v5 =	vmin.f32 v12, v24;
	v1 =	vld [tilespmem:s1+$0xC080];
	v4 =	vmin.f32 v15, v14;
	[tilespmem:$0x1FEE0] =	vst v2  }
0x237: {  	v17 =	vmax.f32 v26, v23;
	v2 =	vld [tilespmem:s1+$0xC090];
	[tilespmem:$0x1FEC0] =	vst v4;
	v4 =	vmax.f32 v15, v14;
	v15 =	vimm.f32 $-Inf  }
0x238: {  	[tilespmem:$0x1FEF0] =	vst v4;
	v4 =	vmin.f32 v16, v18;
	v18 =	vmin.f32 v26, v23;
	v16 =	vimm.f32 $-Inf  }
0x239: {  	[tilespmem:$0x1FF00] =	vst v4;
	v4 =	vmax.f32 v12, v24;
	v12 =	vmax.f32 v7, v3;
	v3 =	vmin.f32 v7, v3  }
0x23a: {  	v7 =	vmax.f32 v8, v0;
	v0 =	vmin.f32 v8, v0;
	v24 =	vimm.f32 $+Inf  }
0x23b: {  	v26 =	vmax.f32 v4, v12;
	v27 =	vmin.f32 v5, v3;
	v3 =	vmax.f32 v5, v3  }
0x23c: {  	v8 =	vmax.f32 v1, v2;
	v1 =	vmin.f32 v1, v2;
	v2 =	vmin.f32 v4, v12  }
0x23d: {  	v30 =	vmax.f32 v20, v27;
	v32 =	vmax.f32 v20, v26;
	v14 =	vmax.f32 v7, v8  }
0x23e: {  	v12 =	vmin.f32 v0, v1;
	v4 =	vmin.f32 v7, v8;
	v28 =	vmax.f32 v3, v2  }
0x23f: {  	v29 =	vmin.f32 v3, v2;
	v0 =	vmax.f32 v0, v1;
	v8 =	vimm.f32 $+Inf  }
0x240: {  	v3 =	vimm.f32 $-Inf;
	v7 =	vimm.f32 $+Inf;
	v1 =	vimm.f32 $+Inf  }
0x241: {  	v23 =	vmax.f32 v0, v4;
	v22 =	vmin.f32 v0, v4;
	v31 =	vmax.f32 v20, v29  }
0x242: {  	s17 =	simm.s32 $0xFFFFC400;
	v33 =	vmax.f32 v20, v28;
	v4 =	vimm.f32 $+Inf;
	v0 =	vimm.f32 $+Inf  }
.LBB2_13:
0x243: {  	p0 =	sne.s32 s17, $0xFFFFFC00;
	v2 =	vmax.f32 v30, v33;
	v5 =	vmin.f32 v30, v33;
	v30 =	vmin.f32 v31, v32  }
0x244: {  	v31 =	vmax.f32 v31, v32;
	v21 =	vmin.f32 v21, v26;
	v32 =	vmin.f32 v5, v30  }
0x245: {  	v24 =	vmin.f32 v24, v28;
	v25 =	vmin.f32 v25, v29;
	v8 =	vmin.f32 v8, v27  }
0x246: {  	v26 =	vmin.f32 v21, v25;
	v25 =	vmax.f32 v21, v25;
	v27 =	vmax.f32 v24, v8  }
0x247: {  	v20 =	vmax.f32 v20, v12;
	v24 =	vmin.f32 v24, v8;
	v8 =	vmax.f32 v25, v27  }
0x248: {  	s1 =	sshra.s32 s17, $0x2;
	v15 =	vmax.f32 v15, v22;
	v16 =	vmax.f32 v16, v23;
	v3 =	vmax.f32 v3, v14  }
0x249: {  	v29 =	vmax.f32 v20, v16;
	v16 =	vmin.f32 v20, v16;
	v33 =	vmin.f32 v15, v3;
	v28 =	vld [tilespmem:s1+$0xB000]  }
0x24a: {  	v7 =	vmin.f32 v7, v14;
	v15 =	vmax.f32 v15, v3;
	v3 =	vmin.f32 v16, v33;
	v34 =	vld [tilespmem:s1+$0xB010]  }
0x24b: {  	v4 =	vmin.f32 v4, v23;
	v0 =	vmin.f32 v0, v22;
	v1 =	vmin.f32 v1, v12;
	v14 =	vld [tilespmem:s1+$0xB080]  }
0x24c: {  	v21 =	vmin.f32 v7, v0;
	v7 =	vmax.f32 v7, v0;
	v20 =	vmax.f32 v4, v1;
	v12 =	vld [tilespmem:s1+$0xB090]  }
0x24d: {  	v4 =	vmin.f32 v4, v1;
	v0 =	vmin.f32 v7, v20;
	v1 =	vmax.f32 v7, v20;
	v22 =	vld [tilespmem:s1+$0xC000]  }
0x24e: {  	v20 =	vmax.f32 v29, v15;
	v7 =	vmin.f32 v21, v4;
	v4 =	vmax.f32 v21, v4;
	v23 =	vld [tilespmem:s1+$0xC010]  }
0x24f: {  	v21 =	vmin.f32 v26, v24;
	v15 =	vmin.f32 v29, v15;
	v16 =	vmax.f32 v16, v33;
	v35 =	vld [tilespmem:s1+$0xC080]  }
0x250: {  	v33 =	vmax.f32 v2, v31;
	v24 =	vmax.f32 v26, v24;
	v25 =	vmin.f32 v25, v27;
	v29 =	vld [tilespmem:s1+$0xC090]  }
0x251: {  	v36 =	vmax.f32 v5, v30;
	v31 =	vmin.f32 v2, v31  }
0x252: {  	v5 =	vimm.f32 $+Inf;
	v2 =	vimm.f32 $-Inf  }
0x253: {  	v30 =	vmax.f32 v28, v34;
	v28 =	vmin.f32 v28, v34;
	v34 =	vmax.f32 v14, v12  }
0x254: {  	v37 =	vmin.f32 v14, v12;
	v38 =	vmax.f32 v22, v23;
	v22 =	vmin.f32 v22, v23  }
0x255: {  	v26 =	vmax.f32 v30, v34;
	v23 =	vmax.f32 v35, v29;
	v35 =	vmin.f32 v35, v29  }
.Ltmp5:
0x256: {  	v27 =	vmin.f32 v28, v37;
	v14 =	vmax.f32 v38, v23;
	v12 =	vmin.f32 v22, v35;
	(pc) =	sbr.rel @p0 .LBB2_13-.Ltmp5, $4  }
0x257: {  	v29 =	vmin.f32 v30, v34;
	v30 =	vmax.f32 v28, v37;
	v34 =	vmin.f32 v38, v23  }
0x258: {  	v28 =	vmax.f32 v30, v29;
	v29 =	vmin.f32 v30, v29;
	v22 =	vmax.f32 v22, v35  }
0x259: {  	v30 =	vmax.f32 v33, v27;
	v23 =	vmax.f32 v22, v34;
	v22 =	vmin.f32 v22, v34  }
0x25a: {  	s17 =	sadd.s32 $0x400, s17;
	v32 =	vmax.f32 v32, v26;
	v31 =	vmax.f32 v31, v29;
	v33 =	vmax.f32 v36, v28  }
0x25b: {  	v34 =	vmax.f32 v30, v33;
	v35 =	vmin.f32 v30, v33  }
0x25c: {  	v36 =	vmin.f32 v31, v32;
	v37 =	vmax.f32 v31, v32;
	v21 =	vmin.f32 v21, v26  }
0x25d: {  	v24 =	vmin.f32 v24, v28;
	v25 =	vmin.f32 v25, v29;
	v8 =	vmin.f32 v8, v27  }
0x25e: {  	v20 =	vmax.f32 v20, v12;
	v15 =	vmax.f32 v15, v22;
	v16 =	vmax.f32 v16, v23  }
0x25f: {  	v3 =	vmax.f32 v3, v14;
	v7 =	vmin.f32 v7, v14;
	v4 =	vmin.f32 v4, v23  }
0x260: {  	v0 =	vmin.f32 v0, v22;
	v1 =	vmin.f32 v1, v12;
	v42 =	vimm.f32 $+Inf  }
0x261: {  	s17 =	simm.s32 $0x0;
	v43 =	vimm.f32 $+Inf;
	v26 =	vmin.f32 v35, v36;
	v63 =	vmax.f32 v21, v25  }
0x262: {  	v38 =	vmax.f32 v24, v8;
	v31 =	vmin.f32 v21, v25;
	v8 =	vmin.f32 v24, v8;
	v39 =	vld [tilespmem:s17+$0xC000]  }
0x263: {  	v28 =	vmax.f32 v20, v16;
	v16 =	vmin.f32 v20, v16;
	v40 =	vld [tilespmem:s17+$0xC010];
	v29 =	vmin.f32 v15, v3  }
0x264: {  	v3 =	vmax.f32 v15, v3;
	v14 =	vld [tilespmem:s17+$0xC080];
	v15 =	vmax.f32 v7, v0;
	v21 =	vmax.f32 v4, v1  }
0x265: {  	v12 =	vld [tilespmem:s17+$0xC090];
	v0 =	vmin.f32 v7, v0;
	v1 =	vmin.f32 v4, v1;
	v33 =	vmax.f32 v34, v37  }
0x266: {  	v41 =	vld [tilespmem:s17+$0xD000];
	v34 =	vmin.f32 v34, v37;
	v35 =	vmax.f32 v35, v36;
	v37 =	vimm.f32 $-Inf  }
0x267: {  	v4 =	vld [tilespmem:s17+$0xD010];
	v24 =	vmax.f32 v63, v38;
	v25 =	vmin.f32 v16, v29;
	v20 =	vmin.f32 v15, v21  }
0x268: {  	v7 =	vld [tilespmem:s17+$0xD080];
	v21 =	vmax.f32 v15, v21;
	v27 =	vmax.f32 v28, v3;
	v22 =	vmin.f32 v0, v1  }
0x269: {  	v23 =	vmax.f32 v0, v1;
	v30 =	vmin.f32 v31, v8;
	v28 =	vmin.f32 v28, v3;
	v0 =	vld [tilespmem:s17+$0xD090]  }
0x26a: {  	v29 =	vmax.f32 v16, v29;
	v31 =	vmax.f32 v31, v8;
	v32 =	vmin.f32 v63, v38  }
0x26b: {  	v38 =	vimm.f32 $-Inf;
	v1 =	vmax.f32 v39, v40;
	v3 =	vmin.f32 v39, v40  }
0x26c: {  	v8 =	vmax.f32 v14, v12;
	v12 =	vmin.f32 v14, v12;
	v15 =	vmax.f32 v41, v4  }
0x26d: {  	v4 =	vmin.f32 v41, v4;
	v39 =	vimm.f32 $+Inf;
	v40 =	vmax.f32 v1, v8  }
0x26e: {  	v16 =	vmax.f32 v7, v0;
	v0 =	vmin.f32 v7, v0;
	v41 =	vmin.f32 v3, v12  }
0x26f: {  	v1 =	vmin.f32 v1, v8;
	v3 =	vmax.f32 v3, v12;
	v12 =	vimm.f32 $+Inf  }
0x270: {  	v14 =	vmax.f32 v15, v16;
	v7 =	vmin.f32 v4, v0;
	v8 =	vmin.f32 v15, v16  }
0x271: {  	v44 =	vmax.f32 v3, v1;
	v45 =	vmin.f32 v3, v1;
	v0 =	vmax.f32 v4, v0  }
0x272: {  	v46 =	vmax.f32 v2, v41;
	v48 =	vmax.f32 v2, v40;
	v15 =	vimm.f32 $-Inf  }
0x273: {  	v3 =	vimm.f32 $-Inf;
	v4 =	vimm.f32 $+Inf;
	v1 =	vimm.f32 $+Inf  }
0x274: {  	v36 =	vmax.f32 v0, v8;
	v16 =	vmin.f32 v0, v8;
	v47 =	vmax.f32 v2, v45  }
0x275: {  	s18 =	simm.s32 $0x400;
	v49 =	vmax.f32 v2, v44;
	v8 =	vimm.f32 $+Inf;
	v0 =	vimm.f32 $+Inf  }
.LBB2_15:
0x276: {  	p0 =	sne.s32 s18, $0x3C00;
	v50 =	vmax.f32 v46, v49;
	v46 =	vmin.f32 v46, v49;
	v49 =	vmin.f32 v47, v48  }
0x277: {  	v47 =	vmax.f32 v47, v48;
	v39 =	vmin.f32 v39, v40;
	v48 =	vmin.f32 v46, v49  }
0x278: {  	v40 =	vmin.f32 v42, v44;
	v42 =	vmin.f32 v43, v45;
	v12 =	vmin.f32 v12, v41  }
0x279: {  	v41 =	vmin.f32 v39, v42;
	v43 =	vmax.f32 v39, v42;
	v44 =	vmax.f32 v40, v12  }
0x27a: {  	s1 =	sshra.s32 s18, $0x2;
	v15 =	vmax.f32 v15, v7;
	v40 =	vmin.f32 v40, v12;
	v12 =	vmax.f32 v43, v44  }
0x27b: {  	v37 =	vmax.f32 v37, v16;
	v38 =	vmax.f32 v38, v36;
	v3 =	vmax.f32 v3, v14;
	v45 =	vld [tilespmem:s1+$0xC000]  }
0x27c: {  	v42 =	vmax.f32 v15, v38;
	v38 =	vmin.f32 v15, v38;
	v52 =	vmin.f32 v37, v3;
	v51 =	vld [tilespmem:s1+$0xC010]  }
0x27d: {  	v8 =	vmin.f32 v8, v14;
	v37 =	vmax.f32 v37, v3;
	v3 =	vmin.f32 v38, v52;
	v53 =	vld [tilespmem:s1+$0xC080]  }
0x27e: {  	v4 =	vmin.f32 v4, v36;
	v0 =	vmin.f32 v0, v16;
	v1 =	vmin.f32 v1, v7;
	v14 =	vld [tilespmem:s1+$0xC090]  }
0x27f: {  	v16 =	vmin.f32 v8, v0;
	v8 =	vmax.f32 v8, v0;
	v15 =	vmax.f32 v4, v1;
	v7 =	vld [tilespmem:s1+$0xD000]  }
0x280: {  	v4 =	vmin.f32 v4, v1;
	v0 =	vmin.f32 v8, v15;
	v1 =	vmax.f32 v8, v15;
	v36 =	vld [tilespmem:s1+$0xD010]  }
0x281: {  	v15 =	vmax.f32 v42, v37;
	v8 =	vmin.f32 v16, v4;
	v4 =	vmax.f32 v16, v4;
	v54 =	vld [tilespmem:s1+$0xD080]  }
0x282: {  	v39 =	vmin.f32 v41, v40;
	v37 =	vmin.f32 v42, v37;
	v38 =	vmax.f32 v38, v52;
	v16 =	vld [tilespmem:s1+$0xD090]  }
0x283: {  	v52 =	vmax.f32 v50, v47;
	v42 =	vmax.f32 v41, v40;
	v43 =	vmin.f32 v43, v44  }
0x284: {  	v49 =	vmax.f32 v46, v49;
	v47 =	vmin.f32 v50, v47  }
0x285: {  	v44 =	vmax.f32 v45, v51;
	v45 =	vmin.f32 v45, v51;
	v46 =	vmax.f32 v53, v14  }
0x286: {  	v50 =	vmin.f32 v53, v14;
	v51 =	vmax.f32 v7, v36;
	v36 =	vmin.f32 v7, v36  }
0x287: {  	v40 =	vmax.f32 v44, v46;
	v53 =	vmax.f32 v54, v16;
	v16 =	vmin.f32 v54, v16  }
.Ltmp6:
0x288: {  	v41 =	vmin.f32 v45, v50;
	v14 =	vmax.f32 v51, v53;
	v7 =	vmin.f32 v36, v16;
	(pc) =	sbr.rel @p0 .LBB2_15-.Ltmp6, $4  }
0x289: {  	v46 =	vmin.f32 v44, v46;
	v45 =	vmax.f32 v45, v50;
	v50 =	vmin.f32 v51, v53  }
0x28a: {  	v44 =	vmax.f32 v45, v46;
	v45 =	vmin.f32 v45, v46;
	v16 =	vmax.f32 v36, v16  }
0x28b: {  	v46 =	vmax.f32 v52, v41;
	v36 =	vmax.f32 v16, v50;
	v16 =	vmin.f32 v16, v50  }
0x28c: {  	s18 =	sadd.s32 $0x400, s18;
	v48 =	vmax.f32 v48, v40;
	v47 =	vmax.f32 v47, v45;
	v49 =	vmax.f32 v49, v44  }
0x28d: {  	v51 =	vmax.f32 v46, v49;
	v52 =	vmin.f32 v46, v49;
	v53 =	vmin.f32 v47, v48  }
0x28e: {  	v61 =	vmax.f32 v47, v48;
	v39 =	vmin.f32 v39, v40;
	v58 =	vmin.f32 v42, v44  }
0x28f: {  	v59 =	vmin.f32 v43, v45;
	v12 =	vmin.f32 v12, v41;
	v15 =	vmax.f32 v15, v7  }
0x290: {  	v37 =	vmax.f32 v37, v16;
	v38 =	vmax.f32 v38, v36;
	v3 =	vmax.f32 v3, v14  }
0x291: {  	v8 =	vmin.f32 v8, v14;
	v4 =	vmin.f32 v4, v36;
	v0 =	vmin.f32 v0, v16  }
0x292: {  	v1 =	vmin.f32 v1, v7;
	v42 =	vimm.f32 $-Inf;
	v54 =	vmin.f32 v52, v53  }
0x293: {  	v41 =	vmin.f32 v39, v59;
	v39 =	vmax.f32 v39, v59;
	v60 =	vmax.f32 v58, v12  }
0x294: {  	v40 =	vld [tilespmem:s17+$0xE000];
	v12 =	vmin.f32 v58, v12;
	v62 =	vmax.f32 v15, v38;
	v15 =	vmin.f32 v15, v38  }
0x295: {  	v44 =	vld [tilespmem:s17+$0xE010];
	v63 =	vmin.f32 v37, v3;
	v3 =	vmax.f32 v37, v3;
	v16 =	vmin.f32 v8, v0  }
0x296: {  	v14 =	vld [tilespmem:s17+$0xE080];
	v0 =	vmax.f32 v8, v0;
	v8 =	vmax.f32 v4, v1;
	v1 =	vmin.f32 v4, v1  }
0x297: {  	v7 =	vld [tilespmem:s17+$0xE090];
	v4 =	vmax.f32 v52, v53;
	v38 =	vimm.f32 $+Inf;
	v37 =	vimm.f32 $+Inf  }
0x298: {  	v36 =	vld [tilespmem:s17+$0xF000];
	v50 =	vmax.f32 v39, v60;
	v47 =	vmin.f32 v15, v63;
	v45 =	vmin.f32 v0, v8  }
0x299: {  	v46 =	vmax.f32 v0, v8;
	v0 =	vld [tilespmem:s17+$0xF010];
	v55 =	vmax.f32 v62, v3;
	v48 =	vmin.f32 v16, v1  }
0x29a: {  	v49 =	vmax.f32 v16, v1;
	v8 =	vld [tilespmem:s17+$0xF080];
	v58 =	vmin.f32 v41, v12;
	v56 =	vmin.f32 v62, v3  }
0x29b: {  	v57 =	vmax.f32 v15, v63;
	v15 =	vld [tilespmem:s17+$0xF090];
	v1 =	vmax.f32 v51, v61;
	v59 =	vmax.f32 v41, v12  }
0x29c: {  	v60 =	vmin.f32 v39, v60;
	v3 =	vmin.f32 v51, v61;
	v63 =	vimm.f32 $+Inf  }
0x29d: {  	v51 =	vimm.f32 $+Inf;
	v39 =	vimm.f32 $+Inf;
	v12 =	vmax.f32 v40, v44  }
0x29e: {  	v16 =	vmin.f32 v40, v44;
	v52 =	vmax.f32 v14, v7;
	v7 =	vmin.f32 v14, v7  }
0x29f: {  	v62 =	vmax.f32 v12, v52;
	v61 =	vmin.f32 v16, v7;
	v14 =	vmax.f32 v36, v0  }
0x2a0: {  	v0 =	vmin.f32 v36, v0;
	v53 =	vmax.f32 v8, v15;
	v15 =	vmin.f32 v8, v15  }
0x2a1: {  	v8 =	vmin.f32 v12, v52;
	v12 =	vmax.f32 v16, v7;
	v52 =	vimm.f32 $-Inf  }
0x2a2: {  	v36 =	vimm.f32 $+Inf;
	v41 =	vmax.f32 v14, v53;
	v40 =	vmin.f32 v0, v15  }
0x2a3: {  	v14 =	vmin.f32 v14, v53;
	v7 =	vmax.f32 v12, v8;
	v8 =	vmin.f32 v12, v8  }
0x2a4: {  	v0 =	vmax.f32 v0, v15;
	v12 =	vmax.f32 v2, v61;
	v15 =	vmax.f32 v2, v62  }
0x2a5: {  	v53 =	vimm.f32 $-Inf;
	v44 =	vmax.f32 v0, v14;
	v43 =	vmin.f32 v0, v14  }
0x2a6: {  	s17 =	simm.s32 $0x400;
	v14 =	vmax.f32 v2, v8;
	v16 =	vmax.f32 v2, v7;
	v0 =	vimm.f32 $+Inf  }
.LBB2_17:
0x2a7: {  	p0 =	sne.s32 s17, $0x3C00;
	v6 =	vmax.f32 v12, v16;
	v12 =	vmin.f32 v12, v16;
	v16 =	vmin.f32 v14, v15  }
0x2a8: {  	v14 =	vmax.f32 v14, v15;
	v5 =	vmin.f32 v5, v62;
	v15 =	vmin.f32 v12, v16  }
0x2a9: {  	v7 =	vmin.f32 v63, v7;
	v0 =	vmin.f32 v0, v8;
	v8 =	vmin.f32 v51, v61  }
0x2aa: {  	v61 =	vmin.f32 v5, v0;
	v0 =	vmax.f32 v5, v0;
	v62 =	vmax.f32 v7, v8  }
0x2ab: {  	s1 =	sshra.s32 s17, $0x2;
	v2 =	vmax.f32 v2, v40;
	v7 =	vmin.f32 v7, v8;
	v51 =	vmax.f32 v0, v62  }
0x2ac: {  	v42 =	vmax.f32 v42, v41;
	v5 =	vmax.f32 v52, v43;
	v52 =	vmax.f32 v53, v44;
	v8 =	vld [tilespmem:s1+$0xE000]  }
0x2ad: {  	v53 =	vmax.f32 v2, v52;
	v63 =	vmin.f32 v2, v52;
	v9 =	vmin.f32 v5, v42;
	v13 =	vld [tilespmem:s1+$0xE010]  }
0x2ae: {  	v52 =	vmax.f32 v5, v42;
	v2 =	vmin.f32 v39, v41;
	v42 =	vmin.f32 v63, v9;
	v10 =	vld [tilespmem:s1+$0xE080]  }
0x2af: {  	v36 =	vmin.f32 v36, v43;
	v37 =	vmin.f32 v37, v40;
	v5 =	vmin.f32 v38, v44;
	v41 =	vld [tilespmem:s1+$0xE090]  }
0x2b0: {  	v38 =	vmin.f32 v2, v36;
	v2 =	vmax.f32 v2, v36;
	v39 =	vmax.f32 v5, v37;
	v40 =	vld [tilespmem:s1+$0xF000]  }
0x2b1: {  	v5 =	vmin.f32 v5, v37;
	v36 =	vmin.f32 v2, v39;
	v37 =	vmax.f32 v2, v39;
	v43 =	vld [tilespmem:s1+$0xF010]  }
0x2b2: {  	v2 =	vmax.f32 v53, v52;
	v39 =	vmin.f32 v38, v5;
	v38 =	vmax.f32 v38, v5;
	v44 =	vld [tilespmem:s1+$0xF080]  }
0x2b3: {  	v5 =	vmin.f32 v61, v7;
	v52 =	vmin.f32 v53, v52;
	v53 =	vmax.f32 v63, v9;
	v11 =	vld [tilespmem:s1+$0xF090]  }
0x2b4: {  	v0 =	vmin.f32 v0, v62;
	v9 =	vmax.f32 v6, v14;
	v63 =	vmax.f32 v61, v7  }
0x2b5: {  	v16 =	vmax.f32 v12, v16;
	v6 =	vmin.f32 v6, v14  }
0x2b6: {  	v7 =	vmax.f32 v8, v13;
	v8 =	vmin.f32 v8, v13;
	v12 =	vmax.f32 v10, v41  }
0x2b7: {  	v10 =	vmin.f32 v10, v41;
	v13 =	vmax.f32 v40, v43;
	v14 =	vmin.f32 v40, v43  }
0x2b8: {  	v62 =	vmax.f32 v7, v12;
	v43 =	vmax.f32 v44, v11;
	v11 =	vmin.f32 v44, v11  }
.Ltmp7:
0x2b9: {  	v61 =	vmin.f32 v8, v10;
	v41 =	vmax.f32 v13, v43;
	v40 =	vmin.f32 v14, v11;
	(pc) =	sbr.rel @p0 .LBB2_17-.Ltmp7, $4  }
0x2ba: {  	v12 =	vmin.f32 v7, v12;
	v8 =	vmax.f32 v8, v10;
	v10 =	vmin.f32 v13, v43  }
0x2bb: {  	v7 =	vmax.f32 v8, v12;
	v8 =	vmin.f32 v8, v12;
	v11 =	vmax.f32 v14, v11  }
0x2bc: {  	v12 =	vmax.f32 v9, v61;
	v44 =	vmax.f32 v11, v10;
	v43 =	vmin.f32 v11, v10  }
0x2bd: {  	s17 =	sadd.s32 $0x400, s17;
	v15 =	vmax.f32 v15, v62;
	v16 =	vmax.f32 v16, v7;
	v14 =	vmax.f32 v6, v8  }
0x2be: {  	v6 =	vld [tilespmem:$0x1FE40];
	_ =	sdelay $0x1  }
0x2bf: {  	(xrf1) =	vsort.dscd.msk.f32 $0xffff, v17, v17  }
0x2c0: {  	(xrf1) =	vsort.ascd.msk.f32 $0xffff, v18, v18  }
0x2c1: {  	(xrf1) =	vsort.dscd.msk.f32 $0xffff, v19, v19  }
0x2c2: {  	(xrf1) =	vsort.ascd.msk.f32 $0xffff, v6, v6;
	_ =	sdelay $0xa  }
0x2c3: {  	v18, _, _ =	vpop (xrf1)  }
0x2c4: {  	v9, _, _ =	vpop (xrf1)  }
0x2c5: {  	v10, _, _ =	vpop (xrf1)  }
0x2c6: {  	v6 =	vmax.f32 v18, v9;
	v19, _, _ =	vpop (xrf1)  }
0x2c7: {  	(xrf1) =	vsort.dscd.msk.f32 $0xffff, v6, v6;
	v9 =	vmax.f32 v10, v19  }
0x2c8: {  	(xrf1) =	vsort.ascd.msk.f32 $0xffff, v9, v9;
	_ =	sdelay $0xc  }
0x2c9: {  	v6, _, _ =	vpop (xrf1)  }
0x2ca: {  	v9, _, _ =	vpop (xrf1)  }
0x2cb: {  	v6 =	vmax.f32 v6, v9;
	v9 =	vld [tilespmem:$0x1FEC0]  }
0x2cc: {  	v10 =	vld [tilespmem:$0x1FEF0]  }
0x2cd: {  	v11 =	vld [tilespmem:$0x1FF00]  }
0x2ce: {  	v13 =	vld [tilespmem:$0x1FE50]  }
0x2cf: {  	(xrf1) =	vsort.dscd.msk.f32 $0xffff, v6, v6  }
0x2d0: {  	(xrf1) =	vsort.ascd.msk.f32 $0xffff, v9, v9  }
0x2d1: {  	(xrf1) =	vsort.dscd.msk.f32 $0xffff, v10, v10  }
0x2d2: {  	(xrf1) =	vsort.ascd.msk.f32 $0xffff, v11, v11  }
0x2d3: {  	(xrf1) =	vsort.dscd.msk.f32 $0xffff, v13, v13;
	_ =	sdelay $0x9  }
0x2d4: {  	v9, _, _ =	vpop (xrf1)  }
0x2d5: {  	v17, _, _ =	vpop (xrf1)  }
0x2d6: {  	v18, _, _ =	vpop (xrf1)  }
0x2d7: {  	v11, _, _ =	vpop (xrf1)  }
0x2d8: {  	v6 =	vmin.f32 v17, v18;
	v19, _, _ =	vpop (xrf1)  }
0x2d9: {  	(xrf1) =	vsort.ascd.msk.f32 $0xffff, v6, v6;
	v10 =	vmin.f32 v11, v19  }
0x2da: {  	(xrf1) =	vsort.dscd.msk.f32 $0xffff, v10, v10;
	_ =	sdelay $0xb  }
0x2db: {  	v11 =	vld [tilespmem:$0x1FE90]  }
0x2dc: {  	v13 =	vld [tilespmem:$0x1FED0];
	v6, _, _ =	vpop (xrf1)  }
0x2dd: {  	v17 =	vld [tilespmem:$0x1FEE0];
	v10, _, _ =	vpop (xrf1)  }
0x2de: {  	v18 =	vld [tilespmem:$0x1FE60];
	v6 =	vmin.f32 v6, v10  }
0x2df: {  	(xrf1) =	vsort.ascd.msk.f32 $0xffff, v6, v6  }
0x2e0: {  	(xrf1) =	vsort.dscd.msk.f32 $0xffff, v11, v11  }
0x2e1: {  	(xrf1) =	vsort.ascd.msk.f32 $0xffff, v13, v13  }
0x2e2: {  	(xrf1) =	vsort.dscd.msk.f32 $0xffff, v17, v17  }
0x2e3: {  	(xrf1) =	vsort.ascd.msk.f32 $0xffff, v18, v18;
	_ =	sdelay $0x9  }
0x2e4: {  	v6, _, _ =	vpop (xrf1)  }
0x2e5: {  	v19, _, _ =	vpop (xrf1)  }
0x2e6: {  	v17, _, _ =	vpop (xrf1)  }
0x2e7: {  	v13, _, _ =	vpop (xrf1)  }
0x2e8: {  	v10 =	vmax.f32 v19, v17;
	v18, _, _ =	vpop (xrf1)  }
0x2e9: {  	(xrf1) =	vsort.dscd.msk.f32 $0xffff, v10, v10;
	v11 =	vmax.f32 v13, v18  }
0x2ea: {  	(xrf1) =	vsort.ascd.msk.f32 $0xffff, v11, v11;
	_ =	sdelay $0xb  }
0x2eb: {  	v19 =	vld [tilespmem:$0x1FEA0]  }
0x2ec: {  	v13 =	vld [tilespmem:$0x1FEB0];
	v10, _, _ =	vpop (xrf1)  }
0x2ed: {  	v17 =	vld [tilespmem:$0x1FE70];
	v11, _, _ =	vpop (xrf1)  }
0x2ee: {  	v18 =	vld [tilespmem:$0x1FE80];
	v10 =	vmax.f32 v10, v11  }
0x2ef: {  	(xrf1) =	vsort.dscd.msk.f32 $0xffff, v10, v10  }
0x2f0: {  	(xrf1) =	vsort.ascd.msk.f32 $0xffff, v19, v19  }
0x2f1: {  	(xrf1) =	vsort.dscd.msk.f32 $0xffff, v13, v13  }
0x2f2: {  	(xrf1) =	vsort.ascd.msk.f32 $0xffff, v17, v17  }
0x2f3: {  	(xrf1) =	vsort.dscd.msk.f32 $0xffff, v18, v18;
	_ =	sdelay $0x9  }
0x2f4: {  	v10, _, _ =	vpop (xrf1)  }
0x2f5: {  	v11, _, _ =	vpop (xrf1)  }
0x2f6: {  	v13, _, _ =	vpop (xrf1)  }
0x2f7: {  	v17, _, _ =	vpop (xrf1)  }
0x2f8: {  	v11 =	vmin.f32 v11, v13;
	v19, _, _ =	vpop (xrf1)  }
0x2f9: {  	(xrf1) =	vsort.ascd.msk.f32 $0xffff, v11, v11;
	v13 =	vmin.f32 v17, v19  }
0x2fa: {  	(xrf1) =	vsort.dscd.msk.f32 $0xffff, v13, v13;
	_ =	sdelay $0xc  }
0x2fb: {  	v11, _, _ =	vpop (xrf1)  }
0x2fc: {  	v13, _, _ =	vpop (xrf1)  }
0x2fd: {  	v11 =	vmin.f32 v11, v13  }
0x2fe: {  	(xrf1) =	vsort.ascd.msk.f32 $0xffff, v11, v11  }
0x2ff: {  	(xrf1) =	vsort.dscd.msk.f32 $0xffff, v33, v33  }
0x300: {  	(xrf1) =	vsort.ascd.msk.f32 $0xffff, v34, v34  }
0x301: {  	(xrf1) =	vsort.dscd.msk.f32 $0xffff, v35, v35  }
0x302: {  	(xrf1) =	vsort.ascd.msk.f32 $0xffff, v26, v26;
	_ =	sdelay $0x9  }
0x303: {  	v11, _, _ =	vpop (xrf1)  }
0x304: {  	v34, _, _ =	vpop (xrf1)  }
0x305: {  	v35, _, _ =	vpop (xrf1)  }
0x306: {  	v26, _, _ =	vpop (xrf1)  }
0x307: {  	v13 =	vmax.f32 v34, v35;
	v33, _, _ =	vpop (xrf1)  }
0x308: {  	(xrf1) =	vsort.dscd.msk.f32 $0xffff, v13, v13;
	v17 =	vmax.f32 v26, v33  }
0x309: {  	(xrf1) =	vsort.ascd.msk.f32 $0xffff, v17, v17;
	_ =	sdelay $0xc  }
0x30a: {  	v13, _, _ =	vpop (xrf1)  }
0x30b: {  	v17, _, _ =	vpop (xrf1)  }
0x30c: {  	v13 =	vmax.f32 v13, v17  }
0x30d: {  	(xrf1) =	vsort.dscd.msk.f32 $0xffff, v13, v13  }
0x30e: {  	(xrf1) =	vsort.ascd.msk.f32 $0xffff, v30, v30  }
0x30f: {  	(xrf1) =	vsort.dscd.msk.f32 $0xffff, v31, v31  }
0x310: {  	(xrf1) =	vsort.ascd.msk.f32 $0xffff, v32, v32  }
0x311: {  	(xrf1) =	vsort.dscd.msk.f32 $0xffff, v24, v24;
	_ =	sdelay $0x9  }
0x312: {  	v13, _, _ =	vpop (xrf1)  }
0x313: {  	v34, _, _ =	vpop (xrf1)  }
0x314: {  	v35, _, _ =	vpop (xrf1)  }
0x315: {  	v24, _, _ =	vpop (xrf1)  }
0x316: {  	v17 =	vmin.f32 v34, v35;
	v26, _, _ =	vpop (xrf1)  }
0x317: {  	(xrf1) =	vsort.ascd.msk.f32 $0xffff, v17, v17;
	v18 =	vmin.f32 v24, v26  }
0x318: {  	(xrf1) =	vsort.dscd.msk.f32 $0xffff, v18, v18;
	_ =	sdelay $0xc  }
0x319: {  	v17, _, _ =	vpop (xrf1)  }
0x31a: {  	v18, _, _ =	vpop (xrf1)  }
0x31b: {  	v17 =	vmin.f32 v17, v18  }
0x31c: {  	(xrf1) =	vsort.ascd.msk.f32 $0xffff, v17, v17  }
0x31d: {  	(xrf1) =	vsort.dscd.msk.f32 $0xffff, v27, v27  }
0x31e: {  	(xrf1) =	vsort.ascd.msk.f32 $0xffff, v28, v28  }
0x31f: {  	(xrf1) =	vsort.dscd.msk.f32 $0xffff, v29, v29  }
0x320: {  	(xrf1) =	vsort.ascd.msk.f32 $0xffff, v25, v25;
	_ =	sdelay $0x9  }
0x321: {  	v17, _, _ =	vpop (xrf1)  }
0x322: {  	v29, _, _ =	vpop (xrf1)  }
0x323: {  	v30, _, _ =	vpop (xrf1)  }
0x324: {  	v31, _, _ =	vpop (xrf1)  }
0x325: {  	v18 =	vmax.f32 v29, v30;
	v32, _, _ =	vpop (xrf1)  }
0x326: {  	(xrf1) =	vsort.dscd.msk.f32 $0xffff, v18, v18;
	v19 =	vmax.f32 v31, v32  }
0x327: {  	(xrf1) =	vsort.ascd.msk.f32 $0xffff, v19, v19;
	_ =	sdelay $0xc  }
0x328: {  	v18, _, _ =	vpop (xrf1)  }
0x329: {  	v19, _, _ =	vpop (xrf1)  }
0x32a: {  	v18 =	vmax.f32 v18, v19  }
0x32b: {  	(xrf1) =	vsort.dscd.msk.f32 $0xffff, v18, v18  }
0x32c: {  	(xrf1) =	vsort.ascd.msk.f32 $0xffff, v22, v22  }
0x32d: {  	(xrf1) =	vsort.dscd.msk.f32 $0xffff, v23, v23  }
0x32e: {  	(xrf1) =	vsort.ascd.msk.f32 $0xffff, v20, v20  }
0x32f: {  	(xrf1) =	vsort.dscd.msk.f32 $0xffff, v21, v21;
	_ =	sdelay $0x9  }
0x330: {  	v18, _, _ =	vpop (xrf1)  }
0x331: {  	v33, _, _ =	vpop (xrf1)  }
0x332: {  	v34, _, _ =	vpop (xrf1)  }
0x333: {  	v35, _, _ =	vpop (xrf1)  }
0x334: {  	v19 =	vmin.f32 v33, v34;
	v24, _, _ =	vpop (xrf1)  }
0x335: {  	(xrf1) =	vsort.ascd.msk.f32 $0xffff, v19, v19;
	v20 =	vmin.f32 v35, v24  }
0x336: {  	(xrf1) =	vsort.dscd.msk.f32 $0xffff, v20, v20;
	_ =	sdelay $0xc  }
0x337: {  	v19, _, _ =	vpop (xrf1)  }
0x338: {  	v20, _, _ =	vpop (xrf1)  }
0x339: {  	v19 =	vmin.f32 v19, v20  }
0x33a: {  	(xrf1) =	vsort.ascd.msk.f32 $0xffff, v19, v19  }
0x33b: {  	(xrf1) =	vsort.dscd.msk.f32 $0xffff, v1, v1  }
0x33c: {  	(xrf1) =	vsort.ascd.msk.f32 $0xffff, v3, v3  }
0x33d: {  	(xrf1) =	vsort.dscd.msk.f32 $0xffff, v4, v4  }
0x33e: {  	(xrf1) =	vsort.ascd.msk.f32 $0xffff, v54, v54;
	_ =	sdelay $0x9  }
0x33f: {  	v1, _, _ =	vpop (xrf1)  }
0x340: {  	v25, _, _ =	vpop (xrf1)  }
0x341: {  	v26, _, _ =	vpop (xrf1)  }
0x342: {  	v27, _, _ =	vpop (xrf1)  }
0x343: {  	v3 =	vmax.f32 v25, v26;
	v28, _, _ =	vpop (xrf1)  }
0x344: {  	(xrf1) =	vsort.dscd.msk.f32 $0xffff, v3, v3;
	v4 =	vmax.f32 v27, v28  }
0x345: {  	(xrf1) =	vsort.ascd.msk.f32 $0xffff, v4, v4;
	_ =	sdelay $0xc  }
0x346: {  	v3, _, _ =	vpop (xrf1)  }
0x347: {  	v4, _, _ =	vpop (xrf1)  }
0x348: {  	v3 =	vmax.f32 v3, v4  }
0x349: {  	(xrf1) =	vsort.dscd.msk.f32 $0xffff, v3, v3  }
0x34a: {  	(xrf1) =	vsort.ascd.msk.f32 $0xffff, v58, v58  }
0x34b: {  	(xrf1) =	vsort.dscd.msk.f32 $0xffff, v59, v59  }
0x34c: {  	(xrf1) =	vsort.ascd.msk.f32 $0xffff, v60, v60  }
0x34d: {  	(xrf1) =	vsort.dscd.msk.f32 $0xffff, v50, v50;
	_ =	sdelay $0x9  }
0x34e: {  	v3, _, _ =	vpop (xrf1)  }
0x34f: {  	v29, _, _ =	vpop (xrf1)  }
0x350: {  	v30, _, _ =	vpop (xrf1)  }
0x351: {  	v31, _, _ =	vpop (xrf1)  }
0x352: {  	v4 =	vmin.f32 v29, v30;
	v32, _, _ =	vpop (xrf1)  }
0x353: {  	(xrf1) =	vsort.ascd.msk.f32 $0xffff, v4, v4;
	v19 =	vmin.f32 v31, v32  }
0x354: {  	(xrf1) =	vsort.dscd.msk.f32 $0xffff, v19, v19;
	_ =	sdelay $0xc  }
0x355: {  	v4, _, _ =	vpop (xrf1)  }
0x356: {  	v19, _, _ =	vpop (xrf1)  }
0x357: {  	v4 =	vmin.f32 v4, v19  }
0x358: {  	(xrf1) =	vsort.ascd.msk.f32 $0xffff, v4, v4  }
0x359: {  	(xrf1) =	vsort.dscd.msk.f32 $0xffff, v55, v55  }
0x35a: {  	(xrf1) =	vsort.ascd.msk.f32 $0xffff, v56, v56  }
0x35b: {  	(xrf1) =	vsort.dscd.msk.f32 $0xffff, v57, v57  }
0x35c: {  	(xrf1) =	vsort.ascd.msk.f32 $0xffff, v47, v47;
	_ =	sdelay $0x9  }
0x35d: {  	v4, _, _ =	vpop (xrf1)  }
0x35e: {  	v33, _, _ =	vpop (xrf1)  }
0x35f: {  	v34, _, _ =	vpop (xrf1)  }
0x360: {  	v35, _, _ =	vpop (xrf1)  }
0x361: {  	v19 =	vmax.f32 v33, v34;
	v47, _, _ =	vpop (xrf1)  }
0x362: {  	(xrf1) =	vsort.dscd.msk.f32 $0xffff, v19, v19;
	v20 =	vmax.f32 v35, v47  }
0x363: {  	(xrf1) =	vsort.ascd.msk.f32 $0xffff, v20, v20;
	_ =	sdelay $0xc  }
0x364: {  	v19, _, _ =	vpop (xrf1)  }
0x365: {  	v20, _, _ =	vpop (xrf1)  }
0x366: {  	v19 =	vmax.f32 v19, v20  }
0x367: {  	(xrf1) =	vsort.dscd.msk.f32 $0xffff, v19, v19  }
0x368: {  	(xrf1) =	vsort.ascd.msk.f32 $0xffff, v48, v48  }
0x369: {  	(xrf1) =	vsort.dscd.msk.f32 $0xffff, v49, v49  }
0x36a: {  	(xrf1) =	vsort.ascd.msk.f32 $0xffff, v45, v45  }
0x36b: {  	(xrf1) =	vsort.dscd.msk.f32 $0xffff, v46, v46;
	_ =	sdelay $0x9  }
0x36c: {  	v19, _, _ =	vpop (xrf1)  }
0x36d: {  	v49, _, _ =	vpop (xrf1)  }
0x36e: {  	v50, _, _ =	vpop (xrf1)  }
0x36f: {  	v54, _, _ =	vpop (xrf1)  }
0x370: {  	v20 =	vmin.f32 v49, v50;
	v55, _, _ =	vpop (xrf1)  }
0x371: {  	(xrf1) =	vsort.ascd.msk.f32 $0xffff, v20, v20;
	v21 =	vmin.f32 v54, v55  }
0x372: {  	(xrf1) =	vsort.dscd.msk.f32 $0xffff, v21, v21;
	_ =	sdelay $0xc  }
0x373: {  	v20, _, _ =	vpop (xrf1)  }
0x374: {  	v21, _, _ =	vpop (xrf1)  }
0x375: {  	v56 =	vmax.f32 v12, v16;
	v57 =	vmax.f32 v14, v15;
	v20 =	vmin.f32 v20, v21  }
0x376: {  	v58 =	vmin.f32 v12, v16;
	v59 =	vmax.f32 v56, v57;
	(xrf1) =	vsort.ascd.msk.f32 $0xffff, v20, v20  }
0x377: {  	v60 =	vmin.f32 v14, v15;
	v20 =	vmin.f32 v56, v57;
	(xrf1) =	vsort.dscd.msk.f32 $0xffff, v59, v59  }
0x378: {  	v21 =	vmax.f32 v58, v60;
	(xrf1) =	vsort.ascd.msk.f32 $0xffff, v20, v20  }
0x379: {  	v12 =	vmin.f32 v58, v60;
	(xrf1) =	vsort.dscd.msk.f32 $0xffff, v21, v21  }
0x37a: {  	(xrf1) =	vsort.ascd.msk.f32 $0xffff, v12, v12;
	_ =	sdelay $0x9  }
0x37b: {  	v12, _, _ =	vpop (xrf1)  }
0x37c: {  	v22, _, _ =	vpop (xrf1)  }
0x37d: {  	v15, _, _ =	vpop (xrf1)  }
0x37e: {  	v16, _, _ =	vpop (xrf1)  }
0x37f: {  	v14 =	vmax.f32 v22, v15;
	v23, _, _ =	vpop (xrf1)  }
0x380: {  	(xrf1) =	vsort.dscd.msk.f32 $0xffff, v14, v14;
	v15 =	vmax.f32 v16, v23  }
0x381: {  	(xrf1) =	vsort.ascd.msk.f32 $0xffff, v15, v15;
	_ =	sdelay $0xc  }
0x382: {  	v5 =	vmin.f32 v5, v62;
	v14, _, _ =	vpop (xrf1)  }
0x383: {  	v7 =	vmin.f32 v63, v7;
	v0 =	vmin.f32 v0, v8;
	v24 =	vmin.f32 v51, v61;
	v15, _, _ =	vpop (xrf1)  }
0x384: {  	v25 =	vmin.f32 v5, v0;
	v26 =	vmin.f32 v7, v24;
	v14 =	vmax.f32 v14, v15  }
0x385: {  	v0 =	vmax.f32 v5, v0;
	v27 =	vmin.f32 v25, v26;
	(xrf1) =	vsort.dscd.msk.f32 $0xffff, v14, v14  }
0x386: {  	v7 =	vmax.f32 v7, v24;
	v28 =	vmax.f32 v25, v26;
	(xrf1) =	vsort.ascd.msk.f32 $0xffff, v27, v27  }
0x387: {  	v29 =	vmin.f32 v0, v7;
	(xrf1) =	vsort.dscd.msk.f32 $0xffff, v28, v28  }
0x388: {  	v0 =	vmax.f32 v0, v7;
	(xrf1) =	vsort.ascd.msk.f32 $0xffff, v29, v29  }
0x389: {  	(xrf1) =	vsort.dscd.msk.f32 $0xffff, v0, v0;
	_ =	sdelay $0x9  }
0x38a: {  	v0, _, _ =	vpop (xrf1)  }
0x38b: {  	v30, _, _ =	vpop (xrf1)  }
0x38c: {  	v31, _, _ =	vpop (xrf1)  }
0x38d: {  	v32, _, _ =	vpop (xrf1)  }
0x38e: {  	v5 =	vmin.f32 v30, v31;
	v33, _, _ =	vpop (xrf1)  }
0x38f: {  	(xrf1) =	vsort.ascd.msk.f32 $0xffff, v5, v5;
	v7 =	vmin.f32 v32, v33  }
0x390: {  	(xrf1) =	vsort.dscd.msk.f32 $0xffff, v7, v7;
	_ =	sdelay $0xc  }
0x391: {  	v2 =	vmax.f32 v2, v40;
	v5, _, _ =	vpop (xrf1)  }
0x392: {  	v34 =	vmax.f32 v52, v43;
	v35 =	vmax.f32 v53, v44;
	v45 =	vmax.f32 v42, v41;
	v46, _, _ =	vpop (xrf1)  }
0x393: {  	v47 =	vmax.f32 v2, v35;
	v48 =	vmax.f32 v34, v45;
	v5 =	vmin.f32 v5, v46  }
0x394: {  	v2 =	vmin.f32 v2, v35;
	v49 =	vmax.f32 v47, v48;
	(xrf1) =	vsort.ascd.msk.f32 $0xffff, v5, v5  }
0x395: {  	v50 =	vmin.f32 v47, v48;
	v7 =	vmin.f32 v34, v45;
	(xrf1) =	vsort.dscd.msk.f32 $0xffff, v49, v49  }
0x396: {  	v51 =	vmax.f32 v2, v7;
	(xrf1) =	vsort.ascd.msk.f32 $0xffff, v50, v50  }
0x397: {  	v2 =	vmin.f32 v2, v7;
	(xrf1) =	vsort.dscd.msk.f32 $0xffff, v51, v51  }
0x398: {  	(xrf1) =	vsort.ascd.msk.f32 $0xffff, v2, v2;
	_ =	sdelay $0x9  }
0x399: {  	v52, _, _ =	vpop (xrf1)  }
0x39a: {  	v53, _, _ =	vpop (xrf1)  }
0x39b: {  	v54, _, _ =	vpop (xrf1)  }
0x39c: {  	v55, _, _ =	vpop (xrf1)  }
0x39d: {  	v5 =	vmax.f32 v53, v54;
	v56, _, _ =	vpop (xrf1)  }
0x39e: {  	(xrf1) =	vsort.dscd.msk.f32 $0xffff, v5, v5;
	v7 =	vmax.f32 v55, v56  }
0x39f: {  	(xrf1) =	vsort.ascd.msk.f32 $0xffff, v7, v7;
	_ =	sdelay $0xc  }
0x3a0: {  	v61 =	vmin.f32 v37, v40;
	v58, _, _ =	vpop (xrf1)  }
0x3a1: {  	v60 =	vmin.f32 v36, v43;
	v57 =	vmin.f32 v39, v41;
	v59 =	vmin.f32 v38, v44;
	v62, _, _ =	vpop (xrf1)  }
0x3a2: {  	v63 =	vmin.f32 v57, v60;
	v21 =	vmin.f32 v59, v61;
	v7 =	vmax.f32 v58, v62  }
0x3a3: {  	v8 =	vmax.f32 v59, v61;
	v22 =	vmin.f32 v63, v21;
	(xrf1) =	vsort.dscd.msk.f32 $0xffff, v7, v7  }
0x3a4: {  	v23 =	vmax.f32 v63, v21;
	v5 =	vmax.f32 v57, v60;
	(xrf1) =	vsort.ascd.msk.f32 $0xffff, v22, v22  }
0x3a5: {  	v24 =	vmin.f32 v5, v8;
	(xrf1) =	vsort.dscd.msk.f32 $0xffff, v23, v23  }
0x3a6: {  	v5 =	vmax.f32 v5, v8;
	(xrf1) =	vsort.ascd.msk.f32 $0xffff, v24, v24  }
0x3a7: {  	(xrf1) =	vsort.dscd.msk.f32 $0xffff, v5, v5;
	_ =	sdelay $0x9  }
0x3a8: {  	v25, _, _ =	vpop (xrf1)  }
0x3a9: {  	v26, _, _ =	vpop (xrf1)  }
0x3aa: {  	v27, _, _ =	vpop (xrf1)  }
0x3ab: {  	v28, _, _ =	vpop (xrf1)  }
0x3ac: {  	v7 =	vmin.f32 v26, v27;
	v29, _, _ =	vpop (xrf1)  }
0x3ad: {  	(xrf1) =	vsort.ascd.msk.f32 $0xffff, v7, v7;
	v8 =	vmin.f32 v28, v29  }
0x3ae: {  	(xrf1) =	vsort.dscd.msk.f32 $0xffff, v8, v8;
	_ =	sdelay $0xc  }
0x3af: {  	v7, _, _ =	vpop (xrf1)  }
0x3b0: {  	v30 =	vnsel vm7, $0x0, v9;
	v31, _, _ =	vpop (xrf1)  }
0x3b1: {  	(xrf2) =	vadd.scan.msk.f32 $0xffff, v30;
	v32 =	vmin.f32 v7, v31  }
0x3b2: {  	v6 =	vnsel vm7, $0x0, v6;
	(xrf1) =	vsort.ascd.msk.f32 $0xffff, v32, v32  }
0x3b3: {  	(xrf2) =	vadd.scan.msk.f32 $0xffff, v6;
	v33 =	vnsel vm7, $0x0, v10  }
0x3b4: {  	(xrf2) =	vadd.scan.msk.f32 $0xffff, v33;
	v34 =	vnsel vm7, $0x0, v11  }
0x3b5: {  	(xrf2) =	vadd.scan.msk.f32 $0xffff, v34  }
0x3b6: {  	v35 =	vnsel vm7, $0x0, v13  }
0x3b7: {  	v36 =	vnsel vm7, $0x0, v17;
	(xrf2) =	vadd.scan.msk.f32 $0xffff, v35  }
0x3b8: {  	v37 =	vnsel vm7, $0x0, v18;
	(xrf2) =	vadd.scan.msk.f32 $0xffff, v36  }
0x3b9: {  	v1 =	vnsel vm7, $0x0, v1;
	(xrf2) =	vadd.scan.msk.f32 $0xffff, v37  }
0x3ba: {  	v38 =	vnsel vm7, $0x0, v3;
	(xrf2) =	vadd.scan.msk.f32 $0xffff, v1  }
0x3bb: {  	v39 =	vnsel vm7, $0x0, v4;
	(xrf2) =	vadd.scan.msk.f32 $0xffff, v38  }
0x3bc: {  	v41 =	vnsel vm7, $0x0, v19;
	(xrf2) =	vadd.scan.msk.f32 $0xffff, v39;
	v40, _, _ =	vpop (xrf2)  }
0x3bd: {  	v43 =	vnsel vm7, $0x0, v12;
	(xrf2) =	vadd.scan.msk.f32 $0xffff, v41;
	v42, _, _ =	vpop (xrf2);
	(v2sf) =	vpush v40, $0xF  }
0x3be: {  	v0 =	vnsel vm7, $0x0, v0;
	(xrf2) =	vadd.scan.msk.f32 $0xffff, v43;
	v44, _, _ =	vpop (xrf2)  }
0x3bf: {  	(v2sf) =	vpush v42, $0xF;
	(xrf2) =	vadd.scan.msk.f32 $0xffff, v0;
	v45, _, _ =	vpop (xrf2);
	v47 =	vnsel vm7, $0x0, v52  }
0x3c0: {  	(v2sf) =	vpush v44, $0xF;
	(xrf2) =	vadd.scan.msk.f32 $0xffff, v47;
	v48 =	vnsel vm7, $0x0, v25;
	v49, _, _ =	vpop (xrf1)  }
0x3c1: {  	(v2sf) =	vpush v45, $0xF;
	v46, _, _ =	vpop (xrf2);
	(xrf2) =	vadd.scan.msk.f32 $0xffff, v48;
	v51 =	vnsel vm7, $0x0, v49  }
0x3c2: {  	(v2sf) =	vpush v46, $0xF;
	v50, _, _ =	vpop (xrf2);
	(xrf2) =	vadd.scan.msk.f32 $0xffff, v51  }
0x3c3: {  	(v2sf) =	vpush v50, $0xF;
	v52, _, _ =	vpop (xrf2)  }
0x3c4: {  	(v2sf) =	vpush v52, $0xF;
	v53, _, _ =	vpop (xrf2)  }
0x3c5: {  	(v2sf) =	vpush v53, $0xF;
	v54, _, _ =	vpop (xrf2)  }
0x3c6: {  	(v2sf) =	vpush v54, $0xF;
	v55, _, _ =	vpop (xrf2)  }
0x3c7: {  	(v2sf) =	vpush v55, $0xF;
	v56, _, _ =	vpop (xrf2)  }
0x3c8: {  	(v2sf) =	vpush v56, $0xF;
	v57, _, _ =	vpop (xrf2)  }
0x3c9: {  	(v2sf) =	vpush v57, $0xF;
	v58, _, _ =	vpop (xrf2)  }
0x3ca: {  	(v2sf) =	vpush v58, $0xF;
	v59, _, _ =	vpop (xrf2)  }
0x3cb: {  	(v2sf) =	vpush v59, $0xF;
	v60, _, _ =	vpop (xrf2)  }
0x3cc: {  	s1 =	spop (v2sf);
	(v2sf) =	vpush v60, $0xF;
	v61, _, _ =	vpop (xrf2)  }
0x3cd: {  	(v2sf) =	vpush v61, $0xF  }
0x3ce: {  	s17 =	spop (v2sf)  }
0x3cf: {  	s18 =	spop (v2sf)  }
0x3d0: {  	s1 =	sadd.f32 s17, s1;
	s19 =	spop (v2sf)  }
0x3d1: {  	s18 =	sadd.f32 s19, s18;
	s20 =	spop (v2sf)  }
0x3d2: {  	s1 =	smul.f32 $2.500000000e-01, s1;
	s21 =	spop (v2sf)  }
0x3d3: {  	s20 =	sadd.f32 s21, s20;
	s22 =	spop (v2sf)  }
0x3d4: {  	s18 =	smul.f32 $2.500000000e-01, s18;
	s28 =	spop (v2sf)  }
0x3d5: {  	v63 =	vld [tilespmem:$0x1FF10];
	s20 =	smul.f32 $2.500000000e-01, s20;
	s29 =	spop (v2sf)  }
0x3d6: {  	s17 =	sadd.f32 s28, s22;
	s30 =	spop (v2sf)  }
0x3d7: {  	s31 =	spop (v2sf);
	s19 =	sadd.f32 s30, s29  }
0x3d8: {  	v62 =	vlaneseq.u32;
	s17 =	smul.f32 $2.500000000e-01, s17;
	s23 =	spop (v2sf)  }
0x3d9: {  	s21 =	sadd.f32 s23, s31;
	s24 =	spop (v2sf);
	vm7 =	veq.s32 v62, $0x8  }
0x3da: {  	s19 =	smul.f32 $2.500000000e-01, s19;
	s25 =	spop (v2sf);
	v0 =	vsel vm7, s1, v63;
	vm7 =	veq.s32 v62, $0x9  }
0x3db: {  	s26 =	spop (v2sf);
	s1 =	sadd.f32 s25, s24;
	v0 =	vsel vm7, s18, v0;
	vm7 =	veq.s32 v62, $0xA  }
0x3dc: {  	s30 =	smul.f32 $2.500000000e-01, s21;
	v0 =	vsel vm7, s20, v0;
	vm7 =	veq.s32 v62, $0xB;
	s28 =	spop (v2sf)  }
0x3dd: {  	p0 =	sne.s32 s16, $0x30;
	s1 =	smul.f32 $2.500000000e-01, s1;
	v0 =	vsel vm7, s17, v0;
	vm7 =	veq.s32 v62, $0xC;
	s29 =	sadd.f32 s28, s26  }
.Ltmp8:
0x3de: {  	v0 =	vsel vm7, s19, v0;
	vm7 =	veq.s32 v62, $0xD;
	(pc) =	sbr.rel @p0 .LBB2_2-.Ltmp8, $4  }
0x3df: {  	v0 =	vsel vm7, s30, v0;
	vm7 =	veq.s32 v62, $0xE;
	s17 =	smul.f32 $2.500000000e-01, s29  }
0x3e0: {  	s31 =	sshll.u32 s15, $0x4;
	v0 =	vsel vm7, s1, v0;
	vm7 =	veq.s32 v62, $0xF  }
0x3e1: {  	s1 =	sand.u32 $0x3FFFFFF0, s31;
	v0 =	vsel vm7, s17, v0  }
0x3e2: {  	s15 =	smov.u32 s16;
	[tilespmem:s1+$0x10000] =	vst v0  }
0x3e3: {  	s14 =	sadd.s32 $0x1, s14  }
0x3e4: {  	p0 =	sne.s32 s14, s8  }
.Ltmp9:
0x3e5: {  	_ = 	snop;
	(pc) =	sbr.rel @p0 .LBB2_1-.Ltmp9, $4  }
0x3e6: {  	[hbm4b:s7+s2] =	stream.linear.scatter [tilespmem:s12], [sflag:$0x3], $0x300, $0x38;
	[tilespmem:$0x10300] =	vst v63  }
0x3e7: {  	_ =	swait.ge [sflag:s13], $0x300  }
0x3e8: {  	[sflag:s13] =	ssyncset.done $0x0  }
0x3e9: {  	[sflag:s13] =	ssyncadd.s32 $0xFFFFFD00  }
0x3ea: {  	_ =	sfence.sel $0x180000  }
0x3eb: {  	[bflag:$0x0] =	sbarrier.arrive $0xFFFF  }
0x3ec: {  	_ =	strace $0x90000047  }
0x3ed: {  	[bflag:$0x2] =	sbarrier.arrive $0xFFFF  }
0x3ee: {  	p0 =	sne.s32 s0, $0x0;
	s0 =	rddreg [dreg:$0x2]  }
0x3ef: {  	s0 =	sadd.s32 @!p0 $0x100000, s0  }
0x3f0: {  	[sflag:s0] =	ssyncadd.tile.s32 @!p0 $0x1;
	_ =	shalt  }
.Lfunc_end2:
_tile_overlayer_lowered:
.L_overlay_start_2:
0x3f1: {  	(tag) =	ssettag $0x2  }
0x3f2: {  	s0 =	rddreg [dreg:$0x0];
	s2 =	stileid.u32  }
0x3f3: {  	s1 =	rddreg [dreg:$0x1];
	p0 =	sne.s32 s2, $0x0  }
0x3f4: {  	s3 =	rddreg [dreg:$0x2];
	[bflag:$0x3] =	sbarrier.arrive $0xFFFF;
	s2 =	simm.s32 @!p0 $0x1C03  }
0x3f5: {  	[timem:s3], [sflag:s2] =	dma.local @!p0 [hbm:s0], s1  }
0x3f6: {  	s0 =	simm.s32 @!p0 $0x3  }
0x3f7: {  	_ =	swait.ge @!p0 [sflag:s0], s1  }
0x3f8: {  	s1 =	ssub.s32 @!p0 $0x0, s1;
	[sflag:s0] =	ssyncset.done @!p0 $0x0  }
0x3f9: {  	[sflag:s0] =	ssyncadd.s32 @!p0 s1  }
0x3fa: {  	[bflag:$0x3] =	sbarrier.arrive $0xFFFF  }
0x3fb: {  	_ =	shalt  }

</sc_bundles>
